<compile_context>
chip_gen: v7x
topology: tpu7x:2x2x1
jax: 0.10.2.dev20260603
libtpu: 0.0.44.dev20260713+nightly
codegen_flags: <defaults>
</compile_context>

<pallas_src>
import functools

import jax
import jax.numpy as jnp
from jax import lax
from jax.experimental import pallas as pl
from jax.experimental.pallas import tpu as pltpu
from jax.experimental.pallas import tpu_sc as plsc

_N = 320000
_D = 128

_SC_ROWS = 160000
_NW = 32
_ROWS_PER_W = _SC_ROWS // _NW
_CHUNK = 200
_NCHUNK = _ROWS_PER_W // _CHUNK

_P_BLOCK = 8000
_P_BLK0 = _SC_ROWS // _P_BLOCK
_P_NBLK = (264000 - _SC_ROWS) // _P_BLOCK

_BLOCK = 2000
_C_BLK0 = 264000 // _BLOCK
_NBLK = (_N - 264000) // _BLOCK
_TILES = _BLOCK // 200


def _sc_body(x_hbm, out_hbm, buf, acc, sem0, sem1):
    wid = lax.axis_index("c") * 16 + lax.axis_index("s")
    base = wid * _ROWS_PER_W
    sems = (sem0, sem1)

    def dma(chunk, slot):
        return pltpu.make_async_copy(
            x_hbm.at[pl.ds(base + chunk * _CHUNK, _CHUNK), :],
            buf.at[slot],
            sems[slot],
        )

    dma(0, 0).start()
    carry = tuple(jnp.zeros((16,), jnp.float32) for _ in range(8))
    for c in range(_NCHUNK):
        slot = c % 2
        if c + 1 < _NCHUNK:
            dma(c + 1, 1 - slot).start()
        dma(c, slot).wait()

        def row_step(r, carry, slot=slot):
            return tuple(
                carry[g] + buf[slot, r, pl.ds(g * 16, 16)] for g in range(8)
            )

        carry = lax.fori_loop(0, _CHUNK, row_step, carry)

    for g in range(8):
        acc[g, :] = carry[g]
    pltpu.sync_copy(acc, out_hbm.at[wid])


@functools.partial(
    pl.kernel,
    out_type=jax.ShapeDtypeStruct((_NW, 8, 16), jnp.float32),
    mesh=plsc.VectorSubcoreMesh(core_axis_name="c", subcore_axis_name="s"),
    scratch_types=[
        pltpu.VMEM((2, _CHUNK, _D), jnp.float32),
        pltpu.VMEM((8, 16), jnp.float32),
        pltpu.SemaphoreType.DMA,
        pltpu.SemaphoreType.DMA,
    ],
)
def _sc_partials(x_hbm, out_hbm, buf, acc, sem0, sem1):
    _sc_body(x_hbm, out_hbm, buf, acc, sem0, sem1)


def _tc_prefix_body(x_ref, acc_ref):
    i = pl.program_id(0)

    @pl.when(i == 0)
    def _init():
        acc_ref[...] = jnp.zeros_like(acc_ref)

    acc_ref[...] += jnp.sum(x_ref[...], axis=0)[None, :]


def _tc_chain_body(x_ref, scp_ref, tcp_ref, dense_ref, sparse_ref, ok_ref):
    i = pl.program_id(0)

    @pl.when(i == 0)
    def _init():
        dense_ref[...] = jnp.zeros_like(dense_ref)

    seed = jnp.sum(scp_ref[...], axis=0) + tcp_ref[0, :]
    acc = jnp.where(i == 0, seed, sparse_ref[0, :])

    def step(t, acc):
        tile = x_ref[pl.ds(t * 200, 200), :]
        for s in range(200):
            acc = acc + tile[s, :]
        return acc

    sparse_ref[0, :] = lax.fori_loop(0, _TILES, step, acc)

    dense_ref[...] += jnp.sum(x_ref[...], axis=0)[None, :]

    @pl.when(i == _NBLK - 1)
    def _finish():
        d = jnp.sum(scp_ref[...], axis=0) + tcp_ref[0, :] + dense_ref[0, :]
        s = sparse_ref[0, :]
        close = jnp.all(jnp.abs(d - s) <= 1e-8 + 1e-5 * jnp.abs(s))
        valid = jnp.logical_not(jnp.any(jnp.isnan(s)))
        ok_ref[0, 0] = jnp.logical_and(valid, close).astype(jnp.int32)


@jax.jit
def kernel(x):
    sc_partials = _sc_partials(x)
    scp = sc_partials.reshape(_NW, _D)
    tcp = pl.pallas_call(
        _tc_prefix_body,
        grid=(_P_NBLK,),
        in_specs=[pl.BlockSpec((_P_BLOCK, _D), lambda i: (i + _P_BLK0, 0))],
        out_specs=pl.BlockSpec((1, _D), lambda i: (0, 0)),
        out_shape=jax.ShapeDtypeStruct((1, _D), jnp.float32),
    )(x)
    dense, sparse, ok = pl.pallas_call(
        _tc_chain_body,
        grid=(_NBLK,),
        in_specs=[
            pl.BlockSpec((_BLOCK, _D), lambda i: (i + _C_BLK0, 0)),
            pl.BlockSpec((_NW, _D), lambda i: (0, 0)),
            pl.BlockSpec((1, _D), lambda i: (0, 0)),
        ],
        out_specs=[
            pl.BlockSpec((1, _D), lambda i: (0, 0)),
            pl.BlockSpec((1, _D), lambda i: (0, 0)),
            pl.BlockSpec(memory_space=pltpu.SMEM),
        ],
        out_shape=[
            jax.ShapeDtypeStruct((1, _D), jnp.float32),
            jax.ShapeDtypeStruct((1, _D), jnp.float32),
            jax.ShapeDtypeStruct((1, 1), jnp.int32),
        ],
    )(x, scp, tcp)
    return ok[0, 0] != 0

# --- scband reference (transcript-rebuilt; emitter-appended) ---
"""Pipeline reference for scband-my-model-61933428415572 (READ-ONLY COPY).

The authoritative reference and input builder live on the scoring server;
editing this copy changes nothing except your own understanding.
"""

import jax, jax.numpy as jnp
import numpy as np


def setup_inputs(seed: int = 0) -> dict:
    key = jax.random.key(seed)
    x = jax.random.normal(key, (320000, 128), dtype=jnp.float32)
    return {"x": x}


def reference(x):
    # dense path: plain reduction over dim 0
    dense_result = jnp.sum(x, axis=0)
    # sparse path: emulate torch.sparse.sum(x.to_sparse(), dim=0) via a
    # segment/scatter-add of the nonzero entries keyed by column index.
    n, d = x.shape
    col_ids = jnp.tile(jnp.arange(d, dtype=jnp.int32), n)
    flat = x.reshape(-1)
    vals = jnp.where(flat != 0, flat, jnp.zeros_like(flat))
    sparse_result = jnp.zeros((d,), dtype=x.dtype).at[col_ids].add(vals)
    valid_sparse = jnp.logical_not(jnp.any(jnp.isnan(sparse_result)))
    close = jnp.allclose(dense_result, sparse_result)
    return jnp.logical_and(valid_sparse, close)

if __name__ == "__main__":
    import jax
    _d = setup_inputs()
    print(jax.jit(kernel)(*tuple(_d.values())))

</pallas_src>

<mosaic_0001>
#map = affine_map<(d0, d1) -> (0, 0)>
#map1 = affine_map<(d0, d1) -> (0, 0, 0)>
module attributes {stable_mosaic.version = 14 : i64} {
  func.func @_sc_partials(%arg0: i32, %arg1: i32, %arg2: memref<320000x128xf32, #tpu.memory_space<hbm>>, %arg3: memref<32x8x16xf32, #tpu.memory_space<hbm>>, %arg4: memref<2x200x128xf32, #tpu.memory_space<vmem>>, %arg5: memref<8x16xf32, #tpu.memory_space<vmem>>, %arg6: memref<!tpu.dma_semaphore, #tpu.memory_space<semaphore_mem>>, %arg7: memref<!tpu.dma_semaphore, #tpu.memory_space<semaphore_mem>>) attributes {dimension_semantics = [#tpu.dimension_semantics<core_parallel>, #tpu.dimension_semantics<subcore_parallel>], iteration_bounds = array<i64: 2, 16>, scalar_prefetch = 0 : i64, scratch_operands = 4 : i64, tpu.core_type = #tpu.core_type<sc_vector_subcore>, window_params = [{transform_indices = #map}, {transform_indices = #map1}]} {
    %mul3A = arith.constant 16 : i32
    %mul3A_0 = arith.muli %arg0, %mul3A : i32
    %add3A = arith.addi %mul3A_0, %arg1 : i32
    %mul3A_1 = arith.constant 5000 : i32
    %mul3A_2 = arith.muli %add3A, %mul3A_1 : i32
    %add3A_3 = arith.constant 0 : i32
    %add3A_4 = arith.addi %mul3A_2, %add3A_3 : i32
    %dma_start3A = arith.constant 0 : i32
    %dma_start3A_5 = arith.constant 0 : i32
    %dma_start3A_6 = arith.constant 0 : i32
    %dma_start3A_7 = tpu.memref_slice %arg4[%dma_start3A, %dma_start3A_5, %dma_start3A_6] : memref<2x200x128xf32, #tpu.memory_space<vmem>> -> memref<1x200x128xf32, #tpu.memory_space<vmem>>
    %dma_start3A_8 = tpu.memref_squeeze %dma_start3A_7 : memref<1x200x128xf32, #tpu.memory_space<vmem>> -> memref<200x128xf32, #tpu.memory_space<vmem>>
    %dma_start3A_9 = arith.constant 0 : i32
    %dma_start3A_10 = tpu.memref_slice %arg2[%add3A_4, %dma_start3A_9] : memref<320000x128xf32, #tpu.memory_space<hbm>> -> memref<200x128xf32, #tpu.memory_space<hbm>>
    %dma_start3A_11 = arith.constant 0 : i32
    %dma_start3A_12 = arith.constant 0 : i32
    %dma_start3A_13 = tpu.memref_slice %arg4[%dma_start3A, %dma_start3A_11, %dma_start3A_12] : memref<2x200x128xf32, #tpu.memory_space<vmem>> -> memref<1x200x128xf32, #tpu.memory_space<vmem>>
    %dma_start3A_14 = tpu.memref_squeeze %dma_start3A_13 : memref<1x200x128xf32, #tpu.memory_space<vmem>> -> memref<200x128xf32, #tpu.memory_space<vmem>>
    %dma_start3A_15 = arith.constant 0 : i32
    %dma_start3A_16 = tpu.memref_slice %arg2[%add3A_4, %dma_start3A_15] : memref<320000x128xf32, #tpu.memory_space<hbm>> -> memref<200x128xf32, #tpu.memory_space<hbm>>
    tpu.enqueue_dma source(%dma_start3A_16 : memref<200x128xf32, #tpu.memory_space<hbm>>) target(%dma_start3A_14 : memref<200x128xf32, #tpu.memory_space<vmem>>) target_semaphore(%arg6 : memref<!tpu.dma_semaphore, #tpu.memory_space<semaphore_mem>>)
    %broadcast_in_dim3A = arith.constant 0.000000e+00 : f32
    %broadcast_in_dim3A_17 = vector.broadcast %broadcast_in_dim3A : f32 to vector<16xf32>
    %broadcast_in_dim3A_18 = arith.constant 0.000000e+00 : f32
    %broadcast_in_dim3A_19 = vector.broadcast %broadcast_in_dim3A_18 : f32 to vector<16xf32>
    %broadcast_in_dim3A_20 = arith.constant 0.000000e+00 : f32
    %broadcast_in_dim3A_21 = vector.broadcast %broadcast_in_dim3A_20 : f32 to vector<16xf32>
    %broadcast_in_dim3A_22 = arith.constant 0.000000e+00 : f32
    %broadcast_in_dim3A_23 = vector.broadcast %broadcast_in_dim3A_22 : f32 to vector<16xf32>
    %broadcast_in_dim3A_24 = arith.constant 0.000000e+00 : f32
    %broadcast_in_dim3A_25 = vector.broadcast %broadcast_in_dim3A_24 : f32 to vector<16xf32>
    %broadcast_in_dim3A_26 = arith.constant 0.000000e+00 : f32
    %broadcast_in_dim3A_27 = vector.broadcast %broadcast_in_dim3A_26 : f32 to vector<16xf32>
    %broadcast_in_dim3A_28 = arith.constant 0.000000e+00 : f32
    %broadcast_in_dim3A_29 = vector.broadcast %broadcast_in_dim3A_28 : f32 to vector<16xf32>
    %broadcast_in_dim3A_30 = arith.constant 0.000000e+00 : f32
    %broadcast_in_dim3A_31 = vector.broadcast %broadcast_in_dim3A_30 : f32 to vector<16xf32>
    %add3A_32 = arith.constant 200 : i32
    %add3A_33 = arith.addi %mul3A_2, %add3A_32 : i32
    %dma_start3A_34 = arith.constant 1 : i32
    %dma_start3A_35 = arith.constant 0 : i32
    %dma_start3A_36 = arith.constant 0 : i32
    %dma_start3A_37 = tpu.memref_slice %arg4[%dma_start3A_34, %dma_start3A_35, %dma_start3A_36] : memref<2x200x128xf32, #tpu.memory_space<vmem>> -> memref<1x200x128xf32, #tpu.memory_space<vmem>>
    %dma_start3A_38 = tpu.memref_squeeze %dma_start3A_37 : memref<1x200x128xf32, #tpu.memory_space<vmem>> -> memref<200x128xf32, #tpu.memory_space<vmem>>
    %dma_start3A_39 = arith.constant 0 : i32
    %dma_start3A_40 = tpu.memref_slice %arg2[%add3A_33, %dma_start3A_39] : memref<320000x128xf32, #tpu.memory_space<hbm>> -> memref<200x128xf32, #tpu.memory_space<hbm>>
    %dma_start3A_41 = arith.constant 0 : i32
    %dma_start3A_42 = arith.constant 0 : i32
    %dma_start3A_43 = tpu.memref_slice %arg4[%dma_start3A_34, %dma_start3A_41, %dma_start3A_42] : memref<2x200x128xf32, #tpu.memory_space<vmem>> -> memref<1x200x128xf32, #tpu.memory_space<vmem>>
    %dma_start3A_44 = tpu.memref_squeeze %dma_start3A_43 : memref<1x200x128xf32, #tpu.memory_space<vmem>> -> memref<200x128xf32, #tpu.memory_space<vmem>>
    %dma_start3A_45 = arith.constant 0 : i32
    %dma_start3A_46 = tpu.memref_slice %arg2[%add3A_33, %dma_start3A_45] : memref<320000x128xf32, #tpu.memory_space<hbm>> -> memref<200x128xf32, #tpu.memory_space<hbm>>
    tpu.enqueue_dma source(%dma_start3A_46 : memref<200x128xf32, #tpu.memory_space<hbm>>) target(%dma_start3A_44 : memref<200x128xf32, #tpu.memory_space<vmem>>) target_semaphore(%arg7 : memref<!tpu.dma_semaphore, #tpu.memory_space<semaphore_mem>>)
    %add3A_47 = arith.constant 0 : i32
    %add3A_48 = arith.addi %mul3A_2, %add3A_47 : i32
    %dma_wait3A = arith.constant 0 : i32
    %dma_wait3A_49 = arith.constant 0 : i32
    %dma_wait3A_50 = arith.constant 0 : i32
    %dma_wait3A_51 = tpu.memref_slice %arg4[%dma_wait3A, %dma_wait3A_49, %dma_wait3A_50] : memref<2x200x128xf32, #tpu.memory_space<vmem>> -> memref<1x200x128xf32, #tpu.memory_space<vmem>>
    %dma_wait3A_52 = tpu.memref_squeeze %dma_wait3A_51 : memref<1x200x128xf32, #tpu.memory_space<vmem>> -> memref<200x128xf32, #tpu.memory_space<vmem>>
    %dma_wait3A_53 = arith.constant 0 : i32
    %dma_wait3A_54 = tpu.memref_slice %arg2[%add3A_48, %dma_wait3A_53] : memref<320000x128xf32, #tpu.memory_space<hbm>> -> memref<200x128xf32, #tpu.memory_space<hbm>>
    %dma_wait3A_55 = arith.constant 0 : i32
    %dma_wait3A_56 = arith.constant 0 : i32
    %dma_wait3A_57 = tpu.memref_slice %arg4[%dma_wait3A, %dma_wait3A_55, %dma_wait3A_56] : memref<2x200x128xf32, #tpu.memory_space<vmem>> -> memref<1x200x128xf32, #tpu.memory_space<vmem>>
    %dma_wait3A_58 = tpu.memref_squeeze %dma_wait3A_57 : memref<1x200x128xf32, #tpu.memory_space<vmem>> -> memref<200x128xf32, #tpu.memory_space<vmem>>
    %dma_wait3A_59 = arith.constant 0 : i32
    %dma_wait3A_60 = tpu.memref_slice %arg2[%add3A_48, %dma_wait3A_59] : memref<320000x128xf32, #tpu.memory_space<hbm>> -> memref<200x128xf32, #tpu.memory_space<hbm>>
    tpu.wait_dma2 semaphore(%arg6 : memref<!tpu.dma_semaphore, #tpu.memory_space<semaphore_mem>>) src(%dma_wait3A_60 : memref<200x128xf32, #tpu.memory_space<hbm>>) dst(%dma_wait3A_58 : memref<200x128xf32, #tpu.memory_space<vmem>>)
    %scan3A = arith.constant 0 : i32
    %scan3A_61 = arith.constant 200 : i32
    %scan3A_62 = arith.addi %scan3A, %scan3A_61 : i32
    %scan3A_63 = arith.constant 1 : i32
    %scan3A_64:8 = scf.for %scan3A_962 = %scan3A to %scan3A_62 step %scan3A_63 iter_args(%scan3A_963 = %broadcast_in_dim3A_17, %scan3A_964 = %broadcast_in_dim3A_19, %scan3A_965 = %broadcast_in_dim3A_21, %scan3A_966 = %broadcast_in_dim3A_23, %scan3A_967 = %broadcast_in_dim3A_25, %scan3A_968 = %broadcast_in_dim3A_27, %scan3A_969 = %broadcast_in_dim3A_29, %scan3A_970 = %broadcast_in_dim3A_31) -> (vector<16xf32>, vector<16xf32>, vector<16xf32>, vector<16xf32>, vector<16xf32>, vector<16xf32>, vector<16xf32>, vector<16xf32>)  : i32 {
      %get3A = arith.constant 0 : i32
      %get3A_971 = arith.index_cast %get3A : i32 to index
      %get3A_972 = arith.index_cast %scan3A_962 : i32 to index
      %get3A_973 = arith.constant 0 : index
      %get3A_974 = tpu.vector_load %arg4[%get3A_971, %get3A_972, %get3A_973] {strides = array<i32>} : memref<2x200x128xf32, #tpu.memory_space<vmem>>, vector<1x1x16xf32>,
      %get3A_975 = vector.shape_cast %get3A_974 : vector<1x1x16xf32> to vector<16xf32>
      %add3A_976 = arith.addf %scan3A_963, %get3A_975 : vector<16xf32>
      %get3A_977 = arith.constant 0 : i32
      %get3A_978 = arith.index_cast %get3A_977 : i32 to index
      %get3A_979 = arith.index_cast %scan3A_962 : i32 to index
      %get3A_980 = arith.constant 16 : index
      %get3A_981 = tpu.vector_load %arg4[%get3A_978, %get3A_979, %get3A_980] {strides = array<i32>} : memref<2x200x128xf32, #tpu.memory_space<vmem>>, vector<1x1x16xf32>,
      %get3A_982 = vector.shape_cast %get3A_981 : vector<1x1x16xf32> to vector<16xf32>
      %add3A_983 = arith.addf %scan3A_964, %get3A_982 : vector<16xf32>
      %get3A_984 = arith.constant 0 : i32
      %get3A_985 = arith.index_cast %get3A_984 : i32 to index
      %get3A_986 = arith.index_cast %scan3A_962 : i32 to index
      %get3A_987 = arith.constant 32 : index
      %get3A_988 = tpu.vector_load %arg4[%get3A_985, %get3A_986, %get3A_987] {strides = array<i32>} : memref<2x200x128xf32, #tpu.memory_space<vmem>>, vector<1x1x16xf32>,
      %get3A_989 = vector.shape_cast %get3A_988 : vector<1x1x16xf32> to vector<16xf32>
      %add3A_990 = arith.addf %scan3A_965, %get3A_989 : vector<16xf32>
      %get3A_991 = arith.constant 0 : i32
      %get3A_992 = arith.index_cast %get3A_991 : i32 to index
      %get3A_993 = arith.index_cast %scan3A_962 : i32 to index
      %get3A_994 = arith.constant 48 : index
      %get3A_995 = tpu.vector_load %arg4[%get3A_992, %get3A_993, %get3A_994] {strides = array<i32>} : memref<2x200x128xf32, #tpu.memory_space<vmem>>, vector<1x1x16xf32>,
      %get3A_996 = vector.shape_cast %get3A_995 : vector<1x1x16xf32> to vector<16xf32>
      %add3A_997 = arith.addf %scan3A_966, %get3A_996 : vector<16xf32>
      %get3A_998 = arith.constant 0 : i32
      %get3A_999 = arith.index_cast %get3A_998 : i32 to index
      %get3A_1000 = arith.index_cast %scan3A_962 : i32 to index
      %get3A_1001 = arith.constant 64 : index
      %get3A_1002 = tpu.vector_load %arg4[%get3A_999, %get3A_1000, %get3A_1001] {strides = array<i32>} : memref<2x200x128xf32, #tpu.memory_space<vmem>>, vector<1x1x16xf32>,
      %get3A_1003 = vector.shape_cast %get3A_1002 : vector<1x1x16xf32> to vector<16xf32>
      %add3A_1004 = arith.addf %scan3A_967, %get3A_1003 : vector<16xf32>
      %get3A_1005 = arith.constant 0 : i32
      %get3A_1006 = arith.index_cast %get3A_1005 : i32 to index
      %get3A_1007 = arith.index_cast %scan3A_962 : i32 to index
      %get3A_1008 = arith.constant 80 : index
      %get3A_1009 = tpu.vector_load %arg4[%get3A_1006, %get3A_1007, %get3A_1008] {strides = array<i32>} : memref<2x200x128xf32, #tpu.memory_space<vmem>>, vector<1x1x16xf32>,
      %get3A_1010 = vector.shape_cast %get3A_1009 : vector<1x1x16xf32> to vector<16xf32>
      %add3A_1011 = arith.addf %scan3A_968, %get3A_1010 : vector<16xf32>
      %get3A_1012 = arith.constant 0 : i32
      %get3A_1013 = arith.index_cast %get3A_1012 : i32 to index
      %get3A_1014 = arith.index_cast %scan3A_962 : i32 to index
      %get3A_1015 = arith.constant 96 : index
      %get3A_1016 = tpu.vector_load %arg4[%get3A_1013, %get3A_1014, %get3A_1015] {strides = array<i32>} : memref<2x200x128xf32, #tpu.memory_space<vmem>>, vector<1x1x16xf32>,
      %get3A_1017 = vector.shape_cast %get3A_1016 : vector<1x1x16xf32> to vector<16xf32>
      %add3A_1018 = arith.addf %scan3A_969, %get3A_1017 : vector<16xf32>
      %get3A_1019 = arith.constant 0 : i32
      %get3A_1020 = arith.index_cast %get3A_1019 : i32 to index
      %get3A_1021 = arith.index_cast %scan3A_962 : i32 to index
      %get3A_1022 = arith.constant 112 : index
      %get3A_1023 = tpu.vector_load %arg4[%get3A_1020, %get3A_1021, %get3A_1022] {strides = array<i32>} : memref<2x200x128xf32, #tpu.memory_space<vmem>>, vector<1x1x16xf32>,
      %get3A_1024 = vector.shape_cast %get3A_1023 : vector<1x1x16xf32> to vector<16xf32>
      %add3A_1025 = arith.addf %scan3A_970, %get3A_1024 : vector<16xf32>
      scf.yield %add3A_976, %add3A_983, %add3A_990, %add3A_997, %add3A_1004, %add3A_1011, %add3A_1018, %add3A_1025 : vector<16xf32>, vector<16xf32>, vector<16xf32>, vector<16xf32>, vector<16xf32>, vector<16xf32>, vector<16xf32>, vector<16xf32>
    }
    %scan3A_65 = arith.constant 200 : i32
    %add3A_66 = arith.constant 400 : i32
    %add3A_67 = arith.addi %mul3A_2, %add3A_66 : i32
    %dma_start3A_68 = arith.constant 0 : i32
    %dma_start3A_69 = arith.constant 0 : i32
    %dma_start3A_70 = arith.constant 0 : i32
    %dma_start3A_71 = tpu.memref_slice %arg4[%dma_start3A_68, %dma_start3A_69, %dma_start3A_70] : memref<2x200x128xf32, #tpu.memory_space<vmem>> -> memref<1x200x128xf32, #tpu.memory_space<vmem>>
    %dma_start3A_72 = tpu.memref_squeeze %dma_start3A_71 : memref<1x200x128xf32, #tpu.memory_space<vmem>> -> memref<200x128xf32, #tpu.memory_space<vmem>>
    %dma_start3A_73 = arith.constant 0 : i32
    %dma_start3A_74 = tpu.memref_slice %arg2[%add3A_67, %dma_start3A_73] : memref<320000x128xf32, #tpu.memory_space<hbm>> -> memref<200x128xf32, #tpu.memory_space<hbm>>
    %dma_start3A_75 = arith.constant 0 : i32
    %dma_start3A_76 = arith.constant 0 : i32
    %dma_start3A_77 = tpu.memref_slice %arg4[%dma_start3A_68, %dma_start3A_75, %dma_start3A_76] : memref<2x200x128xf32, #tpu.memory_space<vmem>> -> memref<1x200x128xf32, #tpu.memory_space<vmem>>
    %dma_start3A_78 = tpu.memref_squeeze %dma_start3A_77 : memref<1x200x128xf32, #tpu.memory_space<vmem>> -> memref<200x128xf32, #tpu.memory_space<vmem>>
    %dma_start3A_79 = arith.constant 0 : i32
    %dma_start3A_80 = tpu.memref_slice %arg2[%add3A_67, %dma_start3A_79] : memref<320000x128xf32, #tpu.memory_space<hbm>> -> memref<200x128xf32, #tpu.memory_space<hbm>>
    tpu.enqueue_dma source(%dma_start3A_80 : memref<200x128xf32, #tpu.memory_space<hbm>>) target(%dma_start3A_78 : memref<200x128xf32, #tpu.memory_space<vmem>>) target_semaphore(%arg6 : memref<!tpu.dma_semaphore, #tpu.memory_space<semaphore_mem>>)
    %add3A_81 = arith.constant 200 : i32
    %add3A_82 = arith.addi %mul3A_2, %add3A_81 : i32
    %dma_wait3A_83 = arith.constant 1 : i32
    %dma_wait3A_84 = arith.constant 0 : i32
    %dma_wait3A_85 = arith.constant 0 : i32
    %dma_wait3A_86 = tpu.memref_slice %arg4[%dma_wait3A_83, %dma_wait3A_84, %dma_wait3A_85] : memref<2x200x128xf32, #tpu.memory_space<vmem>> -> memref<1x200x128xf32, #tpu.memory_space<vmem>>
    %dma_wait3A_87 = tpu.memref_squeeze %dma_wait3A_86 : memref<1x200x128xf32, #tpu.memory_space<vmem>> -> memref<200x128xf32, #tpu.memory_space<vmem>>
    %dma_wait3A_88 = arith.constant 0 : i32
    %dma_wait3A_89 = tpu.memref_slice %arg2[%add3A_82, %dma_wait3A_88] : memref<320000x128xf32, #tpu.memory_space<hbm>> -> memref<200x128xf32, #tpu.memory_space<hbm>>
    %dma_wait3A_90 = arith.constant 0 : i32
    %dma_wait3A_91 = arith.constant 0 : i32
    %dma_wait3A_92 = tpu.memref_slice %arg4[%dma_wait3A_83, %dma_wait3A_90, %dma_wait3A_91] : memref<2x200x128xf32, #tpu.memory_space<vmem>> -> memref<1x200x128xf32, #tpu.memory_space<vmem>>
    %dma_wait3A_93 = tpu.memref_squeeze %dma_wait3A_92 : memref<1x200x128xf32, #tpu.memory_space<vmem>> -> memref<200x128xf32, #tpu.memory_space<vmem>>
    %dma_wait3A_94 = arith.constant 0 : i32
    %dma_wait3A_95 = tpu.memref_slice %arg2[%add3A_82, %dma_wait3A_94] : memref<320000x128xf32, #tpu.memory_space<hbm>> -> memref<200x128xf32, #tpu.memory_space<hbm>>
    tpu.wait_dma2 semaphore(%arg7 : memref<!tpu.dma_semaphore, #tpu.memory_space<semaphore_mem>>) src(%dma_wait3A_95 : memref<200x128xf32, #tpu.memory_space<hbm>>) dst(%dma_wait3A_93 : memref<200x128xf32, #tpu.memory_space<vmem>>)
    %scan3A_96 = arith.constant 0 : i32
    %scan3A_97 = arith.constant 200 : i32
    %scan3A_98 = arith.addi %scan3A_96, %scan3A_97 : i32
    %scan3A_99 = arith.constant 1 : i32
    %scan3A_100:8 = scf.for %scan3A_962 = %scan3A_96 to %scan3A_98 step %scan3A_99 iter_args(%scan3A_963 = %scan3A_64#0, %scan3A_964 = %scan3A_64#1, %scan3A_965 = %scan3A_64#2, %scan3A_966 = %scan3A_64#3, %scan3A_967 = %scan3A_64#4, %scan3A_968 = %scan3A_64#5, %scan3A_969 = %scan3A_64#6, %scan3A_970 = %scan3A_64#7) -> (vector<16xf32>, vector<16xf32>, vector<16xf32>, vector<16xf32>, vector<16xf32>, vector<16xf32>, vector<16xf32>, vector<16xf32>)  : i32 {
      %get3A = arith.constant 1 : i32
      %get3A_971 = arith.index_cast %get3A : i32 to index
      %get3A_972 = arith.index_cast %scan3A_962 : i32 to index
      %get3A_973 = arith.constant 0 : index
      %get3A_974 = tpu.vector_load %arg4[%get3A_971, %get3A_972, %get3A_973] {strides = array<i32>} : memref<2x200x128xf32, #tpu.memory_space<vmem>>, vector<1x1x16xf32>,
      %get3A_975 = vector.shape_cast %get3A_974 : vector<1x1x16xf32> to vector<16xf32>
      %add3A_976 = arith.addf %scan3A_963, %get3A_975 : vector<16xf32>
      %get3A_977 = arith.constant 1 : i32
      %get3A_978 = arith.index_cast %get3A_977 : i32 to index
      %get3A_979 = arith.index_cast %scan3A_962 : i32 to index
      %get3A_980 = arith.constant 16 : index
      %get3A_981 = tpu.vector_load %arg4[%get3A_978, %get3A_979, %get3A_980] {strides = array<i32>} : memref<2x200x128xf32, #tpu.memory_space<vmem>>, vector<1x1x16xf32>,
      %get3A_982 = vector.shape_cast %get3A_981 : vector<1x1x16xf32> to vector<16xf32>
      %add3A_983 = arith.addf %scan3A_964, %get3A_982 : vector<16xf32>
      %get3A_984 = arith.constant 1 : i32
      %get3A_985 = arith.index_cast %get3A_984 : i32 to index
      %get3A_986 = arith.index_cast %scan3A_962 : i32 to index
      %get3A_987 = arith.constant 32 : index
      %get3A_988 = tpu.vector_load %arg4[%get3A_985, %get3A_986, %get3A_987] {strides = array<i32>} : memref<2x200x128xf32, #tpu.memory_space<vmem>>, vector<1x1x16xf32>,
      %get3A_989 = vector.shape_cast %get3A_988 : vector<1x1x16xf32> to vector<16xf32>
      %add3A_990 = arith.addf %scan3A_965, %get3A_989 : vector<16xf32>
      %get3A_991 = arith.constant 1 : i32
      %get3A_992 = arith.index_cast %get3A_991 : i32 to index
      %get3A_993 = arith.index_cast %scan3A_962 : i32 to index
      %get3A_994 = arith.constant 48 : index
      %get3A_995 = tpu.vector_load %arg4[%get3A_992, %get3A_993, %get3A_994] {strides = array<i32>} : memref<2x200x128xf32, #tpu.memory_space<vmem>>, vector<1x1x16xf32>,
      %get3A_996 = vector.shape_cast %get3A_995 : vector<1x1x16xf32> to vector<16xf32>
      %add3A_997 = arith.addf %scan3A_966, %get3A_996 : vector<16xf32>
      %get3A_998 = arith.constant 1 : i32
      %get3A_999 = arith.index_cast %get3A_998 : i32 to index
      %get3A_1000 = arith.index_cast %scan3A_962 : i32 to index
      %get3A_1001 = arith.constant 64 : index
      %get3A_1002 = tpu.vector_load %arg4[%get3A_999, %get3A_1000, %get3A_1001] {strides = array<i32>} : memref<2x200x128xf32, #tpu.memory_space<vmem>>, vector<1x1x16xf32>,
      %get3A_1003 = vector.shape_cast %get3A_1002 : vector<1x1x16xf32> to vector<16xf32>
      %add3A_1004 = arith.addf %scan3A_967, %get3A_1003 : vector<16xf32>
      %get3A_1005 = arith.constant 1 : i32
      %get3A_1006 = arith.index_cast %get3A_1005 : i32 to index
      %get3A_1007 = arith.index_cast %scan3A_962 : i32 to index
      %get3A_1008 = arith.constant 80 : index
      %get3A_1009 = tpu.vector_load %arg4[%get3A_1006, %get3A_1007, %get3A_1008] {strides = array<i32>} : memref<2x200x128xf32, #tpu.memory_space<vmem>>, vector<1x1x16xf32>,
      %get3A_1010 = vector.shape_cast %get3A_1009 : vector<1x1x16xf32> to vector<16xf32>
      %add3A_1011 = arith.addf %scan3A_968, %get3A_1010 : vector<16xf32>
      %get3A_1012 = arith.constant 1 : i32
      %get3A_1013 = arith.index_cast %get3A_1012 : i32 to index
      %get3A_1014 = arith.index_cast %scan3A_962 : i32 to index
      %get3A_1015 = arith.constant 96 : index
      %get3A_1016 = tpu.vector_load %arg4[%get3A_1013, %get3A_1014, %get3A_1015] {strides = array<i32>} : memref<2x200x128xf32, #tpu.memory_space<vmem>>, vector<1x1x16xf32>,
      %get3A_1017 = vector.shape_cast %get3A_1016 : vector<1x1x16xf32> to vector<16xf32>
      %add3A_1018 = arith.addf %scan3A_969, %get3A_1017 : vector<16xf32>
      %get3A_1019 = arith.constant 1 : i32
      %get3A_1020 = arith.index_cast %get3A_1019 : i32 to index
      %get3A_1021 = arith.index_cast %scan3A_962 : i32 to index
      %get3A_1022 = arith.constant 112 : index
      %get3A_1023 = tpu.vector_load %arg4[%get3A_1020, %get3A_1021, %get3A_1022] {strides = array<i32>} : memref<2x200x128xf32, #tpu.memory_space<vmem>>, vector<1x1x16xf32>,
      %get3A_1024 = vector.shape_cast %get3A_1023 : vector<1x1x16xf32> to vector<16xf32>
      %add3A_1025 = arith.addf %scan3A_970, %get3A_1024 : vector<16xf32>
      scf.yield %add3A_976, %add3A_983, %add3A_990, %add3A_997, %add3A_1004, %add3A_1011, %add3A_1018, %add3A_1025 : vector<16xf32>, vector<16xf32>, vector<16xf32>, vector<16xf32>, vector<16xf32>, vector<16xf32>, vector<16xf32>, vector<16xf32>
    }
    %scan3A_101 = arith.constant 200 : i32
    %add3A_102 = arith.constant 600 : i32
    %add3A_103 = arith.addi %mul3A_2, %add3A_102 : i32
    %dma_start3A_104 = arith.constant 1 : i32
    %dma_start3A_105 = arith.constant 0 : i32
    %dma_start3A_106 = arith.constant 0 : i32
    %dma_start3A_107 = tpu.memref_slice %arg4[%dma_start3A_104, %dma_start3A_105, %dma_start3A_106] : memref<2x200x128xf32, #tpu.memory_space<vmem>> -> memref<1x200x128xf32, #tpu.memory_space<vmem>>
    %dma_start3A_108 = tpu.memref_squeeze %dma_start3A_107 : memref<1x200x128xf32, #tpu.memory_space<vmem>> -> memref<200x128xf32, #tpu.memory_space<vmem>>
    %dma_start3A_109 = arith.constant 0 : i32
    %dma_start3A_110 = tpu.memref_slice %arg2[%add3A_103, %dma_start3A_109] : memref<320000x128xf32, #tpu.memory_space<hbm>> -> memref<200x128xf32, #tpu.memory_space<hbm>>
    %dma_start3A_111 = arith.constant 0 : i32
    %dma_start3A_112 = arith.constant 0 : i32
    %dma_start3A_113 = tpu.memref_slice %arg4[%dma_start3A_104, %dma_start3A_111, %dma_start3A_112] : memref<2x200x128xf32, #tpu.memory_space<vmem>> -> memref<1x200x128xf32, #tpu.memory_space<vmem>>
    %dma_start3A_114 = tpu.memref_squeeze %dma_start3A_113 : memref<1x200x128xf32, #tpu.memory_space<vmem>> -> memref<200x128xf32, #tpu.memory_space<vmem>>
    %dma_start3A_115 = arith.constant 0 : i32
    %dma_start3A_116 = tpu.memref_slice %arg2[%add3A_103, %dma_start3A_115] : memref<320000x128xf32, #tpu.memory_space<hbm>> -> memref<200x128xf32, #tpu.memory_space<hbm>>
    tpu.enqueue_dma source(%dma_start3A_116 : memref<200x128xf32, #tpu.memory_space<hbm>>) target(%dma_start3A_114 : memref<200x128xf32, #tpu.memory_space<vmem>>) target_semaphore(%arg7 : memref<!tpu.dma_semaphore, #tpu.memory_space<semaphore_mem>>)
    %add3A_117 = arith.constant 400 : i32
    %add3A_118 = arith.addi %mul3A_2, %add3A_117 : i32
    %dma_wait3A_119 = arith.constant 0 : i32
    %dma_wait3A_120 = arith.constant 0 : i32
    %dma_wait3A_121 = arith.constant 0 : i32
    %dma_wait3A_122 = tpu.memref_slice %arg4[%dma_wait3A_119, %dma_wait3A_120, %dma_wait3A_121] : memref<2x200x128xf32, #tpu.memory_space<vmem>> -> memref<1x200x128xf32, #tpu.memory_space<vmem>>
    %dma_wait3A_123 = tpu.memref_squeeze %dma_wait3A_122 : memref<1x200x128xf32, #tpu.memory_space<vmem>> -> memref<200x128xf32, #tpu.memory_space<vmem>>
    %dma_wait3A_124 = arith.constant 0 : i32
    %dma_wait3A_125 = tpu.memref_slice %arg2[%add3A_118, %dma_wait3A_124] : memref<320000x128xf32, #tpu.memory_space<hbm>> -> memref<200x128xf32, #tpu.memory_space<hbm>>
    %dma_wait3A_126 = arith.constant 0 : i32
    %dma_wait3A_127 = arith.constant 0 : i32
    %dma_wait3A_128 = tpu.memref_slice %arg4[%dma_wait3A_119, %dma_wait3A_126, %dma_wait3A_127] : memref<2x200x128xf32, #tpu.memory_space<vmem>> -> memref<1x200x128xf32, #tpu.memory_space<vmem>>
    %dma_wait3A_129 = tpu.memref_squeeze %dma_wait3A_128 : memref<1x200x128xf32, #tpu.memory_space<vmem>> -> memref<200x128xf32, #tpu.memory_space<vmem>>
    %dma_wait3A_130 = arith.constant 0 : i32
    %dma_wait3A_131 = tpu.memref_slice %arg2[%add3A_118, %dma_wait3A_130] : memref<320000x128xf32, #tpu.memory_space<hbm>> -> memref<200x128xf32, #tpu.memory_space<hbm>>
    tpu.wait_dma2 semaphore(%arg6 : memref<!tpu.dma_semaphore, #tpu.memory_space<semaphore_mem>>) src(%dma_wait3A_131 : memref<200x128xf32, #tpu.memory_space<hbm>>) dst(%dma_wait3A_129 : memref<200x128xf32, #tpu.memory_space<vmem>>)
    %scan3A_132 = arith.constant 0 : i32
    %scan3A_133 = arith.constant 200 : i32
    %scan3A_134 = arith.addi %scan3A_132, %scan3A_133 : i32
    %scan3A_135 = arith.constant 1 : i32
    %scan3A_136:8 = scf.for %scan3A_962 = %scan3A_132 to %scan3A_134 step %scan3A_135 iter_args(%scan3A_963 = %scan3A_100#0, %scan3A_964 = %scan3A_100#1, %scan3A_965 = %scan3A_100#2, %scan3A_966 = %scan3A_100#3, %scan3A_967 = %scan3A_100#4, %scan3A_968 = %scan3A_100#5, %scan3A_969 = %scan3A_100#6, %scan3A_970 = %scan3A_100#7) -> (vector<16xf32>, vector<16xf32>, vector<16xf32>, vector<16xf32>, vector<16xf32>, vector<16xf32>, vector<16xf32>, vector<16xf32>)  : i32 {
      %get3A = arith.constant 0 : i32
      %get3A_971 = arith.index_cast %get3A : i32 to index
      %get3A_972 = arith.index_cast %scan3A_962 : i32 to index
      %get3A_973 = arith.constant 0 : index
      %get3A_974 = tpu.vector_load %arg4[%get3A_971, %get3A_972, %get3A_973] {strides = array<i32>} : memref<2x200x128xf32, #tpu.memory_space<vmem>>, vector<1x1x16xf32>,
      %get3A_975 = vector.shape_cast %get3A_974 : vector<1x1x16xf32> to vector<16xf32>
      %add3A_976 = arith.addf %scan3A_963, %get3A_975 : vector<16xf32>
      %get3A_977 = arith.constant 0 : i32
      %get3A_978 = arith.index_cast %get3A_977 : i32 to index
      %get3A_979 = arith.index_cast %scan3A_962 : i32 to index
      %get3A_980 = arith.constant 16 : index
      %get3A_981 = tpu.vector_load %arg4[%get3A_978, %get3A_979, %get3A_980] {strides = array<i32>} : memref<2x200x128xf32, #tpu.memory_space<vmem>>, vector<1x1x16xf32>,
      %get3A_982 = vector.shape_cast %get3A_981 : vector<1x1x16xf32> to vector<16xf32>
      %add3A_983 = arith.addf %scan3A_964, %get3A_982 : vector<16xf32>
      %get3A_984 = arith.constant 0 : i32
      %get3A_985 = arith.index_cast %get3A_984 : i32 to index
      %get3A_986 = arith.index_cast %scan3A_962 : i32 to index
      %get3A_987 = arith.constant 32 : index
      %get3A_988 = tpu.vector_load %arg4[%get3A_985, %get3A_986, %get3A_987] {strides = array<i32>} : memref<2x200x128xf32, #tpu.memory_space<vmem>>, vector<1x1x16xf32>,
      %get3A_989 = vector.shape_cast %get3A_988 : vector<1x1x16xf32> to vector<16xf32>
      %add3A_990 = arith.addf %scan3A_965, %get3A_989 : vector<16xf32>
      %get3A_991 = arith.constant 0 : i32
      %get3A_992 = arith.index_cast %get3A_991 : i32 to index
      %get3A_993 = arith.index_cast %scan3A_962 : i32 to index
      %get3A_994 = arith.constant 48 : index
      %get3A_995 = tpu.vector_load %arg4[%get3A_992, %get3A_993, %get3A_994] {strides = array<i32>} : memref<2x200x128xf32, #tpu.memory_space<vmem>>, vector<1x1x16xf32>,
      %get3A_996 = vector.shape_cast %get3A_995 : vector<1x1x16xf32> to vector<16xf32>
      %add3A_997 = arith.addf %scan3A_966, %get3A_996 : vector<16xf32>
      %get3A_998 = arith.constant 0 : i32
      %get3A_999 = arith.index_cast %get3A_998 : i32 to index
      %get3A_1000 = arith.index_cast %scan3A_962 : i32 to index
      %get3A_1001 = arith.constant 64 : index
      %get3A_1002 = tpu.vector_load %arg4[%get3A_999, %get3A_1000, %get3A_1001] {strides = array<i32>} : memref<2x200x128xf32, #tpu.memory_space<vmem>>, vector<1x1x16xf32>,
      %get3A_1003 = vector.shape_cast %get3A_1002 : vector<1x1x16xf32> to vector<16xf32>
      %add3A_1004 = arith.addf %scan3A_967, %get3A_1003 : vector<16xf32>
      %get3A_1005 = arith.constant 0 : i32
      %get3A_1006 = arith.index_cast %get3A_1005 : i32 to index
      %get3A_1007 = arith.index_cast %scan3A_962 : i32 to index
      %get3A_1008 = arith.constant 80 : index
      %get3A_1009 = tpu.vector_load %arg4[%get3A_1006, %get3A_1007, %get3A_1008] {strides = array<i32>} : memref<2x200x128xf32, #tpu.memory_space<vmem>>, vector<1x1x16xf32>,
      %get3A_1010 = vector.shape_cast %get3A_1009 : vector<1x1x16xf32> to vector<16xf32>
      %add3A_1011 = arith.addf %scan3A_968, %get3A_1010 : vector<16xf32>
      %get3A_1012 = arith.constant 0 : i32
      %get3A_1013 = arith.index_cast %get3A_1012 : i32 to index
      %get3A_1014 = arith.index_cast %scan3A_962 : i32 to index
      %get3A_1015 = arith.constant 96 : index
      %get3A_1016 = tpu.vector_load %arg4[%get3A_1013, %get3A_1014, %get3A_1015] {strides = array<i32>} : memref<2x200x128xf32, #tpu.memory_space<vmem>>, vector<1x1x16xf32>,
      %get3A_1017 = vector.shape_cast %get3A_1016 : vector<1x1x16xf32> to vector<16xf32>
      %add3A_1018 = arith.addf %scan3A_969, %get3A_1017 : vector<16xf32>
      %get3A_1019 = arith.constant 0 : i32
      %get3A_1020 = arith.index_cast %get3A_1019 : i32 to index
      %get3A_1021 = arith.index_cast %scan3A_962 : i32 to index
      %get3A_1022 = arith.constant 112 : index
      %get3A_1023 = tpu.vector_load %arg4[%get3A_1020, %get3A_1021, %get3A_1022] {strides = array<i32>} : memref<2x200x128xf32, #tpu.memory_space<vmem>>, vector<1x1x16xf32>,
      %get3A_1024 = vector.shape_cast %get3A_1023 : vector<1x1x16xf32> to vector<16xf32>
      %add3A_1025 = arith.addf %scan3A_970, %get3A_1024 : vector<16xf32>
      scf.yield %add3A_976, %add3A_983, %add3A_990, %add3A_997, %add3A_1004, %add3A_1011, %add3A_1018, %add3A_1025 : vector<16xf32>, vector<16xf32>, vector<16xf32>, vector<16xf32>, vector<16xf32>, vector<16xf32>, vector<16xf32>, vector<16xf32>
    }
    %scan3A_137 = arith.constant 200 : i32
    %add3A_138 = arith.constant 800 : i32
    %add3A_139 = arith.addi %mul3A_2, %add3A_138 : i32
    %dma_start3A_140 = arith.constant 0 : i32
    %dma_start3A_141 = arith.constant 0 : i32
    %dma_start3A_142 = arith.constant 0 : i32
    %dma_start3A_143 = tpu.memref_slice %arg4[%dma_start3A_140, %dma_start3A_141, %dma_start3A_142] : memref<2x200x128xf32, #tpu.memory_space<vmem>> -> memref<1x200x128xf32, #tpu.memory_space<vmem>>
    %dma_start3A_144 = tpu.memref_squeeze %dma_start3A_143 : memref<1x200x128xf32, #tpu.memory_space<vmem>> -> memref<200x128xf32, #tpu.memory_space<vmem>>
    %dma_start3A_145 = arith.constant 0 : i32
    %dma_start3A_146 = tpu.memref_slice %arg2[%add3A_139, %dma_start3A_145] : memref<320000x128xf32, #tpu.memory_space<hbm>> -> memref<200x128xf32, #tpu.memory_space<hbm>>
    %dma_start3A_147 = arith.constant 0 : i32
    %dma_start3A_148 = arith.constant 0 : i32
    %dma_start3A_149 = tpu.memref_slice %arg4[%dma_start3A_140, %dma_start3A_147, %dma_start3A_148] : memref<2x200x128xf32, #tpu.memory_space<vmem>> -> memref<1x200x128xf32, #tpu.memory_space<vmem>>
    %dma_start3A_150 = tpu.memref_squeeze %dma_start3A_149 : memref<1x200x128xf32, #tpu.memory_space<vmem>> -> memref<200x128xf32, #tpu.memory_space<vmem>>
    %dma_start3A_151 = arith.constant 0 : i32
    %dma_start3A_152 = tpu.memref_slice %arg2[%add3A_139, %dma_start3A_151] : memref<320000x128xf32, #tpu.memory_space<hbm>> -> memref<200x128xf32, #tpu.memory_space<hbm>>
    tpu.enqueue_dma source(%dma_start3A_152 : memref<200x128xf32, #tpu.memory_space<hbm>>) target(%dma_start3A_150 : memref<200x128xf32, #tpu.memory_space<vmem>>) target_semaphore(%arg6 : memref<!tpu.dma_semaphore, #tpu.memory_space<semaphore_mem>>)
    %add3A_153 = arith.constant 600 : i32
    %add3A_154 = arith.addi %mul3A_2, %add3A_153 : i32
    %dma_wait3A_155 = arith.constant 1 : i32
    %dma_wait3A_156 = arith.constant 0 : i32
    %dma_wait3A_157 = arith.constant 0 : i32
    %dma_wait3A_158 = tpu.memref_slice %arg4[%dma_wait3A_155, %dma_wait3A_156, %dma_wait3A_157] : memref<2x200x128xf32, #tpu.memory_space<vmem>> -> memref<1x200x128xf32, #tpu.memory_space<vmem>>
    %dma_wait3A_159 = tpu.memref_squeeze %dma_wait3A_158 : memref<1x200x128xf32, #tpu.memory_space<vmem>> -> memref<200x128xf32, #tpu.memory_space<vmem>>
    %dma_wait3A_160 = arith.constant 0 : i32
    %dma_wait3A_161 = tpu.memref_slice %arg2[%add3A_154, %dma_wait3A_160] : memref<320000x128xf32, #tpu.memory_space<hbm>> -> memref<200x128xf32, #tpu.memory_space<hbm>>
    %dma_wait3A_162 = arith.constant 0 : i32
    %dma_wait3A_163 = arith.constant 0 : i32
    %dma_wait3A_164 = tpu.memref_slice %arg4[%dma_wait3A_155, %dma_wait3A_162, %dma_wait3A_163] : memref<2x200x128xf32, #tpu.memory_space<vmem>> -> memref<1x200x128xf32, #tpu.memory_space<vmem>>
    %dma_wait3A_165 = tpu.memref_squeeze %dma_wait3A_164 : memref<1x200x128xf32, #tpu.memory_space<vmem>> -> memref<200x128xf32, #tpu.memory_space<vmem>>
    %dma_wait3A_166 = arith.constant 0 : i32
    %dma_wait3A_167 = tpu.memref_slice %arg2[%add3A_154, %dma_wait3A_166] : memref<320000x128xf32, #tpu.memory_space<hbm>> -> memref<200x128xf32, #tpu.memory_space<hbm>>
    tpu.wait_dma2 semaphore(%arg7 : memref<!tpu.dma_semaphore, #tpu.memory_space<semaphore_mem>>) src(%dma_wait3A_167 : memref<200x128xf32, #tpu.memory_space<hbm>>) dst(%dma_wait3A_165 : memref<200x128xf32, #tpu.memory_space<vmem>>)
    %scan3A_168 = arith.constant 0 : i32
    %scan3A_169 = arith.constant 200 : i32
    %scan3A_170 = arith.addi %scan3A_168, %scan3A_169 : i32
    %scan3A_171 = arith.constant 1 : i32
    %scan3A_172:8 = scf.for %scan3A_962 = %scan3A_168 to %scan3A_170 step %scan3A_171 iter_args(%scan3A_963 = %scan3A_136#0, %scan3A_964 = %scan3A_136#1, %scan3A_965 = %scan3A_136#2, %scan3A_966 = %scan3A_136#3, %scan3A_967 = %scan3A_136#4, %scan3A_968 = %scan3A_136#5, %scan3A_969 = %scan3A_136#6, %scan3A_970 = %scan3A_136#7) -> (vector<16xf32>, vector<16xf32>, vector<16xf32>, vector<16xf32>, vector<16xf32>, vector<16xf32>, vector<16xf32>, vector<16xf32>)  : i32 {
      %get3A = arith.constant 1 : i32
      %get3A_971 = arith.index_cast %get3A : i32 to index
      %get3A_972 = arith.index_cast %scan3A_962 : i32 to index
      %get3A_973 = arith.constant 0 : index
      %get3A_974 = tpu.vector_load %arg4[%get3A_971, %get3A_972, %get3A_973] {strides = array<i32>} : memref<2x200x128xf32, #tpu.memory_space<vmem>>, vector<1x1x16xf32>,
      %get3A_975 = vector.shape_cast %get3A_974 : vector<1x1x16xf32> to vector<16xf32>
      %add3A_976 = arith.addf %scan3A_963, %get3A_975 : vector<16xf32>
      %get3A_977 = arith.constant 1 : i32
      %get3A_978 = arith.index_cast %get3A_977 : i32 to index
      %get3A_979 = arith.index_cast %scan3A_962 : i32 to index
      %get3A_980 = arith.constant 16 : index
      %get3A_981 = tpu.vector_load %arg4[%get3A_978, %get3A_979, %get3A_980] {strides = array<i32>} : memref<2x200x128xf32, #tpu.memory_space<vmem>>, vector<1x1x16xf32>,
      %get3A_982 = vector.shape_cast %get3A_981 : vector<1x1x16xf32> to vector<16xf32>
      %add3A_983 = arith.addf %scan3A_964, %get3A_982 : vector<16xf32>
      %get3A_984 = arith.constant 1 : i32
      %get3A_985 = arith.index_cast %get3A_984 : i32 to index
      %get3A_986 = arith.index_cast %scan3A_962 : i32 to index
      %get3A_987 = arith.constant 32 : index
      %get3A_988 = tpu.vector_load %arg4[%get3A_985, %get3A_986, %get3A_987] {strides = array<i32>} : memref<2x200x128xf32, #tpu.memory_space<vmem>>, vector<1x1x16xf32>,
      %get3A_989 = vector.shape_cast %get3A_988 : vector<1x1x16xf32> to vector<16xf32>
      %add3A_990 = arith.addf %scan3A_965, %get3A_989 : vector<16xf32>
      %get3A_991 = arith.constant 1 : i32
      %get3A_992 = arith.index_cast %get3A_991 : i32 to index
      %get3A_993 = arith.index_cast %scan3A_962 : i32 to index
      %get3A_994 = arith.constant 48 : index
      %get3A_995 = tpu.vector_load %arg4[%get3A_992, %get3A_993, %get3A_994] {strides = array<i32>} : memref<2x200x128xf32, #tpu.memory_space<vmem>>, vector<1x1x16xf32>,
      %get3A_996 = vector.shape_cast %get3A_995 : vector<1x1x16xf32> to vector<16xf32>
      %add3A_997 = arith.addf %scan3A_966, %get3A_996 : vector<16xf32>
      %get3A_998 = arith.constant 1 : i32
      %get3A_999 = arith.index_cast %get3A_998 : i32 to index
      %get3A_1000 = arith.index_cast %scan3A_962 : i32 to index
      %get3A_1001 = arith.constant 64 : index
      %get3A_1002 = tpu.vector_load %arg4[%get3A_999, %get3A_1000, %get3A_1001] {strides = array<i32>} : memref<2x200x128xf32, #tpu.memory_space<vmem>>, vector<1x1x16xf32>,
      %get3A_1003 = vector.shape_cast %get3A_1002 : vector<1x1x16xf32> to vector<16xf32>
      %add3A_1004 = arith.addf %scan3A_967, %get3A_1003 : vector<16xf32>
      %get3A_1005 = arith.constant 1 : i32
      %get3A_1006 = arith.index_cast %get3A_1005 : i32 to index
      %get3A_1007 = arith.index_cast %scan3A_962 : i32 to index
      %get3A_1008 = arith.constant 80 : index
      %get3A_1009 = tpu.vector_load %arg4[%get3A_1006, %get3A_1007, %get3A_1008] {strides = array<i32>} : memref<2x200x128xf32, #tpu.memory_space<vmem>>, vector<1x1x16xf32>,
      %get3A_1010 = vector.shape_cast %get3A_1009 : vector<1x1x16xf32> to vector<16xf32>
      %add3A_1011 = arith.addf %scan3A_968, %get3A_1010 : vector<16xf32>
      %get3A_1012 = arith.constant 1 : i32
      %get3A_1013 = arith.index_cast %get3A_1012 : i32 to index
      %get3A_1014 = arith.index_cast %scan3A_962 : i32 to index
      %get3A_1015 = arith.constant 96 : index
      %get3A_1016 = tpu.vector_load %arg4[%get3A_1013, %get3A_1014, %get3A_1015] {strides = array<i32>} : memref<2x200x128xf32, #tpu.memory_space<vmem>>, vector<1x1x16xf32>,
      %get3A_1017 = vector.shape_cast %get3A_1016 : vector<1x1x16xf32> to vector<16xf32>
      %add3A_1018 = arith.addf %scan3A_969, %get3A_1017 : vector<16xf32>
      %get3A_1019 = arith.constant 1 : i32
      %get3A_1020 = arith.index_cast %get3A_1019 : i32 to index
      %get3A_1021 = arith.index_cast %scan3A_962 : i32 to index
      %get3A_1022 = arith.constant 112 : index
      %get3A_1023 = tpu.vector_load %arg4[%get3A_1020, %get3A_1021, %get3A_1022] {strides = array<i32>} : memref<2x200x128xf32, #tpu.memory_space<vmem>>, vector<1x1x16xf32>,
      %get3A_1024 = vector.shape_cast %get3A_1023 : vector<1x1x16xf32> to vector<16xf32>
      %add3A_1025 = arith.addf %scan3A_970, %get3A_1024 : vector<16xf32>
      scf.yield %add3A_976, %add3A_983, %add3A_990, %add3A_997, %add3A_1004, %add3A_1011, %add3A_1018, %add3A_1025 : vector<16xf32>, vector<16xf32>, vector<16xf32>, vector<16xf32>, vector<16xf32>, vector<16xf32>, vector<16xf32>, vector<16xf32>
    }
    %scan3A_173 = arith.constant 200 : i32
    %add3A_174 = arith.constant 1000 : i32
    %add3A_175 = arith.addi %mul3A_2, %add3A_174 : i32
    %dma_start3A_176 = arith.constant 1 : i32
    %dma_start3A_177 = arith.constant 0 : i32
    %dma_start3A_178 = arith.constant 0 : i32
    %dma_start3A_179 = tpu.memref_slice %arg4[%dma_start3A_176, %dma_start3A_177, %dma_start3A_178] : memref<2x200x128xf32, #tpu.memory_space<vmem>> -> memref<1x200x128xf32, #tpu.memory_space<vmem>>
    %dma_start3A_180 = tpu.memref_squeeze %dma_start3A_179 : memref<1x200x128xf32, #tpu.memory_space<vmem>> -> memref<200x128xf32, #tpu.memory_space<vmem>>
    %dma_start3A_181 = arith.constant 0 : i32
    %dma_start3A_182 = tpu.memref_slice %arg2[%add3A_175, %dma_start3A_181] : memref<320000x128xf32, #tpu.memory_space<hbm>> -> memref<200x128xf32, #tpu.memory_space<hbm>>
    %dma_start3A_183 = arith.constant 0 : i32
    %dma_start3A_184 = arith.constant 0 : i32
    %dma_start3A_185 = tpu.memref_slice %arg4[%dma_start3A_176, %dma_start3A_183, %dma_start3A_184] : memref<2x200x128xf32, #tpu.memory_space<vmem>> -> memref<1x200x128xf32, #tpu.memory_space<vmem>>
    %dma_start3A_186 = tpu.memref_squeeze %dma_start3A_185 : memref<1x200x128xf32, #tpu.memory_space<vmem>> -> memref<200x128xf32, #tpu.memory_space<vmem>>
    %dma_start3A_187 = arith.constant 0 : i32
    %dma_start3A_188 = tpu.memref_slice %arg2[%add3A_175, %dma_start3A_187] : memref<320000x128xf32, #tpu.memory_space<hbm>> -> memref<200x128xf32, #tpu.memory_space<hbm>>
    tpu.enqueue_dma source(%dma_start3A_188 : memref<200x128xf32, #tpu.memory_space<hbm>>) target(%dma_start3A_186 : memref<200x128xf32, #tpu.memory_space<vmem>>) target_semaphore(%arg7 : memref<!tpu.dma_semaphore, #tpu.memory_space<semaphore_mem>>)
    %add3A_189 = arith.constant 800 : i32
    %add3A_190 = arith.addi %mul3A_2, %add3A_189 : i32
    %dma_wait3A_191 = arith.constant 0 : i32
    %dma_wait3A_192 = arith.constant 0 : i32
    %dma_wait3A_193 = arith.constant 0 : i32
    %dma_wait3A_194 = tpu.memref_slice %arg4[%dma_wait3A_191, %dma_wait3A_192, %dma_wait3A_193] : memref<2x200x128xf32, #tpu.memory_space<vmem>> -> memref<1x200x128xf32, #tpu.memory_space<vmem>>
    %dma_wait3A_195 = tpu.memref_squeeze %dma_wait3A_194 : memref<1x200x128xf32, #tpu.memory_space<vmem>> -> memref<200x128xf32, #tpu.memory_space<vmem>>
    %dma_wait3A_196 = arith.constant 0 : i32
    %dma_wait3A_197 = tpu.memref_slice %arg2[%add3A_190, %dma_wait3A_196] : memref<320000x128xf32, #tpu.memory_space<hbm>> -> memref<200x128xf32, #tpu.memory_space<hbm>>
    %dma_wait3A_198 = arith.constant 0 : i32
    %dma_wait3A_199 = arith.constant 0 : i32
    %dma_wait3A_200 = tpu.memref_slice %arg4[%dma_wait3A_191, %dma_wait3A_198, %dma_wait3A_199] : memref<2x200x128xf32, #tpu.memory_space<vmem>> -> memref<1x200x128xf32, #tpu.memory_space<vmem>>
    %dma_wait3A_201 = tpu.memref_squeeze %dma_wait3A_200 : memref<1x200x128xf32, #tpu.memory_space<vmem>> -> memref<200x128xf32, #tpu.memory_space<vmem>>
    %dma_wait3A_202 = arith.constant 0 : i32
    %dma_wait3A_203 = tpu.memref_slice %arg2[%add3A_190, %dma_wait3A_202] : memref<320000x128xf32, #tpu.memory_space<hbm>> -> memref<200x128xf32, #tpu.memory_space<hbm>>
    tpu.wait_dma2 semaphore(%arg6 : memref<!tpu.dma_semaphore, #tpu.memory_space<semaphore_mem>>) src(%dma_wait3A_203 : memref<200x128xf32, #tpu.memory_space<hbm>>) dst(%dma_wait3A_201 : memref<200x128xf32, #tpu.memory_space<vmem>>)
    %scan3A_204 = arith.constant 0 : i32
    %scan3A_205 = arith.constant 200 : i32
    %scan3A_206 = arith.addi %scan3A_204, %scan3A_205 : i32
    %scan3A_207 = arith.constant 1 : i32
    %scan3A_208:8 = scf.for %scan3A_962 = %scan3A_204 to %scan3A_206 step %scan3A_207 iter_args(%scan3A_963 = %scan3A_172#0, %scan3A_964 = %scan3A_172#1, %scan3A_965 = %scan3A_172#2, %scan3A_966 = %scan3A_172#3, %scan3A_967 = %scan3A_172#4, %scan3A_968 = %scan3A_172#5, %scan3A_969 = %scan3A_172#6, %scan3A_970 = %scan3A_172#7) -> (vector<16xf32>, vector<16xf32>, vector<16xf32>, vector<16xf32>, vector<16xf32>, vector<16xf32>, vector<16xf32>, vector<16xf32>)  : i32 {
      %get3A = arith.constant 0 : i32
      %get3A_971 = arith.index_cast %get3A : i32 to index
      %get3A_972 = arith.index_cast %scan3A_962 : i32 to index
      %get3A_973 = arith.constant 0 : index
      %get3A_974 = tpu.vector_load %arg4[%get3A_971, %get3A_972, %get3A_973] {strides = array<i32>} : memref<2x200x128xf32, #tpu.memory_space<vmem>>, vector<1x1x16xf32>,
      %get3A_975 = vector.shape_cast %get3A_974 : vector<1x1x16xf32> to vector<16xf32>
      %add3A_976 = arith.addf %scan3A_963, %get3A_975 : vector<16xf32>
      %get3A_977 = arith.constant 0 : i32
      %get3A_978 = arith.index_cast %get3A_977 : i32 to index
      %get3A_979 = arith.index_cast %scan3A_962 : i32 to index
      %get3A_980 = arith.constant 16 : index
      %get3A_981 = tpu.vector_load %arg4[%get3A_978, %get3A_979, %get3A_980] {strides = array<i32>} : memref<2x200x128xf32, #tpu.memory_space<vmem>>, vector<1x1x16xf32>,
      %get3A_982 = vector.shape_cast %get3A_981 : vector<1x1x16xf32> to vector<16xf32>
      %add3A_983 = arith.addf %scan3A_964, %get3A_982 : vector<16xf32>
      %get3A_984 = arith.constant 0 : i32
      %get3A_985 = arith.index_cast %get3A_984 : i32 to index
      %get3A_986 = arith.index_cast %scan3A_962 : i32 to index
      %get3A_987 = arith.constant 32 : index
      %get3A_988 = tpu.vector_load %arg4[%get3A_985, %get3A_986, %get3A_987] {strides = array<i32>} : memref<2x200x128xf32, #tpu.memory_space<vmem>>, vector<1x1x16xf32>,
      %get3A_989 = vector.shape_cast %get3A_988 : vector<1x1x16xf32> to vector<16xf32>
      %add3A_990 = arith.addf %scan3A_965, %get3A_989 : vector<16xf32>
      %get3A_991 = arith.constant 0 : i32
      %get3A_992 = arith.index_cast %get3A_991 : i32 to index
      %get3A_993 = arith.index_cast %scan3A_962 : i32 to index
      %get3A_994 = arith.constant 48 : index
      %get3A_995 = tpu.vector_load %arg4[%get3A_992, %get3A_993, %get3A_994] {strides = array<i32>} : memref<2x200x128xf32, #tpu.memory_space<vmem>>, vector<1x1x16xf32>,
      %get3A_996 = vector.shape_cast %get3A_995 : vector<1x1x16xf32> to vector<16xf32>
      %add3A_997 = arith.addf %scan3A_966, %get3A_996 : vector<16xf32>
      %get3A_998 = arith.constant 0 : i32
      %get3A_999 = arith.index_cast %get3A_998 : i32 to index
      %get3A_1000 = arith.index_cast %scan3A_962 : i32 to index
      %get3A_1001 = arith.constant 64 : index
      %get3A_1002 = tpu.vector_load %arg4[%get3A_999, %get3A_1000, %get3A_1001] {strides = array<i32>} : memref<2x200x128xf32, #tpu.memory_space<vmem>>, vector<1x1x16xf32>,
      %get3A_1003 = vector.shape_cast %get3A_1002 : vector<1x1x16xf32> to vector<16xf32>
      %add3A_1004 = arith.addf %scan3A_967, %get3A_1003 : vector<16xf32>
      %get3A_1005 = arith.constant 0 : i32
      %get3A_1006 = arith.index_cast %get3A_1005 : i32 to index
      %get3A_1007 = arith.index_cast %scan3A_962 : i32 to index
      %get3A_1008 = arith.constant 80 : index
      %get3A_1009 = tpu.vector_load %arg4[%get3A_1006, %get3A_1007, %get3A_1008] {strides = array<i32>} : memref<2x200x128xf32, #tpu.memory_space<vmem>>, vector<1x1x16xf32>,
      %get3A_1010 = vector.shape_cast %get3A_1009 : vector<1x1x16xf32> to vector<16xf32>
      %add3A_1011 = arith.addf %scan3A_968, %get3A_1010 : vector<16xf32>
      %get3A_1012 = arith.constant 0 : i32
      %get3A_1013 = arith.index_cast %get3A_1012 : i32 to index
      %get3A_1014 = arith.index_cast %scan3A_962 : i32 to index
      %get3A_1015 = arith.constant 96 : index
      %get3A_1016 = tpu.vector_load %arg4[%get3A_1013, %get3A_1014, %get3A_1015] {strides = array<i32>} : memref<2x200x128xf32, #tpu.memory_space<vmem>>, vector<1x1x16xf32>,
      %get3A_1017 = vector.shape_cast %get3A_1016 : vector<1x1x16xf32> to vector<16xf32>
      %add3A_1018 = arith.addf %scan3A_969, %get3A_1017 : vector<16xf32>
      %get3A_1019 = arith.constant 0 : i32
      %get3A_1020 = arith.index_cast %get3A_1019 : i32 to index
      %get3A_1021 = arith.index_cast %scan3A_962 : i32 to index
      %get3A_1022 = arith.constant 112 : index
      %get3A_1023 = tpu.vector_load %arg4[%get3A_1020, %get3A_1021, %get3A_1022] {strides = array<i32>} : memref<2x200x128xf32, #tpu.memory_space<vmem>>, vector<1x1x16xf32>,
      %get3A_1024 = vector.shape_cast %get3A_1023 : vector<1x1x16xf32> to vector<16xf32>
      %add3A_1025 = arith.addf %scan3A_970, %get3A_1024 : vector<16xf32>
      scf.yield %add3A_976, %add3A_983, %add3A_990, %add3A_997, %add3A_1004, %add3A_1011, %add3A_1018, %add3A_1025 : vector<16xf32>, vector<16xf32>, vector<16xf32>, vector<16xf32>, vector<16xf32>, vector<16xf32>, vector<16xf32>, vector<16xf32>
    }
    %scan3A_209 = arith.constant 200 : i32
    %add3A_210 = arith.constant 1200 : i32
    %add3A_211 = arith.addi %mul3A_2, %add3A_210 : i32
    %dma_start3A_212 = arith.constant 0 : i32
    %dma_start3A_213 = arith.constant 0 : i32
    %dma_start3A_214 = arith.constant 0 : i32
    %dma_start3A_215 = tpu.memref_slice %arg4[%dma_start3A_212, %dma_start3A_213, %dma_start3A_214] : memref<2x200x128xf32, #tpu.memory_space<vmem>> -> memref<1x200x128xf32, #tpu.memory_space<vmem>>
    %dma_start3A_216 = tpu.memref_squeeze %dma_start3A_215 : memref<1x200x128xf32, #tpu.memory_space<vmem>> -> memref<200x128xf32, #tpu.memory_space<vmem>>
    %dma_start3A_217 = arith.constant 0 : i32
    %dma_start3A_218 = tpu.memref_slice %arg2[%add3A_211, %dma_start3A_217] : memref<320000x128xf32, #tpu.memory_space<hbm>> -> memref<200x128xf32, #tpu.memory_space<hbm>>
    %dma_start3A_219 = arith.constant 0 : i32
    %dma_start3A_220 = arith.constant 0 : i32
    %dma_start3A_221 = tpu.memref_slice %arg4[%dma_start3A_212, %dma_start3A_219, %dma_start3A_220] : memref<2x200x128xf32, #tpu.memory_space<vmem>> -> memref<1x200x128xf32, #tpu.memory_space<vmem>>
    %dma_start3A_222 = tpu.memref_squeeze %dma_start3A_221 : memref<1x200x128xf32, #tpu.memory_space<vmem>> -> memref<200x128xf32, #tpu.memory_space<vmem>>
    %dma_start3A_223 = arith.constant 0 : i32
    %dma_start3A_224 = tpu.memref_slice %arg2[%add3A_211, %dma_start3A_223] : memref<320000x128xf32, #tpu.memory_space<hbm>> -> memref<200x128xf32, #tpu.memory_space<hbm>>
    tpu.enqueue_dma source(%dma_start3A_224 : memref<200x128xf32, #tpu.memory_space<hbm>>) target(%dma_start3A_222 : memref<200x128xf32, #tpu.memory_space<vmem>>) target_semaphore(%arg6 : memref<!tpu.dma_semaphore, #tpu.memory_space<semaphore_mem>>)
    %add3A_225 = arith.constant 1000 : i32
    %add3A_226 = arith.addi %mul3A_2, %add3A_225 : i32
    %dma_wait3A_227 = arith.constant 1 : i32
    %dma_wait3A_228 = arith.constant 0 : i32
    %dma_wait3A_229 = arith.constant 0 : i32
    %dma_wait3A_230 = tpu.memref_slice %arg4[%dma_wait3A_227, %dma_wait3A_228, %dma_wait3A_229] : memref<2x200x128xf32, #tpu.memory_space<vmem>> -> memref<1x200x128xf32, #tpu.memory_space<vmem>>
    %dma_wait3A_231 = tpu.memref_squeeze %dma_wait3A_230 : memref<1x200x128xf32, #tpu.memory_space<vmem>> -> memref<200x128xf32, #tpu.memory_space<vmem>>
    %dma_wait3A_232 = arith.constant 0 : i32
    %dma_wait3A_233 = tpu.memref_slice %arg2[%add3A_226, %dma_wait3A_232] : memref<320000x128xf32, #tpu.memory_space<hbm>> -> memref<200x128xf32, #tpu.memory_space<hbm>>
    %dma_wait3A_234 = arith.constant 0 : i32
    %dma_wait3A_235 = arith.constant 0 : i32
    %dma_wait3A_236 = tpu.memref_slice %arg4[%dma_wait3A_227, %dma_wait3A_234, %dma_wait3A_235] : memref<2x200x128xf32, #tpu.memory_space<vmem>> -> memref<1x200x128xf32, #tpu.memory_space<vmem>>
    %dma_wait3A_237 = tpu.memref_squeeze %dma_wait3A_236 : memref<1x200x128xf32, #tpu.memory_space<vmem>> -> memref<200x128xf32, #tpu.memory_space<vmem>>
    %dma_wait3A_238 = arith.constant 0 : i32
    %dma_wait3A_239 = tpu.memref_slice %arg2[%add3A_226, %dma_wait3A_238] : memref<320000x128xf32, #tpu.memory_space<hbm>> -> memref<200x128xf32, #tpu.memory_space<hbm>>
    tpu.wait_dma2 semaphore(%arg7 : memref<!tpu.dma_semaphore, #tpu.memory_space<semaphore_mem>>) src(%dma_wait3A_239 : memref<200x128xf32, #tpu.memory_space<hbm>>) dst(%dma_wait3A_237 : memref<200x128xf32, #tpu.memory_space<vmem>>)
    %scan3A_240 = arith.constant 0 : i32
    %scan3A_241 = arith.constant 200 : i32
    %scan3A_242 = arith.addi %scan3A_240, %scan3A_241 : i32
    %scan3A_243 = arith.constant 1 : i32
    %scan3A_244:8 = scf.for %scan3A_962 = %scan3A_240 to %scan3A_242 step %scan3A_243 iter_args(%scan3A_963 = %scan3A_208#0, %scan3A_964 = %scan3A_208#1, %scan3A_965 = %scan3A_208#2, %scan3A_966 = %scan3A_208#3, %scan3A_967 = %scan3A_208#4, %scan3A_968 = %scan3A_208#5, %scan3A_969 = %scan3A_208#6, %scan3A_970 = %scan3A_208#7) -> (vector<16xf32>, vector<16xf32>, vector<16xf32>, vector<16xf32>, vector<16xf32>, vector<16xf32>, vector<16xf32>, vector<16xf32>)  : i32 {
      %get3A = arith.constant 1 : i32
      %get3A_971 = arith.index_cast %get3A : i32 to index
      %get3A_972 = arith.index_cast %scan3A_962 : i32 to index
      %get3A_973 = arith.constant 0 : index
      %get3A_974 = tpu.vector_load %arg4[%get3A_971, %get3A_972, %get3A_973] {strides = array<i32>} : memref<2x200x128xf32, #tpu.memory_space<vmem>>, vector<1x1x16xf32>,
      %get3A_975 = vector.shape_cast %get3A_974 : vector<1x1x16xf32> to vector<16xf32>
      %add3A_976 = arith.addf %scan3A_963, %get3A_975 : vector<16xf32>
      %get3A_977 = arith.constant 1 : i32
      %get3A_978 = arith.index_cast %get3A_977 : i32 to index
      %get3A_979 = arith.index_cast %scan3A_962 : i32 to index
      %get3A_980 = arith.constant 16 : index
      %get3A_981 = tpu.vector_load %arg4[%get3A_978, %get3A_979, %get3A_980] {strides = array<i32>} : memref<2x200x128xf32, #tpu.memory_space<vmem>>, vector<1x1x16xf32>,
      %get3A_982 = vector.shape_cast %get3A_981 : vector<1x1x16xf32> to vector<16xf32>
      %add3A_983 = arith.addf %scan3A_964, %get3A_982 : vector<16xf32>
      %get3A_984 = arith.constant 1 : i32
      %get3A_985 = arith.index_cast %get3A_984 : i32 to index
      %get3A_986 = arith.index_cast %scan3A_962 : i32 to index
      %get3A_987 = arith.constant 32 : index
      %get3A_988 = tpu.vector_load %arg4[%get3A_985, %get3A_986, %get3A_987] {strides = array<i32>} : memref<2x200x128xf32, #tpu.memory_space<vmem>>, vector<1x1x16xf32>,
      %get3A_989 = vector.shape_cast %get3A_988 : vector<1x1x16xf32> to vector<16xf32>
      %add3A_990 = arith.addf %scan3A_965, %get3A_989 : vector<16xf32>
      %get3A_991 = arith.constant 1 : i32
      %get3A_992 = arith.index_cast %get3A_991 : i32 to index
      %get3A_993 = arith.index_cast %scan3A_962 : i32 to index
      %get3A_994 = arith.constant 48 : index
      %get3A_995 = tpu.vector_load %arg4[%get3A_992, %get3A_993, %get3A_994] {strides = array<i32>} : memref<2x200x128xf32, #tpu.memory_space<vmem>>, vector<1x1x16xf32>,
      %get3A_996 = vector.shape_cast %get3A_995 : vector<1x1x16xf32> to vector<16xf32>
      %add3A_997 = arith.addf %scan3A_966, %get3A_996 : vector<16xf32>
      %get3A_998 = arith.constant 1 : i32
      %get3A_999 = arith.index_cast %get3A_998 : i32 to index
      %get3A_1000 = arith.index_cast %scan3A_962 : i32 to index
      %get3A_1001 = arith.constant 64 : index
      %get3A_1002 = tpu.vector_load %arg4[%get3A_999, %get3A_1000, %get3A_1001] {strides = array<i32>} : memref<2x200x128xf32, #tpu.memory_space<vmem>>, vector<1x1x16xf32>,
      %get3A_1003 = vector.shape_cast %get3A_1002 : vector<1x1x16xf32> to vector<16xf32>
      %add3A_1004 = arith.addf %scan3A_967, %get3A_1003 : vector<16xf32>
      %get3A_1005 = arith.constant 1 : i32
      %get3A_1006 = arith.index_cast %get3A_1005 : i32 to index
      %get3A_1007 = arith.index_cast %scan3A_962 : i32 to index
      %get3A_1008 = arith.constant 80 : index
      %get3A_1009 = tpu.vector_load %arg4[%get3A_1006, %get3A_1007, %get3A_1008] {strides = array<i32>} : memref<2x200x128xf32, #tpu.memory_space<vmem>>, vector<1x1x16xf32>,
      %get3A_1010 = vector.shape_cast %get3A_1009 : vector<1x1x16xf32> to vector<16xf32>
      %add3A_1011 = arith.addf %scan3A_968, %get3A_1010 : vector<16xf32>
      %get3A_1012 = arith.constant 1 : i32
      %get3A_1013 = arith.index_cast %get3A_1012 : i32 to index
      %get3A_1014 = arith.index_cast %scan3A_962 : i32 to index
      %get3A_1015 = arith.constant 96 : index
      %get3A_1016 = tpu.vector_load %arg4[%get3A_1013, %get3A_1014, %get3A_1015] {strides = array<i32>} : memref<2x200x128xf32, #tpu.memory_space<vmem>>, vector<1x1x16xf32>,
      %get3A_1017 = vector.shape_cast %get3A_1016 : vector<1x1x16xf32> to vector<16xf32>
      %add3A_1018 = arith.addf %scan3A_969, %get3A_1017 : vector<16xf32>
      %get3A_1019 = arith.constant 1 : i32
      %get3A_1020 = arith.index_cast %get3A_1019 : i32 to index
      %get3A_1021 = arith.index_cast %scan3A_962 : i32 to index
      %get3A_1022 = arith.constant 112 : index
      %get3A_1023 = tpu.vector_load %arg4[%get3A_1020, %get3A_1021, %get3A_1022] {strides = array<i32>} : memref<2x200x128xf32, #tpu.memory_space<vmem>>, vector<1x1x16xf32>,
      %get3A_1024 = vector.shape_cast %get3A_1023 : vector<1x1x16xf32> to vector<16xf32>
      %add3A_1025 = arith.addf %scan3A_970, %get3A_1024 : vector<16xf32>
      scf.yield %add3A_976, %add3A_983, %add3A_990, %add3A_997, %add3A_1004, %add3A_1011, %add3A_1018, %add3A_1025 : vector<16xf32>, vector<16xf32>, vector<16xf32>, vector<16xf32>, vector<16xf32>, vector<16xf32>, vector<16xf32>, vector<16xf32>
    }
    %scan3A_245 = arith.constant 200 : i32
    %add3A_246 = arith.constant 1400 : i32
    %add3A_247 = arith.addi %mul3A_2, %add3A_246 : i32
    %dma_start3A_248 = arith.constant 1 : i32
    %dma_start3A_249 = arith.constant 0 : i32
    %dma_start3A_250 = arith.constant 0 : i32
    %dma_start3A_251 = tpu.memref_slice %arg4[%dma_start3A_248, %dma_start3A_249, %dma_start3A_250] : memref<2x200x128xf32, #tpu.memory_space<vmem>> -> memref<1x200x128xf32, #tpu.memory_space<vmem>>
    %dma_start3A_252 = tpu.memref_squeeze %dma_start3A_251 : memref<1x200x128xf32, #tpu.memory_space<vmem>> -> memref<200x128xf32, #tpu.memory_space<vmem>>
    %dma_start3A_253 = arith.constant 0 : i32
    %dma_start3A_254 = tpu.memref_slice %arg2[%add3A_247, %dma_start3A_253] : memref<320000x128xf32, #tpu.memory_space<hbm>> -> memref<200x128xf32, #tpu.memory_space<hbm>>
    %dma_start3A_255 = arith.constant 0 : i32
    %dma_start3A_256 = arith.constant 0 : i32
    %dma_start3A_257 = tpu.memref_slice %arg4[%dma_start3A_248, %dma_start3A_255, %dma_start3A_256] : memref<2x200x128xf32, #tpu.memory_space<vmem>> -> memref<1x200x128xf32, #tpu.memory_space<vmem>>
    %dma_start3A_258 = tpu.memref_squeeze %dma_start3A_257 : memref<1x200x128xf32, #tpu.memory_space<vmem>> -> memref<200x128xf32, #tpu.memory_space<vmem>>
    %dma_start3A_259 = arith.constant 0 : i32
    %dma_start3A_260 = tpu.memref_slice %arg2[%add3A_247, %dma_start3A_259] : memref<320000x128xf32, #tpu.memory_space<hbm>> -> memref<200x128xf32, #tpu.memory_space<hbm>>
    tpu.enqueue_dma source(%dma_start3A_260 : memref<200x128xf32, #tpu.memory_space<hbm>>) target(%dma_start3A_258 : memref<200x128xf32, #tpu.memory_space<vmem>>) target_semaphore(%arg7 : memref<!tpu.dma_semaphore, #tpu.memory_space<semaphore_mem>>)
    %add3A_261 = arith.constant 1200 : i32
    %add3A_262 = arith.addi %mul3A_2, %add3A_261 : i32
    %dma_wait3A_263 = arith.constant 0 : i32
    %dma_wait3A_264 = arith.constant 0 : i32
    %dma_wait3A_265 = arith.constant 0 : i32
    %dma_wait3A_266 = tpu.memref_slice %arg4[%dma_wait3A_263, %dma_wait3A_264, %dma_wait3A_265] : memref<2x200x128xf32, #tpu.memory_space<vmem>> -> memref<1x200x128xf32, #tpu.memory_space<vmem>>
    %dma_wait3A_267 = tpu.memref_squeeze %dma_wait3A_266 : memref<1x200x128xf32, #tpu.memory_space<vmem>> -> memref<200x128xf32, #tpu.memory_space<vmem>>
    %dma_wait3A_268 = arith.constant 0 : i32
    %dma_wait3A_269 = tpu.memref_slice %arg2[%add3A_262, %dma_wait3A_268] : memref<320000x128xf32, #tpu.memory_space<hbm>> -> memref<200x128xf32, #tpu.memory_space<hbm>>
    %dma_wait3A_270 = arith.constant 0 : i32
    %dma_wait3A_271 = arith.constant 0 : i32
    %dma_wait3A_272 = tpu.memref_slice %arg4[%dma_wait3A_263, %dma_wait3A_270, %dma_wait3A_271] : memref<2x200x128xf32, #tpu.memory_space<vmem>> -> memref<1x200x128xf32, #tpu.memory_space<vmem>>
    %dma_wait3A_273 = tpu.memref_squeeze %dma_wait3A_272 : memref<1x200x128xf32, #tpu.memory_space<vmem>> -> memref<200x128xf32, #tpu.memory_space<vmem>>
    %dma_wait3A_274 = arith.constant 0 : i32
    %dma_wait3A_275 = tpu.memref_slice %arg2[%add3A_262, %dma_wait3A_274] : memref<320000x128xf32, #tpu.memory_space<hbm>> -> memref<200x128xf32, #tpu.memory_space<hbm>>
    tpu.wait_dma2 semaphore(%arg6 : memref<!tpu.dma_semaphore, #tpu.memory_space<semaphore_mem>>) src(%dma_wait3A_275 : memref<200x128xf32, #tpu.memory_space<hbm>>) dst(%dma_wait3A_273 : memref<200x128xf32, #tpu.memory_space<vmem>>)
    %scan3A_276 = arith.constant 0 : i32
    %scan3A_277 = arith.constant 200 : i32
    %scan3A_278 = arith.addi %scan3A_276, %scan3A_277 : i32
    %scan3A_279 = arith.constant 1 : i32
    %scan3A_280:8 = scf.for %scan3A_962 = %scan3A_276 to %scan3A_278 step %scan3A_279 iter_args(%scan3A_963 = %scan3A_244#0, %scan3A_964 = %scan3A_244#1, %scan3A_965 = %scan3A_244#2, %scan3A_966 = %scan3A_244#3, %scan3A_967 = %scan3A_244#4, %scan3A_968 = %scan3A_244#5, %scan3A_969 = %scan3A_244#6, %scan3A_970 = %scan3A_244#7) -> (vector<16xf32>, vector<16xf32>, vector<16xf32>, vector<16xf32>, vector<16xf32>, vector<16xf32>, vector<16xf32>, vector<16xf32>)  : i32 {
      %get3A = arith.constant 0 : i32
      %get3A_971 = arith.index_cast %get3A : i32 to index
      %get3A_972 = arith.index_cast %scan3A_962 : i32 to index
      %get3A_973 = arith.constant 0 : index
      %get3A_974 = tpu.vector_load %arg4[%get3A_971, %get3A_972, %get3A_973] {strides = array<i32>} : memref<2x200x128xf32, #tpu.memory_space<vmem>>, vector<1x1x16xf32>,
      %get3A_975 = vector.shape_cast %get3A_974 : vector<1x1x16xf32> to vector<16xf32>
      %add3A_976 = arith.addf %scan3A_963, %get3A_975 : vector<16xf32>
      %get3A_977 = arith.constant 0 : i32
      %get3A_978 = arith.index_cast %get3A_977 : i32 to index
      %get3A_979 = arith.index_cast %scan3A_962 : i32 to index
      %get3A_980 = arith.constant 16 : index
      %get3A_981 = tpu.vector_load %arg4[%get3A_978, %get3A_979, %get3A_980] {strides = array<i32>} : memref<2x200x128xf32, #tpu.memory_space<vmem>>, vector<1x1x16xf32>,
      %get3A_982 = vector.shape_cast %get3A_981 : vector<1x1x16xf32> to vector<16xf32>
      %add3A_983 = arith.addf %scan3A_964, %get3A_982 : vector<16xf32>
      %get3A_984 = arith.constant 0 : i32
      %get3A_985 = arith.index_cast %get3A_984 : i32 to index
      %get3A_986 = arith.index_cast %scan3A_962 : i32 to index
      %get3A_987 = arith.constant 32 : index
      %get3A_988 = tpu.vector_load %arg4[%get3A_985, %get3A_986, %get3A_987] {strides = array<i32>} : memref<2x200x128xf32, #tpu.memory_space<vmem>>, vector<1x1x16xf32>,
      %get3A_989 = vector.shape_cast %get3A_988 : vector<1x1x16xf32> to vector<16xf32>
      %add3A_990 = arith.addf %scan3A_965, %get3A_989 : vector<16xf32>
      %get3A_991 = arith.constant 0 : i32
      %get3A_992 = arith.index_cast %get3A_991 : i32 to index
      %get3A_993 = arith.index_cast %scan3A_962 : i32 to index
      %get3A_994 = arith.constant 48 : index
      %get3A_995 = tpu.vector_load %arg4[%get3A_992, %get3A_993, %get3A_994] {strides = array<i32>} : memref<2x200x128xf32, #tpu.memory_space<vmem>>, vector<1x1x16xf32>,
      %get3A_996 = vector.shape_cast %get3A_995 : vector<1x1x16xf32> to vector<16xf32>
      %add3A_997 = arith.addf %scan3A_966, %get3A_996 : vector<16xf32>
      %get3A_998 = arith.constant 0 : i32
      %get3A_999 = arith.index_cast %get3A_998 : i32 to index
      %get3A_1000 = arith.index_cast %scan3A_962 : i32 to index
      %get3A_1001 = arith.constant 64 : index
      %get3A_1002 = tpu.vector_load %arg4[%get3A_999, %get3A_1000, %get3A_1001] {strides = array<i32>} : memref<2x200x128xf32, #tpu.memory_space<vmem>>, vector<1x1x16xf32>,
      %get3A_1003 = vector.shape_cast %get3A_1002 : vector<1x1x16xf32> to vector<16xf32>
      %add3A_1004 = arith.addf %scan3A_967, %get3A_1003 : vector<16xf32>
      %get3A_1005 = arith.constant 0 : i32
      %get3A_1006 = arith.index_cast %get3A_1005 : i32 to index
      %get3A_1007 = arith.index_cast %scan3A_962 : i32 to index
      %get3A_1008 = arith.constant 80 : index
      %get3A_1009 = tpu.vector_load %arg4[%get3A_1006, %get3A_1007, %get3A_1008] {strides = array<i32>} : memref<2x200x128xf32, #tpu.memory_space<vmem>>, vector<1x1x16xf32>,
      %get3A_1010 = vector.shape_cast %get3A_1009 : vector<1x1x16xf32> to vector<16xf32>
      %add3A_1011 = arith.addf %scan3A_968, %get3A_1010 : vector<16xf32>
      %get3A_1012 = arith.constant 0 : i32
      %get3A_1013 = arith.index_cast %get3A_1012 : i32 to index
      %get3A_1014 = arith.index_cast %scan3A_962 : i32 to index
      %get3A_1015 = arith.constant 96 : index
      %get3A_1016 = tpu.vector_load %arg4[%get3A_1013, %get3A_1014, %get3A_1015] {strides = array<i32>} : memref<2x200x128xf32, #tpu.memory_space<vmem>>, vector<1x1x16xf32>,
      %get3A_1017 = vector.shape_cast %get3A_1016 : vector<1x1x16xf32> to vector<16xf32>
      %add3A_1018 = arith.addf %scan3A_969, %get3A_1017 : vector<16xf32>
      %get3A_1019 = arith.constant 0 : i32
      %get3A_1020 = arith.index_cast %get3A_1019 : i32 to index
      %get3A_1021 = arith.index_cast %scan3A_962 : i32 to index
      %get3A_1022 = arith.constant 112 : index
      %get3A_1023 = tpu.vector_load %arg4[%get3A_1020, %get3A_1021, %get3A_1022] {strides = array<i32>} : memref<2x200x128xf32, #tpu.memory_space<vmem>>, vector<1x1x16xf32>,
      %get3A_1024 = vector.shape_cast %get3A_1023 : vector<1x1x16xf32> to vector<16xf32>
      %add3A_1025 = arith.addf %scan3A_970, %get3A_1024 : vector<16xf32>
      scf.yield %add3A_976, %add3A_983, %add3A_990, %add3A_997, %add3A_1004, %add3A_1011, %add3A_1018, %add3A_1025 : vector<16xf32>, vector<16xf32>, vector<16xf32>, vector<16xf32>, vector<16xf32>, vector<16xf32>, vector<16xf32>, vector<16xf32>
    }
    %scan3A_281 = arith.constant 200 : i32
    %add3A_282 = arith.constant 1600 : i32
    %add3A_283 = arith.addi %mul3A_2, %add3A_282 : i32
    %dma_start3A_284 = arith.constant 0 : i32
    %dma_start3A_285 = arith.constant 0 : i32
    %dma_start3A_286 = arith.constant 0 : i32
    %dma_start3A_287 = tpu.memref_slice %arg4[%dma_start3A_284, %dma_start3A_285, %dma_start3A_286] : memref<2x200x128xf32, #tpu.memory_space<vmem>> -> memref<1x200x128xf32, #tpu.memory_space<vmem>>
    %dma_start3A_288 = tpu.memref_squeeze %dma_start3A_287 : memref<1x200x128xf32, #tpu.memory_space<vmem>> -> memref<200x128xf32, #tpu.memory_space<vmem>>
    %dma_start3A_289 = arith.constant 0 : i32
    %dma_start3A_290 = tpu.memref_slice %arg2[%add3A_283, %dma_start3A_289] : memref<320000x128xf32, #tpu.memory_space<hbm>> -> memref<200x128xf32, #tpu.memory_space<hbm>>
    %dma_start3A_291 = arith.constant 0 : i32
    %dma_start3A_292 = arith.constant 0 : i32
    %dma_start3A_293 = tpu.memref_slice %arg4[%dma_start3A_284, %dma_start3A_291, %dma_start3A_292] : memref<2x200x128xf32, #tpu.memory_space<vmem>> -> memref<1x200x128xf32, #tpu.memory_space<vmem>>
    %dma_start3A_294 = tpu.memref_squeeze %dma_start3A_293 : memref<1x200x128xf32, #tpu.memory_space<vmem>> -> memref<200x128xf32, #tpu.memory_space<vmem>>
    %dma_start3A_295 = arith.constant 0 : i32
    %dma_start3A_296 = tpu.memref_slice %arg2[%add3A_283, %dma_start3A_295] : memref<320000x128xf32, #tpu.memory_space<hbm>> -> memref<200x128xf32, #tpu.memory_space<hbm>>
    tpu.enqueue_dma source(%dma_start3A_296 : memref<200x128xf32, #tpu.memory_space<hbm>>) target(%dma_start3A_294 : memref<200x128xf32, #tpu.memory_space<vmem>>) target_semaphore(%arg6 : memref<!tpu.dma_semaphore, #tpu.memory_space<semaphore_mem>>)
    %add3A_297 = arith.constant 1400 : i32
    %add3A_298 = arith.addi %mul3A_2, %add3A_297 : i32
    %dma_wait3A_299 = arith.constant 1 : i32
    %dma_wait3A_300 = arith.constant 0 : i32
    %dma_wait3A_301 = arith.constant 0 : i32
    %dma_wait3A_302 = tpu.memref_slice %arg4[%dma_wait3A_299, %dma_wait3A_300, %dma_wait3A_301] : memref<2x200x128xf32, #tpu.memory_space<vmem>> -> memref<1x200x128xf32, #tpu.memory_space<vmem>>
    %dma_wait3A_303 = tpu.memref_squeeze %dma_wait3A_302 : memref<1x200x128xf32, #tpu.memory_space<vmem>> -> memref<200x128xf32, #tpu.memory_space<vmem>>
    %dma_wait3A_304 = arith.constant 0 : i32
    %dma_wait3A_305 = tpu.memref_slice %arg2[%add3A_298, %dma_wait3A_304] : memref<320000x128xf32, #tpu.memory_space<hbm>> -> memref<200x128xf32, #tpu.memory_space<hbm>>
    %dma_wait3A_306 = arith.constant 0 : i32
    %dma_wait3A_307 = arith.constant 0 : i32
    %dma_wait3A_308 = tpu.memref_slice %arg4[%dma_wait3A_299, %dma_wait3A_306, %dma_wait3A_307] : memref<2x200x128xf32, #tpu.memory_space<vmem>> -> memref<1x200x128xf32, #tpu.memory_space<vmem>>
    %dma_wait3A_309 = tpu.memref_squeeze %dma_wait3A_308 : memref<1x200x128xf32, #tpu.memory_space<vmem>> -> memref<200x128xf32, #tpu.memory_space<vmem>>
    %dma_wait3A_310 = arith.constant 0 : i32
    %dma_wait3A_311 = tpu.memref_slice %arg2[%add3A_298, %dma_wait3A_310] : memref<320000x128xf32, #tpu.memory_space<hbm>> -> memref<200x128xf32, #tpu.memory_space<hbm>>
    tpu.wait_dma2 semaphore(%arg7 : memref<!tpu.dma_semaphore, #tpu.memory_space<semaphore_mem>>) src(%dma_wait3A_311 : memref<200x128xf32, #tpu.memory_space<hbm>>) dst(%dma_wait3A_309 : memref<200x128xf32, #tpu.memory_space<vmem>>)
    %scan3A_312 = arith.constant 0 : i32
    %scan3A_313 = arith.constant 200 : i32
    %scan3A_314 = arith.addi %scan3A_312, %scan3A_313 : i32
    %scan3A_315 = arith.constant 1 : i32
    %scan3A_316:8 = scf.for %scan3A_962 = %scan3A_312 to %scan3A_314 step %scan3A_315 iter_args(%scan3A_963 = %scan3A_280#0, %scan3A_964 = %scan3A_280#1, %scan3A_965 = %scan3A_280#2, %scan3A_966 = %scan3A_280#3, %scan3A_967 = %scan3A_280#4, %scan3A_968 = %scan3A_280#5, %scan3A_969 = %scan3A_280#6, %scan3A_970 = %scan3A_280#7) -> (vector<16xf32>, vector<16xf32>, vector<16xf32>, vector<16xf32>, vector<16xf32>, vector<16xf32>, vector<16xf32>, vector<16xf32>)  : i32 {
      %get3A = arith.constant 1 : i32
      %get3A_971 = arith.index_cast %get3A : i32 to index
      %get3A_972 = arith.index_cast %scan3A_962 : i32 to index
      %get3A_973 = arith.constant 0 : index
      %get3A_974 = tpu.vector_load %arg4[%get3A_971, %get3A_972, %get3A_973] {strides = array<i32>} : memref<2x200x128xf32, #tpu.memory_space<vmem>>, vector<1x1x16xf32>,
      %get3A_975 = vector.shape_cast %get3A_974 : vector<1x1x16xf32> to vector<16xf32>
      %add3A_976 = arith.addf %scan3A_963, %get3A_975 : vector<16xf32>
      %get3A_977 = arith.constant 1 : i32
      %get3A_978 = arith.index_cast %get3A_977 : i32 to index
      %get3A_979 = arith.index_cast %scan3A_962 : i32 to index
      %get3A_980 = arith.constant 16 : index
      %get3A_981 = tpu.vector_load %arg4[%get3A_978, %get3A_979, %get3A_980] {strides = array<i32>} : memref<2x200x128xf32, #tpu.memory_space<vmem>>, vector<1x1x16xf32>,
      %get3A_982 = vector.shape_cast %get3A_981 : vector<1x1x16xf32> to vector<16xf32>
      %add3A_983 = arith.addf %scan3A_964, %get3A_982 : vector<16xf32>
      %get3A_984 = arith.constant 1 : i32
      %get3A_985 = arith.index_cast %get3A_984 : i32 to index
      %get3A_986 = arith.index_cast %scan3A_962 : i32 to index
      %get3A_987 = arith.constant 32 : index
      %get3A_988 = tpu.vector_load %arg4[%get3A_985, %get3A_986, %get3A_987] {strides = array<i32>} : memref<2x200x128xf32, #tpu.memory_space<vmem>>, vector<1x1x16xf32>,
      %get3A_989 = vector.shape_cast %get3A_988 : vector<1x1x16xf32> to vector<16xf32>
      %add3A_990 = arith.addf %scan3A_965, %get3A_989 : vector<16xf32>
      %get3A_991 = arith.constant 1 : i32
      %get3A_992 = arith.index_cast %get3A_991 : i32 to index
      %get3A_993 = arith.index_cast %scan3A_962 : i32 to index
      %get3A_994 = arith.constant 48 : index
      %get3A_995 = tpu.vector_load %arg4[%get3A_992, %get3A_993, %get3A_994] {strides = array<i32>} : memref<2x200x128xf32, #tpu.memory_space<vmem>>, vector<1x1x16xf32>,
      %get3A_996 = vector.shape_cast %get3A_995 : vector<1x1x16xf32> to vector<16xf32>
      %add3A_997 = arith.addf %scan3A_966, %get3A_996 : vector<16xf32>
      %get3A_998 = arith.constant 1 : i32
      %get3A_999 = arith.index_cast %get3A_998 : i32 to index
      %get3A_1000 = arith.index_cast %scan3A_962 : i32 to index
      %get3A_1001 = arith.constant 64 : index
      %get3A_1002 = tpu.vector_load %arg4[%get3A_999, %get3A_1000, %get3A_1001] {strides = array<i32>} : memref<2x200x128xf32, #tpu.memory_space<vmem>>, vector<1x1x16xf32>,
      %get3A_1003 = vector.shape_cast %get3A_1002 : vector<1x1x16xf32> to vector<16xf32>
      %add3A_1004 = arith.addf %scan3A_967, %get3A_1003 : vector<16xf32>
      %get3A_1005 = arith.constant 1 : i32
      %get3A_1006 = arith.index_cast %get3A_1005 : i32 to index
      %get3A_1007 = arith.index_cast %scan3A_962 : i32 to index
      %get3A_1008 = arith.constant 80 : index
      %get3A_1009 = tpu.vector_load %arg4[%get3A_1006, %get3A_1007, %get3A_1008] {strides = array<i32>} : memref<2x200x128xf32, #tpu.memory_space<vmem>>, vector<1x1x16xf32>,
      %get3A_1010 = vector.shape_cast %get3A_1009 : vector<1x1x16xf32> to vector<16xf32>
      %add3A_1011 = arith.addf %scan3A_968, %get3A_1010 : vector<16xf32>
      %get3A_1012 = arith.constant 1 : i32
      %get3A_1013 = arith.index_cast %get3A_1012 : i32 to index
      %get3A_1014 = arith.index_cast %scan3A_962 : i32 to index
      %get3A_1015 = arith.constant 96 : index
      %get3A_1016 = tpu.vector_load %arg4[%get3A_1013, %get3A_1014, %get3A_1015] {strides = array<i32>} : memref<2x200x128xf32, #tpu.memory_space<vmem>>, vector<1x1x16xf32>,
      %get3A_1017 = vector.shape_cast %get3A_1016 : vector<1x1x16xf32> to vector<16xf32>
      %add3A_1018 = arith.addf %scan3A_969, %get3A_1017 : vector<16xf32>
      %get3A_1019 = arith.constant 1 : i32
      %get3A_1020 = arith.index_cast %get3A_1019 : i32 to index
      %get3A_1021 = arith.index_cast %scan3A_962 : i32 to index
      %get3A_1022 = arith.constant 112 : index
      %get3A_1023 = tpu.vector_load %arg4[%get3A_1020, %get3A_1021, %get3A_1022] {strides = array<i32>} : memref<2x200x128xf32, #tpu.memory_space<vmem>>, vector<1x1x16xf32>,
      %get3A_1024 = vector.shape_cast %get3A_1023 : vector<1x1x16xf32> to vector<16xf32>
      %add3A_1025 = arith.addf %scan3A_970, %get3A_1024 : vector<16xf32>
      scf.yield %add3A_976, %add3A_983, %add3A_990, %add3A_997, %add3A_1004, %add3A_1011, %add3A_1018, %add3A_1025 : vector<16xf32>, vector<16xf32>, vector<16xf32>, vector<16xf32>, vector<16xf32>, vector<16xf32>, vector<16xf32>, vector<16xf32>
    }
    %scan3A_317 = arith.constant 200 : i32
    %add3A_318 = arith.constant 1800 : i32
    %add3A_319 = arith.addi %mul3A_2, %add3A_318 : i32
    %dma_start3A_320 = arith.constant 1 : i32
    %dma_start3A_321 = arith.constant 0 : i32
    %dma_start3A_322 = arith.constant 0 : i32
    %dma_start3A_323 = tpu.memref_slice %arg4[%dma_start3A_320, %dma_start3A_321, %dma_start3A_322] : memref<2x200x128xf32, #tpu.memory_space<vmem>> -> memref<1x200x128xf32, #tpu.memory_space<vmem>>
    %dma_start3A_324 = tpu.memref_squeeze %dma_start3A_323 : memref<1x200x128xf32, #tpu.memory_space<vmem>> -> memref<200x128xf32, #tpu.memory_space<vmem>>
    %dma_start3A_325 = arith.constant 0 : i32
    %dma_start3A_326 = tpu.memref_slice %arg2[%add3A_319, %dma_start3A_325] : memref<320000x128xf32, #tpu.memory_space<hbm>> -> memref<200x128xf32, #tpu.memory_space<hbm>>
    %dma_start3A_327 = arith.constant 0 : i32
    %dma_start3A_328 = arith.constant 0 : i32
    %dma_start3A_329 = tpu.memref_slice %arg4[%dma_start3A_320, %dma_start3A_327, %dma_start3A_328] : memref<2x200x128xf32, #tpu.memory_space<vmem>> -> memref<1x200x128xf32, #tpu.memory_space<vmem>>
    %dma_start3A_330 = tpu.memref_squeeze %dma_start3A_329 : memref<1x200x128xf32, #tpu.memory_space<vmem>> -> memref<200x128xf32, #tpu.memory_space<vmem>>
    %dma_start3A_331 = arith.constant 0 : i32
    %dma_start3A_332 = tpu.memref_slice %arg2[%add3A_319, %dma_start3A_331] : memref<320000x128xf32, #tpu.memory_space<hbm>> -> memref<200x128xf32, #tpu.memory_space<hbm>>
    tpu.enqueue_dma source(%dma_start3A_332 : memref<200x128xf32, #tpu.memory_space<hbm>>) target(%dma_start3A_330 : memref<200x128xf32, #tpu.memory_space<vmem>>) target_semaphore(%arg7 : memref<!tpu.dma_semaphore, #tpu.memory_space<semaphore_mem>>)
    %add3A_333 = arith.constant 1600 : i32
    %add3A_334 = arith.addi %mul3A_2, %add3A_333 : i32
    %dma_wait3A_335 = arith.constant 0 : i32
    %dma_wait3A_336 = arith.constant 0 : i32
    %dma_wait3A_337 = arith.constant 0 : i32
    %dma_wait3A_338 = tpu.memref_slice %arg4[%dma_wait3A_335, %dma_wait3A_336, %dma_wait3A_337] : memref<2x200x128xf32, #tpu.memory_space<vmem>> -> memref<1x200x128xf32, #tpu.memory_space<vmem>>
    %dma_wait3A_339 = tpu.memref_squeeze %dma_wait3A_338 : memref<1x200x128xf32, #tpu.memory_space<vmem>> -> memref<200x128xf32, #tpu.memory_space<vmem>>
    %dma_wait3A_340 = arith.constant 0 : i32
    %dma_wait3A_341 = tpu.memref_slice %arg2[%add3A_334, %dma_wait3A_340] : memref<320000x128xf32, #tpu.memory_space<hbm>> -> memref<200x128xf32, #tpu.memory_space<hbm>>
    %dma_wait3A_342 = arith.constant 0 : i32
    %dma_wait3A_343 = arith.constant 0 : i32
    %dma_wait3A_344 = tpu.memref_slice %arg4[%dma_wait3A_335, %dma_wait3A_342, %dma_wait3A_343] : memref<2x200x128xf32, #tpu.memory_space<vmem>> -> memref<1x200x128xf32, #tpu.memory_space<vmem>>
    %dma_wait3A_345 = tpu.memref_squeeze %dma_wait3A_344 : memref<1x200x128xf32, #tpu.memory_space<vmem>> -> memref<200x128xf32, #tpu.memory_space<vmem>>
    %dma_wait3A_346 = arith.constant 0 : i32
    %dma_wait3A_347 = tpu.memref_slice %arg2[%add3A_334, %dma_wait3A_346] : memref<320000x128xf32, #tpu.memory_space<hbm>> -> memref<200x128xf32, #tpu.memory_space<hbm>>
    tpu.wait_dma2 semaphore(%arg6 : memref<!tpu.dma_semaphore, #tpu.memory_space<semaphore_mem>>) src(%dma_wait3A_347 : memref<200x128xf32, #tpu.memory_space<hbm>>) dst(%dma_wait3A_345 : memref<200x128xf32, #tpu.memory_space<vmem>>)
    %scan3A_348 = arith.constant 0 : i32
    %scan3A_349 = arith.constant 200 : i32
    %scan3A_350 = arith.addi %scan3A_348, %scan3A_349 : i32
    %scan3A_351 = arith.constant 1 : i32
    %scan3A_352:8 = scf.for %scan3A_962 = %scan3A_348 to %scan3A_350 step %scan3A_351 iter_args(%scan3A_963 = %scan3A_316#0, %scan3A_964 = %scan3A_316#1, %scan3A_965 = %scan3A_316#2, %scan3A_966 = %scan3A_316#3, %scan3A_967 = %scan3A_316#4, %scan3A_968 = %scan3A_316#5, %scan3A_969 = %scan3A_316#6, %scan3A_970 = %scan3A_316#7) -> (vector<16xf32>, vector<16xf32>, vector<16xf32>, vector<16xf32>, vector<16xf32>, vector<16xf32>, vector<16xf32>, vector<16xf32>)  : i32 {
      %get3A = arith.constant 0 : i32
      %get3A_971 = arith.index_cast %get3A : i32 to index
      %get3A_972 = arith.index_cast %scan3A_962 : i32 to index
      %get3A_973 = arith.constant 0 : index
      %get3A_974 = tpu.vector_load %arg4[%get3A_971, %get3A_972, %get3A_973] {strides = array<i32>} : memref<2x200x128xf32, #tpu.memory_space<vmem>>, vector<1x1x16xf32>,
      %get3A_975 = vector.shape_cast %get3A_974 : vector<1x1x16xf32> to vector<16xf32>
      %add3A_976 = arith.addf %scan3A_963, %get3A_975 : vector<16xf32>
      %get3A_977 = arith.constant 0 : i32
      %get3A_978 = arith.index_cast %get3A_977 : i32 to index
      %get3A_979 = arith.index_cast %scan3A_962 : i32 to index
      %get3A_980 = arith.constant 16 : index
      %get3A_981 = tpu.vector_load %arg4[%get3A_978, %get3A_979, %get3A_980] {strides = array<i32>} : memref<2x200x128xf32, #tpu.memory_space<vmem>>, vector<1x1x16xf32>,
      %get3A_982 = vector.shape_cast %get3A_981 : vector<1x1x16xf32> to vector<16xf32>
      %add3A_983 = arith.addf %scan3A_964, %get3A_982 : vector<16xf32>
      %get3A_984 = arith.constant 0 : i32
      %get3A_985 = arith.index_cast %get3A_984 : i32 to index
      %get3A_986 = arith.index_cast %scan3A_962 : i32 to index
      %get3A_987 = arith.constant 32 : index
      %get3A_988 = tpu.vector_load %arg4[%get3A_985, %get3A_986, %get3A_987] {strides = array<i32>} : memref<2x200x128xf32, #tpu.memory_space<vmem>>, vector<1x1x16xf32>,
      %get3A_989 = vector.shape_cast %get3A_988 : vector<1x1x16xf32> to vector<16xf32>
      %add3A_990 = arith.addf %scan3A_965, %get3A_989 : vector<16xf32>
      %get3A_991 = arith.constant 0 : i32
      %get3A_992 = arith.index_cast %get3A_991 : i32 to index
      %get3A_993 = arith.index_cast %scan3A_962 : i32 to index
      %get3A_994 = arith.constant 48 : index
      %get3A_995 = tpu.vector_load %arg4[%get3A_992, %get3A_993, %get3A_994] {strides = array<i32>} : memref<2x200x128xf32, #tpu.memory_space<vmem>>, vector<1x1x16xf32>,
      %get3A_996 = vector.shape_cast %get3A_995 : vector<1x1x16xf32> to vector<16xf32>
      %add3A_997 = arith.addf %scan3A_966, %get3A_996 : vector<16xf32>
      %get3A_998 = arith.constant 0 : i32
      %get3A_999 = arith.index_cast %get3A_998 : i32 to index
      %get3A_1000 = arith.index_cast %scan3A_962 : i32 to index
      %get3A_1001 = arith.constant 64 : index
      %get3A_1002 = tpu.vector_load %arg4[%get3A_999, %get3A_1000, %get3A_1001] {strides = array<i32>} : memref<2x200x128xf32, #tpu.memory_space<vmem>>, vector<1x1x16xf32>,
      %get3A_1003 = vector.shape_cast %get3A_1002 : vector<1x1x16xf32> to vector<16xf32>
      %add3A_1004 = arith.addf %scan3A_967, %get3A_1003 : vector<16xf32>
      %get3A_1005 = arith.constant 0 : i32
      %get3A_1006 = arith.index_cast %get3A_1005 : i32 to index
      %get3A_1007 = arith.index_cast %scan3A_962 : i32 to index
      %get3A_1008 = arith.constant 80 : index
      %get3A_1009 = tpu.vector_load %arg4[%get3A_1006, %get3A_1007, %get3A_1008] {strides = array<i32>} : memref<2x200x128xf32, #tpu.memory_space<vmem>>, vector<1x1x16xf32>,
      %get3A_1010 = vector.shape_cast %get3A_1009 : vector<1x1x16xf32> to vector<16xf32>
      %add3A_1011 = arith.addf %scan3A_968, %get3A_1010 : vector<16xf32>
      %get3A_1012 = arith.constant 0 : i32
      %get3A_1013 = arith.index_cast %get3A_1012 : i32 to index
      %get3A_1014 = arith.index_cast %scan3A_962 : i32 to index
      %get3A_1015 = arith.constant 96 : index
      %get3A_1016 = tpu.vector_load %arg4[%get3A_1013, %get3A_1014, %get3A_1015] {strides = array<i32>} : memref<2x200x128xf32, #tpu.memory_space<vmem>>, vector<1x1x16xf32>,
      %get3A_1017 = vector.shape_cast %get3A_1016 : vector<1x1x16xf32> to vector<16xf32>
      %add3A_1018 = arith.addf %scan3A_969, %get3A_1017 : vector<16xf32>
      %get3A_1019 = arith.constant 0 : i32
      %get3A_1020 = arith.index_cast %get3A_1019 : i32 to index
      %get3A_1021 = arith.index_cast %scan3A_962 : i32 to index
      %get3A_1022 = arith.constant 112 : index
      %get3A_1023 = tpu.vector_load %arg4[%get3A_1020, %get3A_1021, %get3A_1022] {strides = array<i32>} : memref<2x200x128xf32, #tpu.memory_space<vmem>>, vector<1x1x16xf32>,
      %get3A_1024 = vector.shape_cast %get3A_1023 : vector<1x1x16xf32> to vector<16xf32>
      %add3A_1025 = arith.addf %scan3A_970, %get3A_1024 : vector<16xf32>
      scf.yield %add3A_976, %add3A_983, %add3A_990, %add3A_997, %add3A_1004, %add3A_1011, %add3A_1018, %add3A_1025 : vector<16xf32>, vector<16xf32>, vector<16xf32>, vector<16xf32>, vector<16xf32>, vector<16xf32>, vector<16xf32>, vector<16xf32>
    }
    %scan3A_353 = arith.constant 200 : i32
    %add3A_354 = arith.constant 2000 : i32
    %add3A_355 = arith.addi %mul3A_2, %add3A_354 : i32
    %dma_start3A_356 = arith.constant 0 : i32
    %dma_start3A_357 = arith.constant 0 : i32
    %dma_start3A_358 = arith.constant 0 : i32
    %dma_start3A_359 = tpu.memref_slice %arg4[%dma_start3A_356, %dma_start3A_357, %dma_start3A_358] : memref<2x200x128xf32, #tpu.memory_space<vmem>> -> memref<1x200x128xf32, #tpu.memory_space<vmem>>
    %dma_start3A_360 = tpu.memref_squeeze %dma_start3A_359 : memref<1x200x128xf32, #tpu.memory_space<vmem>> -> memref<200x128xf32, #tpu.memory_space<vmem>>
    %dma_start3A_361 = arith.constant 0 : i32
    %dma_start3A_362 = tpu.memref_slice %arg2[%add3A_355, %dma_start3A_361] : memref<320000x128xf32, #tpu.memory_space<hbm>> -> memref<200x128xf32, #tpu.memory_space<hbm>>
    %dma_start3A_363 = arith.constant 0 : i32
    %dma_start3A_364 = arith.constant 0 : i32
    %dma_start3A_365 = tpu.memref_slice %arg4[%dma_start3A_356, %dma_start3A_363, %dma_start3A_364] : memref<2x200x128xf32, #tpu.memory_space<vmem>> -> memref<1x200x128xf32, #tpu.memory_space<vmem>>
    %dma_start3A_366 = tpu.memref_squeeze %dma_start3A_365 : memref<1x200x128xf32, #tpu.memory_space<vmem>> -> memref<200x128xf32, #tpu.memory_space<vmem>>
    %dma_start3A_367 = arith.constant 0 : i32
    %dma_start3A_368 = tpu.memref_slice %arg2[%add3A_355, %dma_start3A_367] : memref<320000x128xf32, #tpu.memory_space<hbm>> -> memref<200x128xf32, #tpu.memory_space<hbm>>
    tpu.enqueue_dma source(%dma_start3A_368 : memref<200x128xf32, #tpu.memory_space<hbm>>) target(%dma_start3A_366 : memref<200x128xf32, #tpu.memory_space<vmem>>) target_semaphore(%arg6 : memref<!tpu.dma_semaphore, #tpu.memory_space<semaphore_mem>>)
    %add3A_369 = arith.constant 1800 : i32
    %add3A_370 = arith.addi %mul3A_2, %add3A_369 : i32
    %dma_wait3A_371 = arith.constant 1 : i32
    %dma_wait3A_372 = arith.constant 0 : i32
    %dma_wait3A_373 = arith.constant 0 : i32
    %dma_wait3A_374 = tpu.memref_slice %arg4[%dma_wait3A_371, %dma_wait3A_372, %dma_wait3A_373] : memref<2x200x128xf32, #tpu.memory_space<vmem>> -> memref<1x200x128xf32, #tpu.memory_space<vmem>>
    %dma_wait3A_375 = tpu.memref_squeeze %dma_wait3A_374 : memref<1x200x128xf32, #tpu.memory_space<vmem>> -> memref<200x128xf32, #tpu.memory_space<vmem>>
    %dma_wait3A_376 = arith.constant 0 : i32
    %dma_wait3A_377 = tpu.memref_slice %arg2[%add3A_370, %dma_wait3A_376] : memref<320000x128xf32, #tpu.memory_space<hbm>> -> memref<200x128xf32, #tpu.memory_space<hbm>>
    %dma_wait3A_378 = arith.constant 0 : i32
    %dma_wait3A_379 = arith.constant 0 : i32
    %dma_wait3A_380 = tpu.memref_slice %arg4[%dma_wait3A_371, %dma_wait3A_378, %dma_wait3A_379] : memref<2x200x128xf32, #tpu.memory_space<vmem>> -> memref<1x200x128xf32, #tpu.memory_space<vmem>>
    %dma_wait3A_381 = tpu.memref_squeeze %dma_wait3A_380 : memref<1x200x128xf32, #tpu.memory_space<vmem>> -> memref<200x128xf32, #tpu.memory_space<vmem>>
    %dma_wait3A_382 = arith.constant 0 : i32
    %dma_wait3A_383 = tpu.memref_slice %arg2[%add3A_370, %dma_wait3A_382] : memref<320000x128xf32, #tpu.memory_space<hbm>> -> memref<200x128xf32, #tpu.memory_space<hbm>>
    tpu.wait_dma2 semaphore(%arg7 : memref<!tpu.dma_semaphore, #tpu.memory_space<semaphore_mem>>) src(%dma_wait3A_383 : memref<200x128xf32, #tpu.memory_space<hbm>>) dst(%dma_wait3A_381 : memref<200x128xf32, #tpu.memory_space<vmem>>)
    %scan3A_384 = arith.constant 0 : i32
    %scan3A_385 = arith.constant 200 : i32
    %scan3A_386 = arith.addi %scan3A_384, %scan3A_385 : i32
    %scan3A_387 = arith.constant 1 : i32
    %scan3A_388:8 = scf.for %scan3A_962 = %scan3A_384 to %scan3A_386 step %scan3A_387 iter_args(%scan3A_963 = %scan3A_352#0, %scan3A_964 = %scan3A_352#1, %scan3A_965 = %scan3A_352#2, %scan3A_966 = %scan3A_352#3, %scan3A_967 = %scan3A_352#4, %scan3A_968 = %scan3A_352#5, %scan3A_969 = %scan3A_352#6, %scan3A_970 = %scan3A_352#7) -> (vector<16xf32>, vector<16xf32>, vector<16xf32>, vector<16xf32>, vector<16xf32>, vector<16xf32>, vector<16xf32>, vector<16xf32>)  : i32 {
      %get3A = arith.constant 1 : i32
      %get3A_971 = arith.index_cast %get3A : i32 to index
      %get3A_972 = arith.index_cast %scan3A_962 : i32 to index
      %get3A_973 = arith.constant 0 : index
      %get3A_974 = tpu.vector_load %arg4[%get3A_971, %get3A_972, %get3A_973] {strides = array<i32>} : memref<2x200x128xf32, #tpu.memory_space<vmem>>, vector<1x1x16xf32>,
      %get3A_975 = vector.shape_cast %get3A_974 : vector<1x1x16xf32> to vector<16xf32>
      %add3A_976 = arith.addf %scan3A_963, %get3A_975 : vector<16xf32>
      %get3A_977 = arith.constant 1 : i32
      %get3A_978 = arith.index_cast %get3A_977 : i32 to index
      %get3A_979 = arith.index_cast %scan3A_962 : i32 to index
      %get3A_980 = arith.constant 16 : index
      %get3A_981 = tpu.vector_load %arg4[%get3A_978, %get3A_979, %get3A_980] {strides = array<i32>} : memref<2x200x128xf32, #tpu.memory_space<vmem>>, vector<1x1x16xf32>,
      %get3A_982 = vector.shape_cast %get3A_981 : vector<1x1x16xf32> to vector<16xf32>
      %add3A_983 = arith.addf %scan3A_964, %get3A_982 : vector<16xf32>
      %get3A_984 = arith.constant 1 : i32
      %get3A_985 = arith.index_cast %get3A_984 : i32 to index
      %get3A_986 = arith.index_cast %scan3A_962 : i32 to index
      %get3A_987 = arith.constant 32 : index
      %get3A_988 = tpu.vector_load %arg4[%get3A_985, %get3A_986, %get3A_987] {strides = array<i32>} : memref<2x200x128xf32, #tpu.memory_space<vmem>>, vector<1x1x16xf32>,
      %get3A_989 = vector.shape_cast %get3A_988 : vector<1x1x16xf32> to vector<16xf32>
      %add3A_990 = arith.addf %scan3A_965, %get3A_989 : vector<16xf32>
      %get3A_991 = arith.constant 1 : i32
      %get3A_992 = arith.index_cast %get3A_991 : i32 to index
      %get3A_993 = arith.index_cast %scan3A_962 : i32 to index
      %get3A_994 = arith.constant 48 : index
      %get3A_995 = tpu.vector_load %arg4[%get3A_992, %get3A_993, %get3A_994] {strides = array<i32>} : memref<2x200x128xf32, #tpu.memory_space<vmem>>, vector<1x1x16xf32>,
      %get3A_996 = vector.shape_cast %get3A_995 : vector<1x1x16xf32> to vector<16xf32>
      %add3A_997 = arith.addf %scan3A_966, %get3A_996 : vector<16xf32>
      %get3A_998 = arith.constant 1 : i32
      %get3A_999 = arith.index_cast %get3A_998 : i32 to index
      %get3A_1000 = arith.index_cast %scan3A_962 : i32 to index
      %get3A_1001 = arith.constant 64 : index
      %get3A_1002 = tpu.vector_load %arg4[%get3A_999, %get3A_1000, %get3A_1001] {strides = array<i32>} : memref<2x200x128xf32, #tpu.memory_space<vmem>>, vector<1x1x16xf32>,
      %get3A_1003 = vector.shape_cast %get3A_1002 : vector<1x1x16xf32> to vector<16xf32>
      %add3A_1004 = arith.addf %scan3A_967, %get3A_1003 : vector<16xf32>
      %get3A_1005 = arith.constant 1 : i32
      %get3A_1006 = arith.index_cast %get3A_1005 : i32 to index
      %get3A_1007 = arith.index_cast %scan3A_962 : i32 to index
      %get3A_1008 = arith.constant 80 : index
      %get3A_1009 = tpu.vector_load %arg4[%get3A_1006, %get3A_1007, %get3A_1008] {strides = array<i32>} : memref<2x200x128xf32, #tpu.memory_space<vmem>>, vector<1x1x16xf32>,
      %get3A_1010 = vector.shape_cast %get3A_1009 : vector<1x1x16xf32> to vector<16xf32>
      %add3A_1011 = arith.addf %scan3A_968, %get3A_1010 : vector<16xf32>
      %get3A_1012 = arith.constant 1 : i32
      %get3A_1013 = arith.index_cast %get3A_1012 : i32 to index
      %get3A_1014 = arith.index_cast %scan3A_962 : i32 to index
      %get3A_1015 = arith.constant 96 : index
      %get3A_1016 = tpu.vector_load %arg4[%get3A_1013, %get3A_1014, %get3A_1015] {strides = array<i32>} : memref<2x200x128xf32, #tpu.memory_space<vmem>>, vector<1x1x16xf32>,
      %get3A_1017 = vector.shape_cast %get3A_1016 : vector<1x1x16xf32> to vector<16xf32>
      %add3A_1018 = arith.addf %scan3A_969, %get3A_1017 : vector<16xf32>
      %get3A_1019 = arith.constant 1 : i32
      %get3A_1020 = arith.index_cast %get3A_1019 : i32 to index
      %get3A_1021 = arith.index_cast %scan3A_962 : i32 to index
      %get3A_1022 = arith.constant 112 : index
      %get3A_1023 = tpu.vector_load %arg4[%get3A_1020, %get3A_1021, %get3A_1022] {strides = array<i32>} : memref<2x200x128xf32, #tpu.memory_space<vmem>>, vector<1x1x16xf32>,
      %get3A_1024 = vector.shape_cast %get3A_1023 : vector<1x1x16xf32> to vector<16xf32>
      %add3A_1025 = arith.addf %scan3A_970, %get3A_1024 : vector<16xf32>
      scf.yield %add3A_976, %add3A_983, %add3A_990, %add3A_997, %add3A_1004, %add3A_1011, %add3A_1018, %add3A_1025 : vector<16xf32>, vector<16xf32>, vector<16xf32>, vector<16xf32>, vector<16xf32>, vector<16xf32>, vector<16xf32>, vector<16xf32>
    }
    %scan3A_389 = arith.constant 200 : i32
    %add3A_390 = arith.constant 2200 : i32
    %add3A_391 = arith.addi %mul3A_2, %add3A_390 : i32
    %dma_start3A_392 = arith.constant 1 : i32
    %dma_start3A_393 = arith.constant 0 : i32
    %dma_start3A_394 = arith.constant 0 : i32
    %dma_start3A_395 = tpu.memref_slice %arg4[%dma_start3A_392, %dma_start3A_393, %dma_start3A_394] : memref<2x200x128xf32, #tpu.memory_space<vmem>> -> memref<1x200x128xf32, #tpu.memory_space<vmem>>
    %dma_start3A_396 = tpu.memref_squeeze %dma_start3A_395 : memref<1x200x128xf32, #tpu.memory_space<vmem>> -> memref<200x128xf32, #tpu.memory_space<vmem>>
    %dma_start3A_397 = arith.constant 0 : i32
    %dma_start3A_398 = tpu.memref_slice %arg2[%add3A_391, %dma_start3A_397] : memref<320000x128xf32, #tpu.memory_space<hbm>> -> memref<200x128xf32, #tpu.memory_space<hbm>>
    %dma_start3A_399 = arith.constant 0 : i32
    %dma_start3A_400 = arith.constant 0 : i32
    %dma_start3A_401 = tpu.memref_slice %arg4[%dma_start3A_392, %dma_start3A_399, %dma_start3A_400] : memref<2x200x128xf32, #tpu.memory_space<vmem>> -> memref<1x200x128xf32, #tpu.memory_space<vmem>>
    %dma_start3A_402 = tpu.memref_squeeze %dma_start3A_401 : memref<1x200x128xf32, #tpu.memory_space<vmem>> -> memref<200x128xf32, #tpu.memory_space<vmem>>
    %dma_start3A_403 = arith.constant 0 : i32
    %dma_start3A_404 = tpu.memref_slice %arg2[%add3A_391, %dma_start3A_403] : memref<320000x128xf32, #tpu.memory_space<hbm>> -> memref<200x128xf32, #tpu.memory_space<hbm>>
    tpu.enqueue_dma source(%dma_start3A_404 : memref<200x128xf32, #tpu.memory_space<hbm>>) target(%dma_start3A_402 : memref<200x128xf32, #tpu.memory_space<vmem>>) target_semaphore(%arg7 : memref<!tpu.dma_semaphore, #tpu.memory_space<semaphore_mem>>)
    %add3A_405 = arith.constant 2000 : i32
    %add3A_406 = arith.addi %mul3A_2, %add3A_405 : i32
    %dma_wait3A_407 = arith.constant 0 : i32
    %dma_wait3A_408 = arith.constant 0 : i32
    %dma_wait3A_409 = arith.constant 0 : i32
    %dma_wait3A_410 = tpu.memref_slice %arg4[%dma_wait3A_407, %dma_wait3A_408, %dma_wait3A_409] : memref<2x200x128xf32, #tpu.memory_space<vmem>> -> memref<1x200x128xf32, #tpu.memory_space<vmem>>
    %dma_wait3A_411 = tpu.memref_squeeze %dma_wait3A_410 : memref<1x200x128xf32, #tpu.memory_space<vmem>> -> memref<200x128xf32, #tpu.memory_space<vmem>>
    %dma_wait3A_412 = arith.constant 0 : i32
    %dma_wait3A_413 = tpu.memref_slice %arg2[%add3A_406, %dma_wait3A_412] : memref<320000x128xf32, #tpu.memory_space<hbm>> -> memref<200x128xf32, #tpu.memory_space<hbm>>
    %dma_wait3A_414 = arith.constant 0 : i32
    %dma_wait3A_415 = arith.constant 0 : i32
    %dma_wait3A_416 = tpu.memref_slice %arg4[%dma_wait3A_407, %dma_wait3A_414, %dma_wait3A_415] : memref<2x200x128xf32, #tpu.memory_space<vmem>> -> memref<1x200x128xf32, #tpu.memory_space<vmem>>
    %dma_wait3A_417 = tpu.memref_squeeze %dma_wait3A_416 : memref<1x200x128xf32, #tpu.memory_space<vmem>> -> memref<200x128xf32, #tpu.memory_space<vmem>>
    %dma_wait3A_418 = arith.constant 0 : i32
    %dma_wait3A_419 = tpu.memref_slice %arg2[%add3A_406, %dma_wait3A_418] : memref<320000x128xf32, #tpu.memory_space<hbm>> -> memref<200x128xf32, #tpu.memory_space<hbm>>
    tpu.wait_dma2 semaphore(%arg6 : memref<!tpu.dma_semaphore, #tpu.memory_space<semaphore_mem>>) src(%dma_wait3A_419 : memref<200x128xf32, #tpu.memory_space<hbm>>) dst(%dma_wait3A_417 : memref<200x128xf32, #tpu.memory_space<vmem>>)
    %scan3A_420 = arith.constant 0 : i32
    %scan3A_421 = arith.constant 200 : i32
    %scan3A_422 = arith.addi %scan3A_420, %scan3A_421 : i32
    %scan3A_423 = arith.constant 1 : i32
    %scan3A_424:8 = scf.for %scan3A_962 = %scan3A_420 to %scan3A_422 step %scan3A_423 iter_args(%scan3A_963 = %scan3A_388#0, %scan3A_964 = %scan3A_388#1, %scan3A_965 = %scan3A_388#2, %scan3A_966 = %scan3A_388#3, %scan3A_967 = %scan3A_388#4, %scan3A_968 = %scan3A_388#5, %scan3A_969 = %scan3A_388#6, %scan3A_970 = %scan3A_388#7) -> (vector<16xf32>, vector<16xf32>, vector<16xf32>, vector<16xf32>, vector<16xf32>, vector<16xf32>, vector<16xf32>, vector<16xf32>)  : i32 {
      %get3A = arith.constant 0 : i32
      %get3A_971 = arith.index_cast %get3A : i32 to index
      %get3A_972 = arith.index_cast %scan3A_962 : i32 to index
      %get3A_973 = arith.constant 0 : index
      %get3A_974 = tpu.vector_load %arg4[%get3A_971, %get3A_972, %get3A_973] {strides = array<i32>} : memref<2x200x128xf32, #tpu.memory_space<vmem>>, vector<1x1x16xf32>,
      %get3A_975 = vector.shape_cast %get3A_974 : vector<1x1x16xf32> to vector<16xf32>
      %add3A_976 = arith.addf %scan3A_963, %get3A_975 : vector<16xf32>
      %get3A_977 = arith.constant 0 : i32
      %get3A_978 = arith.index_cast %get3A_977 : i32 to index
      %get3A_979 = arith.index_cast %scan3A_962 : i32 to index
      %get3A_980 = arith.constant 16 : index
      %get3A_981 = tpu.vector_load %arg4[%get3A_978, %get3A_979, %get3A_980] {strides = array<i32>} : memref<2x200x128xf32, #tpu.memory_space<vmem>>, vector<1x1x16xf32>,
      %get3A_982 = vector.shape_cast %get3A_981 : vector<1x1x16xf32> to vector<16xf32>
      %add3A_983 = arith.addf %scan3A_964, %get3A_982 : vector<16xf32>
      %get3A_984 = arith.constant 0 : i32
      %get3A_985 = arith.index_cast %get3A_984 : i32 to index
      %get3A_986 = arith.index_cast %scan3A_962 : i32 to index
      %get3A_987 = arith.constant 32 : index
      %get3A_988 = tpu.vector_load %arg4[%get3A_985, %get3A_986, %get3A_987] {strides = array<i32>} : memref<2x200x128xf32, #tpu.memory_space<vmem>>, vector<1x1x16xf32>,
      %get3A_989 = vector.shape_cast %get3A_988 : vector<1x1x16xf32> to vector<16xf32>
      %add3A_990 = arith.addf %scan3A_965, %get3A_989 : vector<16xf32>
      %get3A_991 = arith.constant 0 : i32
      %get3A_992 = arith.index_cast %get3A_991 : i32 to index
      %get3A_993 = arith.index_cast %scan3A_962 : i32 to index
      %get3A_994 = arith.constant 48 : index
      %get3A_995 = tpu.vector_load %arg4[%get3A_992, %get3A_993, %get3A_994] {strides = array<i32>} : memref<2x200x128xf32, #tpu.memory_space<vmem>>, vector<1x1x16xf32>,
      %get3A_996 = vector.shape_cast %get3A_995 : vector<1x1x16xf32> to vector<16xf32>
      %add3A_997 = arith.addf %scan3A_966, %get3A_996 : vector<16xf32>
      %get3A_998 = arith.constant 0 : i32
      %get3A_999 = arith.index_cast %get3A_998 : i32 to index
      %get3A_1000 = arith.index_cast %scan3A_962 : i32 to index
      %get3A_1001 = arith.constant 64 : index
      %get3A_1002 = tpu.vector_load %arg4[%get3A_999, %get3A_1000, %get3A_1001] {strides = array<i32>} : memref<2x200x128xf32, #tpu.memory_space<vmem>>, vector<1x1x16xf32>,
      %get3A_1003 = vector.shape_cast %get3A_1002 : vector<1x1x16xf32> to vector<16xf32>
      %add3A_1004 = arith.addf %scan3A_967, %get3A_1003 : vector<16xf32>
      %get3A_1005 = arith.constant 0 : i32
      %get3A_1006 = arith.index_cast %get3A_1005 : i32 to index
      %get3A_1007 = arith.index_cast %scan3A_962 : i32 to index
      %get3A_1008 = arith.constant 80 : index
      %get3A_1009 = tpu.vector_load %arg4[%get3A_1006, %get3A_1007, %get3A_1008] {strides = array<i32>} : memref<2x200x128xf32, #tpu.memory_space<vmem>>, vector<1x1x16xf32>,
      %get3A_1010 = vector.shape_cast %get3A_1009 : vector<1x1x16xf32> to vector<16xf32>
      %add3A_1011 = arith.addf %scan3A_968, %get3A_1010 : vector<16xf32>
      %get3A_1012 = arith.constant 0 : i32
      %get3A_1013 = arith.index_cast %get3A_1012 : i32 to index
      %get3A_1014 = arith.index_cast %scan3A_962 : i32 to index
      %get3A_1015 = arith.constant 96 : index
      %get3A_1016 = tpu.vector_load %arg4[%get3A_1013, %get3A_1014, %get3A_1015] {strides = array<i32>} : memref<2x200x128xf32, #tpu.memory_space<vmem>>, vector<1x1x16xf32>,
      %get3A_1017 = vector.shape_cast %get3A_1016 : vector<1x1x16xf32> to vector<16xf32>
      %add3A_1018 = arith.addf %scan3A_969, %get3A_1017 : vector<16xf32>
      %get3A_1019 = arith.constant 0 : i32
      %get3A_1020 = arith.index_cast %get3A_1019 : i32 to index
      %get3A_1021 = arith.index_cast %scan3A_962 : i32 to index
      %get3A_1022 = arith.constant 112 : index
      %get3A_1023 = tpu.vector_load %arg4[%get3A_1020, %get3A_1021, %get3A_1022] {strides = array<i32>} : memref<2x200x128xf32, #tpu.memory_space<vmem>>, vector<1x1x16xf32>,
      %get3A_1024 = vector.shape_cast %get3A_1023 : vector<1x1x16xf32> to vector<16xf32>
      %add3A_1025 = arith.addf %scan3A_970, %get3A_1024 : vector<16xf32>
      scf.yield %add3A_976, %add3A_983, %add3A_990, %add3A_997, %add3A_1004, %add3A_1011, %add3A_1018, %add3A_1025 : vector<16xf32>, vector<16xf32>, vector<16xf32>, vector<16xf32>, vector<16xf32>, vector<16xf32>, vector<16xf32>, vector<16xf32>
    }
    %scan3A_425 = arith.constant 200 : i32
    %add3A_426 = arith.constant 2400 : i32
    %add3A_427 = arith.addi %mul3A_2, %add3A_426 : i32
    %dma_start3A_428 = arith.constant 0 : i32
    %dma_start3A_429 = arith.constant 0 : i32
    %dma_start3A_430 = arith.constant 0 : i32
    %dma_start3A_431 = tpu.memref_slice %arg4[%dma_start3A_428, %dma_start3A_429, %dma_start3A_430] : memref<2x200x128xf32, #tpu.memory_space<vmem>> -> memref<1x200x128xf32, #tpu.memory_space<vmem>>
    %dma_start3A_432 = tpu.memref_squeeze %dma_start3A_431 : memref<1x200x128xf32, #tpu.memory_space<vmem>> -> memref<200x128xf32, #tpu.memory_space<vmem>>
    %dma_start3A_433 = arith.constant 0 : i32
    %dma_start3A_434 = tpu.memref_slice %arg2[%add3A_427, %dma_start3A_433] : memref<320000x128xf32, #tpu.memory_space<hbm>> -> memref<200x128xf32, #tpu.memory_space<hbm>>
    %dma_start3A_435 = arith.constant 0 : i32
    %dma_start3A_436 = arith.constant 0 : i32
    %dma_start3A_437 = tpu.memref_slice %arg4[%dma_start3A_428, %dma_start3A_435, %dma_start3A_436] : memref<2x200x128xf32, #tpu.memory_space<vmem>> -> memref<1x200x128xf32, #tpu.memory_space<vmem>>
    %dma_start3A_438 = tpu.memref_squeeze %dma_start3A_437 : memref<1x200x128xf32, #tpu.memory_space<vmem>> -> memref<200x128xf32, #tpu.memory_space<vmem>>
    %dma_start3A_439 = arith.constant 0 : i32
    %dma_start3A_440 = tpu.memref_slice %arg2[%add3A_427, %dma_start3A_439] : memref<320000x128xf32, #tpu.memory_space<hbm>> -> memref<200x128xf32, #tpu.memory_space<hbm>>
    tpu.enqueue_dma source(%dma_start3A_440 : memref<200x128xf32, #tpu.memory_space<hbm>>) target(%dma_start3A_438 : memref<200x128xf32, #tpu.memory_space<vmem>>) target_semaphore(%arg6 : memref<!tpu.dma_semaphore, #tpu.memory_space<semaphore_mem>>)
    %add3A_441 = arith.constant 2200 : i32
    %add3A_442 = arith.addi %mul3A_2, %add3A_441 : i32
    %dma_wait3A_443 = arith.constant 1 : i32
    %dma_wait3A_444 = arith.constant 0 : i32
    %dma_wait3A_445 = arith.constant 0 : i32
    %dma_wait3A_446 = tpu.memref_slice %arg4[%dma_wait3A_443, %dma_wait3A_444, %dma_wait3A_445] : memref<2x200x128xf32, #tpu.memory_space<vmem>> -> memref<1x200x128xf32, #tpu.memory_space<vmem>>
    %dma_wait3A_447 = tpu.memref_squeeze %dma_wait3A_446 : memref<1x200x128xf32, #tpu.memory_space<vmem>> -> memref<200x128xf32, #tpu.memory_space<vmem>>
    %dma_wait3A_448 = arith.constant 0 : i32
    %dma_wait3A_449 = tpu.memref_slice %arg2[%add3A_442, %dma_wait3A_448] : memref<320000x128xf32, #tpu.memory_space<hbm>> -> memref<200x128xf32, #tpu.memory_space<hbm>>
    %dma_wait3A_450 = arith.constant 0 : i32
    %dma_wait3A_451 = arith.constant 0 : i32
    %dma_wait3A_452 = tpu.memref_slice %arg4[%dma_wait3A_443, %dma_wait3A_450, %dma_wait3A_451] : memref<2x200x128xf32, #tpu.memory_space<vmem>> -> memref<1x200x128xf32, #tpu.memory_space<vmem>>
    %dma_wait3A_453 = tpu.memref_squeeze %dma_wait3A_452 : memref<1x200x128xf32, #tpu.memory_space<vmem>> -> memref<200x128xf32, #tpu.memory_space<vmem>>
    %dma_wait3A_454 = arith.constant 0 : i32
    %dma_wait3A_455 = tpu.memref_slice %arg2[%add3A_442, %dma_wait3A_454] : memref<320000x128xf32, #tpu.memory_space<hbm>> -> memref<200x128xf32, #tpu.memory_space<hbm>>
    tpu.wait_dma2 semaphore(%arg7 : memref<!tpu.dma_semaphore, #tpu.memory_space<semaphore_mem>>) src(%dma_wait3A_455 : memref<200x128xf32, #tpu.memory_space<hbm>>) dst(%dma_wait3A_453 : memref<200x128xf32, #tpu.memory_space<vmem>>)
    %scan3A_456 = arith.constant 0 : i32
    %scan3A_457 = arith.constant 200 : i32
    %scan3A_458 = arith.addi %scan3A_456, %scan3A_457 : i32
    %scan3A_459 = arith.constant 1 : i32
    %scan3A_460:8 = scf.for %scan3A_962 = %scan3A_456 to %scan3A_458 step %scan3A_459 iter_args(%scan3A_963 = %scan3A_424#0, %scan3A_964 = %scan3A_424#1, %scan3A_965 = %scan3A_424#2, %scan3A_966 = %scan3A_424#3, %scan3A_967 = %scan3A_424#4, %scan3A_968 = %scan3A_424#5, %scan3A_969 = %scan3A_424#6, %scan3A_970 = %scan3A_424#7) -> (vector<16xf32>, vector<16xf32>, vector<16xf32>, vector<16xf32>, vector<16xf32>, vector<16xf32>, vector<16xf32>, vector<16xf32>)  : i32 {
      %get3A = arith.constant 1 : i32
      %get3A_971 = arith.index_cast %get3A : i32 to index
      %get3A_972 = arith.index_cast %scan3A_962 : i32 to index
      %get3A_973 = arith.constant 0 : index
      %get3A_974 = tpu.vector_load %arg4[%get3A_971, %get3A_972, %get3A_973] {strides = array<i32>} : memref<2x200x128xf32, #tpu.memory_space<vmem>>, vector<1x1x16xf32>,
      %get3A_975 = vector.shape_cast %get3A_974 : vector<1x1x16xf32> to vector<16xf32>
      %add3A_976 = arith.addf %scan3A_963, %get3A_975 : vector<16xf32>
      %get3A_977 = arith.constant 1 : i32
      %get3A_978 = arith.index_cast %get3A_977 : i32 to index
      %get3A_979 = arith.index_cast %scan3A_962 : i32 to index
      %get3A_980 = arith.constant 16 : index
      %get3A_981 = tpu.vector_load %arg4[%get3A_978, %get3A_979, %get3A_980] {strides = array<i32>} : memref<2x200x128xf32, #tpu.memory_space<vmem>>, vector<1x1x16xf32>,
      %get3A_982 = vector.shape_cast %get3A_981 : vector<1x1x16xf32> to vector<16xf32>
      %add3A_983 = arith.addf %scan3A_964, %get3A_982 : vector<16xf32>
      %get3A_984 = arith.constant 1 : i32
      %get3A_985 = arith.index_cast %get3A_984 : i32 to index
      %get3A_986 = arith.index_cast %scan3A_962 : i32 to index
      %get3A_987 = arith.constant 32 : index
      %get3A_988 = tpu.vector_load %arg4[%get3A_985, %get3A_986, %get3A_987] {strides = array<i32>} : memref<2x200x128xf32, #tpu.memory_space<vmem>>, vector<1x1x16xf32>,
      %get3A_989 = vector.shape_cast %get3A_988 : vector<1x1x16xf32> to vector<16xf32>
      %add3A_990 = arith.addf %scan3A_965, %get3A_989 : vector<16xf32>
      %get3A_991 = arith.constant 1 : i32
      %get3A_992 = arith.index_cast %get3A_991 : i32 to index
      %get3A_993 = arith.index_cast %scan3A_962 : i32 to index
      %get3A_994 = arith.constant 48 : index
      %get3A_995 = tpu.vector_load %arg4[%get3A_992, %get3A_993, %get3A_994] {strides = array<i32>} : memref<2x200x128xf32, #tpu.memory_space<vmem>>, vector<1x1x16xf32>,
      %get3A_996 = vector.shape_cast %get3A_995 : vector<1x1x16xf32> to vector<16xf32>
      %add3A_997 = arith.addf %scan3A_966, %get3A_996 : vector<16xf32>
      %get3A_998 = arith.constant 1 : i32
      %get3A_999 = arith.index_cast %get3A_998 : i32 to index
      %get3A_1000 = arith.index_cast %scan3A_962 : i32 to index
      %get3A_1001 = arith.constant 64 : index
      %get3A_1002 = tpu.vector_load %arg4[%get3A_999, %get3A_1000, %get3A_1001] {strides = array<i32>} : memref<2x200x128xf32, #tpu.memory_space<vmem>>, vector<1x1x16xf32>,
      %get3A_1003 = vector.shape_cast %get3A_1002 : vector<1x1x16xf32> to vector<16xf32>
      %add3A_1004 = arith.addf %scan3A_967, %get3A_1003 : vector<16xf32>
      %get3A_1005 = arith.constant 1 : i32
      %get3A_1006 = arith.index_cast %get3A_1005 : i32 to index
      %get3A_1007 = arith.index_cast %scan3A_962 : i32 to index
      %get3A_1008 = arith.constant 80 : index
      %get3A_1009 = tpu.vector_load %arg4[%get3A_1006, %get3A_1007, %get3A_1008] {strides = array<i32>} : memref<2x200x128xf32, #tpu.memory_space<vmem>>, vector<1x1x16xf32>,
      %get3A_1010 = vector.shape_cast %get3A_1009 : vector<1x1x16xf32> to vector<16xf32>
      %add3A_1011 = arith.addf %scan3A_968, %get3A_1010 : vector<16xf32>
      %get3A_1012 = arith.constant 1 : i32
      %get3A_1013 = arith.index_cast %get3A_1012 : i32 to index
      %get3A_1014 = arith.index_cast %scan3A_962 : i32 to index
      %get3A_1015 = arith.constant 96 : index
      %get3A_1016 = tpu.vector_load %arg4[%get3A_1013, %get3A_1014, %get3A_1015] {strides = array<i32>} : memref<2x200x128xf32, #tpu.memory_space<vmem>>, vector<1x1x16xf32>,
      %get3A_1017 = vector.shape_cast %get3A_1016 : vector<1x1x16xf32> to vector<16xf32>
      %add3A_1018 = arith.addf %scan3A_969, %get3A_1017 : vector<16xf32>
      %get3A_1019 = arith.constant 1 : i32
      %get3A_1020 = arith.index_cast %get3A_1019 : i32 to index
      %get3A_1021 = arith.index_cast %scan3A_962 : i32 to index
      %get3A_1022 = arith.constant 112 : index
      %get3A_1023 = tpu.vector_load %arg4[%get3A_1020, %get3A_1021, %get3A_1022] {strides = array<i32>} : memref<2x200x128xf32, #tpu.memory_space<vmem>>, vector<1x1x16xf32>,
      %get3A_1024 = vector.shape_cast %get3A_1023 : vector<1x1x16xf32> to vector<16xf32>
      %add3A_1025 = arith.addf %scan3A_970, %get3A_1024 : vector<16xf32>
      scf.yield %add3A_976, %add3A_983, %add3A_990, %add3A_997, %add3A_1004, %add3A_1011, %add3A_1018, %add3A_1025 : vector<16xf32>, vector<16xf32>, vector<16xf32>, vector<16xf32>, vector<16xf32>, vector<16xf32>, vector<16xf32>, vector<16xf32>
    }
    %scan3A_461 = arith.constant 200 : i32
    %add3A_462 = arith.constant 2600 : i32
    %add3A_463 = arith.addi %mul3A_2, %add3A_462 : i32
    %dma_start3A_464 = arith.constant 1 : i32
    %dma_start3A_465 = arith.constant 0 : i32
    %dma_start3A_466 = arith.constant 0 : i32
    %dma_start3A_467 = tpu.memref_slice %arg4[%dma_start3A_464, %dma_start3A_465, %dma_start3A_466] : memref<2x200x128xf32, #tpu.memory_space<vmem>> -> memref<1x200x128xf32, #tpu.memory_space<vmem>>
    %dma_start3A_468 = tpu.memref_squeeze %dma_start3A_467 : memref<1x200x128xf32, #tpu.memory_space<vmem>> -> memref<200x128xf32, #tpu.memory_space<vmem>>
    %dma_start3A_469 = arith.constant 0 : i32
    %dma_start3A_470 = tpu.memref_slice %arg2[%add3A_463, %dma_start3A_469] : memref<320000x128xf32, #tpu.memory_space<hbm>> -> memref<200x128xf32, #tpu.memory_space<hbm>>
    %dma_start3A_471 = arith.constant 0 : i32
    %dma_start3A_472 = arith.constant 0 : i32
    %dma_start3A_473 = tpu.memref_slice %arg4[%dma_start3A_464, %dma_start3A_471, %dma_start3A_472] : memref<2x200x128xf32, #tpu.memory_space<vmem>> -> memref<1x200x128xf32, #tpu.memory_space<vmem>>
    %dma_start3A_474 = tpu.memref_squeeze %dma_start3A_473 : memref<1x200x128xf32, #tpu.memory_space<vmem>> -> memref<200x128xf32, #tpu.memory_space<vmem>>
    %dma_start3A_475 = arith.constant 0 : i32
    %dma_start3A_476 = tpu.memref_slice %arg2[%add3A_463, %dma_start3A_475] : memref<320000x128xf32, #tpu.memory_space<hbm>> -> memref<200x128xf32, #tpu.memory_space<hbm>>
    tpu.enqueue_dma source(%dma_start3A_476 : memref<200x128xf32, #tpu.memory_space<hbm>>) target(%dma_start3A_474 : memref<200x128xf32, #tpu.memory_space<vmem>>) target_semaphore(%arg7 : memref<!tpu.dma_semaphore, #tpu.memory_space<semaphore_mem>>)
    %add3A_477 = arith.constant 2400 : i32
    %add3A_478 = arith.addi %mul3A_2, %add3A_477 : i32
    %dma_wait3A_479 = arith.constant 0 : i32
    %dma_wait3A_480 = arith.constant 0 : i32
    %dma_wait3A_481 = arith.constant 0 : i32
    %dma_wait3A_482 = tpu.memref_slice %arg4[%dma_wait3A_479, %dma_wait3A_480, %dma_wait3A_481] : memref<2x200x128xf32, #tpu.memory_space<vmem>> -> memref<1x200x128xf32, #tpu.memory_space<vmem>>
    %dma_wait3A_483 = tpu.memref_squeeze %dma_wait3A_482 : memref<1x200x128xf32, #tpu.memory_space<vmem>> -> memref<200x128xf32, #tpu.memory_space<vmem>>
    %dma_wait3A_484 = arith.constant 0 : i32
    %dma_wait3A_485 = tpu.memref_slice %arg2[%add3A_478, %dma_wait3A_484] : memref<320000x128xf32, #tpu.memory_space<hbm>> -> memref<200x128xf32, #tpu.memory_space<hbm>>
    %dma_wait3A_486 = arith.constant 0 : i32
    %dma_wait3A_487 = arith.constant 0 : i32
    %dma_wait3A_488 = tpu.memref_slice %arg4[%dma_wait3A_479, %dma_wait3A_486, %dma_wait3A_487] : memref<2x200x128xf32, #tpu.memory_space<vmem>> -> memref<1x200x128xf32, #tpu.memory_space<vmem>>
    %dma_wait3A_489 = tpu.memref_squeeze %dma_wait3A_488 : memref<1x200x128xf32, #tpu.memory_space<vmem>> -> memref<200x128xf32, #tpu.memory_space<vmem>>
    %dma_wait3A_490 = arith.constant 0 : i32
    %dma_wait3A_491 = tpu.memref_slice %arg2[%add3A_478, %dma_wait3A_490] : memref<320000x128xf32, #tpu.memory_space<hbm>> -> memref<200x128xf32, #tpu.memory_space<hbm>>
    tpu.wait_dma2 semaphore(%arg6 : memref<!tpu.dma_semaphore, #tpu.memory_space<semaphore_mem>>) src(%dma_wait3A_491 : memref<200x128xf32, #tpu.memory_space<hbm>>) dst(%dma_wait3A_489 : memref<200x128xf32, #tpu.memory_space<vmem>>)
    %scan3A_492 = arith.constant 0 : i32
    %scan3A_493 = arith.constant 200 : i32
    %scan3A_494 = arith.addi %scan3A_492, %scan3A_493 : i32
    %scan3A_495 = arith.constant 1 : i32
    %scan3A_496:8 = scf.for %scan3A_962 = %scan3A_492 to %scan3A_494 step %scan3A_495 iter_args(%scan3A_963 = %scan3A_460#0, %scan3A_964 = %scan3A_460#1, %scan3A_965 = %scan3A_460#2, %scan3A_966 = %scan3A_460#3, %scan3A_967 = %scan3A_460#4, %scan3A_968 = %scan3A_460#5, %scan3A_969 = %scan3A_460#6, %scan3A_970 = %scan3A_460#7) -> (vector<16xf32>, vector<16xf32>, vector<16xf32>, vector<16xf32>, vector<16xf32>, vector<16xf32>, vector<16xf32>, vector<16xf32>)  : i32 {
      %get3A = arith.constant 0 : i32
      %get3A_971 = arith.index_cast %get3A : i32 to index
      %get3A_972 = arith.index_cast %scan3A_962 : i32 to index
      %get3A_973 = arith.constant 0 : index
      %get3A_974 = tpu.vector_load %arg4[%get3A_971, %get3A_972, %get3A_973] {strides = array<i32>} : memref<2x200x128xf32, #tpu.memory_space<vmem>>, vector<1x1x16xf32>,
      %get3A_975 = vector.shape_cast %get3A_974 : vector<1x1x16xf32> to vector<16xf32>
      %add3A_976 = arith.addf %scan3A_963, %get3A_975 : vector<16xf32>
      %get3A_977 = arith.constant 0 : i32
      %get3A_978 = arith.index_cast %get3A_977 : i32 to index
      %get3A_979 = arith.index_cast %scan3A_962 : i32 to index
      %get3A_980 = arith.constant 16 : index
      %get3A_981 = tpu.vector_load %arg4[%get3A_978, %get3A_979, %get3A_980] {strides = array<i32>} : memref<2x200x128xf32, #tpu.memory_space<vmem>>, vector<1x1x16xf32>,
      %get3A_982 = vector.shape_cast %get3A_981 : vector<1x1x16xf32> to vector<16xf32>
      %add3A_983 = arith.addf %scan3A_964, %get3A_982 : vector<16xf32>
      %get3A_984 = arith.constant 0 : i32
      %get3A_985 = arith.index_cast %get3A_984 : i32 to index
      %get3A_986 = arith.index_cast %scan3A_962 : i32 to index
      %get3A_987 = arith.constant 32 : index
      %get3A_988 = tpu.vector_load %arg4[%get3A_985, %get3A_986, %get3A_987] {strides = array<i32>} : memref<2x200x128xf32, #tpu.memory_space<vmem>>, vector<1x1x16xf32>,
      %get3A_989 = vector.shape_cast %get3A_988 : vector<1x1x16xf32> to vector<16xf32>
      %add3A_990 = arith.addf %scan3A_965, %get3A_989 : vector<16xf32>
      %get3A_991 = arith.constant 0 : i32
      %get3A_992 = arith.index_cast %get3A_991 : i32 to index
      %get3A_993 = arith.index_cast %scan3A_962 : i32 to index
      %get3A_994 = arith.constant 48 : index
      %get3A_995 = tpu.vector_load %arg4[%get3A_992, %get3A_993, %get3A_994] {strides = array<i32>} : memref<2x200x128xf32, #tpu.memory_space<vmem>>, vector<1x1x16xf32>,
      %get3A_996 = vector.shape_cast %get3A_995 : vector<1x1x16xf32> to vector<16xf32>
      %add3A_997 = arith.addf %scan3A_966, %get3A_996 : vector<16xf32>
      %get3A_998 = arith.constant 0 : i32
      %get3A_999 = arith.index_cast %get3A_998 : i32 to index
      %get3A_1000 = arith.index_cast %scan3A_962 : i32 to index
      %get3A_1001 = arith.constant 64 : index
      %get3A_1002 = tpu.vector_load %arg4[%get3A_999, %get3A_1000, %get3A_1001] {strides = array<i32>} : memref<2x200x128xf32, #tpu.memory_space<vmem>>, vector<1x1x16xf32>,
      %get3A_1003 = vector.shape_cast %get3A_1002 : vector<1x1x16xf32> to vector<16xf32>
      %add3A_1004 = arith.addf %scan3A_967, %get3A_1003 : vector<16xf32>
      %get3A_1005 = arith.constant 0 : i32
      %get3A_1006 = arith.index_cast %get3A_1005 : i32 to index
      %get3A_1007 = arith.index_cast %scan3A_962 : i32 to index
      %get3A_1008 = arith.constant 80 : index
      %get3A_1009 = tpu.vector_load %arg4[%get3A_1006, %get3A_1007, %get3A_1008] {strides = array<i32>} : memref<2x200x128xf32, #tpu.memory_space<vmem>>, vector<1x1x16xf32>,
      %get3A_1010 = vector.shape_cast %get3A_1009 : vector<1x1x16xf32> to vector<16xf32>
      %add3A_1011 = arith.addf %scan3A_968, %get3A_1010 : vector<16xf32>
      %get3A_1012 = arith.constant 0 : i32
      %get3A_1013 = arith.index_cast %get3A_1012 : i32 to index
      %get3A_1014 = arith.index_cast %scan3A_962 : i32 to index
      %get3A_1015 = arith.constant 96 : index
      %get3A_1016 = tpu.vector_load %arg4[%get3A_1013, %get3A_1014, %get3A_1015] {strides = array<i32>} : memref<2x200x128xf32, #tpu.memory_space<vmem>>, vector<1x1x16xf32>,
      %get3A_1017 = vector.shape_cast %get3A_1016 : vector<1x1x16xf32> to vector<16xf32>
      %add3A_1018 = arith.addf %scan3A_969, %get3A_1017 : vector<16xf32>
      %get3A_1019 = arith.constant 0 : i32
      %get3A_1020 = arith.index_cast %get3A_1019 : i32 to index
      %get3A_1021 = arith.index_cast %scan3A_962 : i32 to index
      %get3A_1022 = arith.constant 112 : index
      %get3A_1023 = tpu.vector_load %arg4[%get3A_1020, %get3A_1021, %get3A_1022] {strides = array<i32>} : memref<2x200x128xf32, #tpu.memory_space<vmem>>, vector<1x1x16xf32>,
      %get3A_1024 = vector.shape_cast %get3A_1023 : vector<1x1x16xf32> to vector<16xf32>
      %add3A_1025 = arith.addf %scan3A_970, %get3A_1024 : vector<16xf32>
      scf.yield %add3A_976, %add3A_983, %add3A_990, %add3A_997, %add3A_1004, %add3A_1011, %add3A_1018, %add3A_1025 : vector<16xf32>, vector<16xf32>, vector<16xf32>, vector<16xf32>, vector<16xf32>, vector<16xf32>, vector<16xf32>, vector<16xf32>
    }
    %scan3A_497 = arith.constant 200 : i32
    %add3A_498 = arith.constant 2800 : i32
    %add3A_499 = arith.addi %mul3A_2, %add3A_498 : i32
    %dma_start3A_500 = arith.constant 0 : i32
    %dma_start3A_501 = arith.constant 0 : i32
    %dma_start3A_502 = arith.constant 0 : i32
    %dma_start3A_503 = tpu.memref_slice %arg4[%dma_start3A_500, %dma_start3A_501, %dma_start3A_502] : memref<2x200x128xf32, #tpu.memory_space<vmem>> -> memref<1x200x128xf32, #tpu.memory_space<vmem>>
    %dma_start3A_504 = tpu.memref_squeeze %dma_start3A_503 : memref<1x200x128xf32, #tpu.memory_space<vmem>> -> memref<200x128xf32, #tpu.memory_space<vmem>>
    %dma_start3A_505 = arith.constant 0 : i32
    %dma_start3A_506 = tpu.memref_slice %arg2[%add3A_499, %dma_start3A_505] : memref<320000x128xf32, #tpu.memory_space<hbm>> -> memref<200x128xf32, #tpu.memory_space<hbm>>
    %dma_start3A_507 = arith.constant 0 : i32
    %dma_start3A_508 = arith.constant 0 : i32
    %dma_start3A_509 = tpu.memref_slice %arg4[%dma_start3A_500, %dma_start3A_507, %dma_start3A_508] : memref<2x200x128xf32, #tpu.memory_space<vmem>> -> memref<1x200x128xf32, #tpu.memory_space<vmem>>
    %dma_start3A_510 = tpu.memref_squeeze %dma_start3A_509 : memref<1x200x128xf32, #tpu.memory_space<vmem>> -> memref<200x128xf32, #tpu.memory_space<vmem>>
    %dma_start3A_511 = arith.constant 0 : i32
    %dma_start3A_512 = tpu.memref_slice %arg2[%add3A_499, %dma_start3A_511] : memref<320000x128xf32, #tpu.memory_space<hbm>> -> memref<200x128xf32, #tpu.memory_space<hbm>>
    tpu.enqueue_dma source(%dma_start3A_512 : memref<200x128xf32, #tpu.memory_space<hbm>>) target(%dma_start3A_510 : memref<200x128xf32, #tpu.memory_space<vmem>>) target_semaphore(%arg6 : memref<!tpu.dma_semaphore, #tpu.memory_space<semaphore_mem>>)
    %add3A_513 = arith.constant 2600 : i32
    %add3A_514 = arith.addi %mul3A_2, %add3A_513 : i32
    %dma_wait3A_515 = arith.constant 1 : i32
    %dma_wait3A_516 = arith.constant 0 : i32
    %dma_wait3A_517 = arith.constant 0 : i32
    %dma_wait3A_518 = tpu.memref_slice %arg4[%dma_wait3A_515, %dma_wait3A_516, %dma_wait3A_517] : memref<2x200x128xf32, #tpu.memory_space<vmem>> -> memref<1x200x128xf32, #tpu.memory_space<vmem>>
    %dma_wait3A_519 = tpu.memref_squeeze %dma_wait3A_518 : memref<1x200x128xf32, #tpu.memory_space<vmem>> -> memref<200x128xf32, #tpu.memory_space<vmem>>
    %dma_wait3A_520 = arith.constant 0 : i32
    %dma_wait3A_521 = tpu.memref_slice %arg2[%add3A_514, %dma_wait3A_520] : memref<320000x128xf32, #tpu.memory_space<hbm>> -> memref<200x128xf32, #tpu.memory_space<hbm>>
    %dma_wait3A_522 = arith.constant 0 : i32
    %dma_wait3A_523 = arith.constant 0 : i32
    %dma_wait3A_524 = tpu.memref_slice %arg4[%dma_wait3A_515, %dma_wait3A_522, %dma_wait3A_523] : memref<2x200x128xf32, #tpu.memory_space<vmem>> -> memref<1x200x128xf32, #tpu.memory_space<vmem>>
    %dma_wait3A_525 = tpu.memref_squeeze %dma_wait3A_524 : memref<1x200x128xf32, #tpu.memory_space<vmem>> -> memref<200x128xf32, #tpu.memory_space<vmem>>
    %dma_wait3A_526 = arith.constant 0 : i32
    %dma_wait3A_527 = tpu.memref_slice %arg2[%add3A_514, %dma_wait3A_526] : memref<320000x128xf32, #tpu.memory_space<hbm>> -> memref<200x128xf32, #tpu.memory_space<hbm>>
    tpu.wait_dma2 semaphore(%arg7 : memref<!tpu.dma_semaphore, #tpu.memory_space<semaphore_mem>>) src(%dma_wait3A_527 : memref<200x128xf32, #tpu.memory_space<hbm>>) dst(%dma_wait3A_525 : memref<200x128xf32, #tpu.memory_space<vmem>>)
    %scan3A_528 = arith.constant 0 : i32
    %scan3A_529 = arith.constant 200 : i32
    %scan3A_530 = arith.addi %scan3A_528, %scan3A_529 : i32
    %scan3A_531 = arith.constant 1 : i32
    %scan3A_532:8 = scf.for %scan3A_962 = %scan3A_528 to %scan3A_530 step %scan3A_531 iter_args(%scan3A_963 = %scan3A_496#0, %scan3A_964 = %scan3A_496#1, %scan3A_965 = %scan3A_496#2, %scan3A_966 = %scan3A_496#3, %scan3A_967 = %scan3A_496#4, %scan3A_968 = %scan3A_496#5, %scan3A_969 = %scan3A_496#6, %scan3A_970 = %scan3A_496#7) -> (vector<16xf32>, vector<16xf32>, vector<16xf32>, vector<16xf32>, vector<16xf32>, vector<16xf32>, vector<16xf32>, vector<16xf32>)  : i32 {
      %get3A = arith.constant 1 : i32
      %get3A_971 = arith.index_cast %get3A : i32 to index
      %get3A_972 = arith.index_cast %scan3A_962 : i32 to index
      %get3A_973 = arith.constant 0 : index
      %get3A_974 = tpu.vector_load %arg4[%get3A_971, %get3A_972, %get3A_973] {strides = array<i32>} : memref<2x200x128xf32, #tpu.memory_space<vmem>>, vector<1x1x16xf32>,
      %get3A_975 = vector.shape_cast %get3A_974 : vector<1x1x16xf32> to vector<16xf32>
      %add3A_976 = arith.addf %scan3A_963, %get3A_975 : vector<16xf32>
      %get3A_977 = arith.constant 1 : i32
      %get3A_978 = arith.index_cast %get3A_977 : i32 to index
      %get3A_979 = arith.index_cast %scan3A_962 : i32 to index
      %get3A_980 = arith.constant 16 : index
      %get3A_981 = tpu.vector_load %arg4[%get3A_978, %get3A_979, %get3A_980] {strides = array<i32>} : memref<2x200x128xf32, #tpu.memory_space<vmem>>, vector<1x1x16xf32>,
      %get3A_982 = vector.shape_cast %get3A_981 : vector<1x1x16xf32> to vector<16xf32>
      %add3A_983 = arith.addf %scan3A_964, %get3A_982 : vector<16xf32>
      %get3A_984 = arith.constant 1 : i32
      %get3A_985 = arith.index_cast %get3A_984 : i32 to index
      %get3A_986 = arith.index_cast %scan3A_962 : i32 to index
      %get3A_987 = arith.constant 32 : index
      %get3A_988 = tpu.vector_load %arg4[%get3A_985, %get3A_986, %get3A_987] {strides = array<i32>} : memref<2x200x128xf32, #tpu.memory_space<vmem>>, vector<1x1x16xf32>,
      %get3A_989 = vector.shape_cast %get3A_988 : vector<1x1x16xf32> to vector<16xf32>
      %add3A_990 = arith.addf %scan3A_965, %get3A_989 : vector<16xf32>
      %get3A_991 = arith.constant 1 : i32
      %get3A_992 = arith.index_cast %get3A_991 : i32 to index
      %get3A_993 = arith.index_cast %scan3A_962 : i32 to index
      %get3A_994 = arith.constant 48 : index
      %get3A_995 = tpu.vector_load %arg4[%get3A_992, %get3A_993, %get3A_994] {strides = array<i32>} : memref<2x200x128xf32, #tpu.memory_space<vmem>>, vector<1x1x16xf32>,
      %get3A_996 = vector.shape_cast %get3A_995 : vector<1x1x16xf32> to vector<16xf32>
      %add3A_997 = arith.addf %scan3A_966, %get3A_996 : vector<16xf32>
      %get3A_998 = arith.constant 1 : i32
      %get3A_999 = arith.index_cast %get3A_998 : i32 to index
      %get3A_1000 = arith.index_cast %scan3A_962 : i32 to index
      %get3A_1001 = arith.constant 64 : index
      %get3A_1002 = tpu.vector_load %arg4[%get3A_999, %get3A_1000, %get3A_1001] {strides = array<i32>} : memref<2x200x128xf32, #tpu.memory_space<vmem>>, vector<1x1x16xf32>,
      %get3A_1003 = vector.shape_cast %get3A_1002 : vector<1x1x16xf32> to vector<16xf32>
      %add3A_1004 = arith.addf %scan3A_967, %get3A_1003 : vector<16xf32>
      %get3A_1005 = arith.constant 1 : i32
      %get3A_1006 = arith.index_cast %get3A_1005 : i32 to index
      %get3A_1007 = arith.index_cast %scan3A_962 : i32 to index
      %get3A_1008 = arith.constant 80 : index
      %get3A_1009 = tpu.vector_load %arg4[%get3A_1006, %get3A_1007, %get3A_1008] {strides = array<i32>} : memref<2x200x128xf32, #tpu.memory_space<vmem>>, vector<1x1x16xf32>,
      %get3A_1010 = vector.shape_cast %get3A_1009 : vector<1x1x16xf32> to vector<16xf32>
      %add3A_1011 = arith.addf %scan3A_968, %get3A_1010 : vector<16xf32>
      %get3A_1012 = arith.constant 1 : i32
      %get3A_1013 = arith.index_cast %get3A_1012 : i32 to index
      %get3A_1014 = arith.index_cast %scan3A_962 : i32 to index
      %get3A_1015 = arith.constant 96 : index
      %get3A_1016 = tpu.vector_load %arg4[%get3A_1013, %get3A_1014, %get3A_1015] {strides = array<i32>} : memref<2x200x128xf32, #tpu.memory_space<vmem>>, vector<1x1x16xf32>,
      %get3A_1017 = vector.shape_cast %get3A_1016 : vector<1x1x16xf32> to vector<16xf32>
      %add3A_1018 = arith.addf %scan3A_969, %get3A_1017 : vector<16xf32>
      %get3A_1019 = arith.constant 1 : i32
      %get3A_1020 = arith.index_cast %get3A_1019 : i32 to index
      %get3A_1021 = arith.index_cast %scan3A_962 : i32 to index
      %get3A_1022 = arith.constant 112 : index
      %get3A_1023 = tpu.vector_load %arg4[%get3A_1020, %get3A_1021, %get3A_1022] {strides = array<i32>} : memref<2x200x128xf32, #tpu.memory_space<vmem>>, vector<1x1x16xf32>,
      %get3A_1024 = vector.shape_cast %get3A_1023 : vector<1x1x16xf32> to vector<16xf32>
      %add3A_1025 = arith.addf %scan3A_970, %get3A_1024 : vector<16xf32>
      scf.yield %add3A_976, %add3A_983, %add3A_990, %add3A_997, %add3A_1004, %add3A_1011, %add3A_1018, %add3A_1025 : vector<16xf32>, vector<16xf32>, vector<16xf32>, vector<16xf32>, vector<16xf32>, vector<16xf32>, vector<16xf32>, vector<16xf32>
    }
    %scan3A_533 = arith.constant 200 : i32
    %add3A_534 = arith.constant 3000 : i32
    %add3A_535 = arith.addi %mul3A_2, %add3A_534 : i32
    %dma_start3A_536 = arith.constant 1 : i32
    %dma_start3A_537 = arith.constant 0 : i32
    %dma_start3A_538 = arith.constant 0 : i32
    %dma_start3A_539 = tpu.memref_slice %arg4[%dma_start3A_536, %dma_start3A_537, %dma_start3A_538] : memref<2x200x128xf32, #tpu.memory_space<vmem>> -> memref<1x200x128xf32, #tpu.memory_space<vmem>>
    %dma_start3A_540 = tpu.memref_squeeze %dma_start3A_539 : memref<1x200x128xf32, #tpu.memory_space<vmem>> -> memref<200x128xf32, #tpu.memory_space<vmem>>
    %dma_start3A_541 = arith.constant 0 : i32
    %dma_start3A_542 = tpu.memref_slice %arg2[%add3A_535, %dma_start3A_541] : memref<320000x128xf32, #tpu.memory_space<hbm>> -> memref<200x128xf32, #tpu.memory_space<hbm>>
    %dma_start3A_543 = arith.constant 0 : i32
    %dma_start3A_544 = arith.constant 0 : i32
    %dma_start3A_545 = tpu.memref_slice %arg4[%dma_start3A_536, %dma_start3A_543, %dma_start3A_544] : memref<2x200x128xf32, #tpu.memory_space<vmem>> -> memref<1x200x128xf32, #tpu.memory_space<vmem>>
    %dma_start3A_546 = tpu.memref_squeeze %dma_start3A_545 : memref<1x200x128xf32, #tpu.memory_space<vmem>> -> memref<200x128xf32, #tpu.memory_space<vmem>>
    %dma_start3A_547 = arith.constant 0 : i32
    %dma_start3A_548 = tpu.memref_slice %arg2[%add3A_535, %dma_start3A_547] : memref<320000x128xf32, #tpu.memory_space<hbm>> -> memref<200x128xf32, #tpu.memory_space<hbm>>
    tpu.enqueue_dma source(%dma_start3A_548 : memref<200x128xf32, #tpu.memory_space<hbm>>) target(%dma_start3A_546 : memref<200x128xf32, #tpu.memory_space<vmem>>) target_semaphore(%arg7 : memref<!tpu.dma_semaphore, #tpu.memory_space<semaphore_mem>>)
    %add3A_549 = arith.constant 2800 : i32
    %add3A_550 = arith.addi %mul3A_2, %add3A_549 : i32
    %dma_wait3A_551 = arith.constant 0 : i32
    %dma_wait3A_552 = arith.constant 0 : i32
    %dma_wait3A_553 = arith.constant 0 : i32
    %dma_wait3A_554 = tpu.memref_slice %arg4[%dma_wait3A_551, %dma_wait3A_552, %dma_wait3A_553] : memref<2x200x128xf32, #tpu.memory_space<vmem>> -> memref<1x200x128xf32, #tpu.memory_space<vmem>>
    %dma_wait3A_555 = tpu.memref_squeeze %dma_wait3A_554 : memref<1x200x128xf32, #tpu.memory_space<vmem>> -> memref<200x128xf32, #tpu.memory_space<vmem>>
    %dma_wait3A_556 = arith.constant 0 : i32
    %dma_wait3A_557 = tpu.memref_slice %arg2[%add3A_550, %dma_wait3A_556] : memref<320000x128xf32, #tpu.memory_space<hbm>> -> memref<200x128xf32, #tpu.memory_space<hbm>>
    %dma_wait3A_558 = arith.constant 0 : i32
    %dma_wait3A_559 = arith.constant 0 : i32
    %dma_wait3A_560 = tpu.memref_slice %arg4[%dma_wait3A_551, %dma_wait3A_558, %dma_wait3A_559] : memref<2x200x128xf32, #tpu.memory_space<vmem>> -> memref<1x200x128xf32, #tpu.memory_space<vmem>>
    %dma_wait3A_561 = tpu.memref_squeeze %dma_wait3A_560 : memref<1x200x128xf32, #tpu.memory_space<vmem>> -> memref<200x128xf32, #tpu.memory_space<vmem>>
    %dma_wait3A_562 = arith.constant 0 : i32
    %dma_wait3A_563 = tpu.memref_slice %arg2[%add3A_550, %dma_wait3A_562] : memref<320000x128xf32, #tpu.memory_space<hbm>> -> memref<200x128xf32, #tpu.memory_space<hbm>>
    tpu.wait_dma2 semaphore(%arg6 : memref<!tpu.dma_semaphore, #tpu.memory_space<semaphore_mem>>) src(%dma_wait3A_563 : memref<200x128xf32, #tpu.memory_space<hbm>>) dst(%dma_wait3A_561 : memref<200x128xf32, #tpu.memory_space<vmem>>)
    %scan3A_564 = arith.constant 0 : i32
    %scan3A_565 = arith.constant 200 : i32
    %scan3A_566 = arith.addi %scan3A_564, %scan3A_565 : i32
    %scan3A_567 = arith.constant 1 : i32
    %scan3A_568:8 = scf.for %scan3A_962 = %scan3A_564 to %scan3A_566 step %scan3A_567 iter_args(%scan3A_963 = %scan3A_532#0, %scan3A_964 = %scan3A_532#1, %scan3A_965 = %scan3A_532#2, %scan3A_966 = %scan3A_532#3, %scan3A_967 = %scan3A_532#4, %scan3A_968 = %scan3A_532#5, %scan3A_969 = %scan3A_532#6, %scan3A_970 = %scan3A_532#7) -> (vector<16xf32>, vector<16xf32>, vector<16xf32>, vector<16xf32>, vector<16xf32>, vector<16xf32>, vector<16xf32>, vector<16xf32>)  : i32 {
      %get3A = arith.constant 0 : i32
      %get3A_971 = arith.index_cast %get3A : i32 to index
      %get3A_972 = arith.index_cast %scan3A_962 : i32 to index
      %get3A_973 = arith.constant 0 : index
      %get3A_974 = tpu.vector_load %arg4[%get3A_971, %get3A_972, %get3A_973] {strides = array<i32>} : memref<2x200x128xf32, #tpu.memory_space<vmem>>, vector<1x1x16xf32>,
      %get3A_975 = vector.shape_cast %get3A_974 : vector<1x1x16xf32> to vector<16xf32>
      %add3A_976 = arith.addf %scan3A_963, %get3A_975 : vector<16xf32>
      %get3A_977 = arith.constant 0 : i32
      %get3A_978 = arith.index_cast %get3A_977 : i32 to index
      %get3A_979 = arith.index_cast %scan3A_962 : i32 to index
      %get3A_980 = arith.constant 16 : index
      %get3A_981 = tpu.vector_load %arg4[%get3A_978, %get3A_979, %get3A_980] {strides = array<i32>} : memref<2x200x128xf32, #tpu.memory_space<vmem>>, vector<1x1x16xf32>,
      %get3A_982 = vector.shape_cast %get3A_981 : vector<1x1x16xf32> to vector<16xf32>
      %add3A_983 = arith.addf %scan3A_964, %get3A_982 : vector<16xf32>
      %get3A_984 = arith.constant 0 : i32
      %get3A_985 = arith.index_cast %get3A_984 : i32 to index
      %get3A_986 = arith.index_cast %scan3A_962 : i32 to index
      %get3A_987 = arith.constant 32 : index
      %get3A_988 = tpu.vector_load %arg4[%get3A_985, %get3A_986, %get3A_987] {strides = array<i32>} : memref<2x200x128xf32, #tpu.memory_space<vmem>>, vector<1x1x16xf32>,
      %get3A_989 = vector.shape_cast %get3A_988 : vector<1x1x16xf32> to vector<16xf32>
      %add3A_990 = arith.addf %scan3A_965, %get3A_989 : vector<16xf32>
      %get3A_991 = arith.constant 0 : i32
      %get3A_992 = arith.index_cast %get3A_991 : i32 to index
      %get3A_993 = arith.index_cast %scan3A_962 : i32 to index
      %get3A_994 = arith.constant 48 : index
      %get3A_995 = tpu.vector_load %arg4[%get3A_992, %get3A_993, %get3A_994] {strides = array<i32>} : memref<2x200x128xf32, #tpu.memory_space<vmem>>, vector<1x1x16xf32>,
      %get3A_996 = vector.shape_cast %get3A_995 : vector<1x1x16xf32> to vector<16xf32>
      %add3A_997 = arith.addf %scan3A_966, %get3A_996 : vector<16xf32>
      %get3A_998 = arith.constant 0 : i32
      %get3A_999 = arith.index_cast %get3A_998 : i32 to index
      %get3A_1000 = arith.index_cast %scan3A_962 : i32 to index
      %get3A_1001 = arith.constant 64 : index
      %get3A_1002 = tpu.vector_load %arg4[%get3A_999, %get3A_1000, %get3A_1001] {strides = array<i32>} : memref<2x200x128xf32, #tpu.memory_space<vmem>>, vector<1x1x16xf32>,
      %get3A_1003 = vector.shape_cast %get3A_1002 : vector<1x1x16xf32> to vector<16xf32>
      %add3A_1004 = arith.addf %scan3A_967, %get3A_1003 : vector<16xf32>
      %get3A_1005 = arith.constant 0 : i32
      %get3A_1006 = arith.index_cast %get3A_1005 : i32 to index
      %get3A_1007 = arith.index_cast %scan3A_962 : i32 to index
      %get3A_1008 = arith.constant 80 : index
      %get3A_1009 = tpu.vector_load %arg4[%get3A_1006, %get3A_1007, %get3A_1008] {strides = array<i32>} : memref<2x200x128xf32, #tpu.memory_space<vmem>>, vector<1x1x16xf32>,
      %get3A_1010 = vector.shape_cast %get3A_1009 : vector<1x1x16xf32> to vector<16xf32>
      %add3A_1011 = arith.addf %scan3A_968, %get3A_1010 : vector<16xf32>
      %get3A_1012 = arith.constant 0 : i32
      %get3A_1013 = arith.index_cast %get3A_1012 : i32 to index
      %get3A_1014 = arith.index_cast %scan3A_962 : i32 to index
      %get3A_1015 = arith.constant 96 : index
      %get3A_1016 = tpu.vector_load %arg4[%get3A_1013, %get3A_1014, %get3A_1015] {strides = array<i32>} : memref<2x200x128xf32, #tpu.memory_space<vmem>>, vector<1x1x16xf32>,
      %get3A_1017 = vector.shape_cast %get3A_1016 : vector<1x1x16xf32> to vector<16xf32>
      %add3A_1018 = arith.addf %scan3A_969, %get3A_1017 : vector<16xf32>
      %get3A_1019 = arith.constant 0 : i32
      %get3A_1020 = arith.index_cast %get3A_1019 : i32 to index
      %get3A_1021 = arith.index_cast %scan3A_962 : i32 to index
      %get3A_1022 = arith.constant 112 : index
      %get3A_1023 = tpu.vector_load %arg4[%get3A_1020, %get3A_1021, %get3A_1022] {strides = array<i32>} : memref<2x200x128xf32, #tpu.memory_space<vmem>>, vector<1x1x16xf32>,
      %get3A_1024 = vector.shape_cast %get3A_1023 : vector<1x1x16xf32> to vector<16xf32>
      %add3A_1025 = arith.addf %scan3A_970, %get3A_1024 : vector<16xf32>
      scf.yield %add3A_976, %add3A_983, %add3A_990, %add3A_997, %add3A_1004, %add3A_1011, %add3A_1018, %add3A_1025 : vector<16xf32>, vector<16xf32>, vector<16xf32>, vector<16xf32>, vector<16xf32>, vector<16xf32>, vector<16xf32>, vector<16xf32>
    }
    %scan3A_569 = arith.constant 200 : i32
    %add3A_570 = arith.constant 3200 : i32
    %add3A_571 = arith.addi %mul3A_2, %add3A_570 : i32
    %dma_start3A_572 = arith.constant 0 : i32
    %dma_start3A_573 = arith.constant 0 : i32
    %dma_start3A_574 = arith.constant 0 : i32
    %dma_start3A_575 = tpu.memref_slice %arg4[%dma_start3A_572, %dma_start3A_573, %dma_start3A_574] : memref<2x200x128xf32, #tpu.memory_space<vmem>> -> memref<1x200x128xf32, #tpu.memory_space<vmem>>
    %dma_start3A_576 = tpu.memref_squeeze %dma_start3A_575 : memref<1x200x128xf32, #tpu.memory_space<vmem>> -> memref<200x128xf32, #tpu.memory_space<vmem>>
    %dma_start3A_577 = arith.constant 0 : i32
    %dma_start3A_578 = tpu.memref_slice %arg2[%add3A_571, %dma_start3A_577] : memref<320000x128xf32, #tpu.memory_space<hbm>> -> memref<200x128xf32, #tpu.memory_space<hbm>>
    %dma_start3A_579 = arith.constant 0 : i32
    %dma_start3A_580 = arith.constant 0 : i32
    %dma_start3A_581 = tpu.memref_slice %arg4[%dma_start3A_572, %dma_start3A_579, %dma_start3A_580] : memref<2x200x128xf32, #tpu.memory_space<vmem>> -> memref<1x200x128xf32, #tpu.memory_space<vmem>>
    %dma_start3A_582 = tpu.memref_squeeze %dma_start3A_581 : memref<1x200x128xf32, #tpu.memory_space<vmem>> -> memref<200x128xf32, #tpu.memory_space<vmem>>
    %dma_start3A_583 = arith.constant 0 : i32
    %dma_start3A_584 = tpu.memref_slice %arg2[%add3A_571, %dma_start3A_583] : memref<320000x128xf32, #tpu.memory_space<hbm>> -> memref<200x128xf32, #tpu.memory_space<hbm>>
    tpu.enqueue_dma source(%dma_start3A_584 : memref<200x128xf32, #tpu.memory_space<hbm>>) target(%dma_start3A_582 : memref<200x128xf32, #tpu.memory_space<vmem>>) target_semaphore(%arg6 : memref<!tpu.dma_semaphore, #tpu.memory_space<semaphore_mem>>)
    %add3A_585 = arith.constant 3000 : i32
    %add3A_586 = arith.addi %mul3A_2, %add3A_585 : i32
    %dma_wait3A_587 = arith.constant 1 : i32
    %dma_wait3A_588 = arith.constant 0 : i32
    %dma_wait3A_589 = arith.constant 0 : i32
    %dma_wait3A_590 = tpu.memref_slice %arg4[%dma_wait3A_587, %dma_wait3A_588, %dma_wait3A_589] : memref<2x200x128xf32, #tpu.memory_space<vmem>> -> memref<1x200x128xf32, #tpu.memory_space<vmem>>
    %dma_wait3A_591 = tpu.memref_squeeze %dma_wait3A_590 : memref<1x200x128xf32, #tpu.memory_space<vmem>> -> memref<200x128xf32, #tpu.memory_space<vmem>>
    %dma_wait3A_592 = arith.constant 0 : i32
    %dma_wait3A_593 = tpu.memref_slice %arg2[%add3A_586, %dma_wait3A_592] : memref<320000x128xf32, #tpu.memory_space<hbm>> -> memref<200x128xf32, #tpu.memory_space<hbm>>
    %dma_wait3A_594 = arith.constant 0 : i32
    %dma_wait3A_595 = arith.constant 0 : i32
    %dma_wait3A_596 = tpu.memref_slice %arg4[%dma_wait3A_587, %dma_wait3A_594, %dma_wait3A_595] : memref<2x200x128xf32, #tpu.memory_space<vmem>> -> memref<1x200x128xf32, #tpu.memory_space<vmem>>
    %dma_wait3A_597 = tpu.memref_squeeze %dma_wait3A_596 : memref<1x200x128xf32, #tpu.memory_space<vmem>> -> memref<200x128xf32, #tpu.memory_space<vmem>>
    %dma_wait3A_598 = arith.constant 0 : i32
    %dma_wait3A_599 = tpu.memref_slice %arg2[%add3A_586, %dma_wait3A_598] : memref<320000x128xf32, #tpu.memory_space<hbm>> -> memref<200x128xf32, #tpu.memory_space<hbm>>
    tpu.wait_dma2 semaphore(%arg7 : memref<!tpu.dma_semaphore, #tpu.memory_space<semaphore_mem>>) src(%dma_wait3A_599 : memref<200x128xf32, #tpu.memory_space<hbm>>) dst(%dma_wait3A_597 : memref<200x128xf32, #tpu.memory_space<vmem>>)
    %scan3A_600 = arith.constant 0 : i32
    %scan3A_601 = arith.constant 200 : i32
    %scan3A_602 = arith.addi %scan3A_600, %scan3A_601 : i32
    %scan3A_603 = arith.constant 1 : i32
    %scan3A_604:8 = scf.for %scan3A_962 = %scan3A_600 to %scan3A_602 step %scan3A_603 iter_args(%scan3A_963 = %scan3A_568#0, %scan3A_964 = %scan3A_568#1, %scan3A_965 = %scan3A_568#2, %scan3A_966 = %scan3A_568#3, %scan3A_967 = %scan3A_568#4, %scan3A_968 = %scan3A_568#5, %scan3A_969 = %scan3A_568#6, %scan3A_970 = %scan3A_568#7) -> (vector<16xf32>, vector<16xf32>, vector<16xf32>, vector<16xf32>, vector<16xf32>, vector<16xf32>, vector<16xf32>, vector<16xf32>)  : i32 {
      %get3A = arith.constant 1 : i32
      %get3A_971 = arith.index_cast %get3A : i32 to index
      %get3A_972 = arith.index_cast %scan3A_962 : i32 to index
      %get3A_973 = arith.constant 0 : index
      %get3A_974 = tpu.vector_load %arg4[%get3A_971, %get3A_972, %get3A_973] {strides = array<i32>} : memref<2x200x128xf32, #tpu.memory_space<vmem>>, vector<1x1x16xf32>,
      %get3A_975 = vector.shape_cast %get3A_974 : vector<1x1x16xf32> to vector<16xf32>
      %add3A_976 = arith.addf %scan3A_963, %get3A_975 : vector<16xf32>
      %get3A_977 = arith.constant 1 : i32
      %get3A_978 = arith.index_cast %get3A_977 : i32 to index
      %get3A_979 = arith.index_cast %scan3A_962 : i32 to index
      %get3A_980 = arith.constant 16 : index
      %get3A_981 = tpu.vector_load %arg4[%get3A_978, %get3A_979, %get3A_980] {strides = array<i32>} : memref<2x200x128xf32, #tpu.memory_space<vmem>>, vector<1x1x16xf32>,
      %get3A_982 = vector.shape_cast %get3A_981 : vector<1x1x16xf32> to vector<16xf32>
      %add3A_983 = arith.addf %scan3A_964, %get3A_982 : vector<16xf32>
      %get3A_984 = arith.constant 1 : i32
      %get3A_985 = arith.index_cast %get3A_984 : i32 to index
      %get3A_986 = arith.index_cast %scan3A_962 : i32 to index
      %get3A_987 = arith.constant 32 : index
      %get3A_988 = tpu.vector_load %arg4[%get3A_985, %get3A_986, %get3A_987] {strides = array<i32>} : memref<2x200x128xf32, #tpu.memory_space<vmem>>, vector<1x1x16xf32>,
      %get3A_989 = vector.shape_cast %get3A_988 : vector<1x1x16xf32> to vector<16xf32>
      %add3A_990 = arith.addf %scan3A_965, %get3A_989 : vector<16xf32>
      %get3A_991 = arith.constant 1 : i32
      %get3A_992 = arith.index_cast %get3A_991 : i32 to index
      %get3A_993 = arith.index_cast %scan3A_962 : i32 to index
      %get3A_994 = arith.constant 48 : index
      %get3A_995 = tpu.vector_load %arg4[%get3A_992, %get3A_993, %get3A_994] {strides = array<i32>} : memref<2x200x128xf32, #tpu.memory_space<vmem>>, vector<1x1x16xf32>,
      %get3A_996 = vector.shape_cast %get3A_995 : vector<1x1x16xf32> to vector<16xf32>
      %add3A_997 = arith.addf %scan3A_966, %get3A_996 : vector<16xf32>
      %get3A_998 = arith.constant 1 : i32
      %get3A_999 = arith.index_cast %get3A_998 : i32 to index
      %get3A_1000 = arith.index_cast %scan3A_962 : i32 to index
      %get3A_1001 = arith.constant 64 : index
      %get3A_1002 = tpu.vector_load %arg4[%get3A_999, %get3A_1000, %get3A_1001] {strides = array<i32>} : memref<2x200x128xf32, #tpu.memory_space<vmem>>, vector<1x1x16xf32>,
      %get3A_1003 = vector.shape_cast %get3A_1002 : vector<1x1x16xf32> to vector<16xf32>
      %add3A_1004 = arith.addf %scan3A_967, %get3A_1003 : vector<16xf32>
      %get3A_1005 = arith.constant 1 : i32
      %get3A_1006 = arith.index_cast %get3A_1005 : i32 to index
      %get3A_1007 = arith.index_cast %scan3A_962 : i32 to index
      %get3A_1008 = arith.constant 80 : index
      %get3A_1009 = tpu.vector_load %arg4[%get3A_1006, %get3A_1007, %get3A_1008] {strides = array<i32>} : memref<2x200x128xf32, #tpu.memory_space<vmem>>, vector<1x1x16xf32>,
      %get3A_1010 = vector.shape_cast %get3A_1009 : vector<1x1x16xf32> to vector<16xf32>
      %add3A_1011 = arith.addf %scan3A_968, %get3A_1010 : vector<16xf32>
      %get3A_1012 = arith.constant 1 : i32
      %get3A_1013 = arith.index_cast %get3A_1012 : i32 to index
      %get3A_1014 = arith.index_cast %scan3A_962 : i32 to index
      %get3A_1015 = arith.constant 96 : index
      %get3A_1016 = tpu.vector_load %arg4[%get3A_1013, %get3A_1014, %get3A_1015] {strides = array<i32>} : memref<2x200x128xf32, #tpu.memory_space<vmem>>, vector<1x1x16xf32>,
      %get3A_1017 = vector.shape_cast %get3A_1016 : vector<1x1x16xf32> to vector<16xf32>
      %add3A_1018 = arith.addf %scan3A_969, %get3A_1017 : vector<16xf32>
      %get3A_1019 = arith.constant 1 : i32
      %get3A_1020 = arith.index_cast %get3A_1019 : i32 to index
      %get3A_1021 = arith.index_cast %scan3A_962 : i32 to index
      %get3A_1022 = arith.constant 112 : index
      %get3A_1023 = tpu.vector_load %arg4[%get3A_1020, %get3A_1021, %get3A_1022] {strides = array<i32>} : memref<2x200x128xf32, #tpu.memory_space<vmem>>, vector<1x1x16xf32>,
      %get3A_1024 = vector.shape_cast %get3A_1023 : vector<1x1x16xf32> to vector<16xf32>
      %add3A_1025 = arith.addf %scan3A_970, %get3A_1024 : vector<16xf32>
      scf.yield %add3A_976, %add3A_983, %add3A_990, %add3A_997, %add3A_1004, %add3A_1011, %add3A_1018, %add3A_1025 : vector<16xf32>, vector<16xf32>, vector<16xf32>, vector<16xf32>, vector<16xf32>, vector<16xf32>, vector<16xf32>, vector<16xf32>
    }
    %scan3A_605 = arith.constant 200 : i32
    %add3A_606 = arith.constant 3400 : i32
    %add3A_607 = arith.addi %mul3A_2, %add3A_606 : i32
    %dma_start3A_608 = arith.constant 1 : i32
    %dma_start3A_609 = arith.constant 0 : i32
    %dma_start3A_610 = arith.constant 0 : i32
    %dma_start3A_611 = tpu.memref_slice %arg4[%dma_start3A_608, %dma_start3A_609, %dma_start3A_610] : memref<2x200x128xf32, #tpu.memory_space<vmem>> -> memref<1x200x128xf32, #tpu.memory_space<vmem>>
    %dma_start3A_612 = tpu.memref_squeeze %dma_start3A_611 : memref<1x200x128xf32, #tpu.memory_space<vmem>> -> memref<200x128xf32, #tpu.memory_space<vmem>>
    %dma_start3A_613 = arith.constant 0 : i32
    %dma_start3A_614 = tpu.memref_slice %arg2[%add3A_607, %dma_start3A_613] : memref<320000x128xf32, #tpu.memory_space<hbm>> -> memref<200x128xf32, #tpu.memory_space<hbm>>
    %dma_start3A_615 = arith.constant 0 : i32
    %dma_start3A_616 = arith.constant 0 : i32
    %dma_start3A_617 = tpu.memref_slice %arg4[%dma_start3A_608, %dma_start3A_615, %dma_start3A_616] : memref<2x200x128xf32, #tpu.memory_space<vmem>> -> memref<1x200x128xf32, #tpu.memory_space<vmem>>
    %dma_start3A_618 = tpu.memref_squeeze %dma_start3A_617 : memref<1x200x128xf32, #tpu.memory_space<vmem>> -> memref<200x128xf32, #tpu.memory_space<vmem>>
    %dma_start3A_619 = arith.constant 0 : i32
    %dma_start3A_620 = tpu.memref_slice %arg2[%add3A_607, %dma_start3A_619] : memref<320000x128xf32, #tpu.memory_space<hbm>> -> memref<200x128xf32, #tpu.memory_space<hbm>>
    tpu.enqueue_dma source(%dma_start3A_620 : memref<200x128xf32, #tpu.memory_space<hbm>>) target(%dma_start3A_618 : memref<200x128xf32, #tpu.memory_space<vmem>>) target_semaphore(%arg7 : memref<!tpu.dma_semaphore, #tpu.memory_space<semaphore_mem>>)
    %add3A_621 = arith.constant 3200 : i32
    %add3A_622 = arith.addi %mul3A_2, %add3A_621 : i32
    %dma_wait3A_623 = arith.constant 0 : i32
    %dma_wait3A_624 = arith.constant 0 : i32
    %dma_wait3A_625 = arith.constant 0 : i32
    %dma_wait3A_626 = tpu.memref_slice %arg4[%dma_wait3A_623, %dma_wait3A_624, %dma_wait3A_625] : memref<2x200x128xf32, #tpu.memory_space<vmem>> -> memref<1x200x128xf32, #tpu.memory_space<vmem>>
    %dma_wait3A_627 = tpu.memref_squeeze %dma_wait3A_626 : memref<1x200x128xf32, #tpu.memory_space<vmem>> -> memref<200x128xf32, #tpu.memory_space<vmem>>
    %dma_wait3A_628 = arith.constant 0 : i32
    %dma_wait3A_629 = tpu.memref_slice %arg2[%add3A_622, %dma_wait3A_628] : memref<320000x128xf32, #tpu.memory_space<hbm>> -> memref<200x128xf32, #tpu.memory_space<hbm>>
    %dma_wait3A_630 = arith.constant 0 : i32
    %dma_wait3A_631 = arith.constant 0 : i32
    %dma_wait3A_632 = tpu.memref_slice %arg4[%dma_wait3A_623, %dma_wait3A_630, %dma_wait3A_631] : memref<2x200x128xf32, #tpu.memory_space<vmem>> -> memref<1x200x128xf32, #tpu.memory_space<vmem>>
    %dma_wait3A_633 = tpu.memref_squeeze %dma_wait3A_632 : memref<1x200x128xf32, #tpu.memory_space<vmem>> -> memref<200x128xf32, #tpu.memory_space<vmem>>
    %dma_wait3A_634 = arith.constant 0 : i32
    %dma_wait3A_635 = tpu.memref_slice %arg2[%add3A_622, %dma_wait3A_634] : memref<320000x128xf32, #tpu.memory_space<hbm>> -> memref<200x128xf32, #tpu.memory_space<hbm>>
    tpu.wait_dma2 semaphore(%arg6 : memref<!tpu.dma_semaphore, #tpu.memory_space<semaphore_mem>>) src(%dma_wait3A_635 : memref<200x128xf32, #tpu.memory_space<hbm>>) dst(%dma_wait3A_633 : memref<200x128xf32, #tpu.memory_space<vmem>>)
    %scan3A_636 = arith.constant 0 : i32
    %scan3A_637 = arith.constant 200 : i32
    %scan3A_638 = arith.addi %scan3A_636, %scan3A_637 : i32
    %scan3A_639 = arith.constant 1 : i32
    %scan3A_640:8 = scf.for %scan3A_962 = %scan3A_636 to %scan3A_638 step %scan3A_639 iter_args(%scan3A_963 = %scan3A_604#0, %scan3A_964 = %scan3A_604#1, %scan3A_965 = %scan3A_604#2, %scan3A_966 = %scan3A_604#3, %scan3A_967 = %scan3A_604#4, %scan3A_968 = %scan3A_604#5, %scan3A_969 = %scan3A_604#6, %scan3A_970 = %scan3A_604#7) -> (vector<16xf32>, vector<16xf32>, vector<16xf32>, vector<16xf32>, vector<16xf32>, vector<16xf32>, vector<16xf32>, vector<16xf32>)  : i32 {
      %get3A = arith.constant 0 : i32
      %get3A_971 = arith.index_cast %get3A : i32 to index
      %get3A_972 = arith.index_cast %scan3A_962 : i32 to index
      %get3A_973 = arith.constant 0 : index
      %get3A_974 = tpu.vector_load %arg4[%get3A_971, %get3A_972, %get3A_973] {strides = array<i32>} : memref<2x200x128xf32, #tpu.memory_space<vmem>>, vector<1x1x16xf32>,
      %get3A_975 = vector.shape_cast %get3A_974 : vector<1x1x16xf32> to vector<16xf32>
      %add3A_976 = arith.addf %scan3A_963, %get3A_975 : vector<16xf32>
      %get3A_977 = arith.constant 0 : i32
      %get3A_978 = arith.index_cast %get3A_977 : i32 to index
      %get3A_979 = arith.index_cast %scan3A_962 : i32 to index
      %get3A_980 = arith.constant 16 : index
      %get3A_981 = tpu.vector_load %arg4[%get3A_978, %get3A_979, %get3A_980] {strides = array<i32>} : memref<2x200x128xf32, #tpu.memory_space<vmem>>, vector<1x1x16xf32>,
      %get3A_982 = vector.shape_cast %get3A_981 : vector<1x1x16xf32> to vector<16xf32>
      %add3A_983 = arith.addf %scan3A_964, %get3A_982 : vector<16xf32>
      %get3A_984 = arith.constant 0 : i32
      %get3A_985 = arith.index_cast %get3A_984 : i32 to index
      %get3A_986 = arith.index_cast %scan3A_962 : i32 to index
      %get3A_987 = arith.constant 32 : index
      %get3A_988 = tpu.vector_load %arg4[%get3A_985, %get3A_986, %get3A_987] {strides = array<i32>} : memref<2x200x128xf32, #tpu.memory_space<vmem>>, vector<1x1x16xf32>,
      %get3A_989 = vector.shape_cast %get3A_988 : vector<1x1x16xf32> to vector<16xf32>
      %add3A_990 = arith.addf %scan3A_965, %get3A_989 : vector<16xf32>
      %get3A_991 = arith.constant 0 : i32
      %get3A_992 = arith.index_cast %get3A_991 : i32 to index
      %get3A_993 = arith.index_cast %scan3A_962 : i32 to index
      %get3A_994 = arith.constant 48 : index
      %get3A_995 = tpu.vector_load %arg4[%get3A_992, %get3A_993, %get3A_994] {strides = array<i32>} : memref<2x200x128xf32, #tpu.memory_space<vmem>>, vector<1x1x16xf32>,
      %get3A_996 = vector.shape_cast %get3A_995 : vector<1x1x16xf32> to vector<16xf32>
      %add3A_997 = arith.addf %scan3A_966, %get3A_996 : vector<16xf32>
      %get3A_998 = arith.constant 0 : i32
      %get3A_999 = arith.index_cast %get3A_998 : i32 to index
      %get3A_1000 = arith.index_cast %scan3A_962 : i32 to index
      %get3A_1001 = arith.constant 64 : index
      %get3A_1002 = tpu.vector_load %arg4[%get3A_999, %get3A_1000, %get3A_1001] {strides = array<i32>} : memref<2x200x128xf32, #tpu.memory_space<vmem>>, vector<1x1x16xf32>,
      %get3A_1003 = vector.shape_cast %get3A_1002 : vector<1x1x16xf32> to vector<16xf32>
      %add3A_1004 = arith.addf %scan3A_967, %get3A_1003 : vector<16xf32>
      %get3A_1005 = arith.constant 0 : i32
      %get3A_1006 = arith.index_cast %get3A_1005 : i32 to index
      %get3A_1007 = arith.index_cast %scan3A_962 : i32 to index
      %get3A_1008 = arith.constant 80 : index
      %get3A_1009 = tpu.vector_load %arg4[%get3A_1006, %get3A_1007, %get3A_1008] {strides = array<i32>} : memref<2x200x128xf32, #tpu.memory_space<vmem>>, vector<1x1x16xf32>,
      %get3A_1010 = vector.shape_cast %get3A_1009 : vector<1x1x16xf32> to vector<16xf32>
      %add3A_1011 = arith.addf %scan3A_968, %get3A_1010 : vector<16xf32>
      %get3A_1012 = arith.constant 0 : i32
      %get3A_1013 = arith.index_cast %get3A_1012 : i32 to index
      %get3A_1014 = arith.index_cast %scan3A_962 : i32 to index
      %get3A_1015 = arith.constant 96 : index
      %get3A_1016 = tpu.vector_load %arg4[%get3A_1013, %get3A_1014, %get3A_1015] {strides = array<i32>} : memref<2x200x128xf32, #tpu.memory_space<vmem>>, vector<1x1x16xf32>,
      %get3A_1017 = vector.shape_cast %get3A_1016 : vector<1x1x16xf32> to vector<16xf32>
      %add3A_1018 = arith.addf %scan3A_969, %get3A_1017 : vector<16xf32>
      %get3A_1019 = arith.constant 0 : i32
      %get3A_1020 = arith.index_cast %get3A_1019 : i32 to index
      %get3A_1021 = arith.index_cast %scan3A_962 : i32 to index
      %get3A_1022 = arith.constant 112 : index
      %get3A_1023 = tpu.vector_load %arg4[%get3A_1020, %get3A_1021, %get3A_1022] {strides = array<i32>} : memref<2x200x128xf32, #tpu.memory_space<vmem>>, vector<1x1x16xf32>,
      %get3A_1024 = vector.shape_cast %get3A_1023 : vector<1x1x16xf32> to vector<16xf32>
      %add3A_1025 = arith.addf %scan3A_970, %get3A_1024 : vector<16xf32>
      scf.yield %add3A_976, %add3A_983, %add3A_990, %add3A_997, %add3A_1004, %add3A_1011, %add3A_1018, %add3A_1025 : vector<16xf32>, vector<16xf32>, vector<16xf32>, vector<16xf32>, vector<16xf32>, vector<16xf32>, vector<16xf32>, vector<16xf32>
    }
    %scan3A_641 = arith.constant 200 : i32
    %add3A_642 = arith.constant 3600 : i32
    %add3A_643 = arith.addi %mul3A_2, %add3A_642 : i32
    %dma_start3A_644 = arith.constant 0 : i32
    %dma_start3A_645 = arith.constant 0 : i32
    %dma_start3A_646 = arith.constant 0 : i32
    %dma_start3A_647 = tpu.memref_slice %arg4[%dma_start3A_644, %dma_start3A_645, %dma_start3A_646] : memref<2x200x128xf32, #tpu.memory_space<vmem>> -> memref<1x200x128xf32, #tpu.memory_space<vmem>>
    %dma_start3A_648 = tpu.memref_squeeze %dma_start3A_647 : memref<1x200x128xf32, #tpu.memory_space<vmem>> -> memref<200x128xf32, #tpu.memory_space<vmem>>
    %dma_start3A_649 = arith.constant 0 : i32
    %dma_start3A_650 = tpu.memref_slice %arg2[%add3A_643, %dma_start3A_649] : memref<320000x128xf32, #tpu.memory_space<hbm>> -> memref<200x128xf32, #tpu.memory_space<hbm>>
    %dma_start3A_651 = arith.constant 0 : i32
    %dma_start3A_652 = arith.constant 0 : i32
    %dma_start3A_653 = tpu.memref_slice %arg4[%dma_start3A_644, %dma_start3A_651, %dma_start3A_652] : memref<2x200x128xf32, #tpu.memory_space<vmem>> -> memref<1x200x128xf32, #tpu.memory_space<vmem>>
    %dma_start3A_654 = tpu.memref_squeeze %dma_start3A_653 : memref<1x200x128xf32, #tpu.memory_space<vmem>> -> memref<200x128xf32, #tpu.memory_space<vmem>>
    %dma_start3A_655 = arith.constant 0 : i32
    %dma_start3A_656 = tpu.memref_slice %arg2[%add3A_643, %dma_start3A_655] : memref<320000x128xf32, #tpu.memory_space<hbm>> -> memref<200x128xf32, #tpu.memory_space<hbm>>
    tpu.enqueue_dma source(%dma_start3A_656 : memref<200x128xf32, #tpu.memory_space<hbm>>) target(%dma_start3A_654 : memref<200x128xf32, #tpu.memory_space<vmem>>) target_semaphore(%arg6 : memref<!tpu.dma_semaphore, #tpu.memory_space<semaphore_mem>>)
    %add3A_657 = arith.constant 3400 : i32
    %add3A_658 = arith.addi %mul3A_2, %add3A_657 : i32
    %dma_wait3A_659 = arith.constant 1 : i32
    %dma_wait3A_660 = arith.constant 0 : i32
    %dma_wait3A_661 = arith.constant 0 : i32
    %dma_wait3A_662 = tpu.memref_slice %arg4[%dma_wait3A_659, %dma_wait3A_660, %dma_wait3A_661] : memref<2x200x128xf32, #tpu.memory_space<vmem>> -> memref<1x200x128xf32, #tpu.memory_space<vmem>>
    %dma_wait3A_663 = tpu.memref_squeeze %dma_wait3A_662 : memref<1x200x128xf32, #tpu.memory_space<vmem>> -> memref<200x128xf32, #tpu.memory_space<vmem>>
    %dma_wait3A_664 = arith.constant 0 : i32
    %dma_wait3A_665 = tpu.memref_slice %arg2[%add3A_658, %dma_wait3A_664] : memref<320000x128xf32, #tpu.memory_space<hbm>> -> memref<200x128xf32, #tpu.memory_space<hbm>>
    %dma_wait3A_666 = arith.constant 0 : i32
    %dma_wait3A_667 = arith.constant 0 : i32
    %dma_wait3A_668 = tpu.memref_slice %arg4[%dma_wait3A_659, %dma_wait3A_666, %dma_wait3A_667] : memref<2x200x128xf32, #tpu.memory_space<vmem>> -> memref<1x200x128xf32, #tpu.memory_space<vmem>>
    %dma_wait3A_669 = tpu.memref_squeeze %dma_wait3A_668 : memref<1x200x128xf32, #tpu.memory_space<vmem>> -> memref<200x128xf32, #tpu.memory_space<vmem>>
    %dma_wait3A_670 = arith.constant 0 : i32
    %dma_wait3A_671 = tpu.memref_slice %arg2[%add3A_658, %dma_wait3A_670] : memref<320000x128xf32, #tpu.memory_space<hbm>> -> memref<200x128xf32, #tpu.memory_space<hbm>>
    tpu.wait_dma2 semaphore(%arg7 : memref<!tpu.dma_semaphore, #tpu.memory_space<semaphore_mem>>) src(%dma_wait3A_671 : memref<200x128xf32, #tpu.memory_space<hbm>>) dst(%dma_wait3A_669 : memref<200x128xf32, #tpu.memory_space<vmem>>)
    %scan3A_672 = arith.constant 0 : i32
    %scan3A_673 = arith.constant 200 : i32
    %scan3A_674 = arith.addi %scan3A_672, %scan3A_673 : i32
    %scan3A_675 = arith.constant 1 : i32
    %scan3A_676:8 = scf.for %scan3A_962 = %scan3A_672 to %scan3A_674 step %scan3A_675 iter_args(%scan3A_963 = %scan3A_640#0, %scan3A_964 = %scan3A_640#1, %scan3A_965 = %scan3A_640#2, %scan3A_966 = %scan3A_640#3, %scan3A_967 = %scan3A_640#4, %scan3A_968 = %scan3A_640#5, %scan3A_969 = %scan3A_640#6, %scan3A_970 = %scan3A_640#7) -> (vector<16xf32>, vector<16xf32>, vector<16xf32>, vector<16xf32>, vector<16xf32>, vector<16xf32>, vector<16xf32>, vector<16xf32>)  : i32 {
      %get3A = arith.constant 1 : i32
      %get3A_971 = arith.index_cast %get3A : i32 to index
      %get3A_972 = arith.index_cast %scan3A_962 : i32 to index
      %get3A_973 = arith.constant 0 : index
      %get3A_974 = tpu.vector_load %arg4[%get3A_971, %get3A_972, %get3A_973] {strides = array<i32>} : memref<2x200x128xf32, #tpu.memory_space<vmem>>, vector<1x1x16xf32>,
      %get3A_975 = vector.shape_cast %get3A_974 : vector<1x1x16xf32> to vector<16xf32>
      %add3A_976 = arith.addf %scan3A_963, %get3A_975 : vector<16xf32>
      %get3A_977 = arith.constant 1 : i32
      %get3A_978 = arith.index_cast %get3A_977 : i32 to index
      %get3A_979 = arith.index_cast %scan3A_962 : i32 to index
      %get3A_980 = arith.constant 16 : index
      %get3A_981 = tpu.vector_load %arg4[%get3A_978, %get3A_979, %get3A_980] {strides = array<i32>} : memref<2x200x128xf32, #tpu.memory_space<vmem>>, vector<1x1x16xf32>,
      %get3A_982 = vector.shape_cast %get3A_981 : vector<1x1x16xf32> to vector<16xf32>
      %add3A_983 = arith.addf %scan3A_964, %get3A_982 : vector<16xf32>
      %get3A_984 = arith.constant 1 : i32
      %get3A_985 = arith.index_cast %get3A_984 : i32 to index
      %get3A_986 = arith.index_cast %scan3A_962 : i32 to index
      %get3A_987 = arith.constant 32 : index
      %get3A_988 = tpu.vector_load %arg4[%get3A_985, %get3A_986, %get3A_987] {strides = array<i32>} : memref<2x200x128xf32, #tpu.memory_space<vmem>>, vector<1x1x16xf32>,
      %get3A_989 = vector.shape_cast %get3A_988 : vector<1x1x16xf32> to vector<16xf32>
      %add3A_990 = arith.addf %scan3A_965, %get3A_989 : vector<16xf32>
      %get3A_991 = arith.constant 1 : i32
      %get3A_992 = arith.index_cast %get3A_991 : i32 to index
      %get3A_993 = arith.index_cast %scan3A_962 : i32 to index
      %get3A_994 = arith.constant 48 : index
      %get3A_995 = tpu.vector_load %arg4[%get3A_992, %get3A_993, %get3A_994] {strides = array<i32>} : memref<2x200x128xf32, #tpu.memory_space<vmem>>, vector<1x1x16xf32>,
      %get3A_996 = vector.shape_cast %get3A_995 : vector<1x1x16xf32> to vector<16xf32>
      %add3A_997 = arith.addf %scan3A_966, %get3A_996 : vector<16xf32>
      %get3A_998 = arith.constant 1 : i32
      %get3A_999 = arith.index_cast %get3A_998 : i32 to index
      %get3A_1000 = arith.index_cast %scan3A_962 : i32 to index
      %get3A_1001 = arith.constant 64 : index
      %get3A_1002 = tpu.vector_load %arg4[%get3A_999, %get3A_1000, %get3A_1001] {strides = array<i32>} : memref<2x200x128xf32, #tpu.memory_space<vmem>>, vector<1x1x16xf32>,
      %get3A_1003 = vector.shape_cast %get3A_1002 : vector<1x1x16xf32> to vector<16xf32>
      %add3A_1004 = arith.addf %scan3A_967, %get3A_1003 : vector<16xf32>
      %get3A_1005 = arith.constant 1 : i32
      %get3A_1006 = arith.index_cast %get3A_1005 : i32 to index
      %get3A_1007 = arith.index_cast %scan3A_962 : i32 to index
      %get3A_1008 = arith.constant 80 : index
      %get3A_1009 = tpu.vector_load %arg4[%get3A_1006, %get3A_1007, %get3A_1008] {strides = array<i32>} : memref<2x200x128xf32, #tpu.memory_space<vmem>>, vector<1x1x16xf32>,
      %get3A_1010 = vector.shape_cast %get3A_1009 : vector<1x1x16xf32> to vector<16xf32>
      %add3A_1011 = arith.addf %scan3A_968, %get3A_1010 : vector<16xf32>
      %get3A_1012 = arith.constant 1 : i32
      %get3A_1013 = arith.index_cast %get3A_1012 : i32 to index
      %get3A_1014 = arith.index_cast %scan3A_962 : i32 to index
      %get3A_1015 = arith.constant 96 : index
      %get3A_1016 = tpu.vector_load %arg4[%get3A_1013, %get3A_1014, %get3A_1015] {strides = array<i32>} : memref<2x200x128xf32, #tpu.memory_space<vmem>>, vector<1x1x16xf32>,
      %get3A_1017 = vector.shape_cast %get3A_1016 : vector<1x1x16xf32> to vector<16xf32>
      %add3A_1018 = arith.addf %scan3A_969, %get3A_1017 : vector<16xf32>
      %get3A_1019 = arith.constant 1 : i32
      %get3A_1020 = arith.index_cast %get3A_1019 : i32 to index
      %get3A_1021 = arith.index_cast %scan3A_962 : i32 to index
      %get3A_1022 = arith.constant 112 : index
      %get3A_1023 = tpu.vector_load %arg4[%get3A_1020, %get3A_1021, %get3A_1022] {strides = array<i32>} : memref<2x200x128xf32, #tpu.memory_space<vmem>>, vector<1x1x16xf32>,
      %get3A_1024 = vector.shape_cast %get3A_1023 : vector<1x1x16xf32> to vector<16xf32>
      %add3A_1025 = arith.addf %scan3A_970, %get3A_1024 : vector<16xf32>
      scf.yield %add3A_976, %add3A_983, %add3A_990, %add3A_997, %add3A_1004, %add3A_1011, %add3A_1018, %add3A_1025 : vector<16xf32>, vector<16xf32>, vector<16xf32>, vector<16xf32>, vector<16xf32>, vector<16xf32>, vector<16xf32>, vector<16xf32>
    }
    %scan3A_677 = arith.constant 200 : i32
    %add3A_678 = arith.constant 3800 : i32
    %add3A_679 = arith.addi %mul3A_2, %add3A_678 : i32
    %dma_start3A_680 = arith.constant 1 : i32
    %dma_start3A_681 = arith.constant 0 : i32
    %dma_start3A_682 = arith.constant 0 : i32
    %dma_start3A_683 = tpu.memref_slice %arg4[%dma_start3A_680, %dma_start3A_681, %dma_start3A_682] : memref<2x200x128xf32, #tpu.memory_space<vmem>> -> memref<1x200x128xf32, #tpu.memory_space<vmem>>
    %dma_start3A_684 = tpu.memref_squeeze %dma_start3A_683 : memref<1x200x128xf32, #tpu.memory_space<vmem>> -> memref<200x128xf32, #tpu.memory_space<vmem>>
    %dma_start3A_685 = arith.constant 0 : i32
    %dma_start3A_686 = tpu.memref_slice %arg2[%add3A_679, %dma_start3A_685] : memref<320000x128xf32, #tpu.memory_space<hbm>> -> memref<200x128xf32, #tpu.memory_space<hbm>>
    %dma_start3A_687 = arith.constant 0 : i32
    %dma_start3A_688 = arith.constant 0 : i32
    %dma_start3A_689 = tpu.memref_slice %arg4[%dma_start3A_680, %dma_start3A_687, %dma_start3A_688] : memref<2x200x128xf32, #tpu.memory_space<vmem>> -> memref<1x200x128xf32, #tpu.memory_space<vmem>>
    %dma_start3A_690 = tpu.memref_squeeze %dma_start3A_689 : memref<1x200x128xf32, #tpu.memory_space<vmem>> -> memref<200x128xf32, #tpu.memory_space<vmem>>
    %dma_start3A_691 = arith.constant 0 : i32
    %dma_start3A_692 = tpu.memref_slice %arg2[%add3A_679, %dma_start3A_691] : memref<320000x128xf32, #tpu.memory_space<hbm>> -> memref<200x128xf32, #tpu.memory_space<hbm>>
    tpu.enqueue_dma source(%dma_start3A_692 : memref<200x128xf32, #tpu.memory_space<hbm>>) target(%dma_start3A_690 : memref<200x128xf32, #tpu.memory_space<vmem>>) target_semaphore(%arg7 : memref<!tpu.dma_semaphore, #tpu.memory_space<semaphore_mem>>)
    %add3A_693 = arith.constant 3600 : i32
    %add3A_694 = arith.addi %mul3A_2, %add3A_693 : i32
    %dma_wait3A_695 = arith.constant 0 : i32
    %dma_wait3A_696 = arith.constant 0 : i32
    %dma_wait3A_697 = arith.constant 0 : i32
    %dma_wait3A_698 = tpu.memref_slice %arg4[%dma_wait3A_695, %dma_wait3A_696, %dma_wait3A_697] : memref<2x200x128xf32, #tpu.memory_space<vmem>> -> memref<1x200x128xf32, #tpu.memory_space<vmem>>
    %dma_wait3A_699 = tpu.memref_squeeze %dma_wait3A_698 : memref<1x200x128xf32, #tpu.memory_space<vmem>> -> memref<200x128xf32, #tpu.memory_space<vmem>>
    %dma_wait3A_700 = arith.constant 0 : i32
    %dma_wait3A_701 = tpu.memref_slice %arg2[%add3A_694, %dma_wait3A_700] : memref<320000x128xf32, #tpu.memory_space<hbm>> -> memref<200x128xf32, #tpu.memory_space<hbm>>
    %dma_wait3A_702 = arith.constant 0 : i32
    %dma_wait3A_703 = arith.constant 0 : i32
    %dma_wait3A_704 = tpu.memref_slice %arg4[%dma_wait3A_695, %dma_wait3A_702, %dma_wait3A_703] : memref<2x200x128xf32, #tpu.memory_space<vmem>> -> memref<1x200x128xf32, #tpu.memory_space<vmem>>
    %dma_wait3A_705 = tpu.memref_squeeze %dma_wait3A_704 : memref<1x200x128xf32, #tpu.memory_space<vmem>> -> memref<200x128xf32, #tpu.memory_space<vmem>>
    %dma_wait3A_706 = arith.constant 0 : i32
    %dma_wait3A_707 = tpu.memref_slice %arg2[%add3A_694, %dma_wait3A_706] : memref<320000x128xf32, #tpu.memory_space<hbm>> -> memref<200x128xf32, #tpu.memory_space<hbm>>
    tpu.wait_dma2 semaphore(%arg6 : memref<!tpu.dma_semaphore, #tpu.memory_space<semaphore_mem>>) src(%dma_wait3A_707 : memref<200x128xf32, #tpu.memory_space<hbm>>) dst(%dma_wait3A_705 : memref<200x128xf32, #tpu.memory_space<vmem>>)
    %scan3A_708 = arith.constant 0 : i32
    %scan3A_709 = arith.constant 200 : i32
    %scan3A_710 = arith.addi %scan3A_708, %scan3A_709 : i32
    %scan3A_711 = arith.constant 1 : i32
    %scan3A_712:8 = scf.for %scan3A_962 = %scan3A_708 to %scan3A_710 step %scan3A_711 iter_args(%scan3A_963 = %scan3A_676#0, %scan3A_964 = %scan3A_676#1, %scan3A_965 = %scan3A_676#2, %scan3A_966 = %scan3A_676#3, %scan3A_967 = %scan3A_676#4, %scan3A_968 = %scan3A_676#5, %scan3A_969 = %scan3A_676#6, %scan3A_970 = %scan3A_676#7) -> (vector<16xf32>, vector<16xf32>, vector<16xf32>, vector<16xf32>, vector<16xf32>, vector<16xf32>, vector<16xf32>, vector<16xf32>)  : i32 {
      %get3A = arith.constant 0 : i32
      %get3A_971 = arith.index_cast %get3A : i32 to index
      %get3A_972 = arith.index_cast %scan3A_962 : i32 to index
      %get3A_973 = arith.constant 0 : index
      %get3A_974 = tpu.vector_load %arg4[%get3A_971, %get3A_972, %get3A_973] {strides = array<i32>} : memref<2x200x128xf32, #tpu.memory_space<vmem>>, vector<1x1x16xf32>,
      %get3A_975 = vector.shape_cast %get3A_974 : vector<1x1x16xf32> to vector<16xf32>
      %add3A_976 = arith.addf %scan3A_963, %get3A_975 : vector<16xf32>
      %get3A_977 = arith.constant 0 : i32
      %get3A_978 = arith.index_cast %get3A_977 : i32 to index
      %get3A_979 = arith.index_cast %scan3A_962 : i32 to index
      %get3A_980 = arith.constant 16 : index
      %get3A_981 = tpu.vector_load %arg4[%get3A_978, %get3A_979, %get3A_980] {strides = array<i32>} : memref<2x200x128xf32, #tpu.memory_space<vmem>>, vector<1x1x16xf32>,
      %get3A_982 = vector.shape_cast %get3A_981 : vector<1x1x16xf32> to vector<16xf32>
      %add3A_983 = arith.addf %scan3A_964, %get3A_982 : vector<16xf32>
      %get3A_984 = arith.constant 0 : i32
      %get3A_985 = arith.index_cast %get3A_984 : i32 to index
      %get3A_986 = arith.index_cast %scan3A_962 : i32 to index
      %get3A_987 = arith.constant 32 : index
      %get3A_988 = tpu.vector_load %arg4[%get3A_985, %get3A_986, %get3A_987] {strides = array<i32>} : memref<2x200x128xf32, #tpu.memory_space<vmem>>, vector<1x1x16xf32>,
      %get3A_989 = vector.shape_cast %get3A_988 : vector<1x1x16xf32> to vector<16xf32>
      %add3A_990 = arith.addf %scan3A_965, %get3A_989 : vector<16xf32>
      %get3A_991 = arith.constant 0 : i32
      %get3A_992 = arith.index_cast %get3A_991 : i32 to index
      %get3A_993 = arith.index_cast %scan3A_962 : i32 to index
      %get3A_994 = arith.constant 48 : index
      %get3A_995 = tpu.vector_load %arg4[%get3A_992, %get3A_993, %get3A_994] {strides = array<i32>} : memref<2x200x128xf32, #tpu.memory_space<vmem>>, vector<1x1x16xf32>,
      %get3A_996 = vector.shape_cast %get3A_995 : vector<1x1x16xf32> to vector<16xf32>
      %add3A_997 = arith.addf %scan3A_966, %get3A_996 : vector<16xf32>
      %get3A_998 = arith.constant 0 : i32
      %get3A_999 = arith.index_cast %get3A_998 : i32 to index
      %get3A_1000 = arith.index_cast %scan3A_962 : i32 to index
      %get3A_1001 = arith.constant 64 : index
      %get3A_1002 = tpu.vector_load %arg4[%get3A_999, %get3A_1000, %get3A_1001] {strides = array<i32>} : memref<2x200x128xf32, #tpu.memory_space<vmem>>, vector<1x1x16xf32>,
      %get3A_1003 = vector.shape_cast %get3A_1002 : vector<1x1x16xf32> to vector<16xf32>
      %add3A_1004 = arith.addf %scan3A_967, %get3A_1003 : vector<16xf32>
      %get3A_1005 = arith.constant 0 : i32
      %get3A_1006 = arith.index_cast %get3A_1005 : i32 to index
      %get3A_1007 = arith.index_cast %scan3A_962 : i32 to index
      %get3A_1008 = arith.constant 80 : index
      %get3A_1009 = tpu.vector_load %arg4[%get3A_1006, %get3A_1007, %get3A_1008] {strides = array<i32>} : memref<2x200x128xf32, #tpu.memory_space<vmem>>, vector<1x1x16xf32>,
      %get3A_1010 = vector.shape_cast %get3A_1009 : vector<1x1x16xf32> to vector<16xf32>
      %add3A_1011 = arith.addf %scan3A_968, %get3A_1010 : vector<16xf32>
      %get3A_1012 = arith.constant 0 : i32
      %get3A_1013 = arith.index_cast %get3A_1012 : i32 to index
      %get3A_1014 = arith.index_cast %scan3A_962 : i32 to index
      %get3A_1015 = arith.constant 96 : index
      %get3A_1016 = tpu.vector_load %arg4[%get3A_1013, %get3A_1014, %get3A_1015] {strides = array<i32>} : memref<2x200x128xf32, #tpu.memory_space<vmem>>, vector<1x1x16xf32>,
      %get3A_1017 = vector.shape_cast %get3A_1016 : vector<1x1x16xf32> to vector<16xf32>
      %add3A_1018 = arith.addf %scan3A_969, %get3A_1017 : vector<16xf32>
      %get3A_1019 = arith.constant 0 : i32
      %get3A_1020 = arith.index_cast %get3A_1019 : i32 to index
      %get3A_1021 = arith.index_cast %scan3A_962 : i32 to index
      %get3A_1022 = arith.constant 112 : index
      %get3A_1023 = tpu.vector_load %arg4[%get3A_1020, %get3A_1021, %get3A_1022] {strides = array<i32>} : memref<2x200x128xf32, #tpu.memory_space<vmem>>, vector<1x1x16xf32>,
      %get3A_1024 = vector.shape_cast %get3A_1023 : vector<1x1x16xf32> to vector<16xf32>
      %add3A_1025 = arith.addf %scan3A_970, %get3A_1024 : vector<16xf32>
      scf.yield %add3A_976, %add3A_983, %add3A_990, %add3A_997, %add3A_1004, %add3A_1011, %add3A_1018, %add3A_1025 : vector<16xf32>, vector<16xf32>, vector<16xf32>, vector<16xf32>, vector<16xf32>, vector<16xf32>, vector<16xf32>, vector<16xf32>
    }
    %scan3A_713 = arith.constant 200 : i32
    %add3A_714 = arith.constant 4000 : i32
    %add3A_715 = arith.addi %mul3A_2, %add3A_714 : i32
    %dma_start3A_716 = arith.constant 0 : i32
    %dma_start3A_717 = arith.constant 0 : i32
    %dma_start3A_718 = arith.constant 0 : i32
    %dma_start3A_719 = tpu.memref_slice %arg4[%dma_start3A_716, %dma_start3A_717, %dma_start3A_718] : memref<2x200x128xf32, #tpu.memory_space<vmem>> -> memref<1x200x128xf32, #tpu.memory_space<vmem>>
    %dma_start3A_720 = tpu.memref_squeeze %dma_start3A_719 : memref<1x200x128xf32, #tpu.memory_space<vmem>> -> memref<200x128xf32, #tpu.memory_space<vmem>>
    %dma_start3A_721 = arith.constant 0 : i32
    %dma_start3A_722 = tpu.memref_slice %arg2[%add3A_715, %dma_start3A_721] : memref<320000x128xf32, #tpu.memory_space<hbm>> -> memref<200x128xf32, #tpu.memory_space<hbm>>
    %dma_start3A_723 = arith.constant 0 : i32
    %dma_start3A_724 = arith.constant 0 : i32
    %dma_start3A_725 = tpu.memref_slice %arg4[%dma_start3A_716, %dma_start3A_723, %dma_start3A_724] : memref<2x200x128xf32, #tpu.memory_space<vmem>> -> memref<1x200x128xf32, #tpu.memory_space<vmem>>
    %dma_start3A_726 = tpu.memref_squeeze %dma_start3A_725 : memref<1x200x128xf32, #tpu.memory_space<vmem>> -> memref<200x128xf32, #tpu.memory_space<vmem>>
    %dma_start3A_727 = arith.constant 0 : i32
    %dma_start3A_728 = tpu.memref_slice %arg2[%add3A_715, %dma_start3A_727] : memref<320000x128xf32, #tpu.memory_space<hbm>> -> memref<200x128xf32, #tpu.memory_space<hbm>>
    tpu.enqueue_dma source(%dma_start3A_728 : memref<200x128xf32, #tpu.memory_space<hbm>>) target(%dma_start3A_726 : memref<200x128xf32, #tpu.memory_space<vmem>>) target_semaphore(%arg6 : memref<!tpu.dma_semaphore, #tpu.memory_space<semaphore_mem>>)
    %add3A_729 = arith.constant 3800 : i32
    %add3A_730 = arith.addi %mul3A_2, %add3A_729 : i32
    %dma_wait3A_731 = arith.constant 1 : i32
    %dma_wait3A_732 = arith.constant 0 : i32
    %dma_wait3A_733 = arith.constant 0 : i32
    %dma_wait3A_734 = tpu.memref_slice %arg4[%dma_wait3A_731, %dma_wait3A_732, %dma_wait3A_733] : memref<2x200x128xf32, #tpu.memory_space<vmem>> -> memref<1x200x128xf32, #tpu.memory_space<vmem>>
    %dma_wait3A_735 = tpu.memref_squeeze %dma_wait3A_734 : memref<1x200x128xf32, #tpu.memory_space<vmem>> -> memref<200x128xf32, #tpu.memory_space<vmem>>
    %dma_wait3A_736 = arith.constant 0 : i32
    %dma_wait3A_737 = tpu.memref_slice %arg2[%add3A_730, %dma_wait3A_736] : memref<320000x128xf32, #tpu.memory_space<hbm>> -> memref<200x128xf32, #tpu.memory_space<hbm>>
    %dma_wait3A_738 = arith.constant 0 : i32
    %dma_wait3A_739 = arith.constant 0 : i32
    %dma_wait3A_740 = tpu.memref_slice %arg4[%dma_wait3A_731, %dma_wait3A_738, %dma_wait3A_739] : memref<2x200x128xf32, #tpu.memory_space<vmem>> -> memref<1x200x128xf32, #tpu.memory_space<vmem>>
    %dma_wait3A_741 = tpu.memref_squeeze %dma_wait3A_740 : memref<1x200x128xf32, #tpu.memory_space<vmem>> -> memref<200x128xf32, #tpu.memory_space<vmem>>
    %dma_wait3A_742 = arith.constant 0 : i32
    %dma_wait3A_743 = tpu.memref_slice %arg2[%add3A_730, %dma_wait3A_742] : memref<320000x128xf32, #tpu.memory_space<hbm>> -> memref<200x128xf32, #tpu.memory_space<hbm>>
    tpu.wait_dma2 semaphore(%arg7 : memref<!tpu.dma_semaphore, #tpu.memory_space<semaphore_mem>>) src(%dma_wait3A_743 : memref<200x128xf32, #tpu.memory_space<hbm>>) dst(%dma_wait3A_741 : memref<200x128xf32, #tpu.memory_space<vmem>>)
    %scan3A_744 = arith.constant 0 : i32
    %scan3A_745 = arith.constant 200 : i32
    %scan3A_746 = arith.addi %scan3A_744, %scan3A_745 : i32
    %scan3A_747 = arith.constant 1 : i32
    %scan3A_748:8 = scf.for %scan3A_962 = %scan3A_744 to %scan3A_746 step %scan3A_747 iter_args(%scan3A_963 = %scan3A_712#0, %scan3A_964 = %scan3A_712#1, %scan3A_965 = %scan3A_712#2, %scan3A_966 = %scan3A_712#3, %scan3A_967 = %scan3A_712#4, %scan3A_968 = %scan3A_712#5, %scan3A_969 = %scan3A_712#6, %scan3A_970 = %scan3A_712#7) -> (vector<16xf32>, vector<16xf32>, vector<16xf32>, vector<16xf32>, vector<16xf32>, vector<16xf32>, vector<16xf32>, vector<16xf32>)  : i32 {
      %get3A = arith.constant 1 : i32
      %get3A_971 = arith.index_cast %get3A : i32 to index
      %get3A_972 = arith.index_cast %scan3A_962 : i32 to index
      %get3A_973 = arith.constant 0 : index
      %get3A_974 = tpu.vector_load %arg4[%get3A_971, %get3A_972, %get3A_973] {strides = array<i32>} : memref<2x200x128xf32, #tpu.memory_space<vmem>>, vector<1x1x16xf32>,
      %get3A_975 = vector.shape_cast %get3A_974 : vector<1x1x16xf32> to vector<16xf32>
      %add3A_976 = arith.addf %scan3A_963, %get3A_975 : vector<16xf32>
      %get3A_977 = arith.constant 1 : i32
      %get3A_978 = arith.index_cast %get3A_977 : i32 to index
      %get3A_979 = arith.index_cast %scan3A_962 : i32 to index
      %get3A_980 = arith.constant 16 : index
      %get3A_981 = tpu.vector_load %arg4[%get3A_978, %get3A_979, %get3A_980] {strides = array<i32>} : memref<2x200x128xf32, #tpu.memory_space<vmem>>, vector<1x1x16xf32>,
      %get3A_982 = vector.shape_cast %get3A_981 : vector<1x1x16xf32> to vector<16xf32>
      %add3A_983 = arith.addf %scan3A_964, %get3A_982 : vector<16xf32>
      %get3A_984 = arith.constant 1 : i32
      %get3A_985 = arith.index_cast %get3A_984 : i32 to index
      %get3A_986 = arith.index_cast %scan3A_962 : i32 to index
      %get3A_987 = arith.constant 32 : index
      %get3A_988 = tpu.vector_load %arg4[%get3A_985, %get3A_986, %get3A_987] {strides = array<i32>} : memref<2x200x128xf32, #tpu.memory_space<vmem>>, vector<1x1x16xf32>,
      %get3A_989 = vector.shape_cast %get3A_988 : vector<1x1x16xf32> to vector<16xf32>
      %add3A_990 = arith.addf %scan3A_965, %get3A_989 : vector<16xf32>
      %get3A_991 = arith.constant 1 : i32
      %get3A_992 = arith.index_cast %get3A_991 : i32 to index
      %get3A_993 = arith.index_cast %scan3A_962 : i32 to index
      %get3A_994 = arith.constant 48 : index
      %get3A_995 = tpu.vector_load %arg4[%get3A_992, %get3A_993, %get3A_994] {strides = array<i32>} : memref<2x200x128xf32, #tpu.memory_space<vmem>>, vector<1x1x16xf32>,
      %get3A_996 = vector.shape_cast %get3A_995 : vector<1x1x16xf32> to vector<16xf32>
      %add3A_997 = arith.addf %scan3A_966, %get3A_996 : vector<16xf32>
      %get3A_998 = arith.constant 1 : i32
      %get3A_999 = arith.index_cast %get3A_998 : i32 to index
      %get3A_1000 = arith.index_cast %scan3A_962 : i32 to index
      %get3A_1001 = arith.constant 64 : index
      %get3A_1002 = tpu.vector_load %arg4[%get3A_999, %get3A_1000, %get3A_1001] {strides = array<i32>} : memref<2x200x128xf32, #tpu.memory_space<vmem>>, vector<1x1x16xf32>,
      %get3A_1003 = vector.shape_cast %get3A_1002 : vector<1x1x16xf32> to vector<16xf32>
      %add3A_1004 = arith.addf %scan3A_967, %get3A_1003 : vector<16xf32>
      %get3A_1005 = arith.constant 1 : i32
      %get3A_1006 = arith.index_cast %get3A_1005 : i32 to index
      %get3A_1007 = arith.index_cast %scan3A_962 : i32 to index
      %get3A_1008 = arith.constant 80 : index
      %get3A_1009 = tpu.vector_load %arg4[%get3A_1006, %get3A_1007, %get3A_1008] {strides = array<i32>} : memref<2x200x128xf32, #tpu.memory_space<vmem>>, vector<1x1x16xf32>,
      %get3A_1010 = vector.shape_cast %get3A_1009 : vector<1x1x16xf32> to vector<16xf32>
      %add3A_1011 = arith.addf %scan3A_968, %get3A_1010 : vector<16xf32>
      %get3A_1012 = arith.constant 1 : i32
      %get3A_1013 = arith.index_cast %get3A_1012 : i32 to index
      %get3A_1014 = arith.index_cast %scan3A_962 : i32 to index
      %get3A_1015 = arith.constant 96 : index
      %get3A_1016 = tpu.vector_load %arg4[%get3A_1013, %get3A_1014, %get3A_1015] {strides = array<i32>} : memref<2x200x128xf32, #tpu.memory_space<vmem>>, vector<1x1x16xf32>,
      %get3A_1017 = vector.shape_cast %get3A_1016 : vector<1x1x16xf32> to vector<16xf32>
      %add3A_1018 = arith.addf %scan3A_969, %get3A_1017 : vector<16xf32>
      %get3A_1019 = arith.constant 1 : i32
      %get3A_1020 = arith.index_cast %get3A_1019 : i32 to index
      %get3A_1021 = arith.index_cast %scan3A_962 : i32 to index
      %get3A_1022 = arith.constant 112 : index
      %get3A_1023 = tpu.vector_load %arg4[%get3A_1020, %get3A_1021, %get3A_1022] {strides = array<i32>} : memref<2x200x128xf32, #tpu.memory_space<vmem>>, vector<1x1x16xf32>,
      %get3A_1024 = vector.shape_cast %get3A_1023 : vector<1x1x16xf32> to vector<16xf32>
      %add3A_1025 = arith.addf %scan3A_970, %get3A_1024 : vector<16xf32>
      scf.yield %add3A_976, %add3A_983, %add3A_990, %add3A_997, %add3A_1004, %add3A_1011, %add3A_1018, %add3A_1025 : vector<16xf32>, vector<16xf32>, vector<16xf32>, vector<16xf32>, vector<16xf32>, vector<16xf32>, vector<16xf32>, vector<16xf32>
    }
    %scan3A_749 = arith.constant 200 : i32
    %add3A_750 = arith.constant 4200 : i32
    %add3A_751 = arith.addi %mul3A_2, %add3A_750 : i32
    %dma_start3A_752 = arith.constant 1 : i32
    %dma_start3A_753 = arith.constant 0 : i32
    %dma_start3A_754 = arith.constant 0 : i32
    %dma_start3A_755 = tpu.memref_slice %arg4[%dma_start3A_752, %dma_start3A_753, %dma_start3A_754] : memref<2x200x128xf32, #tpu.memory_space<vmem>> -> memref<1x200x128xf32, #tpu.memory_space<vmem>>
    %dma_start3A_756 = tpu.memref_squeeze %dma_start3A_755 : memref<1x200x128xf32, #tpu.memory_space<vmem>> -> memref<200x128xf32, #tpu.memory_space<vmem>>
    %dma_start3A_757 = arith.constant 0 : i32
    %dma_start3A_758 = tpu.memref_slice %arg2[%add3A_751, %dma_start3A_757] : memref<320000x128xf32, #tpu.memory_space<hbm>> -> memref<200x128xf32, #tpu.memory_space<hbm>>
    %dma_start3A_759 = arith.constant 0 : i32
    %dma_start3A_760 = arith.constant 0 : i32
    %dma_start3A_761 = tpu.memref_slice %arg4[%dma_start3A_752, %dma_start3A_759, %dma_start3A_760] : memref<2x200x128xf32, #tpu.memory_space<vmem>> -> memref<1x200x128xf32, #tpu.memory_space<vmem>>
    %dma_start3A_762 = tpu.memref_squeeze %dma_start3A_761 : memref<1x200x128xf32, #tpu.memory_space<vmem>> -> memref<200x128xf32, #tpu.memory_space<vmem>>
    %dma_start3A_763 = arith.constant 0 : i32
    %dma_start3A_764 = tpu.memref_slice %arg2[%add3A_751, %dma_start3A_763] : memref<320000x128xf32, #tpu.memory_space<hbm>> -> memref<200x128xf32, #tpu.memory_space<hbm>>
    tpu.enqueue_dma source(%dma_start3A_764 : memref<200x128xf32, #tpu.memory_space<hbm>>) target(%dma_start3A_762 : memref<200x128xf32, #tpu.memory_space<vmem>>) target_semaphore(%arg7 : memref<!tpu.dma_semaphore, #tpu.memory_space<semaphore_mem>>)
    %add3A_765 = arith.constant 4000 : i32
    %add3A_766 = arith.addi %mul3A_2, %add3A_765 : i32
    %dma_wait3A_767 = arith.constant 0 : i32
    %dma_wait3A_768 = arith.constant 0 : i32
    %dma_wait3A_769 = arith.constant 0 : i32
    %dma_wait3A_770 = tpu.memref_slice %arg4[%dma_wait3A_767, %dma_wait3A_768, %dma_wait3A_769] : memref<2x200x128xf32, #tpu.memory_space<vmem>> -> memref<1x200x128xf32, #tpu.memory_space<vmem>>
    %dma_wait3A_771 = tpu.memref_squeeze %dma_wait3A_770 : memref<1x200x128xf32, #tpu.memory_space<vmem>> -> memref<200x128xf32, #tpu.memory_space<vmem>>
    %dma_wait3A_772 = arith.constant 0 : i32
    %dma_wait3A_773 = tpu.memref_slice %arg2[%add3A_766, %dma_wait3A_772] : memref<320000x128xf32, #tpu.memory_space<hbm>> -> memref<200x128xf32, #tpu.memory_space<hbm>>
    %dma_wait3A_774 = arith.constant 0 : i32
    %dma_wait3A_775 = arith.constant 0 : i32
    %dma_wait3A_776 = tpu.memref_slice %arg4[%dma_wait3A_767, %dma_wait3A_774, %dma_wait3A_775] : memref<2x200x128xf32, #tpu.memory_space<vmem>> -> memref<1x200x128xf32, #tpu.memory_space<vmem>>
    %dma_wait3A_777 = tpu.memref_squeeze %dma_wait3A_776 : memref<1x200x128xf32, #tpu.memory_space<vmem>> -> memref<200x128xf32, #tpu.memory_space<vmem>>
    %dma_wait3A_778 = arith.constant 0 : i32
    %dma_wait3A_779 = tpu.memref_slice %arg2[%add3A_766, %dma_wait3A_778] : memref<320000x128xf32, #tpu.memory_space<hbm>> -> memref<200x128xf32, #tpu.memory_space<hbm>>
    tpu.wait_dma2 semaphore(%arg6 : memref<!tpu.dma_semaphore, #tpu.memory_space<semaphore_mem>>) src(%dma_wait3A_779 : memref<200x128xf32, #tpu.memory_space<hbm>>) dst(%dma_wait3A_777 : memref<200x128xf32, #tpu.memory_space<vmem>>)
    %scan3A_780 = arith.constant 0 : i32
    %scan3A_781 = arith.constant 200 : i32
    %scan3A_782 = arith.addi %scan3A_780, %scan3A_781 : i32
    %scan3A_783 = arith.constant 1 : i32
    %scan3A_784:8 = scf.for %scan3A_962 = %scan3A_780 to %scan3A_782 step %scan3A_783 iter_args(%scan3A_963 = %scan3A_748#0, %scan3A_964 = %scan3A_748#1, %scan3A_965 = %scan3A_748#2, %scan3A_966 = %scan3A_748#3, %scan3A_967 = %scan3A_748#4, %scan3A_968 = %scan3A_748#5, %scan3A_969 = %scan3A_748#6, %scan3A_970 = %scan3A_748#7) -> (vector<16xf32>, vector<16xf32>, vector<16xf32>, vector<16xf32>, vector<16xf32>, vector<16xf32>, vector<16xf32>, vector<16xf32>)  : i32 {
      %get3A = arith.constant 0 : i32
      %get3A_971 = arith.index_cast %get3A : i32 to index
      %get3A_972 = arith.index_cast %scan3A_962 : i32 to index
      %get3A_973 = arith.constant 0 : index
      %get3A_974 = tpu.vector_load %arg4[%get3A_971, %get3A_972, %get3A_973] {strides = array<i32>} : memref<2x200x128xf32, #tpu.memory_space<vmem>>, vector<1x1x16xf32>,
      %get3A_975 = vector.shape_cast %get3A_974 : vector<1x1x16xf32> to vector<16xf32>
      %add3A_976 = arith.addf %scan3A_963, %get3A_975 : vector<16xf32>
      %get3A_977 = arith.constant 0 : i32
      %get3A_978 = arith.index_cast %get3A_977 : i32 to index
      %get3A_979 = arith.index_cast %scan3A_962 : i32 to index
      %get3A_980 = arith.constant 16 : index
      %get3A_981 = tpu.vector_load %arg4[%get3A_978, %get3A_979, %get3A_980] {strides = array<i32>} : memref<2x200x128xf32, #tpu.memory_space<vmem>>, vector<1x1x16xf32>,
      %get3A_982 = vector.shape_cast %get3A_981 : vector<1x1x16xf32> to vector<16xf32>
      %add3A_983 = arith.addf %scan3A_964, %get3A_982 : vector<16xf32>
      %get3A_984 = arith.constant 0 : i32
      %get3A_985 = arith.index_cast %get3A_984 : i32 to index
      %get3A_986 = arith.index_cast %scan3A_962 : i32 to index
      %get3A_987 = arith.constant 32 : index
      %get3A_988 = tpu.vector_load %arg4[%get3A_985, %get3A_986, %get3A_987] {strides = array<i32>} : memref<2x200x128xf32, #tpu.memory_space<vmem>>, vector<1x1x16xf32>,
      %get3A_989 = vector.shape_cast %get3A_988 : vector<1x1x16xf32> to vector<16xf32>
      %add3A_990 = arith.addf %scan3A_965, %get3A_989 : vector<16xf32>
      %get3A_991 = arith.constant 0 : i32
      %get3A_992 = arith.index_cast %get3A_991 : i32 to index
      %get3A_993 = arith.index_cast %scan3A_962 : i32 to index
      %get3A_994 = arith.constant 48 : index
      %get3A_995 = tpu.vector_load %arg4[%get3A_992, %get3A_993, %get3A_994] {strides = array<i32>} : memref<2x200x128xf32, #tpu.memory_space<vmem>>, vector<1x1x16xf32>,
      %get3A_996 = vector.shape_cast %get3A_995 : vector<1x1x16xf32> to vector<16xf32>
      %add3A_997 = arith.addf %scan3A_966, %get3A_996 : vector<16xf32>
      %get3A_998 = arith.constant 0 : i32
      %get3A_999 = arith.index_cast %get3A_998 : i32 to index
      %get3A_1000 = arith.index_cast %scan3A_962 : i32 to index
      %get3A_1001 = arith.constant 64 : index
      %get3A_1002 = tpu.vector_load %arg4[%get3A_999, %get3A_1000, %get3A_1001] {strides = array<i32>} : memref<2x200x128xf32, #tpu.memory_space<vmem>>, vector<1x1x16xf32>,
      %get3A_1003 = vector.shape_cast %get3A_1002 : vector<1x1x16xf32> to vector<16xf32>
      %add3A_1004 = arith.addf %scan3A_967, %get3A_1003 : vector<16xf32>
      %get3A_1005 = arith.constant 0 : i32
      %get3A_1006 = arith.index_cast %get3A_1005 : i32 to index
      %get3A_1007 = arith.index_cast %scan3A_962 : i32 to index
      %get3A_1008 = arith.constant 80 : index
      %get3A_1009 = tpu.vector_load %arg4[%get3A_1006, %get3A_1007, %get3A_1008] {strides = array<i32>} : memref<2x200x128xf32, #tpu.memory_space<vmem>>, vector<1x1x16xf32>,
      %get3A_1010 = vector.shape_cast %get3A_1009 : vector<1x1x16xf32> to vector<16xf32>
      %add3A_1011 = arith.addf %scan3A_968, %get3A_1010 : vector<16xf32>
      %get3A_1012 = arith.constant 0 : i32
      %get3A_1013 = arith.index_cast %get3A_1012 : i32 to index
      %get3A_1014 = arith.index_cast %scan3A_962 : i32 to index
      %get3A_1015 = arith.constant 96 : index
      %get3A_1016 = tpu.vector_load %arg4[%get3A_1013, %get3A_1014, %get3A_1015] {strides = array<i32>} : memref<2x200x128xf32, #tpu.memory_space<vmem>>, vector<1x1x16xf32>,
      %get3A_1017 = vector.shape_cast %get3A_1016 : vector<1x1x16xf32> to vector<16xf32>
      %add3A_1018 = arith.addf %scan3A_969, %get3A_1017 : vector<16xf32>
      %get3A_1019 = arith.constant 0 : i32
      %get3A_1020 = arith.index_cast %get3A_1019 : i32 to index
      %get3A_1021 = arith.index_cast %scan3A_962 : i32 to index
      %get3A_1022 = arith.constant 112 : index
      %get3A_1023 = tpu.vector_load %arg4[%get3A_1020, %get3A_1021, %get3A_1022] {strides = array<i32>} : memref<2x200x128xf32, #tpu.memory_space<vmem>>, vector<1x1x16xf32>,
      %get3A_1024 = vector.shape_cast %get3A_1023 : vector<1x1x16xf32> to vector<16xf32>
      %add3A_1025 = arith.addf %scan3A_970, %get3A_1024 : vector<16xf32>
      scf.yield %add3A_976, %add3A_983, %add3A_990, %add3A_997, %add3A_1004, %add3A_1011, %add3A_1018, %add3A_1025 : vector<16xf32>, vector<16xf32>, vector<16xf32>, vector<16xf32>, vector<16xf32>, vector<16xf32>, vector<16xf32>, vector<16xf32>
    }
    %scan3A_785 = arith.constant 200 : i32
    %add3A_786 = arith.constant 4400 : i32
    %add3A_787 = arith.addi %mul3A_2, %add3A_786 : i32
    %dma_start3A_788 = arith.constant 0 : i32
    %dma_start3A_789 = arith.constant 0 : i32
    %dma_start3A_790 = arith.constant 0 : i32
    %dma_start3A_791 = tpu.memref_slice %arg4[%dma_start3A_788, %dma_start3A_789, %dma_start3A_790] : memref<2x200x128xf32, #tpu.memory_space<vmem>> -> memref<1x200x128xf32, #tpu.memory_space<vmem>>
    %dma_start3A_792 = tpu.memref_squeeze %dma_start3A_791 : memref<1x200x128xf32, #tpu.memory_space<vmem>> -> memref<200x128xf32, #tpu.memory_space<vmem>>
    %dma_start3A_793 = arith.constant 0 : i32
    %dma_start3A_794 = tpu.memref_slice %arg2[%add3A_787, %dma_start3A_793] : memref<320000x128xf32, #tpu.memory_space<hbm>> -> memref<200x128xf32, #tpu.memory_space<hbm>>
    %dma_start3A_795 = arith.constant 0 : i32
    %dma_start3A_796 = arith.constant 0 : i32
    %dma_start3A_797 = tpu.memref_slice %arg4[%dma_start3A_788, %dma_start3A_795, %dma_start3A_796] : memref<2x200x128xf32, #tpu.memory_space<vmem>> -> memref<1x200x128xf32, #tpu.memory_space<vmem>>
    %dma_start3A_798 = tpu.memref_squeeze %dma_start3A_797 : memref<1x200x128xf32, #tpu.memory_space<vmem>> -> memref<200x128xf32, #tpu.memory_space<vmem>>
    %dma_start3A_799 = arith.constant 0 : i32
    %dma_start3A_800 = tpu.memref_slice %arg2[%add3A_787, %dma_start3A_799] : memref<320000x128xf32, #tpu.memory_space<hbm>> -> memref<200x128xf32, #tpu.memory_space<hbm>>
    tpu.enqueue_dma source(%dma_start3A_800 : memref<200x128xf32, #tpu.memory_space<hbm>>) target(%dma_start3A_798 : memref<200x128xf32, #tpu.memory_space<vmem>>) target_semaphore(%arg6 : memref<!tpu.dma_semaphore, #tpu.memory_space<semaphore_mem>>)
    %add3A_801 = arith.constant 4200 : i32
    %add3A_802 = arith.addi %mul3A_2, %add3A_801 : i32
    %dma_wait3A_803 = arith.constant 1 : i32
    %dma_wait3A_804 = arith.constant 0 : i32
    %dma_wait3A_805 = arith.constant 0 : i32
    %dma_wait3A_806 = tpu.memref_slice %arg4[%dma_wait3A_803, %dma_wait3A_804, %dma_wait3A_805] : memref<2x200x128xf32, #tpu.memory_space<vmem>> -> memref<1x200x128xf32, #tpu.memory_space<vmem>>
    %dma_wait3A_807 = tpu.memref_squeeze %dma_wait3A_806 : memref<1x200x128xf32, #tpu.memory_space<vmem>> -> memref<200x128xf32, #tpu.memory_space<vmem>>
    %dma_wait3A_808 = arith.constant 0 : i32
    %dma_wait3A_809 = tpu.memref_slice %arg2[%add3A_802, %dma_wait3A_808] : memref<320000x128xf32, #tpu.memory_space<hbm>> -> memref<200x128xf32, #tpu.memory_space<hbm>>
    %dma_wait3A_810 = arith.constant 0 : i32
    %dma_wait3A_811 = arith.constant 0 : i32
    %dma_wait3A_812 = tpu.memref_slice %arg4[%dma_wait3A_803, %dma_wait3A_810, %dma_wait3A_811] : memref<2x200x128xf32, #tpu.memory_space<vmem>> -> memref<1x200x128xf32, #tpu.memory_space<vmem>>
    %dma_wait3A_813 = tpu.memref_squeeze %dma_wait3A_812 : memref<1x200x128xf32, #tpu.memory_space<vmem>> -> memref<200x128xf32, #tpu.memory_space<vmem>>
    %dma_wait3A_814 = arith.constant 0 : i32
    %dma_wait3A_815 = tpu.memref_slice %arg2[%add3A_802, %dma_wait3A_814] : memref<320000x128xf32, #tpu.memory_space<hbm>> -> memref<200x128xf32, #tpu.memory_space<hbm>>
    tpu.wait_dma2 semaphore(%arg7 : memref<!tpu.dma_semaphore, #tpu.memory_space<semaphore_mem>>) src(%dma_wait3A_815 : memref<200x128xf32, #tpu.memory_space<hbm>>) dst(%dma_wait3A_813 : memref<200x128xf32, #tpu.memory_space<vmem>>)
    %scan3A_816 = arith.constant 0 : i32
    %scan3A_817 = arith.constant 200 : i32
    %scan3A_818 = arith.addi %scan3A_816, %scan3A_817 : i32
    %scan3A_819 = arith.constant 1 : i32
    %scan3A_820:8 = scf.for %scan3A_962 = %scan3A_816 to %scan3A_818 step %scan3A_819 iter_args(%scan3A_963 = %scan3A_784#0, %scan3A_964 = %scan3A_784#1, %scan3A_965 = %scan3A_784#2, %scan3A_966 = %scan3A_784#3, %scan3A_967 = %scan3A_784#4, %scan3A_968 = %scan3A_784#5, %scan3A_969 = %scan3A_784#6, %scan3A_970 = %scan3A_784#7) -> (vector<16xf32>, vector<16xf32>, vector<16xf32>, vector<16xf32>, vector<16xf32>, vector<16xf32>, vector<16xf32>, vector<16xf32>)  : i32 {
      %get3A = arith.constant 1 : i32
      %get3A_971 = arith.index_cast %get3A : i32 to index
      %get3A_972 = arith.index_cast %scan3A_962 : i32 to index
      %get3A_973 = arith.constant 0 : index
      %get3A_974 = tpu.vector_load %arg4[%get3A_971, %get3A_972, %get3A_973] {strides = array<i32>} : memref<2x200x128xf32, #tpu.memory_space<vmem>>, vector<1x1x16xf32>,
      %get3A_975 = vector.shape_cast %get3A_974 : vector<1x1x16xf32> to vector<16xf32>
      %add3A_976 = arith.addf %scan3A_963, %get3A_975 : vector<16xf32>
      %get3A_977 = arith.constant 1 : i32
      %get3A_978 = arith.index_cast %get3A_977 : i32 to index
      %get3A_979 = arith.index_cast %scan3A_962 : i32 to index
      %get3A_980 = arith.constant 16 : index
      %get3A_981 = tpu.vector_load %arg4[%get3A_978, %get3A_979, %get3A_980] {strides = array<i32>} : memref<2x200x128xf32, #tpu.memory_space<vmem>>, vector<1x1x16xf32>,
      %get3A_982 = vector.shape_cast %get3A_981 : vector<1x1x16xf32> to vector<16xf32>
      %add3A_983 = arith.addf %scan3A_964, %get3A_982 : vector<16xf32>
      %get3A_984 = arith.constant 1 : i32
      %get3A_985 = arith.index_cast %get3A_984 : i32 to index
      %get3A_986 = arith.index_cast %scan3A_962 : i32 to index
      %get3A_987 = arith.constant 32 : index
      %get3A_988 = tpu.vector_load %arg4[%get3A_985, %get3A_986, %get3A_987] {strides = array<i32>} : memref<2x200x128xf32, #tpu.memory_space<vmem>>, vector<1x1x16xf32>,
      %get3A_989 = vector.shape_cast %get3A_988 : vector<1x1x16xf32> to vector<16xf32>
      %add3A_990 = arith.addf %scan3A_965, %get3A_989 : vector<16xf32>
      %get3A_991 = arith.constant 1 : i32
      %get3A_992 = arith.index_cast %get3A_991 : i32 to index
      %get3A_993 = arith.index_cast %scan3A_962 : i32 to index
      %get3A_994 = arith.constant 48 : index
      %get3A_995 = tpu.vector_load %arg4[%get3A_992, %get3A_993, %get3A_994] {strides = array<i32>} : memref<2x200x128xf32, #tpu.memory_space<vmem>>, vector<1x1x16xf32>,
      %get3A_996 = vector.shape_cast %get3A_995 : vector<1x1x16xf32> to vector<16xf32>
      %add3A_997 = arith.addf %scan3A_966, %get3A_996 : vector<16xf32>
      %get3A_998 = arith.constant 1 : i32
      %get3A_999 = arith.index_cast %get3A_998 : i32 to index
      %get3A_1000 = arith.index_cast %scan3A_962 : i32 to index
      %get3A_1001 = arith.constant 64 : index
      %get3A_1002 = tpu.vector_load %arg4[%get3A_999, %get3A_1000, %get3A_1001] {strides = array<i32>} : memref<2x200x128xf32, #tpu.memory_space<vmem>>, vector<1x1x16xf32>,
      %get3A_1003 = vector.shape_cast %get3A_1002 : vector<1x1x16xf32> to vector<16xf32>
      %add3A_1004 = arith.addf %scan3A_967, %get3A_1003 : vector<16xf32>
      %get3A_1005 = arith.constant 1 : i32
      %get3A_1006 = arith.index_cast %get3A_1005 : i32 to index
      %get3A_1007 = arith.index_cast %scan3A_962 : i32 to index
      %get3A_1008 = arith.constant 80 : index
      %get3A_1009 = tpu.vector_load %arg4[%get3A_1006, %get3A_1007, %get3A_1008] {strides = array<i32>} : memref<2x200x128xf32, #tpu.memory_space<vmem>>, vector<1x1x16xf32>,
      %get3A_1010 = vector.shape_cast %get3A_1009 : vector<1x1x16xf32> to vector<16xf32>
      %add3A_1011 = arith.addf %scan3A_968, %get3A_1010 : vector<16xf32>
      %get3A_1012 = arith.constant 1 : i32
      %get3A_1013 = arith.index_cast %get3A_1012 : i32 to index
      %get3A_1014 = arith.index_cast %scan3A_962 : i32 to index
      %get3A_1015 = arith.constant 96 : index
      %get3A_1016 = tpu.vector_load %arg4[%get3A_1013, %get3A_1014, %get3A_1015] {strides = array<i32>} : memref<2x200x128xf32, #tpu.memory_space<vmem>>, vector<1x1x16xf32>,
      %get3A_1017 = vector.shape_cast %get3A_1016 : vector<1x1x16xf32> to vector<16xf32>
      %add3A_1018 = arith.addf %scan3A_969, %get3A_1017 : vector<16xf32>
      %get3A_1019 = arith.constant 1 : i32
      %get3A_1020 = arith.index_cast %get3A_1019 : i32 to index
      %get3A_1021 = arith.index_cast %scan3A_962 : i32 to index
      %get3A_1022 = arith.constant 112 : index
      %get3A_1023 = tpu.vector_load %arg4[%get3A_1020, %get3A_1021, %get3A_1022] {strides = array<i32>} : memref<2x200x128xf32, #tpu.memory_space<vmem>>, vector<1x1x16xf32>,
      %get3A_1024 = vector.shape_cast %get3A_1023 : vector<1x1x16xf32> to vector<16xf32>
      %add3A_1025 = arith.addf %scan3A_970, %get3A_1024 : vector<16xf32>
      scf.yield %add3A_976, %add3A_983, %add3A_990, %add3A_997, %add3A_1004, %add3A_1011, %add3A_1018, %add3A_1025 : vector<16xf32>, vector<16xf32>, vector<16xf32>, vector<16xf32>, vector<16xf32>, vector<16xf32>, vector<16xf32>, vector<16xf32>
    }
    %scan3A_821 = arith.constant 200 : i32
    %add3A_822 = arith.constant 4600 : i32
    %add3A_823 = arith.addi %mul3A_2, %add3A_822 : i32
    %dma_start3A_824 = arith.constant 1 : i32
    %dma_start3A_825 = arith.constant 0 : i32
    %dma_start3A_826 = arith.constant 0 : i32
    %dma_start3A_827 = tpu.memref_slice %arg4[%dma_start3A_824, %dma_start3A_825, %dma_start3A_826] : memref<2x200x128xf32, #tpu.memory_space<vmem>> -> memref<1x200x128xf32, #tpu.memory_space<vmem>>
    %dma_start3A_828 = tpu.memref_squeeze %dma_start3A_827 : memref<1x200x128xf32, #tpu.memory_space<vmem>> -> memref<200x128xf32, #tpu.memory_space<vmem>>
    %dma_start3A_829 = arith.constant 0 : i32
    %dma_start3A_830 = tpu.memref_slice %arg2[%add3A_823, %dma_start3A_829] : memref<320000x128xf32, #tpu.memory_space<hbm>> -> memref<200x128xf32, #tpu.memory_space<hbm>>
    %dma_start3A_831 = arith.constant 0 : i32
    %dma_start3A_832 = arith.constant 0 : i32
    %dma_start3A_833 = tpu.memref_slice %arg4[%dma_start3A_824, %dma_start3A_831, %dma_start3A_832] : memref<2x200x128xf32, #tpu.memory_space<vmem>> -> memref<1x200x128xf32, #tpu.memory_space<vmem>>
    %dma_start3A_834 = tpu.memref_squeeze %dma_start3A_833 : memref<1x200x128xf32, #tpu.memory_space<vmem>> -> memref<200x128xf32, #tpu.memory_space<vmem>>
    %dma_start3A_835 = arith.constant 0 : i32
    %dma_start3A_836 = tpu.memref_slice %arg2[%add3A_823, %dma_start3A_835] : memref<320000x128xf32, #tpu.memory_space<hbm>> -> memref<200x128xf32, #tpu.memory_space<hbm>>
    tpu.enqueue_dma source(%dma_start3A_836 : memref<200x128xf32, #tpu.memory_space<hbm>>) target(%dma_start3A_834 : memref<200x128xf32, #tpu.memory_space<vmem>>) target_semaphore(%arg7 : memref<!tpu.dma_semaphore, #tpu.memory_space<semaphore_mem>>)
    %add3A_837 = arith.constant 4400 : i32
    %add3A_838 = arith.addi %mul3A_2, %add3A_837 : i32
    %dma_wait3A_839 = arith.constant 0 : i32
    %dma_wait3A_840 = arith.constant 0 : i32
    %dma_wait3A_841 = arith.constant 0 : i32
    %dma_wait3A_842 = tpu.memref_slice %arg4[%dma_wait3A_839, %dma_wait3A_840, %dma_wait3A_841] : memref<2x200x128xf32, #tpu.memory_space<vmem>> -> memref<1x200x128xf32, #tpu.memory_space<vmem>>
    %dma_wait3A_843 = tpu.memref_squeeze %dma_wait3A_842 : memref<1x200x128xf32, #tpu.memory_space<vmem>> -> memref<200x128xf32, #tpu.memory_space<vmem>>
    %dma_wait3A_844 = arith.constant 0 : i32
    %dma_wait3A_845 = tpu.memref_slice %arg2[%add3A_838, %dma_wait3A_844] : memref<320000x128xf32, #tpu.memory_space<hbm>> -> memref<200x128xf32, #tpu.memory_space<hbm>>
    %dma_wait3A_846 = arith.constant 0 : i32
    %dma_wait3A_847 = arith.constant 0 : i32
    %dma_wait3A_848 = tpu.memref_slice %arg4[%dma_wait3A_839, %dma_wait3A_846, %dma_wait3A_847] : memref<2x200x128xf32, #tpu.memory_space<vmem>> -> memref<1x200x128xf32, #tpu.memory_space<vmem>>
    %dma_wait3A_849 = tpu.memref_squeeze %dma_wait3A_848 : memref<1x200x128xf32, #tpu.memory_space<vmem>> -> memref<200x128xf32, #tpu.memory_space<vmem>>
    %dma_wait3A_850 = arith.constant 0 : i32
    %dma_wait3A_851 = tpu.memref_slice %arg2[%add3A_838, %dma_wait3A_850] : memref<320000x128xf32, #tpu.memory_space<hbm>> -> memref<200x128xf32, #tpu.memory_space<hbm>>
    tpu.wait_dma2 semaphore(%arg6 : memref<!tpu.dma_semaphore, #tpu.memory_space<semaphore_mem>>) src(%dma_wait3A_851 : memref<200x128xf32, #tpu.memory_space<hbm>>) dst(%dma_wait3A_849 : memref<200x128xf32, #tpu.memory_space<vmem>>)
    %scan3A_852 = arith.constant 0 : i32
    %scan3A_853 = arith.constant 200 : i32
    %scan3A_854 = arith.addi %scan3A_852, %scan3A_853 : i32
    %scan3A_855 = arith.constant 1 : i32
    %scan3A_856:8 = scf.for %scan3A_962 = %scan3A_852 to %scan3A_854 step %scan3A_855 iter_args(%scan3A_963 = %scan3A_820#0, %scan3A_964 = %scan3A_820#1, %scan3A_965 = %scan3A_820#2, %scan3A_966 = %scan3A_820#3, %scan3A_967 = %scan3A_820#4, %scan3A_968 = %scan3A_820#5, %scan3A_969 = %scan3A_820#6, %scan3A_970 = %scan3A_820#7) -> (vector<16xf32>, vector<16xf32>, vector<16xf32>, vector<16xf32>, vector<16xf32>, vector<16xf32>, vector<16xf32>, vector<16xf32>)  : i32 {
      %get3A = arith.constant 0 : i32
      %get3A_971 = arith.index_cast %get3A : i32 to index
      %get3A_972 = arith.index_cast %scan3A_962 : i32 to index
      %get3A_973 = arith.constant 0 : index
      %get3A_974 = tpu.vector_load %arg4[%get3A_971, %get3A_972, %get3A_973] {strides = array<i32>} : memref<2x200x128xf32, #tpu.memory_space<vmem>>, vector<1x1x16xf32>,
      %get3A_975 = vector.shape_cast %get3A_974 : vector<1x1x16xf32> to vector<16xf32>
      %add3A_976 = arith.addf %scan3A_963, %get3A_975 : vector<16xf32>
      %get3A_977 = arith.constant 0 : i32
      %get3A_978 = arith.index_cast %get3A_977 : i32 to index
      %get3A_979 = arith.index_cast %scan3A_962 : i32 to index
      %get3A_980 = arith.constant 16 : index
      %get3A_981 = tpu.vector_load %arg4[%get3A_978, %get3A_979, %get3A_980] {strides = array<i32>} : memref<2x200x128xf32, #tpu.memory_space<vmem>>, vector<1x1x16xf32>,
      %get3A_982 = vector.shape_cast %get3A_981 : vector<1x1x16xf32> to vector<16xf32>
      %add3A_983 = arith.addf %scan3A_964, %get3A_982 : vector<16xf32>
      %get3A_984 = arith.constant 0 : i32
      %get3A_985 = arith.index_cast %get3A_984 : i32 to index
      %get3A_986 = arith.index_cast %scan3A_962 : i32 to index
      %get3A_987 = arith.constant 32 : index
      %get3A_988 = tpu.vector_load %arg4[%get3A_985, %get3A_986, %get3A_987] {strides = array<i32>} : memref<2x200x128xf32, #tpu.memory_space<vmem>>, vector<1x1x16xf32>,
      %get3A_989 = vector.shape_cast %get3A_988 : vector<1x1x16xf32> to vector<16xf32>
      %add3A_990 = arith.addf %scan3A_965, %get3A_989 : vector<16xf32>
      %get3A_991 = arith.constant 0 : i32
      %get3A_992 = arith.index_cast %get3A_991 : i32 to index
      %get3A_993 = arith.index_cast %scan3A_962 : i32 to index
      %get3A_994 = arith.constant 48 : index
      %get3A_995 = tpu.vector_load %arg4[%get3A_992, %get3A_993, %get3A_994] {strides = array<i32>} : memref<2x200x128xf32, #tpu.memory_space<vmem>>, vector<1x1x16xf32>,
      %get3A_996 = vector.shape_cast %get3A_995 : vector<1x1x16xf32> to vector<16xf32>
      %add3A_997 = arith.addf %scan3A_966, %get3A_996 : vector<16xf32>
      %get3A_998 = arith.constant 0 : i32
      %get3A_999 = arith.index_cast %get3A_998 : i32 to index
      %get3A_1000 = arith.index_cast %scan3A_962 : i32 to index
      %get3A_1001 = arith.constant 64 : index
      %get3A_1002 = tpu.vector_load %arg4[%get3A_999, %get3A_1000, %get3A_1001] {strides = array<i32>} : memref<2x200x128xf32, #tpu.memory_space<vmem>>, vector<1x1x16xf32>,
      %get3A_1003 = vector.shape_cast %get3A_1002 : vector<1x1x16xf32> to vector<16xf32>
      %add3A_1004 = arith.addf %scan3A_967, %get3A_1003 : vector<16xf32>
      %get3A_1005 = arith.constant 0 : i32
      %get3A_1006 = arith.index_cast %get3A_1005 : i32 to index
      %get3A_1007 = arith.index_cast %scan3A_962 : i32 to index
      %get3A_1008 = arith.constant 80 : index
      %get3A_1009 = tpu.vector_load %arg4[%get3A_1006, %get3A_1007, %get3A_1008] {strides = array<i32>} : memref<2x200x128xf32, #tpu.memory_space<vmem>>, vector<1x1x16xf32>,
      %get3A_1010 = vector.shape_cast %get3A_1009 : vector<1x1x16xf32> to vector<16xf32>
      %add3A_1011 = arith.addf %scan3A_968, %get3A_1010 : vector<16xf32>
      %get3A_1012 = arith.constant 0 : i32
      %get3A_1013 = arith.index_cast %get3A_1012 : i32 to index
      %get3A_1014 = arith.index_cast %scan3A_962 : i32 to index
      %get3A_1015 = arith.constant 96 : index
      %get3A_1016 = tpu.vector_load %arg4[%get3A_1013, %get3A_1014, %get3A_1015] {strides = array<i32>} : memref<2x200x128xf32, #tpu.memory_space<vmem>>, vector<1x1x16xf32>,
      %get3A_1017 = vector.shape_cast %get3A_1016 : vector<1x1x16xf32> to vector<16xf32>
      %add3A_1018 = arith.addf %scan3A_969, %get3A_1017 : vector<16xf32>
      %get3A_1019 = arith.constant 0 : i32
      %get3A_1020 = arith.index_cast %get3A_1019 : i32 to index
      %get3A_1021 = arith.index_cast %scan3A_962 : i32 to index
      %get3A_1022 = arith.constant 112 : index
      %get3A_1023 = tpu.vector_load %arg4[%get3A_1020, %get3A_1021, %get3A_1022] {strides = array<i32>} : memref<2x200x128xf32, #tpu.memory_space<vmem>>, vector<1x1x16xf32>,
      %get3A_1024 = vector.shape_cast %get3A_1023 : vector<1x1x16xf32> to vector<16xf32>
      %add3A_1025 = arith.addf %scan3A_970, %get3A_1024 : vector<16xf32>
      scf.yield %add3A_976, %add3A_983, %add3A_990, %add3A_997, %add3A_1004, %add3A_1011, %add3A_1018, %add3A_1025 : vector<16xf32>, vector<16xf32>, vector<16xf32>, vector<16xf32>, vector<16xf32>, vector<16xf32>, vector<16xf32>, vector<16xf32>
    }
    %scan3A_857 = arith.constant 200 : i32
    %add3A_858 = arith.constant 4800 : i32
    %add3A_859 = arith.addi %mul3A_2, %add3A_858 : i32
    %dma_start3A_860 = arith.constant 0 : i32
    %dma_start3A_861 = arith.constant 0 : i32
    %dma_start3A_862 = arith.constant 0 : i32
    %dma_start3A_863 = tpu.memref_slice %arg4[%dma_start3A_860, %dma_start3A_861, %dma_start3A_862] : memref<2x200x128xf32, #tpu.memory_space<vmem>> -> memref<1x200x128xf32, #tpu.memory_space<vmem>>
    %dma_start3A_864 = tpu.memref_squeeze %dma_start3A_863 : memref<1x200x128xf32, #tpu.memory_space<vmem>> -> memref<200x128xf32, #tpu.memory_space<vmem>>
    %dma_start3A_865 = arith.constant 0 : i32
    %dma_start3A_866 = tpu.memref_slice %arg2[%add3A_859, %dma_start3A_865] : memref<320000x128xf32, #tpu.memory_space<hbm>> -> memref<200x128xf32, #tpu.memory_space<hbm>>
    %dma_start3A_867 = arith.constant 0 : i32
    %dma_start3A_868 = arith.constant 0 : i32
    %dma_start3A_869 = tpu.memref_slice %arg4[%dma_start3A_860, %dma_start3A_867, %dma_start3A_868] : memref<2x200x128xf32, #tpu.memory_space<vmem>> -> memref<1x200x128xf32, #tpu.memory_space<vmem>>
    %dma_start3A_870 = tpu.memref_squeeze %dma_start3A_869 : memref<1x200x128xf32, #tpu.memory_space<vmem>> -> memref<200x128xf32, #tpu.memory_space<vmem>>
    %dma_start3A_871 = arith.constant 0 : i32
    %dma_start3A_872 = tpu.memref_slice %arg2[%add3A_859, %dma_start3A_871] : memref<320000x128xf32, #tpu.memory_space<hbm>> -> memref<200x128xf32, #tpu.memory_space<hbm>>
    tpu.enqueue_dma source(%dma_start3A_872 : memref<200x128xf32, #tpu.memory_space<hbm>>) target(%dma_start3A_870 : memref<200x128xf32, #tpu.memory_space<vmem>>) target_semaphore(%arg6 : memref<!tpu.dma_semaphore, #tpu.memory_space<semaphore_mem>>)
    %add3A_873 = arith.constant 4600 : i32
    %add3A_874 = arith.addi %mul3A_2, %add3A_873 : i32
    %dma_wait3A_875 = arith.constant 1 : i32
    %dma_wait3A_876 = arith.constant 0 : i32
    %dma_wait3A_877 = arith.constant 0 : i32
    %dma_wait3A_878 = tpu.memref_slice %arg4[%dma_wait3A_875, %dma_wait3A_876, %dma_wait3A_877] : memref<2x200x128xf32, #tpu.memory_space<vmem>> -> memref<1x200x128xf32, #tpu.memory_space<vmem>>
    %dma_wait3A_879 = tpu.memref_squeeze %dma_wait3A_878 : memref<1x200x128xf32, #tpu.memory_space<vmem>> -> memref<200x128xf32, #tpu.memory_space<vmem>>
    %dma_wait3A_880 = arith.constant 0 : i32
    %dma_wait3A_881 = tpu.memref_slice %arg2[%add3A_874, %dma_wait3A_880] : memref<320000x128xf32, #tpu.memory_space<hbm>> -> memref<200x128xf32, #tpu.memory_space<hbm>>
    %dma_wait3A_882 = arith.constant 0 : i32
    %dma_wait3A_883 = arith.constant 0 : i32
    %dma_wait3A_884 = tpu.memref_slice %arg4[%dma_wait3A_875, %dma_wait3A_882, %dma_wait3A_883] : memref<2x200x128xf32, #tpu.memory_space<vmem>> -> memref<1x200x128xf32, #tpu.memory_space<vmem>>
    %dma_wait3A_885 = tpu.memref_squeeze %dma_wait3A_884 : memref<1x200x128xf32, #tpu.memory_space<vmem>> -> memref<200x128xf32, #tpu.memory_space<vmem>>
    %dma_wait3A_886 = arith.constant 0 : i32
    %dma_wait3A_887 = tpu.memref_slice %arg2[%add3A_874, %dma_wait3A_886] : memref<320000x128xf32, #tpu.memory_space<hbm>> -> memref<200x128xf32, #tpu.memory_space<hbm>>
    tpu.wait_dma2 semaphore(%arg7 : memref<!tpu.dma_semaphore, #tpu.memory_space<semaphore_mem>>) src(%dma_wait3A_887 : memref<200x128xf32, #tpu.memory_space<hbm>>) dst(%dma_wait3A_885 : memref<200x128xf32, #tpu.memory_space<vmem>>)
    %scan3A_888 = arith.constant 0 : i32
    %scan3A_889 = arith.constant 200 : i32
    %scan3A_890 = arith.addi %scan3A_888, %scan3A_889 : i32
    %scan3A_891 = arith.constant 1 : i32
    %scan3A_892:8 = scf.for %scan3A_962 = %scan3A_888 to %scan3A_890 step %scan3A_891 iter_args(%scan3A_963 = %scan3A_856#0, %scan3A_964 = %scan3A_856#1, %scan3A_965 = %scan3A_856#2, %scan3A_966 = %scan3A_856#3, %scan3A_967 = %scan3A_856#4, %scan3A_968 = %scan3A_856#5, %scan3A_969 = %scan3A_856#6, %scan3A_970 = %scan3A_856#7) -> (vector<16xf32>, vector<16xf32>, vector<16xf32>, vector<16xf32>, vector<16xf32>, vector<16xf32>, vector<16xf32>, vector<16xf32>)  : i32 {
      %get3A = arith.constant 1 : i32
      %get3A_971 = arith.index_cast %get3A : i32 to index
      %get3A_972 = arith.index_cast %scan3A_962 : i32 to index
      %get3A_973 = arith.constant 0 : index
      %get3A_974 = tpu.vector_load %arg4[%get3A_971, %get3A_972, %get3A_973] {strides = array<i32>} : memref<2x200x128xf32, #tpu.memory_space<vmem>>, vector<1x1x16xf32>,
      %get3A_975 = vector.shape_cast %get3A_974 : vector<1x1x16xf32> to vector<16xf32>
      %add3A_976 = arith.addf %scan3A_963, %get3A_975 : vector<16xf32>
      %get3A_977 = arith.constant 1 : i32
      %get3A_978 = arith.index_cast %get3A_977 : i32 to index
      %get3A_979 = arith.index_cast %scan3A_962 : i32 to index
      %get3A_980 = arith.constant 16 : index
      %get3A_981 = tpu.vector_load %arg4[%get3A_978, %get3A_979, %get3A_980] {strides = array<i32>} : memref<2x200x128xf32, #tpu.memory_space<vmem>>, vector<1x1x16xf32>,
      %get3A_982 = vector.shape_cast %get3A_981 : vector<1x1x16xf32> to vector<16xf32>
      %add3A_983 = arith.addf %scan3A_964, %get3A_982 : vector<16xf32>
      %get3A_984 = arith.constant 1 : i32
      %get3A_985 = arith.index_cast %get3A_984 : i32 to index
      %get3A_986 = arith.index_cast %scan3A_962 : i32 to index
      %get3A_987 = arith.constant 32 : index
      %get3A_988 = tpu.vector_load %arg4[%get3A_985, %get3A_986, %get3A_987] {strides = array<i32>} : memref<2x200x128xf32, #tpu.memory_space<vmem>>, vector<1x1x16xf32>,
      %get3A_989 = vector.shape_cast %get3A_988 : vector<1x1x16xf32> to vector<16xf32>
      %add3A_990 = arith.addf %scan3A_965, %get3A_989 : vector<16xf32>
      %get3A_991 = arith.constant 1 : i32
      %get3A_992 = arith.index_cast %get3A_991 : i32 to index
      %get3A_993 = arith.index_cast %scan3A_962 : i32 to index
      %get3A_994 = arith.constant 48 : index
      %get3A_995 = tpu.vector_load %arg4[%get3A_992, %get3A_993, %get3A_994] {strides = array<i32>} : memref<2x200x128xf32, #tpu.memory_space<vmem>>, vector<1x1x16xf32>,
      %get3A_996 = vector.shape_cast %get3A_995 : vector<1x1x16xf32> to vector<16xf32>
      %add3A_997 = arith.addf %scan3A_966, %get3A_996 : vector<16xf32>
      %get3A_998 = arith.constant 1 : i32
      %get3A_999 = arith.index_cast %get3A_998 : i32 to index
      %get3A_1000 = arith.index_cast %scan3A_962 : i32 to index
      %get3A_1001 = arith.constant 64 : index
      %get3A_1002 = tpu.vector_load %arg4[%get3A_999, %get3A_1000, %get3A_1001] {strides = array<i32>} : memref<2x200x128xf32, #tpu.memory_space<vmem>>, vector<1x1x16xf32>,
      %get3A_1003 = vector.shape_cast %get3A_1002 : vector<1x1x16xf32> to vector<16xf32>
      %add3A_1004 = arith.addf %scan3A_967, %get3A_1003 : vector<16xf32>
      %get3A_1005 = arith.constant 1 : i32
      %get3A_1006 = arith.index_cast %get3A_1005 : i32 to index
      %get3A_1007 = arith.index_cast %scan3A_962 : i32 to index
      %get3A_1008 = arith.constant 80 : index
      %get3A_1009 = tpu.vector_load %arg4[%get3A_1006, %get3A_1007, %get3A_1008] {strides = array<i32>} : memref<2x200x128xf32, #tpu.memory_space<vmem>>, vector<1x1x16xf32>,
      %get3A_1010 = vector.shape_cast %get3A_1009 : vector<1x1x16xf32> to vector<16xf32>
      %add3A_1011 = arith.addf %scan3A_968, %get3A_1010 : vector<16xf32>
      %get3A_1012 = arith.constant 1 : i32
      %get3A_1013 = arith.index_cast %get3A_1012 : i32 to index
      %get3A_1014 = arith.index_cast %scan3A_962 : i32 to index
      %get3A_1015 = arith.constant 96 : index
      %get3A_1016 = tpu.vector_load %arg4[%get3A_1013, %get3A_1014, %get3A_1015] {strides = array<i32>} : memref<2x200x128xf32, #tpu.memory_space<vmem>>, vector<1x1x16xf32>,
      %get3A_1017 = vector.shape_cast %get3A_1016 : vector<1x1x16xf32> to vector<16xf32>
      %add3A_1018 = arith.addf %scan3A_969, %get3A_1017 : vector<16xf32>
      %get3A_1019 = arith.constant 1 : i32
      %get3A_1020 = arith.index_cast %get3A_1019 : i32 to index
      %get3A_1021 = arith.index_cast %scan3A_962 : i32 to index
      %get3A_1022 = arith.constant 112 : index
      %get3A_1023 = tpu.vector_load %arg4[%get3A_1020, %get3A_1021, %get3A_1022] {strides = array<i32>} : memref<2x200x128xf32, #tpu.memory_space<vmem>>, vector<1x1x16xf32>,
      %get3A_1024 = vector.shape_cast %get3A_1023 : vector<1x1x16xf32> to vector<16xf32>
      %add3A_1025 = arith.addf %scan3A_970, %get3A_1024 : vector<16xf32>
      scf.yield %add3A_976, %add3A_983, %add3A_990, %add3A_997, %add3A_1004, %add3A_1011, %add3A_1018, %add3A_1025 : vector<16xf32>, vector<16xf32>, vector<16xf32>, vector<16xf32>, vector<16xf32>, vector<16xf32>, vector<16xf32>, vector<16xf32>
    }
    %scan3A_893 = arith.constant 200 : i32
    %add3A_894 = arith.constant 4800 : i32
    %add3A_895 = arith.addi %mul3A_2, %add3A_894 : i32
    %dma_wait3A_896 = arith.constant 0 : i32
    %dma_wait3A_897 = arith.constant 0 : i32
    %dma_wait3A_898 = arith.constant 0 : i32
    %dma_wait3A_899 = tpu.memref_slice %arg4[%dma_wait3A_896, %dma_wait3A_897, %dma_wait3A_898] : memref<2x200x128xf32, #tpu.memory_space<vmem>> -> memref<1x200x128xf32, #tpu.memory_space<vmem>>
    %dma_wait3A_900 = tpu.memref_squeeze %dma_wait3A_899 : memref<1x200x128xf32, #tpu.memory_space<vmem>> -> memref<200x128xf32, #tpu.memory_space<vmem>>
    %dma_wait3A_901 = arith.constant 0 : i32
    %dma_wait3A_902 = tpu.memref_slice %arg2[%add3A_895, %dma_wait3A_901] : memref<320000x128xf32, #tpu.memory_space<hbm>> -> memref<200x128xf32, #tpu.memory_space<hbm>>
    %dma_wait3A_903 = arith.constant 0 : i32
    %dma_wait3A_904 = arith.constant 0 : i32
    %dma_wait3A_905 = tpu.memref_slice %arg4[%dma_wait3A_896, %dma_wait3A_903, %dma_wait3A_904] : memref<2x200x128xf32, #tpu.memory_space<vmem>> -> memref<1x200x128xf32, #tpu.memory_space<vmem>>
    %dma_wait3A_906 = tpu.memref_squeeze %dma_wait3A_905 : memref<1x200x128xf32, #tpu.memory_space<vmem>> -> memref<200x128xf32, #tpu.memory_space<vmem>>
    %dma_wait3A_907 = arith.constant 0 : i32
    %dma_wait3A_908 = tpu.memref_slice %arg2[%add3A_895, %dma_wait3A_907] : memref<320000x128xf32, #tpu.memory_space<hbm>> -> memref<200x128xf32, #tpu.memory_space<hbm>>
    tpu.wait_dma2 semaphore(%arg6 : memref<!tpu.dma_semaphore, #tpu.memory_space<semaphore_mem>>) src(%dma_wait3A_908 : memref<200x128xf32, #tpu.memory_space<hbm>>) dst(%dma_wait3A_906 : memref<200x128xf32, #tpu.memory_space<vmem>>)
    %scan3A_909 = arith.constant 0 : i32
    %scan3A_910 = arith.constant 200 : i32
    %scan3A_911 = arith.addi %scan3A_909, %scan3A_910 : i32
    %scan3A_912 = arith.constant 1 : i32
    %scan3A_913:8 = scf.for %scan3A_962 = %scan3A_909 to %scan3A_911 step %scan3A_912 iter_args(%scan3A_963 = %scan3A_892#0, %scan3A_964 = %scan3A_892#1, %scan3A_965 = %scan3A_892#2, %scan3A_966 = %scan3A_892#3, %scan3A_967 = %scan3A_892#4, %scan3A_968 = %scan3A_892#5, %scan3A_969 = %scan3A_892#6, %scan3A_970 = %scan3A_892#7) -> (vector<16xf32>, vector<16xf32>, vector<16xf32>, vector<16xf32>, vector<16xf32>, vector<16xf32>, vector<16xf32>, vector<16xf32>)  : i32 {
      %get3A = arith.constant 0 : i32
      %get3A_971 = arith.index_cast %get3A : i32 to index
      %get3A_972 = arith.index_cast %scan3A_962 : i32 to index
      %get3A_973 = arith.constant 0 : index
      %get3A_974 = tpu.vector_load %arg4[%get3A_971, %get3A_972, %get3A_973] {strides = array<i32>} : memref<2x200x128xf32, #tpu.memory_space<vmem>>, vector<1x1x16xf32>,
      %get3A_975 = vector.shape_cast %get3A_974 : vector<1x1x16xf32> to vector<16xf32>
      %add3A_976 = arith.addf %scan3A_963, %get3A_975 : vector<16xf32>
      %get3A_977 = arith.constant 0 : i32
      %get3A_978 = arith.index_cast %get3A_977 : i32 to index
      %get3A_979 = arith.index_cast %scan3A_962 : i32 to index
      %get3A_980 = arith.constant 16 : index
      %get3A_981 = tpu.vector_load %arg4[%get3A_978, %get3A_979, %get3A_980] {strides = array<i32>} : memref<2x200x128xf32, #tpu.memory_space<vmem>>, vector<1x1x16xf32>,
      %get3A_982 = vector.shape_cast %get3A_981 : vector<1x1x16xf32> to vector<16xf32>
      %add3A_983 = arith.addf %scan3A_964, %get3A_982 : vector<16xf32>
      %get3A_984 = arith.constant 0 : i32
      %get3A_985 = arith.index_cast %get3A_984 : i32 to index
      %get3A_986 = arith.index_cast %scan3A_962 : i32 to index
      %get3A_987 = arith.constant 32 : index
      %get3A_988 = tpu.vector_load %arg4[%get3A_985, %get3A_986, %get3A_987] {strides = array<i32>} : memref<2x200x128xf32, #tpu.memory_space<vmem>>, vector<1x1x16xf32>,
      %get3A_989 = vector.shape_cast %get3A_988 : vector<1x1x16xf32> to vector<16xf32>
      %add3A_990 = arith.addf %scan3A_965, %get3A_989 : vector<16xf32>
      %get3A_991 = arith.constant 0 : i32
      %get3A_992 = arith.index_cast %get3A_991 : i32 to index
      %get3A_993 = arith.index_cast %scan3A_962 : i32 to index
      %get3A_994 = arith.constant 48 : index
      %get3A_995 = tpu.vector_load %arg4[%get3A_992, %get3A_993, %get3A_994] {strides = array<i32>} : memref<2x200x128xf32, #tpu.memory_space<vmem>>, vector<1x1x16xf32>,
      %get3A_996 = vector.shape_cast %get3A_995 : vector<1x1x16xf32> to vector<16xf32>
      %add3A_997 = arith.addf %scan3A_966, %get3A_996 : vector<16xf32>
      %get3A_998 = arith.constant 0 : i32
      %get3A_999 = arith.index_cast %get3A_998 : i32 to index
      %get3A_1000 = arith.index_cast %scan3A_962 : i32 to index
      %get3A_1001 = arith.constant 64 : index
      %get3A_1002 = tpu.vector_load %arg4[%get3A_999, %get3A_1000, %get3A_1001] {strides = array<i32>} : memref<2x200x128xf32, #tpu.memory_space<vmem>>, vector<1x1x16xf32>,
      %get3A_1003 = vector.shape_cast %get3A_1002 : vector<1x1x16xf32> to vector<16xf32>
      %add3A_1004 = arith.addf %scan3A_967, %get3A_1003 : vector<16xf32>
      %get3A_1005 = arith.constant 0 : i32
      %get3A_1006 = arith.index_cast %get3A_1005 : i32 to index
      %get3A_1007 = arith.index_cast %scan3A_962 : i32 to index
      %get3A_1008 = arith.constant 80 : index
      %get3A_1009 = tpu.vector_load %arg4[%get3A_1006, %get3A_1007, %get3A_1008] {strides = array<i32>} : memref<2x200x128xf32, #tpu.memory_space<vmem>>, vector<1x1x16xf32>,
      %get3A_1010 = vector.shape_cast %get3A_1009 : vector<1x1x16xf32> to vector<16xf32>
      %add3A_1011 = arith.addf %scan3A_968, %get3A_1010 : vector<16xf32>
      %get3A_1012 = arith.constant 0 : i32
      %get3A_1013 = arith.index_cast %get3A_1012 : i32 to index
      %get3A_1014 = arith.index_cast %scan3A_962 : i32 to index
      %get3A_1015 = arith.constant 96 : index
      %get3A_1016 = tpu.vector_load %arg4[%get3A_1013, %get3A_1014, %get3A_1015] {strides = array<i32>} : memref<2x200x128xf32, #tpu.memory_space<vmem>>, vector<1x1x16xf32>,
      %get3A_1017 = vector.shape_cast %get3A_1016 : vector<1x1x16xf32> to vector<16xf32>
      %add3A_1018 = arith.addf %scan3A_969, %get3A_1017 : vector<16xf32>
      %get3A_1019 = arith.constant 0 : i32
      %get3A_1020 = arith.index_cast %get3A_1019 : i32 to index
      %get3A_1021 = arith.index_cast %scan3A_962 : i32 to index
      %get3A_1022 = arith.constant 112 : index
      %get3A_1023 = tpu.vector_load %arg4[%get3A_1020, %get3A_1021, %get3A_1022] {strides = array<i32>} : memref<2x200x128xf32, #tpu.memory_space<vmem>>, vector<1x1x16xf32>,
      %get3A_1024 = vector.shape_cast %get3A_1023 : vector<1x1x16xf32> to vector<16xf32>
      %add3A_1025 = arith.addf %scan3A_970, %get3A_1024 : vector<16xf32>
      scf.yield %add3A_976, %add3A_983, %add3A_990, %add3A_997, %add3A_1004, %add3A_1011, %add3A_1018, %add3A_1025 : vector<16xf32>, vector<16xf32>, vector<16xf32>, vector<16xf32>, vector<16xf32>, vector<16xf32>, vector<16xf32>, vector<16xf32>
    }
    %scan3A_914 = arith.constant 200 : i32
    %swap3A = arith.constant 0 : i32
    %swap3A_915 = arith.index_cast %swap3A : i32 to index
    %swap3A_916 = arith.constant 0 : index
    %swap3A_917 = tpu.vector_load %arg5[%swap3A_915, %swap3A_916] {strides = array<i32>} : memref<8x16xf32, #tpu.memory_space<vmem>>, vector<1x16xf32>,
    %swap3A_918 = vector.shape_cast %swap3A_917 : vector<1x16xf32> to vector<16xf32>
    %swap3A_919 = vector.shape_cast %scan3A_913#0 : vector<16xf32> to vector<1x16xf32>
    tpu.vector_store %arg5[%swap3A_915, %swap3A_916], %swap3A_919 {strides = array<i32>} : memref<8x16xf32, #tpu.memory_space<vmem>>, vector<1x16xf32>,
    %swap3A_920 = arith.constant 1 : i32
    %swap3A_921 = arith.index_cast %swap3A_920 : i32 to index
    %swap3A_922 = arith.constant 0 : index
    %swap3A_923 = tpu.vector_load %arg5[%swap3A_921, %swap3A_922] {strides = array<i32>} : memref<8x16xf32, #tpu.memory_space<vmem>>, vector<1x16xf32>,
    %swap3A_924 = vector.shape_cast %swap3A_923 : vector<1x16xf32> to vector<16xf32>
    %swap3A_925 = vector.shape_cast %scan3A_913#1 : vector<16xf32> to vector<1x16xf32>
    tpu.vector_store %arg5[%swap3A_921, %swap3A_922], %swap3A_925 {strides = array<i32>} : memref<8x16xf32, #tpu.memory_space<vmem>>, vector<1x16xf32>,
    %swap3A_926 = arith.constant 2 : i32
    %swap3A_927 = arith.index_cast %swap3A_926 : i32 to index
    %swap3A_928 = arith.constant 0 : index
    %swap3A_929 = tpu.vector_load %arg5[%swap3A_927, %swap3A_928] {strides = array<i32>} : memref<8x16xf32, #tpu.memory_space<vmem>>, vector<1x16xf32>,
    %swap3A_930 = vector.shape_cast %swap3A_929 : vector<1x16xf32> to vector<16xf32>
    %swap3A_931 = vector.shape_cast %scan3A_913#2 : vector<16xf32> to vector<1x16xf32>
    tpu.vector_store %arg5[%swap3A_927, %swap3A_928], %swap3A_931 {strides = array<i32>} : memref<8x16xf32, #tpu.memory_space<vmem>>, vector<1x16xf32>,
    %swap3A_932 = arith.constant 3 : i32
    %swap3A_933 = arith.index_cast %swap3A_932 : i32 to index
    %swap3A_934 = arith.constant 0 : index
    %swap3A_935 = tpu.vector_load %arg5[%swap3A_933, %swap3A_934] {strides = array<i32>} : memref<8x16xf32, #tpu.memory_space<vmem>>, vector<1x16xf32>,
    %swap3A_936 = vector.shape_cast %swap3A_935 : vector<1x16xf32> to vector<16xf32>
    %swap3A_937 = vector.shape_cast %scan3A_913#3 : vector<16xf32> to vector<1x16xf32>
    tpu.vector_store %arg5[%swap3A_933, %swap3A_934], %swap3A_937 {strides = array<i32>} : memref<8x16xf32, #tpu.memory_space<vmem>>, vector<1x16xf32>,
    %swap3A_938 = arith.constant 4 : i32
    %swap3A_939 = arith.index_cast %swap3A_938 : i32 to index
    %swap3A_940 = arith.constant 0 : index
    %swap3A_941 = tpu.vector_load %arg5[%swap3A_939, %swap3A_940] {strides = array<i32>} : memref<8x16xf32, #tpu.memory_space<vmem>>, vector<1x16xf32>,
    %swap3A_942 = vector.shape_cast %swap3A_941 : vector<1x16xf32> to vector<16xf32>
    %swap3A_943 = vector.shape_cast %scan3A_913#4 : vector<16xf32> to vector<1x16xf32>
    tpu.vector_store %arg5[%swap3A_939, %swap3A_940], %swap3A_943 {strides = array<i32>} : memref<8x16xf32, #tpu.memory_space<vmem>>, vector<1x16xf32>,
    %swap3A_944 = arith.constant 5 : i32
    %swap3A_945 = arith.index_cast %swap3A_944 : i32 to index
    %swap3A_946 = arith.constant 0 : index
    %swap3A_947 = tpu.vector_load %arg5[%swap3A_945, %swap3A_946] {strides = array<i32>} : memref<8x16xf32, #tpu.memory_space<vmem>>, vector<1x16xf32>,
    %swap3A_948 = vector.shape_cast %swap3A_947 : vector<1x16xf32> to vector<16xf32>
    %swap3A_949 = vector.shape_cast %scan3A_913#5 : vector<16xf32> to vector<1x16xf32>
    tpu.vector_store %arg5[%swap3A_945, %swap3A_946], %swap3A_949 {strides = array<i32>} : memref<8x16xf32, #tpu.memory_space<vmem>>, vector<1x16xf32>,
    %swap3A_950 = arith.constant 6 : i32
    %swap3A_951 = arith.index_cast %swap3A_950 : i32 to index
    %swap3A_952 = arith.constant 0 : index
    %swap3A_953 = tpu.vector_load %arg5[%swap3A_951, %swap3A_952] {strides = array<i32>} : memref<8x16xf32, #tpu.memory_space<vmem>>, vector<1x16xf32>,
    %swap3A_954 = vector.shape_cast %swap3A_953 : vector<1x16xf32> to vector<16xf32>
    %swap3A_955 = vector.shape_cast %scan3A_913#6 : vector<16xf32> to vector<1x16xf32>
    tpu.vector_store %arg5[%swap3A_951, %swap3A_952], %swap3A_955 {strides = array<i32>} : memref<8x16xf32, #tpu.memory_space<vmem>>, vector<1x16xf32>,
    %swap3A_956 = arith.constant 7 : i32
    %swap3A_957 = arith.index_cast %swap3A_956 : i32 to index
    %swap3A_958 = arith.constant 0 : index
    %swap3A_959 = tpu.vector_load %arg5[%swap3A_957, %swap3A_958] {strides = array<i32>} : memref<8x16xf32, #tpu.memory_space<vmem>>, vector<1x16xf32>,
    %swap3A_960 = vector.shape_cast %swap3A_959 : vector<1x16xf32> to vector<16xf32>
    %swap3A_961 = vector.shape_cast %scan3A_913#7 : vector<16xf32> to vector<1x16xf32>
    tpu.vector_store %arg5[%swap3A_957, %swap3A_958], %swap3A_961 {strides = array<i32>} : memref<8x16xf32, #tpu.memory_space<vmem>>, vector<1x16xf32>,
    "tpu.region"() ({
      %run_scoped3A = tpu.sem_alloc : memref<!tpu.dma_semaphore, #tpu.memory_space<semaphore_mem>>
      %dma_start3A_962 = arith.constant 0 : i32
      %dma_start3A_963 = arith.constant 0 : i32
      %dma_start3A_964 = tpu.memref_slice %arg3[%add3A, %dma_start3A_962, %dma_start3A_963] : memref<32x8x16xf32, #tpu.memory_space<hbm>> -> memref<1x8x16xf32, #tpu.memory_space<hbm>>
      %dma_start3A_965 = tpu.memref_squeeze %dma_start3A_964 : memref<1x8x16xf32, #tpu.memory_space<hbm>> -> memref<8x16xf32, #tpu.memory_space<hbm>>
      %dma_start3A_966 = arith.constant 0 : i32
      %dma_start3A_967 = arith.constant 0 : i32
      %dma_start3A_968 = tpu.memref_slice %arg3[%add3A, %dma_start3A_966, %dma_start3A_967] : memref<32x8x16xf32, #tpu.memory_space<hbm>> -> memref<1x8x16xf32, #tpu.memory_space<hbm>>
      %dma_start3A_969 = tpu.memref_squeeze %dma_start3A_968 : memref<1x8x16xf32, #tpu.memory_space<hbm>> -> memref<8x16xf32, #tpu.memory_space<hbm>>
      tpu.enqueue_dma source(%arg5 : memref<8x16xf32, #tpu.memory_space<vmem>>) target(%dma_start3A_969 : memref<8x16xf32, #tpu.memory_space<hbm>>) target_semaphore(%run_scoped3A : memref<!tpu.dma_semaphore, #tpu.memory_space<semaphore_mem>>)
      %dma_wait3A_970 = arith.constant 0 : i32
      %dma_wait3A_971 = arith.constant 0 : i32
      %dma_wait3A_972 = tpu.memref_slice %arg3[%add3A, %dma_wait3A_970, %dma_wait3A_971] : memref<32x8x16xf32, #tpu.memory_space<hbm>> -> memref<1x8x16xf32, #tpu.memory_space<hbm>>
      %dma_wait3A_973 = tpu.memref_squeeze %dma_wait3A_972 : memref<1x8x16xf32, #tpu.memory_space<hbm>> -> memref<8x16xf32, #tpu.memory_space<hbm>>
      %dma_wait3A_974 = arith.constant 0 : i32
      %dma_wait3A_975 = arith.constant 0 : i32
      %dma_wait3A_976 = tpu.memref_slice %arg3[%add3A, %dma_wait3A_974, %dma_wait3A_975] : memref<32x8x16xf32, #tpu.memory_space<hbm>> -> memref<1x8x16xf32, #tpu.memory_space<hbm>>
      %dma_wait3A_977 = tpu.memref_squeeze %dma_wait3A_976 : memref<1x8x16xf32, #tpu.memory_space<hbm>> -> memref<8x16xf32, #tpu.memory_space<hbm>>
      tpu.wait_dma2 semaphore(%run_scoped3A : memref<!tpu.dma_semaphore, #tpu.memory_space<semaphore_mem>>) src(%arg5 : memref<8x16xf32, #tpu.memory_space<vmem>>) dst(%dma_wait3A_977 : memref<8x16xf32, #tpu.memory_space<hbm>>)
      tpu.yield
    }) : () -> ()
    return
  }
}

module attributes {stable_mosaic.version = 14 : i64} {
  func.func @_tc_prefix_body(%arg0: i32, %arg1: memref<8000x128xf32, #tpu.memory_space<vmem>>, %arg2: memref<1x128xf32, #tpu.memory_space<vmem>>) attributes {dimension_semantics = [#tpu.dimension_semantics<arbitrary>], iteration_bounds = array<i64: 13>, scalar_prefetch = 0 : i64, scratch_operands = 0 : i64, tpu.core_type = #tpu.core_type<tc>, window_params = [{transform_indices = @transform_0, window_bounds = array<i64: 8000, 128>}, {pipeline_mode = #tpu.pipeline_mode<synchronous>, transform_indices = @transform_1, window_bounds = array<i64: 1, 128>}]} {
    %eq3A = arith.constant 0 : i32
    %eq3A_0 = arith.cmpi eq, %arg0, %eq3A : i32
    %convert_element_type3A = arith.extui %eq3A_0 : i1 to i32
    %cond3A = arith.constant 0 : i32
    %cond3A_1 = arith.cmpi ne, %convert_element_type3A, %cond3A : i32
    scf.if %cond3A_1 {
      %broadcast_in_dim3A_10 = arith.constant 0.000000e+00 : f32
      %broadcast_in_dim3A_11 = vector.broadcast %broadcast_in_dim3A_10 : f32 to vector<1x128xf32>
      %swap3A_12 = arith.constant 0 : index
      %swap3A_13 = arith.constant 0 : index
      %swap3A_14 = vector.load %arg2[%swap3A_12, %swap3A_13] : memref<1x128xf32, #tpu.memory_space<vmem>>, vector<1x128xf32>
      tpu.vector_store %arg2[%swap3A_12, %swap3A_13], %broadcast_in_dim3A_11 {strides = array<i32>} : memref<1x128xf32, #tpu.memory_space<vmem>>, vector<1x128xf32>,
    } else {
    }
    %get3A = arith.constant 0 : index
    %get3A_2 = arith.constant 0 : index
    %get3A_3 = vector.load %arg2[%get3A, %get3A_2] : memref<1x128xf32, #tpu.memory_space<vmem>>, vector<1x128xf32>
    %get3A_4 = arith.constant 0 : index
    %get3A_5 = arith.constant 0 : index
    %get3A_6 = vector.load %arg1[%get3A_4, %get3A_5] : memref<8000x128xf32, #tpu.memory_space<vmem>>, vector<8000x128xf32>
    %reduce_sum3A = arith.constant dense<0.000000e+00> : vector<128xf32>
    %reduce_sum3A_7 = vector.multi_reduction <add>, %get3A_6, %reduce_sum3A [0] : vector<8000x128xf32> to vector<128xf32>
    %broadcast_in_dim3A = vector.shape_cast %reduce_sum3A_7 : vector<128xf32> to vector<1x128xf32>
    %add3A = arith.addf %get3A_3, %broadcast_in_dim3A : vector<1x128xf32>
    %swap3A = arith.constant 0 : index
    %swap3A_8 = arith.constant 0 : index
    %swap3A_9 = vector.load %arg2[%swap3A, %swap3A_8] : memref<1x128xf32, #tpu.memory_space<vmem>>, vector<1x128xf32>
    tpu.vector_store %arg2[%swap3A, %swap3A_8], %add3A {strides = array<i32>} : memref<1x128xf32, #tpu.memory_space<vmem>>, vector<1x128xf32>,
    return
  }
  func.func @transform_0(%arg0: i32) -> (i32, i32) {
    %add3A = arith.constant 20 : i32
    %add3A_0 = arith.addi %arg0, %add3A : i32
    %c0_i32 = arith.constant 0 : i32
    %c0_i32_1 = arith.constant 0 : i32
    return %add3A_0, %c0_i32 : i32, i32
  }
  func.func @transform_1(%arg0: i32) -> (i32, i32) {
    %c0_i32 = arith.constant 0 : i32
    %c0_i32_0 = arith.constant 0 : i32
    %c0_i32_1 = arith.constant 0 : i32
    return %c0_i32, %c0_i32_0 : i32, i32
  }
}

module attributes {stable_mosaic.version = 14 : i64} {
  func.func @_tc_chain_body(%arg0: i32, %arg1: memref<2000x128xf32, #tpu.memory_space<vmem>>, %arg2: memref<32x128xf32, #tpu.memory_space<vmem>>, %arg3: memref<1x128xf32, #tpu.memory_space<vmem>>, %arg4: memref<1x128xf32, #tpu.memory_space<vmem>>, %arg5: memref<1x128xf32, #tpu.memory_space<vmem>>, %arg6: memref<1x1xi32, #tpu.memory_space<smem>>) attributes {dimension_semantics = [#tpu.dimension_semantics<arbitrary>], iteration_bounds = array<i64: 28>, scalar_prefetch = 0 : i64, scratch_operands = 0 : i64, tpu.core_type = #tpu.core_type<tc>, window_params = [{transform_indices = @transform_0, window_bounds = array<i64: 2000, 128>}, {pipeline_mode = #tpu.pipeline_mode<synchronous>, transform_indices = @transform_1, window_bounds = array<i64: 32, 128>}, {pipeline_mode = #tpu.pipeline_mode<synchronous>, transform_indices = @transform_2, window_bounds = array<i64: 1, 128>}, {pipeline_mode = #tpu.pipeline_mode<synchronous>, transform_indices = @transform_3, window_bounds = array<i64: 1, 128>}, {pipeline_mode = #tpu.pipeline_mode<synchronous>, transform_indices = @transform_4, window_bounds = array<i64: 1, 128>}, {transform_indices = @transform_5, window_bounds = array<i64: 1, 1>}]} {
    %eq3A = arith.constant 0 : i32
    %eq3A_0 = arith.cmpi eq, %arg0, %eq3A : i32
    %convert_element_type3A = arith.extui %eq3A_0 : i1 to i32
    %cond3A = arith.constant 0 : i32
    %cond3A_1 = arith.cmpi ne, %convert_element_type3A, %cond3A : i32
    scf.if %cond3A_1 {
      %broadcast_in_dim3A_41 = arith.constant 0.000000e+00 : f32
      %broadcast_in_dim3A_42 = vector.broadcast %broadcast_in_dim3A_41 : f32 to vector<1x128xf32>
      %swap3A_43 = arith.constant 0 : index
      %swap3A_44 = arith.constant 0 : index
      %swap3A_45 = vector.load %arg4[%swap3A_43, %swap3A_44] : memref<1x128xf32, #tpu.memory_space<vmem>>, vector<1x128xf32>
      tpu.vector_store %arg4[%swap3A_43, %swap3A_44], %broadcast_in_dim3A_42 {strides = array<i32>} : memref<1x128xf32, #tpu.memory_space<vmem>>, vector<1x128xf32>,
    } else {
    }
    %get3A = arith.constant 0 : index
    %get3A_2 = arith.constant 0 : index
    %get3A_3 = vector.load %arg2[%get3A, %get3A_2] : memref<32x128xf32, #tpu.memory_space<vmem>>, vector<32x128xf32>
    %reduce_sum3A = arith.constant dense<0.000000e+00> : vector<128xf32>
    %reduce_sum3A_4 = vector.multi_reduction <add>, %get3A_3, %reduce_sum3A [0] : vector<32x128xf32> to vector<128xf32>
    %get3A_5 = arith.constant 0 : index
    %get3A_6 = arith.constant 0 : index
    %get3A_7 = vector.load %arg3[%get3A_5, %get3A_6] : memref<1x128xf32, #tpu.memory_space<vmem>>, vector<1x128xf32>
    %get3A_8 = vector.shape_cast %get3A_7 : vector<1x128xf32> to vector<128xf32>
    %add3A = arith.addf %reduce_sum3A_4, %get3A_8 : vector<128xf32>
    %eq3A_9 = arith.constant 0 : i32
    %eq3A_10 = arith.cmpi eq, %arg0, %eq3A_9 : i32
    %get3A_11 = arith.constant 0 : index
    %get3A_12 = arith.constant 0 : index
    %get3A_13 = vector.load %arg5[%get3A_11, %get3A_12] : memref<1x128xf32, #tpu.memory_space<vmem>>, vector<1x128xf32>
    %get3A_14 = vector.shape_cast %get3A_13 : vector<1x128xf32> to vector<128xf32>
    %select_n3A = arith.select %eq3A_10, %add3A, %get3A_14 : vector<128xf32>
    %scan3A = arith.constant 0 : i32
    %scan3A_15 = arith.constant 10 : i32
    %scan3A_16 = arith.addi %scan3A, %scan3A_15 : i32
    %scan3A_17 = arith.constant 1 : i32
    %scan3A_18 = scf.for %scan3A_41 = %scan3A to %scan3A_16 step %scan3A_17 iter_args(%scan3A_42 = %select_n3A) -> (vector<128xf32>)  : i32 {
      %mul3A = arith.constant 200 : i32
      %mul3A_43 = arith.muli %scan3A_41, %mul3A : i32
      %get3A_44 = arith.index_cast %mul3A_43 : i32 to index
      %get3A_45 = arith.constant 0 : index
      %get3A_46 = vector.load %arg1[%get3A_44, %get3A_45] : memref<2000x128xf32, #tpu.memory_space<vmem>>, vector<200x128xf32>
      %slice3A = vector.extract_strided_slice %get3A_46 {offsets = [0, 0], sizes = [1, 128], strides = [1, 1]} : vector<200x128xf32> to vector<1x128xf32>
      %squeeze3A = vector.shape_cast %slice3A : vector<1x128xf32> to vector<128xf32>
      %add3A_47 = arith.addf %scan3A_42, %squeeze3A : vector<128xf32>
      %slice3A_48 = vector.extract_strided_slice %get3A_46 {offsets = [1, 0], sizes = [1, 128], strides = [1, 1]} : vector<200x128xf32> to vector<1x128xf32>
      %squeeze3A_49 = vector.shape_cast %slice3A_48 : vector<1x128xf32> to vector<128xf32>
      %add3A_50 = arith.addf %add3A_47, %squeeze3A_49 : vector<128xf32>
      %slice3A_51 = vector.extract_strided_slice %get3A_46 {offsets = [2, 0], sizes = [1, 128], strides = [1, 1]} : vector<200x128xf32> to vector<1x128xf32>
      %squeeze3A_52 = vector.shape_cast %slice3A_51 : vector<1x128xf32> to vector<128xf32>
      %add3A_53 = arith.addf %add3A_50, %squeeze3A_52 : vector<128xf32>
      %slice3A_54 = vector.extract_strided_slice %get3A_46 {offsets = [3, 0], sizes = [1, 128], strides = [1, 1]} : vector<200x128xf32> to vector<1x128xf32>
      %squeeze3A_55 = vector.shape_cast %slice3A_54 : vector<1x128xf32> to vector<128xf32>
      %add3A_56 = arith.addf %add3A_53, %squeeze3A_55 : vector<128xf32>
      %slice3A_57 = vector.extract_strided_slice %get3A_46 {offsets = [4, 0], sizes = [1, 128], strides = [1, 1]} : vector<200x128xf32> to vector<1x128xf32>
      %squeeze3A_58 = vector.shape_cast %slice3A_57 : vector<1x128xf32> to vector<128xf32>
      %add3A_59 = arith.addf %add3A_56, %squeeze3A_58 : vector<128xf32>
      %slice3A_60 = vector.extract_strided_slice %get3A_46 {offsets = [5, 0], sizes = [1, 128], strides = [1, 1]} : vector<200x128xf32> to vector<1x128xf32>
      %squeeze3A_61 = vector.shape_cast %slice3A_60 : vector<1x128xf32> to vector<128xf32>
      %add3A_62 = arith.addf %add3A_59, %squeeze3A_61 : vector<128xf32>
      %slice3A_63 = vector.extract_strided_slice %get3A_46 {offsets = [6, 0], sizes = [1, 128], strides = [1, 1]} : vector<200x128xf32> to vector<1x128xf32>
      %squeeze3A_64 = vector.shape_cast %slice3A_63 : vector<1x128xf32> to vector<128xf32>
      %add3A_65 = arith.addf %add3A_62, %squeeze3A_64 : vector<128xf32>
      %slice3A_66 = vector.extract_strided_slice %get3A_46 {offsets = [7, 0], sizes = [1, 128], strides = [1, 1]} : vector<200x128xf32> to vector<1x128xf32>
      %squeeze3A_67 = vector.shape_cast %slice3A_66 : vector<1x128xf32> to vector<128xf32>
      %add3A_68 = arith.addf %add3A_65, %squeeze3A_67 : vector<128xf32>
      %slice3A_69 = vector.extract_strided_slice %get3A_46 {offsets = [8, 0], sizes = [1, 128], strides = [1, 1]} : vector<200x128xf32> to vector<1x128xf32>
      %squeeze3A_70 = vector.shape_cast %slice3A_69 : vector<1x128xf32> to vector<128xf32>
      %add3A_71 = arith.addf %add3A_68, %squeeze3A_70 : vector<128xf32>
      %slice3A_72 = vector.extract_strided_slice %get3A_46 {offsets = [9, 0], sizes = [1, 128], strides = [1, 1]} : vector<200x128xf32> to vector<1x128xf32>
      %squeeze3A_73 = vector.shape_cast %slice3A_72 : vector<1x128xf32> to vector<128xf32>
      %add3A_74 = arith.addf %add3A_71, %squeeze3A_73 : vector<128xf32>
      %slice3A_75 = vector.extract_strided_slice %get3A_46 {offsets = [10, 0], sizes = [1, 128], strides = [1, 1]} : vector<200x128xf32> to vector<1x128xf32>
      %squeeze3A_76 = vector.shape_cast %slice3A_75 : vector<1x128xf32> to vector<128xf32>
      %add3A_77 = arith.addf %add3A_74, %squeeze3A_76 : vector<128xf32>
      %slice3A_78 = vector.extract_strided_slice %get3A_46 {offsets = [11, 0], sizes = [1, 128], strides = [1, 1]} : vector<200x128xf32> to vector<1x128xf32>
      %squeeze3A_79 = vector.shape_cast %slice3A_78 : vector<1x128xf32> to vector<128xf32>
      %add3A_80 = arith.addf %add3A_77, %squeeze3A_79 : vector<128xf32>
      %slice3A_81 = vector.extract_strided_slice %get3A_46 {offsets = [12, 0], sizes = [1, 128], strides = [1, 1]} : vector<200x128xf32> to vector<1x128xf32>
      %squeeze3A_82 = vector.shape_cast %slice3A_81 : vector<1x128xf32> to vector<128xf32>
      %add3A_83 = arith.addf %add3A_80, %squeeze3A_82 : vector<128xf32>
      %slice3A_84 = vector.extract_strided_slice %get3A_46 {offsets = [13, 0], sizes = [1, 128], strides = [1, 1]} : vector<200x128xf32> to vector<1x128xf32>
      %squeeze3A_85 = vector.shape_cast %slice3A_84 : vector<1x128xf32> to vector<128xf32>
      %add3A_86 = arith.addf %add3A_83, %squeeze3A_85 : vector<128xf32>
      %slice3A_87 = vector.extract_strided_slice %get3A_46 {offsets = [14, 0], sizes = [1, 128], strides = [1, 1]} : vector<200x128xf32> to vector<1x128xf32>
      %squeeze3A_88 = vector.shape_cast %slice3A_87 : vector<1x128xf32> to vector<128xf32>
      %add3A_89 = arith.addf %add3A_86, %squeeze3A_88 : vector<128xf32>
      %slice3A_90 = vector.extract_strided_slice %get3A_46 {offsets = [15, 0], sizes = [1, 128], strides = [1, 1]} : vector<200x128xf32> to vector<1x128xf32>
      %squeeze3A_91 = vector.shape_cast %slice3A_90 : vector<1x128xf32> to vector<128xf32>
      %add3A_92 = arith.addf %add3A_89, %squeeze3A_91 : vector<128xf32>
      %slice3A_93 = vector.extract_strided_slice %get3A_46 {offsets = [16, 0], sizes = [1, 128], strides = [1, 1]} : vector<200x128xf32> to vector<1x128xf32>
      %squeeze3A_94 = vector.shape_cast %slice3A_93 : vector<1x128xf32> to vector<128xf32>
      %add3A_95 = arith.addf %add3A_92, %squeeze3A_94 : vector<128xf32>
      %slice3A_96 = vector.extract_strided_slice %get3A_46 {offsets = [17, 0], sizes = [1, 128], strides = [1, 1]} : vector<200x128xf32> to vector<1x128xf32>
      %squeeze3A_97 = vector.shape_cast %slice3A_96 : vector<1x128xf32> to vector<128xf32>
      %add3A_98 = arith.addf %add3A_95, %squeeze3A_97 : vector<128xf32>
      %slice3A_99 = vector.extract_strided_slice %get3A_46 {offsets = [18, 0], sizes = [1, 128], strides = [1, 1]} : vector<200x128xf32> to vector<1x128xf32>
      %squeeze3A_100 = vector.shape_cast %slice3A_99 : vector<1x128xf32> to vector<128xf32>
      %add3A_101 = arith.addf %add3A_98, %squeeze3A_100 : vector<128xf32>
      %slice3A_102 = vector.extract_strided_slice %get3A_46 {offsets = [19, 0], sizes = [1, 128], strides = [1, 1]} : vector<200x128xf32> to vector<1x128xf32>
      %squeeze3A_103 = vector.shape_cast %slice3A_102 : vector<1x128xf32> to vector<128xf32>
      %add3A_104 = arith.addf %add3A_101, %squeeze3A_103 : vector<128xf32>
      %slice3A_105 = vector.extract_strided_slice %get3A_46 {offsets = [20, 0], sizes = [1, 128], strides = [1, 1]} : vector<200x128xf32> to vector<1x128xf32>
      %squeeze3A_106 = vector.shape_cast %slice3A_105 : vector<1x128xf32> to vector<128xf32>
      %add3A_107 = arith.addf %add3A_104, %squeeze3A_106 : vector<128xf32>
      %slice3A_108 = vector.extract_strided_slice %get3A_46 {offsets = [21, 0], sizes = [1, 128], strides = [1, 1]} : vector<200x128xf32> to vector<1x128xf32>
      %squeeze3A_109 = vector.shape_cast %slice3A_108 : vector<1x128xf32> to vector<128xf32>
      %add3A_110 = arith.addf %add3A_107, %squeeze3A_109 : vector<128xf32>
      %slice3A_111 = vector.extract_strided_slice %get3A_46 {offsets = [22, 0], sizes = [1, 128], strides = [1, 1]} : vector<200x128xf32> to vector<1x128xf32>
      %squeeze3A_112 = vector.shape_cast %slice3A_111 : vector<1x128xf32> to vector<128xf32>
      %add3A_113 = arith.addf %add3A_110, %squeeze3A_112 : vector<128xf32>
      %slice3A_114 = vector.extract_strided_slice %get3A_46 {offsets = [23, 0], sizes = [1, 128], strides = [1, 1]} : vector<200x128xf32> to vector<1x128xf32>
      %squeeze3A_115 = vector.shape_cast %slice3A_114 : vector<1x128xf32> to vector<128xf32>
      %add3A_116 = arith.addf %add3A_113, %squeeze3A_115 : vector<128xf32>
      %slice3A_117 = vector.extract_strided_slice %get3A_46 {offsets = [24, 0], sizes = [1, 128], strides = [1, 1]} : vector<200x128xf32> to vector<1x128xf32>
      %squeeze3A_118 = vector.shape_cast %slice3A_117 : vector<1x128xf32> to vector<128xf32>
      %add3A_119 = arith.addf %add3A_116, %squeeze3A_118 : vector<128xf32>
      %slice3A_120 = vector.extract_strided_slice %get3A_46 {offsets = [25, 0], sizes = [1, 128], strides = [1, 1]} : vector<200x128xf32> to vector<1x128xf32>
      %squeeze3A_121 = vector.shape_cast %slice3A_120 : vector<1x128xf32> to vector<128xf32>
      %add3A_122 = arith.addf %add3A_119, %squeeze3A_121 : vector<128xf32>
      %slice3A_123 = vector.extract_strided_slice %get3A_46 {offsets = [26, 0], sizes = [1, 128], strides = [1, 1]} : vector<200x128xf32> to vector<1x128xf32>
      %squeeze3A_124 = vector.shape_cast %slice3A_123 : vector<1x128xf32> to vector<128xf32>
      %add3A_125 = arith.addf %add3A_122, %squeeze3A_124 : vector<128xf32>
      %slice3A_126 = vector.extract_strided_slice %get3A_46 {offsets = [27, 0], sizes = [1, 128], strides = [1, 1]} : vector<200x128xf32> to vector<1x128xf32>
      %squeeze3A_127 = vector.shape_cast %slice3A_126 : vector<1x128xf32> to vector<128xf32>
      %add3A_128 = arith.addf %add3A_125, %squeeze3A_127 : vector<128xf32>
      %slice3A_129 = vector.extract_strided_slice %get3A_46 {offsets = [28, 0], sizes = [1, 128], strides = [1, 1]} : vector<200x128xf32> to vector<1x128xf32>
      %squeeze3A_130 = vector.shape_cast %slice3A_129 : vector<1x128xf32> to vector<128xf32>
      %add3A_131 = arith.addf %add3A_128, %squeeze3A_130 : vector<128xf32>
      %slice3A_132 = vector.extract_strided_slice %get3A_46 {offsets = [29, 0], sizes = [1, 128], strides = [1, 1]} : vector<200x128xf32> to vector<1x128xf32>
      %squeeze3A_133 = vector.shape_cast %slice3A_132 : vector<1x128xf32> to vector<128xf32>
      %add3A_134 = arith.addf %add3A_131, %squeeze3A_133 : vector<128xf32>
      %slice3A_135 = vector.extract_strided_slice %get3A_46 {offsets = [30, 0], sizes = [1, 128], strides = [1, 1]} : vector<200x128xf32> to vector<1x128xf32>
      %squeeze3A_136 = vector.shape_cast %slice3A_135 : vector<1x128xf32> to vector<128xf32>
      %add3A_137 = arith.addf %add3A_134, %squeeze3A_136 : vector<128xf32>
      %slice3A_138 = vector.extract_strided_slice %get3A_46 {offsets = [31, 0], sizes = [1, 128], strides = [1, 1]} : vector<200x128xf32> to vector<1x128xf32>
      %squeeze3A_139 = vector.shape_cast %slice3A_138 : vector<1x128xf32> to vector<128xf32>
      %add3A_140 = arith.addf %add3A_137, %squeeze3A_139 : vector<128xf32>
      %slice3A_141 = vector.extract_strided_slice %get3A_46 {offsets = [32, 0], sizes = [1, 128], strides = [1, 1]} : vector<200x128xf32> to vector<1x128xf32>
      %squeeze3A_142 = vector.shape_cast %slice3A_141 : vector<1x128xf32> to vector<128xf32>
      %add3A_143 = arith.addf %add3A_140, %squeeze3A_142 : vector<128xf32>
      %slice3A_144 = vector.extract_strided_slice %get3A_46 {offsets = [33, 0], sizes = [1, 128], strides = [1, 1]} : vector<200x128xf32> to vector<1x128xf32>
      %squeeze3A_145 = vector.shape_cast %slice3A_144 : vector<1x128xf32> to vector<128xf32>
      %add3A_146 = arith.addf %add3A_143, %squeeze3A_145 : vector<128xf32>
      %slice3A_147 = vector.extract_strided_slice %get3A_46 {offsets = [34, 0], sizes = [1, 128], strides = [1, 1]} : vector<200x128xf32> to vector<1x128xf32>
      %squeeze3A_148 = vector.shape_cast %slice3A_147 : vector<1x128xf32> to vector<128xf32>
      %add3A_149 = arith.addf %add3A_146, %squeeze3A_148 : vector<128xf32>
      %slice3A_150 = vector.extract_strided_slice %get3A_46 {offsets = [35, 0], sizes = [1, 128], strides = [1, 1]} : vector<200x128xf32> to vector<1x128xf32>
      %squeeze3A_151 = vector.shape_cast %slice3A_150 : vector<1x128xf32> to vector<128xf32>
      %add3A_152 = arith.addf %add3A_149, %squeeze3A_151 : vector<128xf32>
      %slice3A_153 = vector.extract_strided_slice %get3A_46 {offsets = [36, 0], sizes = [1, 128], strides = [1, 1]} : vector<200x128xf32> to vector<1x128xf32>
      %squeeze3A_154 = vector.shape_cast %slice3A_153 : vector<1x128xf32> to vector<128xf32>
      %add3A_155 = arith.addf %add3A_152, %squeeze3A_154 : vector<128xf32>
      %slice3A_156 = vector.extract_strided_slice %get3A_46 {offsets = [37, 0], sizes = [1, 128], strides = [1, 1]} : vector<200x128xf32> to vector<1x128xf32>
      %squeeze3A_157 = vector.shape_cast %slice3A_156 : vector<1x128xf32> to vector<128xf32>
      %add3A_158 = arith.addf %add3A_155, %squeeze3A_157 : vector<128xf32>
      %slice3A_159 = vector.extract_strided_slice %get3A_46 {offsets = [38, 0], sizes = [1, 128], strides = [1, 1]} : vector<200x128xf32> to vector<1x128xf32>
      %squeeze3A_160 = vector.shape_cast %slice3A_159 : vector<1x128xf32> to vector<128xf32>
      %add3A_161 = arith.addf %add3A_158, %squeeze3A_160 : vector<128xf32>
      %slice3A_162 = vector.extract_strided_slice %get3A_46 {offsets = [39, 0], sizes = [1, 128], strides = [1, 1]} : vector<200x128xf32> to vector<1x128xf32>
      %squeeze3A_163 = vector.shape_cast %slice3A_162 : vector<1x128xf32> to vector<128xf32>
      %add3A_164 = arith.addf %add3A_161, %squeeze3A_163 : vector<128xf32>
      %slice3A_165 = vector.extract_strided_slice %get3A_46 {offsets = [40, 0], sizes = [1, 128], strides = [1, 1]} : vector<200x128xf32> to vector<1x128xf32>
      %squeeze3A_166 = vector.shape_cast %slice3A_165 : vector<1x128xf32> to vector<128xf32>
      %add3A_167 = arith.addf %add3A_164, %squeeze3A_166 : vector<128xf32>
      %slice3A_168 = vector.extract_strided_slice %get3A_46 {offsets = [41, 0], sizes = [1, 128], strides = [1, 1]} : vector<200x128xf32> to vector<1x128xf32>
      %squeeze3A_169 = vector.shape_cast %slice3A_168 : vector<1x128xf32> to vector<128xf32>
      %add3A_170 = arith.addf %add3A_167, %squeeze3A_169 : vector<128xf32>
      %slice3A_171 = vector.extract_strided_slice %get3A_46 {offsets = [42, 0], sizes = [1, 128], strides = [1, 1]} : vector<200x128xf32> to vector<1x128xf32>
      %squeeze3A_172 = vector.shape_cast %slice3A_171 : vector<1x128xf32> to vector<128xf32>
      %add3A_173 = arith.addf %add3A_170, %squeeze3A_172 : vector<128xf32>
      %slice3A_174 = vector.extract_strided_slice %get3A_46 {offsets = [43, 0], sizes = [1, 128], strides = [1, 1]} : vector<200x128xf32> to vector<1x128xf32>
      %squeeze3A_175 = vector.shape_cast %slice3A_174 : vector<1x128xf32> to vector<128xf32>
      %add3A_176 = arith.addf %add3A_173, %squeeze3A_175 : vector<128xf32>
      %slice3A_177 = vector.extract_strided_slice %get3A_46 {offsets = [44, 0], sizes = [1, 128], strides = [1, 1]} : vector<200x128xf32> to vector<1x128xf32>
      %squeeze3A_178 = vector.shape_cast %slice3A_177 : vector<1x128xf32> to vector<128xf32>
      %add3A_179 = arith.addf %add3A_176, %squeeze3A_178 : vector<128xf32>
      %slice3A_180 = vector.extract_strided_slice %get3A_46 {offsets = [45, 0], sizes = [1, 128], strides = [1, 1]} : vector<200x128xf32> to vector<1x128xf32>
      %squeeze3A_181 = vector.shape_cast %slice3A_180 : vector<1x128xf32> to vector<128xf32>
      %add3A_182 = arith.addf %add3A_179, %squeeze3A_181 : vector<128xf32>
      %slice3A_183 = vector.extract_strided_slice %get3A_46 {offsets = [46, 0], sizes = [1, 128], strides = [1, 1]} : vector<200x128xf32> to vector<1x128xf32>
      %squeeze3A_184 = vector.shape_cast %slice3A_183 : vector<1x128xf32> to vector<128xf32>
      %add3A_185 = arith.addf %add3A_182, %squeeze3A_184 : vector<128xf32>
      %slice3A_186 = vector.extract_strided_slice %get3A_46 {offsets = [47, 0], sizes = [1, 128], strides = [1, 1]} : vector<200x128xf32> to vector<1x128xf32>
      %squeeze3A_187 = vector.shape_cast %slice3A_186 : vector<1x128xf32> to vector<128xf32>
      %add3A_188 = arith.addf %add3A_185, %squeeze3A_187 : vector<128xf32>
      %slice3A_189 = vector.extract_strided_slice %get3A_46 {offsets = [48, 0], sizes = [1, 128], strides = [1, 1]} : vector<200x128xf32> to vector<1x128xf32>
      %squeeze3A_190 = vector.shape_cast %slice3A_189 : vector<1x128xf32> to vector<128xf32>
      %add3A_191 = arith.addf %add3A_188, %squeeze3A_190 : vector<128xf32>
      %slice3A_192 = vector.extract_strided_slice %get3A_46 {offsets = [49, 0], sizes = [1, 128], strides = [1, 1]} : vector<200x128xf32> to vector<1x128xf32>
      %squeeze3A_193 = vector.shape_cast %slice3A_192 : vector<1x128xf32> to vector<128xf32>
      %add3A_194 = arith.addf %add3A_191, %squeeze3A_193 : vector<128xf32>
      %slice3A_195 = vector.extract_strided_slice %get3A_46 {offsets = [50, 0], sizes = [1, 128], strides = [1, 1]} : vector<200x128xf32> to vector<1x128xf32>
      %squeeze3A_196 = vector.shape_cast %slice3A_195 : vector<1x128xf32> to vector<128xf32>
      %add3A_197 = arith.addf %add3A_194, %squeeze3A_196 : vector<128xf32>
      %slice3A_198 = vector.extract_strided_slice %get3A_46 {offsets = [51, 0], sizes = [1, 128], strides = [1, 1]} : vector<200x128xf32> to vector<1x128xf32>
      %squeeze3A_199 = vector.shape_cast %slice3A_198 : vector<1x128xf32> to vector<128xf32>
      %add3A_200 = arith.addf %add3A_197, %squeeze3A_199 : vector<128xf32>
      %slice3A_201 = vector.extract_strided_slice %get3A_46 {offsets = [52, 0], sizes = [1, 128], strides = [1, 1]} : vector<200x128xf32> to vector<1x128xf32>
      %squeeze3A_202 = vector.shape_cast %slice3A_201 : vector<1x128xf32> to vector<128xf32>
      %add3A_203 = arith.addf %add3A_200, %squeeze3A_202 : vector<128xf32>
      %slice3A_204 = vector.extract_strided_slice %get3A_46 {offsets = [53, 0], sizes = [1, 128], strides = [1, 1]} : vector<200x128xf32> to vector<1x128xf32>
      %squeeze3A_205 = vector.shape_cast %slice3A_204 : vector<1x128xf32> to vector<128xf32>
      %add3A_206 = arith.addf %add3A_203, %squeeze3A_205 : vector<128xf32>
      %slice3A_207 = vector.extract_strided_slice %get3A_46 {offsets = [54, 0], sizes = [1, 128], strides = [1, 1]} : vector<200x128xf32> to vector<1x128xf32>
      %squeeze3A_208 = vector.shape_cast %slice3A_207 : vector<1x128xf32> to vector<128xf32>
      %add3A_209 = arith.addf %add3A_206, %squeeze3A_208 : vector<128xf32>
      %slice3A_210 = vector.extract_strided_slice %get3A_46 {offsets = [55, 0], sizes = [1, 128], strides = [1, 1]} : vector<200x128xf32> to vector<1x128xf32>
      %squeeze3A_211 = vector.shape_cast %slice3A_210 : vector<1x128xf32> to vector<128xf32>
      %add3A_212 = arith.addf %add3A_209, %squeeze3A_211 : vector<128xf32>
      %slice3A_213 = vector.extract_strided_slice %get3A_46 {offsets = [56, 0], sizes = [1, 128], strides = [1, 1]} : vector<200x128xf32> to vector<1x128xf32>
      %squeeze3A_214 = vector.shape_cast %slice3A_213 : vector<1x128xf32> to vector<128xf32>
      %add3A_215 = arith.addf %add3A_212, %squeeze3A_214 : vector<128xf32>
      %slice3A_216 = vector.extract_strided_slice %get3A_46 {offsets = [57, 0], sizes = [1, 128], strides = [1, 1]} : vector<200x128xf32> to vector<1x128xf32>
      %squeeze3A_217 = vector.shape_cast %slice3A_216 : vector<1x128xf32> to vector<128xf32>
      %add3A_218 = arith.addf %add3A_215, %squeeze3A_217 : vector<128xf32>
      %slice3A_219 = vector.extract_strided_slice %get3A_46 {offsets = [58, 0], sizes = [1, 128], strides = [1, 1]} : vector<200x128xf32> to vector<1x128xf32>
      %squeeze3A_220 = vector.shape_cast %slice3A_219 : vector<1x128xf32> to vector<128xf32>
      %add3A_221 = arith.addf %add3A_218, %squeeze3A_220 : vector<128xf32>
      %slice3A_222 = vector.extract_strided_slice %get3A_46 {offsets = [59, 0], sizes = [1, 128], strides = [1, 1]} : vector<200x128xf32> to vector<1x128xf32>
      %squeeze3A_223 = vector.shape_cast %slice3A_222 : vector<1x128xf32> to vector<128xf32>
      %add3A_224 = arith.addf %add3A_221, %squeeze3A_223 : vector<128xf32>
      %slice3A_225 = vector.extract_strided_slice %get3A_46 {offsets = [60, 0], sizes = [1, 128], strides = [1, 1]} : vector<200x128xf32> to vector<1x128xf32>
      %squeeze3A_226 = vector.shape_cast %slice3A_225 : vector<1x128xf32> to vector<128xf32>
      %add3A_227 = arith.addf %add3A_224, %squeeze3A_226 : vector<128xf32>
      %slice3A_228 = vector.extract_strided_slice %get3A_46 {offsets = [61, 0], sizes = [1, 128], strides = [1, 1]} : vector<200x128xf32> to vector<1x128xf32>
      %squeeze3A_229 = vector.shape_cast %slice3A_228 : vector<1x128xf32> to vector<128xf32>
      %add3A_230 = arith.addf %add3A_227, %squeeze3A_229 : vector<128xf32>
      %slice3A_231 = vector.extract_strided_slice %get3A_46 {offsets = [62, 0], sizes = [1, 128], strides = [1, 1]} : vector<200x128xf32> to vector<1x128xf32>
      %squeeze3A_232 = vector.shape_cast %slice3A_231 : vector<1x128xf32> to vector<128xf32>
      %add3A_233 = arith.addf %add3A_230, %squeeze3A_232 : vector<128xf32>
      %slice3A_234 = vector.extract_strided_slice %get3A_46 {offsets = [63, 0], sizes = [1, 128], strides = [1, 1]} : vector<200x128xf32> to vector<1x128xf32>
      %squeeze3A_235 = vector.shape_cast %slice3A_234 : vector<1x128xf32> to vector<128xf32>
      %add3A_236 = arith.addf %add3A_233, %squeeze3A_235 : vector<128xf32>
      %slice3A_237 = vector.extract_strided_slice %get3A_46 {offsets = [64, 0], sizes = [1, 128], strides = [1, 1]} : vector<200x128xf32> to vector<1x128xf32>
      %squeeze3A_238 = vector.shape_cast %slice3A_237 : vector<1x128xf32> to vector<128xf32>
      %add3A_239 = arith.addf %add3A_236, %squeeze3A_238 : vector<128xf32>
      %slice3A_240 = vector.extract_strided_slice %get3A_46 {offsets = [65, 0], sizes = [1, 128], strides = [1, 1]} : vector<200x128xf32> to vector<1x128xf32>
      %squeeze3A_241 = vector.shape_cast %slice3A_240 : vector<1x128xf32> to vector<128xf32>
      %add3A_242 = arith.addf %add3A_239, %squeeze3A_241 : vector<128xf32>
      %slice3A_243 = vector.extract_strided_slice %get3A_46 {offsets = [66, 0], sizes = [1, 128], strides = [1, 1]} : vector<200x128xf32> to vector<1x128xf32>
      %squeeze3A_244 = vector.shape_cast %slice3A_243 : vector<1x128xf32> to vector<128xf32>
      %add3A_245 = arith.addf %add3A_242, %squeeze3A_244 : vector<128xf32>
      %slice3A_246 = vector.extract_strided_slice %get3A_46 {offsets = [67, 0], sizes = [1, 128], strides = [1, 1]} : vector<200x128xf32> to vector<1x128xf32>
      %squeeze3A_247 = vector.shape_cast %slice3A_246 : vector<1x128xf32> to vector<128xf32>
      %add3A_248 = arith.addf %add3A_245, %squeeze3A_247 : vector<128xf32>
      %slice3A_249 = vector.extract_strided_slice %get3A_46 {offsets = [68, 0], sizes = [1, 128], strides = [1, 1]} : vector<200x128xf32> to vector<1x128xf32>
      %squeeze3A_250 = vector.shape_cast %slice3A_249 : vector<1x128xf32> to vector<128xf32>
      %add3A_251 = arith.addf %add3A_248, %squeeze3A_250 : vector<128xf32>
      %slice3A_252 = vector.extract_strided_slice %get3A_46 {offsets = [69, 0], sizes = [1, 128], strides = [1, 1]} : vector<200x128xf32> to vector<1x128xf32>
      %squeeze3A_253 = vector.shape_cast %slice3A_252 : vector<1x128xf32> to vector<128xf32>
      %add3A_254 = arith.addf %add3A_251, %squeeze3A_253 : vector<128xf32>
      %slice3A_255 = vector.extract_strided_slice %get3A_46 {offsets = [70, 0], sizes = [1, 128], strides = [1, 1]} : vector<200x128xf32> to vector<1x128xf32>
      %squeeze3A_256 = vector.shape_cast %slice3A_255 : vector<1x128xf32> to vector<128xf32>
      %add3A_257 = arith.addf %add3A_254, %squeeze3A_256 : vector<128xf32>
      %slice3A_258 = vector.extract_strided_slice %get3A_46 {offsets = [71, 0], sizes = [1, 128], strides = [1, 1]} : vector<200x128xf32> to vector<1x128xf32>
      %squeeze3A_259 = vector.shape_cast %slice3A_258 : vector<1x128xf32> to vector<128xf32>
      %add3A_260 = arith.addf %add3A_257, %squeeze3A_259 : vector<128xf32>
      %slice3A_261 = vector.extract_strided_slice %get3A_46 {offsets = [72, 0], sizes = [1, 128], strides = [1, 1]} : vector<200x128xf32> to vector<1x128xf32>
      %squeeze3A_262 = vector.shape_cast %slice3A_261 : vector<1x128xf32> to vector<128xf32>
      %add3A_263 = arith.addf %add3A_260, %squeeze3A_262 : vector<128xf32>
      %slice3A_264 = vector.extract_strided_slice %get3A_46 {offsets = [73, 0], sizes = [1, 128], strides = [1, 1]} : vector<200x128xf32> to vector<1x128xf32>
      %squeeze3A_265 = vector.shape_cast %slice3A_264 : vector<1x128xf32> to vector<128xf32>
      %add3A_266 = arith.addf %add3A_263, %squeeze3A_265 : vector<128xf32>
      %slice3A_267 = vector.extract_strided_slice %get3A_46 {offsets = [74, 0], sizes = [1, 128], strides = [1, 1]} : vector<200x128xf32> to vector<1x128xf32>
      %squeeze3A_268 = vector.shape_cast %slice3A_267 : vector<1x128xf32> to vector<128xf32>
      %add3A_269 = arith.addf %add3A_266, %squeeze3A_268 : vector<128xf32>
      %slice3A_270 = vector.extract_strided_slice %get3A_46 {offsets = [75, 0], sizes = [1, 128], strides = [1, 1]} : vector<200x128xf32> to vector<1x128xf32>
      %squeeze3A_271 = vector.shape_cast %slice3A_270 : vector<1x128xf32> to vector<128xf32>
      %add3A_272 = arith.addf %add3A_269, %squeeze3A_271 : vector<128xf32>
      %slice3A_273 = vector.extract_strided_slice %get3A_46 {offsets = [76, 0], sizes = [1, 128], strides = [1, 1]} : vector<200x128xf32> to vector<1x128xf32>
      %squeeze3A_274 = vector.shape_cast %slice3A_273 : vector<1x128xf32> to vector<128xf32>
      %add3A_275 = arith.addf %add3A_272, %squeeze3A_274 : vector<128xf32>
      %slice3A_276 = vector.extract_strided_slice %get3A_46 {offsets = [77, 0], sizes = [1, 128], strides = [1, 1]} : vector<200x128xf32> to vector<1x128xf32>
      %squeeze3A_277 = vector.shape_cast %slice3A_276 : vector<1x128xf32> to vector<128xf32>
      %add3A_278 = arith.addf %add3A_275, %squeeze3A_277 : vector<128xf32>
      %slice3A_279 = vector.extract_strided_slice %get3A_46 {offsets = [78, 0], sizes = [1, 128], strides = [1, 1]} : vector<200x128xf32> to vector<1x128xf32>
      %squeeze3A_280 = vector.shape_cast %slice3A_279 : vector<1x128xf32> to vector<128xf32>
      %add3A_281 = arith.addf %add3A_278, %squeeze3A_280 : vector<128xf32>
      %slice3A_282 = vector.extract_strided_slice %get3A_46 {offsets = [79, 0], sizes = [1, 128], strides = [1, 1]} : vector<200x128xf32> to vector<1x128xf32>
      %squeeze3A_283 = vector.shape_cast %slice3A_282 : vector<1x128xf32> to vector<128xf32>
      %add3A_284 = arith.addf %add3A_281, %squeeze3A_283 : vector<128xf32>
      %slice3A_285 = vector.extract_strided_slice %get3A_46 {offsets = [80, 0], sizes = [1, 128], strides = [1, 1]} : vector<200x128xf32> to vector<1x128xf32>
      %squeeze3A_286 = vector.shape_cast %slice3A_285 : vector<1x128xf32> to vector<128xf32>
      %add3A_287 = arith.addf %add3A_284, %squeeze3A_286 : vector<128xf32>
      %slice3A_288 = vector.extract_strided_slice %get3A_46 {offsets = [81, 0], sizes = [1, 128], strides = [1, 1]} : vector<200x128xf32> to vector<1x128xf32>
      %squeeze3A_289 = vector.shape_cast %slice3A_288 : vector<1x128xf32> to vector<128xf32>
      %add3A_290 = arith.addf %add3A_287, %squeeze3A_289 : vector<128xf32>
      %slice3A_291 = vector.extract_strided_slice %get3A_46 {offsets = [82, 0], sizes = [1, 128], strides = [1, 1]} : vector<200x128xf32> to vector<1x128xf32>
      %squeeze3A_292 = vector.shape_cast %slice3A_291 : vector<1x128xf32> to vector<128xf32>
      %add3A_293 = arith.addf %add3A_290, %squeeze3A_292 : vector<128xf32>
      %slice3A_294 = vector.extract_strided_slice %get3A_46 {offsets = [83, 0], sizes = [1, 128], strides = [1, 1]} : vector<200x128xf32> to vector<1x128xf32>
      %squeeze3A_295 = vector.shape_cast %slice3A_294 : vector<1x128xf32> to vector<128xf32>
      %add3A_296 = arith.addf %add3A_293, %squeeze3A_295 : vector<128xf32>
      %slice3A_297 = vector.extract_strided_slice %get3A_46 {offsets = [84, 0], sizes = [1, 128], strides = [1, 1]} : vector<200x128xf32> to vector<1x128xf32>
      %squeeze3A_298 = vector.shape_cast %slice3A_297 : vector<1x128xf32> to vector<128xf32>
      %add3A_299 = arith.addf %add3A_296, %squeeze3A_298 : vector<128xf32>
      %slice3A_300 = vector.extract_strided_slice %get3A_46 {offsets = [85, 0], sizes = [1, 128], strides = [1, 1]} : vector<200x128xf32> to vector<1x128xf32>
      %squeeze3A_301 = vector.shape_cast %slice3A_300 : vector<1x128xf32> to vector<128xf32>
      %add3A_302 = arith.addf %add3A_299, %squeeze3A_301 : vector<128xf32>
      %slice3A_303 = vector.extract_strided_slice %get3A_46 {offsets = [86, 0], sizes = [1, 128], strides = [1, 1]} : vector<200x128xf32> to vector<1x128xf32>
      %squeeze3A_304 = vector.shape_cast %slice3A_303 : vector<1x128xf32> to vector<128xf32>
      %add3A_305 = arith.addf %add3A_302, %squeeze3A_304 : vector<128xf32>
      %slice3A_306 = vector.extract_strided_slice %get3A_46 {offsets = [87, 0], sizes = [1, 128], strides = [1, 1]} : vector<200x128xf32> to vector<1x128xf32>
      %squeeze3A_307 = vector.shape_cast %slice3A_306 : vector<1x128xf32> to vector<128xf32>
      %add3A_308 = arith.addf %add3A_305, %squeeze3A_307 : vector<128xf32>
      %slice3A_309 = vector.extract_strided_slice %get3A_46 {offsets = [88, 0], sizes = [1, 128], strides = [1, 1]} : vector<200x128xf32> to vector<1x128xf32>
      %squeeze3A_310 = vector.shape_cast %slice3A_309 : vector<1x128xf32> to vector<128xf32>
      %add3A_311 = arith.addf %add3A_308, %squeeze3A_310 : vector<128xf32>
      %slice3A_312 = vector.extract_strided_slice %get3A_46 {offsets = [89, 0], sizes = [1, 128], strides = [1, 1]} : vector<200x128xf32> to vector<1x128xf32>
      %squeeze3A_313 = vector.shape_cast %slice3A_312 : vector<1x128xf32> to vector<128xf32>
      %add3A_314 = arith.addf %add3A_311, %squeeze3A_313 : vector<128xf32>
      %slice3A_315 = vector.extract_strided_slice %get3A_46 {offsets = [90, 0], sizes = [1, 128], strides = [1, 1]} : vector<200x128xf32> to vector<1x128xf32>
      %squeeze3A_316 = vector.shape_cast %slice3A_315 : vector<1x128xf32> to vector<128xf32>
      %add3A_317 = arith.addf %add3A_314, %squeeze3A_316 : vector<128xf32>
      %slice3A_318 = vector.extract_strided_slice %get3A_46 {offsets = [91, 0], sizes = [1, 128], strides = [1, 1]} : vector<200x128xf32> to vector<1x128xf32>
      %squeeze3A_319 = vector.shape_cast %slice3A_318 : vector<1x128xf32> to vector<128xf32>
      %add3A_320 = arith.addf %add3A_317, %squeeze3A_319 : vector<128xf32>
      %slice3A_321 = vector.extract_strided_slice %get3A_46 {offsets = [92, 0], sizes = [1, 128], strides = [1, 1]} : vector<200x128xf32> to vector<1x128xf32>
      %squeeze3A_322 = vector.shape_cast %slice3A_321 : vector<1x128xf32> to vector<128xf32>
      %add3A_323 = arith.addf %add3A_320, %squeeze3A_322 : vector<128xf32>
      %slice3A_324 = vector.extract_strided_slice %get3A_46 {offsets = [93, 0], sizes = [1, 128], strides = [1, 1]} : vector<200x128xf32> to vector<1x128xf32>
      %squeeze3A_325 = vector.shape_cast %slice3A_324 : vector<1x128xf32> to vector<128xf32>
      %add3A_326 = arith.addf %add3A_323, %squeeze3A_325 : vector<128xf32>
      %slice3A_327 = vector.extract_strided_slice %get3A_46 {offsets = [94, 0], sizes = [1, 128], strides = [1, 1]} : vector<200x128xf32> to vector<1x128xf32>
      %squeeze3A_328 = vector.shape_cast %slice3A_327 : vector<1x128xf32> to vector<128xf32>
      %add3A_329 = arith.addf %add3A_326, %squeeze3A_328 : vector<128xf32>
      %slice3A_330 = vector.extract_strided_slice %get3A_46 {offsets = [95, 0], sizes = [1, 128], strides = [1, 1]} : vector<200x128xf32> to vector<1x128xf32>
      %squeeze3A_331 = vector.shape_cast %slice3A_330 : vector<1x128xf32> to vector<128xf32>
      %add3A_332 = arith.addf %add3A_329, %squeeze3A_331 : vector<128xf32>
      %slice3A_333 = vector.extract_strided_slice %get3A_46 {offsets = [96, 0], sizes = [1, 128], strides = [1, 1]} : vector<200x128xf32> to vector<1x128xf32>
      %squeeze3A_334 = vector.shape_cast %slice3A_333 : vector<1x128xf32> to vector<128xf32>
      %add3A_335 = arith.addf %add3A_332, %squeeze3A_334 : vector<128xf32>
      %slice3A_336 = vector.extract_strided_slice %get3A_46 {offsets = [97, 0], sizes = [1, 128], strides = [1, 1]} : vector<200x128xf32> to vector<1x128xf32>
      %squeeze3A_337 = vector.shape_cast %slice3A_336 : vector<1x128xf32> to vector<128xf32>
      %add3A_338 = arith.addf %add3A_335, %squeeze3A_337 : vector<128xf32>
      %slice3A_339 = vector.extract_strided_slice %get3A_46 {offsets = [98, 0], sizes = [1, 128], strides = [1, 1]} : vector<200x128xf32> to vector<1x128xf32>
      %squeeze3A_340 = vector.shape_cast %slice3A_339 : vector<1x128xf32> to vector<128xf32>
      %add3A_341 = arith.addf %add3A_338, %squeeze3A_340 : vector<128xf32>
      %slice3A_342 = vector.extract_strided_slice %get3A_46 {offsets = [99, 0], sizes = [1, 128], strides = [1, 1]} : vector<200x128xf32> to vector<1x128xf32>
      %squeeze3A_343 = vector.shape_cast %slice3A_342 : vector<1x128xf32> to vector<128xf32>
      %add3A_344 = arith.addf %add3A_341, %squeeze3A_343 : vector<128xf32>
      %slice3A_345 = vector.extract_strided_slice %get3A_46 {offsets = [100, 0], sizes = [1, 128], strides = [1, 1]} : vector<200x128xf32> to vector<1x128xf32>
      %squeeze3A_346 = vector.shape_cast %slice3A_345 : vector<1x128xf32> to vector<128xf32>
      %add3A_347 = arith.addf %add3A_344, %squeeze3A_346 : vector<128xf32>
      %slice3A_348 = vector.extract_strided_slice %get3A_46 {offsets = [101, 0], sizes = [1, 128], strides = [1, 1]} : vector<200x128xf32> to vector<1x128xf32>
      %squeeze3A_349 = vector.shape_cast %slice3A_348 : vector<1x128xf32> to vector<128xf32>
      %add3A_350 = arith.addf %add3A_347, %squeeze3A_349 : vector<128xf32>
      %slice3A_351 = vector.extract_strided_slice %get3A_46 {offsets = [102, 0], sizes = [1, 128], strides = [1, 1]} : vector<200x128xf32> to vector<1x128xf32>
      %squeeze3A_352 = vector.shape_cast %slice3A_351 : vector<1x128xf32> to vector<128xf32>
      %add3A_353 = arith.addf %add3A_350, %squeeze3A_352 : vector<128xf32>
      %slice3A_354 = vector.extract_strided_slice %get3A_46 {offsets = [103, 0], sizes = [1, 128], strides = [1, 1]} : vector<200x128xf32> to vector<1x128xf32>
      %squeeze3A_355 = vector.shape_cast %slice3A_354 : vector<1x128xf32> to vector<128xf32>
      %add3A_356 = arith.addf %add3A_353, %squeeze3A_355 : vector<128xf32>
      %slice3A_357 = vector.extract_strided_slice %get3A_46 {offsets = [104, 0], sizes = [1, 128], strides = [1, 1]} : vector<200x128xf32> to vector<1x128xf32>
      %squeeze3A_358 = vector.shape_cast %slice3A_357 : vector<1x128xf32> to vector<128xf32>
      %add3A_359 = arith.addf %add3A_356, %squeeze3A_358 : vector<128xf32>
      %slice3A_360 = vector.extract_strided_slice %get3A_46 {offsets = [105, 0], sizes = [1, 128], strides = [1, 1]} : vector<200x128xf32> to vector<1x128xf32>
      %squeeze3A_361 = vector.shape_cast %slice3A_360 : vector<1x128xf32> to vector<128xf32>
      %add3A_362 = arith.addf %add3A_359, %squeeze3A_361 : vector<128xf32>
      %slice3A_363 = vector.extract_strided_slice %get3A_46 {offsets = [106, 0], sizes = [1, 128], strides = [1, 1]} : vector<200x128xf32> to vector<1x128xf32>
      %squeeze3A_364 = vector.shape_cast %slice3A_363 : vector<1x128xf32> to vector<128xf32>
      %add3A_365 = arith.addf %add3A_362, %squeeze3A_364 : vector<128xf32>
      %slice3A_366 = vector.extract_strided_slice %get3A_46 {offsets = [107, 0], sizes = [1, 128], strides = [1, 1]} : vector<200x128xf32> to vector<1x128xf32>
      %squeeze3A_367 = vector.shape_cast %slice3A_366 : vector<1x128xf32> to vector<128xf32>
      %add3A_368 = arith.addf %add3A_365, %squeeze3A_367 : vector<128xf32>
      %slice3A_369 = vector.extract_strided_slice %get3A_46 {offsets = [108, 0], sizes = [1, 128], strides = [1, 1]} : vector<200x128xf32> to vector<1x128xf32>
      %squeeze3A_370 = vector.shape_cast %slice3A_369 : vector<1x128xf32> to vector<128xf32>
      %add3A_371 = arith.addf %add3A_368, %squeeze3A_370 : vector<128xf32>
      %slice3A_372 = vector.extract_strided_slice %get3A_46 {offsets = [109, 0], sizes = [1, 128], strides = [1, 1]} : vector<200x128xf32> to vector<1x128xf32>
      %squeeze3A_373 = vector.shape_cast %slice3A_372 : vector<1x128xf32> to vector<128xf32>
      %add3A_374 = arith.addf %add3A_371, %squeeze3A_373 : vector<128xf32>
      %slice3A_375 = vector.extract_strided_slice %get3A_46 {offsets = [110, 0], sizes = [1, 128], strides = [1, 1]} : vector<200x128xf32> to vector<1x128xf32>
      %squeeze3A_376 = vector.shape_cast %slice3A_375 : vector<1x128xf32> to vector<128xf32>
      %add3A_377 = arith.addf %add3A_374, %squeeze3A_376 : vector<128xf32>
      %slice3A_378 = vector.extract_strided_slice %get3A_46 {offsets = [111, 0], sizes = [1, 128], strides = [1, 1]} : vector<200x128xf32> to vector<1x128xf32>
      %squeeze3A_379 = vector.shape_cast %slice3A_378 : vector<1x128xf32> to vector<128xf32>
      %add3A_380 = arith.addf %add3A_377, %squeeze3A_379 : vector<128xf32>
      %slice3A_381 = vector.extract_strided_slice %get3A_46 {offsets = [112, 0], sizes = [1, 128], strides = [1, 1]} : vector<200x128xf32> to vector<1x128xf32>
      %squeeze3A_382 = vector.shape_cast %slice3A_381 : vector<1x128xf32> to vector<128xf32>
      %add3A_383 = arith.addf %add3A_380, %squeeze3A_382 : vector<128xf32>
      %slice3A_384 = vector.extract_strided_slice %get3A_46 {offsets = [113, 0], sizes = [1, 128], strides = [1, 1]} : vector<200x128xf32> to vector<1x128xf32>
      %squeeze3A_385 = vector.shape_cast %slice3A_384 : vector<1x128xf32> to vector<128xf32>
      %add3A_386 = arith.addf %add3A_383, %squeeze3A_385 : vector<128xf32>
      %slice3A_387 = vector.extract_strided_slice %get3A_46 {offsets = [114, 0], sizes = [1, 128], strides = [1, 1]} : vector<200x128xf32> to vector<1x128xf32>
      %squeeze3A_388 = vector.shape_cast %slice3A_387 : vector<1x128xf32> to vector<128xf32>
      %add3A_389 = arith.addf %add3A_386, %squeeze3A_388 : vector<128xf32>
      %slice3A_390 = vector.extract_strided_slice %get3A_46 {offsets = [115, 0], sizes = [1, 128], strides = [1, 1]} : vector<200x128xf32> to vector<1x128xf32>
      %squeeze3A_391 = vector.shape_cast %slice3A_390 : vector<1x128xf32> to vector<128xf32>
      %add3A_392 = arith.addf %add3A_389, %squeeze3A_391 : vector<128xf32>
      %slice3A_393 = vector.extract_strided_slice %get3A_46 {offsets = [116, 0], sizes = [1, 128], strides = [1, 1]} : vector<200x128xf32> to vector<1x128xf32>
      %squeeze3A_394 = vector.shape_cast %slice3A_393 : vector<1x128xf32> to vector<128xf32>
      %add3A_395 = arith.addf %add3A_392, %squeeze3A_394 : vector<128xf32>
      %slice3A_396 = vector.extract_strided_slice %get3A_46 {offsets = [117, 0], sizes = [1, 128], strides = [1, 1]} : vector<200x128xf32> to vector<1x128xf32>
      %squeeze3A_397 = vector.shape_cast %slice3A_396 : vector<1x128xf32> to vector<128xf32>
      %add3A_398 = arith.addf %add3A_395, %squeeze3A_397 : vector<128xf32>
      %slice3A_399 = vector.extract_strided_slice %get3A_46 {offsets = [118, 0], sizes = [1, 128], strides = [1, 1]} : vector<200x128xf32> to vector<1x128xf32>
      %squeeze3A_400 = vector.shape_cast %slice3A_399 : vector<1x128xf32> to vector<128xf32>
      %add3A_401 = arith.addf %add3A_398, %squeeze3A_400 : vector<128xf32>
      %slice3A_402 = vector.extract_strided_slice %get3A_46 {offsets = [119, 0], sizes = [1, 128], strides = [1, 1]} : vector<200x128xf32> to vector<1x128xf32>
      %squeeze3A_403 = vector.shape_cast %slice3A_402 : vector<1x128xf32> to vector<128xf32>
      %add3A_404 = arith.addf %add3A_401, %squeeze3A_403 : vector<128xf32>
      %slice3A_405 = vector.extract_strided_slice %get3A_46 {offsets = [120, 0], sizes = [1, 128], strides = [1, 1]} : vector<200x128xf32> to vector<1x128xf32>
      %squeeze3A_406 = vector.shape_cast %slice3A_405 : vector<1x128xf32> to vector<128xf32>
      %add3A_407 = arith.addf %add3A_404, %squeeze3A_406 : vector<128xf32>
      %slice3A_408 = vector.extract_strided_slice %get3A_46 {offsets = [121, 0], sizes = [1, 128], strides = [1, 1]} : vector<200x128xf32> to vector<1x128xf32>
      %squeeze3A_409 = vector.shape_cast %slice3A_408 : vector<1x128xf32> to vector<128xf32>
      %add3A_410 = arith.addf %add3A_407, %squeeze3A_409 : vector<128xf32>
      %slice3A_411 = vector.extract_strided_slice %get3A_46 {offsets = [122, 0], sizes = [1, 128], strides = [1, 1]} : vector<200x128xf32> to vector<1x128xf32>
      %squeeze3A_412 = vector.shape_cast %slice3A_411 : vector<1x128xf32> to vector<128xf32>
      %add3A_413 = arith.addf %add3A_410, %squeeze3A_412 : vector<128xf32>
      %slice3A_414 = vector.extract_strided_slice %get3A_46 {offsets = [123, 0], sizes = [1, 128], strides = [1, 1]} : vector<200x128xf32> to vector<1x128xf32>
      %squeeze3A_415 = vector.shape_cast %slice3A_414 : vector<1x128xf32> to vector<128xf32>
      %add3A_416 = arith.addf %add3A_413, %squeeze3A_415 : vector<128xf32>
      %slice3A_417 = vector.extract_strided_slice %get3A_46 {offsets = [124, 0], sizes = [1, 128], strides = [1, 1]} : vector<200x128xf32> to vector<1x128xf32>
      %squeeze3A_418 = vector.shape_cast %slice3A_417 : vector<1x128xf32> to vector<128xf32>
      %add3A_419 = arith.addf %add3A_416, %squeeze3A_418 : vector<128xf32>
      %slice3A_420 = vector.extract_strided_slice %get3A_46 {offsets = [125, 0], sizes = [1, 128], strides = [1, 1]} : vector<200x128xf32> to vector<1x128xf32>
      %squeeze3A_421 = vector.shape_cast %slice3A_420 : vector<1x128xf32> to vector<128xf32>
      %add3A_422 = arith.addf %add3A_419, %squeeze3A_421 : vector<128xf32>
      %slice3A_423 = vector.extract_strided_slice %get3A_46 {offsets = [126, 0], sizes = [1, 128], strides = [1, 1]} : vector<200x128xf32> to vector<1x128xf32>
      %squeeze3A_424 = vector.shape_cast %slice3A_423 : vector<1x128xf32> to vector<128xf32>
      %add3A_425 = arith.addf %add3A_422, %squeeze3A_424 : vector<128xf32>
      %slice3A_426 = vector.extract_strided_slice %get3A_46 {offsets = [127, 0], sizes = [1, 128], strides = [1, 1]} : vector<200x128xf32> to vector<1x128xf32>
      %squeeze3A_427 = vector.shape_cast %slice3A_426 : vector<1x128xf32> to vector<128xf32>
      %add3A_428 = arith.addf %add3A_425, %squeeze3A_427 : vector<128xf32>
      %slice3A_429 = vector.extract_strided_slice %get3A_46 {offsets = [128, 0], sizes = [1, 128], strides = [1, 1]} : vector<200x128xf32> to vector<1x128xf32>
      %squeeze3A_430 = vector.shape_cast %slice3A_429 : vector<1x128xf32> to vector<128xf32>
      %add3A_431 = arith.addf %add3A_428, %squeeze3A_430 : vector<128xf32>
      %slice3A_432 = vector.extract_strided_slice %get3A_46 {offsets = [129, 0], sizes = [1, 128], strides = [1, 1]} : vector<200x128xf32> to vector<1x128xf32>
      %squeeze3A_433 = vector.shape_cast %slice3A_432 : vector<1x128xf32> to vector<128xf32>
      %add3A_434 = arith.addf %add3A_431, %squeeze3A_433 : vector<128xf32>
      %slice3A_435 = vector.extract_strided_slice %get3A_46 {offsets = [130, 0], sizes = [1, 128], strides = [1, 1]} : vector<200x128xf32> to vector<1x128xf32>
      %squeeze3A_436 = vector.shape_cast %slice3A_435 : vector<1x128xf32> to vector<128xf32>
      %add3A_437 = arith.addf %add3A_434, %squeeze3A_436 : vector<128xf32>
      %slice3A_438 = vector.extract_strided_slice %get3A_46 {offsets = [131, 0], sizes = [1, 128], strides = [1, 1]} : vector<200x128xf32> to vector<1x128xf32>
      %squeeze3A_439 = vector.shape_cast %slice3A_438 : vector<1x128xf32> to vector<128xf32>
      %add3A_440 = arith.addf %add3A_437, %squeeze3A_439 : vector<128xf32>
      %slice3A_441 = vector.extract_strided_slice %get3A_46 {offsets = [132, 0], sizes = [1, 128], strides = [1, 1]} : vector<200x128xf32> to vector<1x128xf32>
      %squeeze3A_442 = vector.shape_cast %slice3A_441 : vector<1x128xf32> to vector<128xf32>
      %add3A_443 = arith.addf %add3A_440, %squeeze3A_442 : vector<128xf32>
      %slice3A_444 = vector.extract_strided_slice %get3A_46 {offsets = [133, 0], sizes = [1, 128], strides = [1, 1]} : vector<200x128xf32> to vector<1x128xf32>
      %squeeze3A_445 = vector.shape_cast %slice3A_444 : vector<1x128xf32> to vector<128xf32>
      %add3A_446 = arith.addf %add3A_443, %squeeze3A_445 : vector<128xf32>
      %slice3A_447 = vector.extract_strided_slice %get3A_46 {offsets = [134, 0], sizes = [1, 128], strides = [1, 1]} : vector<200x128xf32> to vector<1x128xf32>
      %squeeze3A_448 = vector.shape_cast %slice3A_447 : vector<1x128xf32> to vector<128xf32>
      %add3A_449 = arith.addf %add3A_446, %squeeze3A_448 : vector<128xf32>
      %slice3A_450 = vector.extract_strided_slice %get3A_46 {offsets = [135, 0], sizes = [1, 128], strides = [1, 1]} : vector<200x128xf32> to vector<1x128xf32>
      %squeeze3A_451 = vector.shape_cast %slice3A_450 : vector<1x128xf32> to vector<128xf32>
      %add3A_452 = arith.addf %add3A_449, %squeeze3A_451 : vector<128xf32>
      %slice3A_453 = vector.extract_strided_slice %get3A_46 {offsets = [136, 0], sizes = [1, 128], strides = [1, 1]} : vector<200x128xf32> to vector<1x128xf32>
      %squeeze3A_454 = vector.shape_cast %slice3A_453 : vector<1x128xf32> to vector<128xf32>
      %add3A_455 = arith.addf %add3A_452, %squeeze3A_454 : vector<128xf32>
      %slice3A_456 = vector.extract_strided_slice %get3A_46 {offsets = [137, 0], sizes = [1, 128], strides = [1, 1]} : vector<200x128xf32> to vector<1x128xf32>
      %squeeze3A_457 = vector.shape_cast %slice3A_456 : vector<1x128xf32> to vector<128xf32>
      %add3A_458 = arith.addf %add3A_455, %squeeze3A_457 : vector<128xf32>
      %slice3A_459 = vector.extract_strided_slice %get3A_46 {offsets = [138, 0], sizes = [1, 128], strides = [1, 1]} : vector<200x128xf32> to vector<1x128xf32>
      %squeeze3A_460 = vector.shape_cast %slice3A_459 : vector<1x128xf32> to vector<128xf32>
      %add3A_461 = arith.addf %add3A_458, %squeeze3A_460 : vector<128xf32>
      %slice3A_462 = vector.extract_strided_slice %get3A_46 {offsets = [139, 0], sizes = [1, 128], strides = [1, 1]} : vector<200x128xf32> to vector<1x128xf32>
      %squeeze3A_463 = vector.shape_cast %slice3A_462 : vector<1x128xf32> to vector<128xf32>
      %add3A_464 = arith.addf %add3A_461, %squeeze3A_463 : vector<128xf32>
      %slice3A_465 = vector.extract_strided_slice %get3A_46 {offsets = [140, 0], sizes = [1, 128], strides = [1, 1]} : vector<200x128xf32> to vector<1x128xf32>
      %squeeze3A_466 = vector.shape_cast %slice3A_465 : vector<1x128xf32> to vector<128xf32>
      %add3A_467 = arith.addf %add3A_464, %squeeze3A_466 : vector<128xf32>
      %slice3A_468 = vector.extract_strided_slice %get3A_46 {offsets = [141, 0], sizes = [1, 128], strides = [1, 1]} : vector<200x128xf32> to vector<1x128xf32>
      %squeeze3A_469 = vector.shape_cast %slice3A_468 : vector<1x128xf32> to vector<128xf32>
      %add3A_470 = arith.addf %add3A_467, %squeeze3A_469 : vector<128xf32>
      %slice3A_471 = vector.extract_strided_slice %get3A_46 {offsets = [142, 0], sizes = [1, 128], strides = [1, 1]} : vector<200x128xf32> to vector<1x128xf32>
      %squeeze3A_472 = vector.shape_cast %slice3A_471 : vector<1x128xf32> to vector<128xf32>
      %add3A_473 = arith.addf %add3A_470, %squeeze3A_472 : vector<128xf32>
      %slice3A_474 = vector.extract_strided_slice %get3A_46 {offsets = [143, 0], sizes = [1, 128], strides = [1, 1]} : vector<200x128xf32> to vector<1x128xf32>
      %squeeze3A_475 = vector.shape_cast %slice3A_474 : vector<1x128xf32> to vector<128xf32>
      %add3A_476 = arith.addf %add3A_473, %squeeze3A_475 : vector<128xf32>
      %slice3A_477 = vector.extract_strided_slice %get3A_46 {offsets = [144, 0], sizes = [1, 128], strides = [1, 1]} : vector<200x128xf32> to vector<1x128xf32>
      %squeeze3A_478 = vector.shape_cast %slice3A_477 : vector<1x128xf32> to vector<128xf32>
      %add3A_479 = arith.addf %add3A_476, %squeeze3A_478 : vector<128xf32>
      %slice3A_480 = vector.extract_strided_slice %get3A_46 {offsets = [145, 0], sizes = [1, 128], strides = [1, 1]} : vector<200x128xf32> to vector<1x128xf32>
      %squeeze3A_481 = vector.shape_cast %slice3A_480 : vector<1x128xf32> to vector<128xf32>
      %add3A_482 = arith.addf %add3A_479, %squeeze3A_481 : vector<128xf32>
      %slice3A_483 = vector.extract_strided_slice %get3A_46 {offsets = [146, 0], sizes = [1, 128], strides = [1, 1]} : vector<200x128xf32> to vector<1x128xf32>
      %squeeze3A_484 = vector.shape_cast %slice3A_483 : vector<1x128xf32> to vector<128xf32>
      %add3A_485 = arith.addf %add3A_482, %squeeze3A_484 : vector<128xf32>
      %slice3A_486 = vector.extract_strided_slice %get3A_46 {offsets = [147, 0], sizes = [1, 128], strides = [1, 1]} : vector<200x128xf32> to vector<1x128xf32>
      %squeeze3A_487 = vector.shape_cast %slice3A_486 : vector<1x128xf32> to vector<128xf32>
      %add3A_488 = arith.addf %add3A_485, %squeeze3A_487 : vector<128xf32>
      %slice3A_489 = vector.extract_strided_slice %get3A_46 {offsets = [148, 0], sizes = [1, 128], strides = [1, 1]} : vector<200x128xf32> to vector<1x128xf32>
      %squeeze3A_490 = vector.shape_cast %slice3A_489 : vector<1x128xf32> to vector<128xf32>
      %add3A_491 = arith.addf %add3A_488, %squeeze3A_490 : vector<128xf32>
      %slice3A_492 = vector.extract_strided_slice %get3A_46 {offsets = [149, 0], sizes = [1, 128], strides = [1, 1]} : vector<200x128xf32> to vector<1x128xf32>
      %squeeze3A_493 = vector.shape_cast %slice3A_492 : vector<1x128xf32> to vector<128xf32>
      %add3A_494 = arith.addf %add3A_491, %squeeze3A_493 : vector<128xf32>
      %slice3A_495 = vector.extract_strided_slice %get3A_46 {offsets = [150, 0], sizes = [1, 128], strides = [1, 1]} : vector<200x128xf32> to vector<1x128xf32>
      %squeeze3A_496 = vector.shape_cast %slice3A_495 : vector<1x128xf32> to vector<128xf32>
      %add3A_497 = arith.addf %add3A_494, %squeeze3A_496 : vector<128xf32>
      %slice3A_498 = vector.extract_strided_slice %get3A_46 {offsets = [151, 0], sizes = [1, 128], strides = [1, 1]} : vector<200x128xf32> to vector<1x128xf32>
      %squeeze3A_499 = vector.shape_cast %slice3A_498 : vector<1x128xf32> to vector<128xf32>
      %add3A_500 = arith.addf %add3A_497, %squeeze3A_499 : vector<128xf32>
      %slice3A_501 = vector.extract_strided_slice %get3A_46 {offsets = [152, 0], sizes = [1, 128], strides = [1, 1]} : vector<200x128xf32> to vector<1x128xf32>
      %squeeze3A_502 = vector.shape_cast %slice3A_501 : vector<1x128xf32> to vector<128xf32>
      %add3A_503 = arith.addf %add3A_500, %squeeze3A_502 : vector<128xf32>
      %slice3A_504 = vector.extract_strided_slice %get3A_46 {offsets = [153, 0], sizes = [1, 128], strides = [1, 1]} : vector<200x128xf32> to vector<1x128xf32>
      %squeeze3A_505 = vector.shape_cast %slice3A_504 : vector<1x128xf32> to vector<128xf32>
      %add3A_506 = arith.addf %add3A_503, %squeeze3A_505 : vector<128xf32>
      %slice3A_507 = vector.extract_strided_slice %get3A_46 {offsets = [154, 0], sizes = [1, 128], strides = [1, 1]} : vector<200x128xf32> to vector<1x128xf32>
      %squeeze3A_508 = vector.shape_cast %slice3A_507 : vector<1x128xf32> to vector<128xf32>
      %add3A_509 = arith.addf %add3A_506, %squeeze3A_508 : vector<128xf32>
      %slice3A_510 = vector.extract_strided_slice %get3A_46 {offsets = [155, 0], sizes = [1, 128], strides = [1, 1]} : vector<200x128xf32> to vector<1x128xf32>
      %squeeze3A_511 = vector.shape_cast %slice3A_510 : vector<1x128xf32> to vector<128xf32>
      %add3A_512 = arith.addf %add3A_509, %squeeze3A_511 : vector<128xf32>
      %slice3A_513 = vector.extract_strided_slice %get3A_46 {offsets = [156, 0], sizes = [1, 128], strides = [1, 1]} : vector<200x128xf32> to vector<1x128xf32>
      %squeeze3A_514 = vector.shape_cast %slice3A_513 : vector<1x128xf32> to vector<128xf32>
      %add3A_515 = arith.addf %add3A_512, %squeeze3A_514 : vector<128xf32>
      %slice3A_516 = vector.extract_strided_slice %get3A_46 {offsets = [157, 0], sizes = [1, 128], strides = [1, 1]} : vector<200x128xf32> to vector<1x128xf32>
      %squeeze3A_517 = vector.shape_cast %slice3A_516 : vector<1x128xf32> to vector<128xf32>
      %add3A_518 = arith.addf %add3A_515, %squeeze3A_517 : vector<128xf32>
      %slice3A_519 = vector.extract_strided_slice %get3A_46 {offsets = [158, 0], sizes = [1, 128], strides = [1, 1]} : vector<200x128xf32> to vector<1x128xf32>
      %squeeze3A_520 = vector.shape_cast %slice3A_519 : vector<1x128xf32> to vector<128xf32>
      %add3A_521 = arith.addf %add3A_518, %squeeze3A_520 : vector<128xf32>
      %slice3A_522 = vector.extract_strided_slice %get3A_46 {offsets = [159, 0], sizes = [1, 128], strides = [1, 1]} : vector<200x128xf32> to vector<1x128xf32>
      %squeeze3A_523 = vector.shape_cast %slice3A_522 : vector<1x128xf32> to vector<128xf32>
      %add3A_524 = arith.addf %add3A_521, %squeeze3A_523 : vector<128xf32>
      %slice3A_525 = vector.extract_strided_slice %get3A_46 {offsets = [160, 0], sizes = [1, 128], strides = [1, 1]} : vector<200x128xf32> to vector<1x128xf32>
      %squeeze3A_526 = vector.shape_cast %slice3A_525 : vector<1x128xf32> to vector<128xf32>
      %add3A_527 = arith.addf %add3A_524, %squeeze3A_526 : vector<128xf32>
      %slice3A_528 = vector.extract_strided_slice %get3A_46 {offsets = [161, 0], sizes = [1, 128], strides = [1, 1]} : vector<200x128xf32> to vector<1x128xf32>
      %squeeze3A_529 = vector.shape_cast %slice3A_528 : vector<1x128xf32> to vector<128xf32>
      %add3A_530 = arith.addf %add3A_527, %squeeze3A_529 : vector<128xf32>
      %slice3A_531 = vector.extract_strided_slice %get3A_46 {offsets = [162, 0], sizes = [1, 128], strides = [1, 1]} : vector<200x128xf32> to vector<1x128xf32>
      %squeeze3A_532 = vector.shape_cast %slice3A_531 : vector<1x128xf32> to vector<128xf32>
      %add3A_533 = arith.addf %add3A_530, %squeeze3A_532 : vector<128xf32>
      %slice3A_534 = vector.extract_strided_slice %get3A_46 {offsets = [163, 0], sizes = [1, 128], strides = [1, 1]} : vector<200x128xf32> to vector<1x128xf32>
      %squeeze3A_535 = vector.shape_cast %slice3A_534 : vector<1x128xf32> to vector<128xf32>
      %add3A_536 = arith.addf %add3A_533, %squeeze3A_535 : vector<128xf32>
      %slice3A_537 = vector.extract_strided_slice %get3A_46 {offsets = [164, 0], sizes = [1, 128], strides = [1, 1]} : vector<200x128xf32> to vector<1x128xf32>
      %squeeze3A_538 = vector.shape_cast %slice3A_537 : vector<1x128xf32> to vector<128xf32>
      %add3A_539 = arith.addf %add3A_536, %squeeze3A_538 : vector<128xf32>
      %slice3A_540 = vector.extract_strided_slice %get3A_46 {offsets = [165, 0], sizes = [1, 128], strides = [1, 1]} : vector<200x128xf32> to vector<1x128xf32>
      %squeeze3A_541 = vector.shape_cast %slice3A_540 : vector<1x128xf32> to vector<128xf32>
      %add3A_542 = arith.addf %add3A_539, %squeeze3A_541 : vector<128xf32>
      %slice3A_543 = vector.extract_strided_slice %get3A_46 {offsets = [166, 0], sizes = [1, 128], strides = [1, 1]} : vector<200x128xf32> to vector<1x128xf32>
      %squeeze3A_544 = vector.shape_cast %slice3A_543 : vector<1x128xf32> to vector<128xf32>
      %add3A_545 = arith.addf %add3A_542, %squeeze3A_544 : vector<128xf32>
      %slice3A_546 = vector.extract_strided_slice %get3A_46 {offsets = [167, 0], sizes = [1, 128], strides = [1, 1]} : vector<200x128xf32> to vector<1x128xf32>
      %squeeze3A_547 = vector.shape_cast %slice3A_546 : vector<1x128xf32> to vector<128xf32>
      %add3A_548 = arith.addf %add3A_545, %squeeze3A_547 : vector<128xf32>
      %slice3A_549 = vector.extract_strided_slice %get3A_46 {offsets = [168, 0], sizes = [1, 128], strides = [1, 1]} : vector<200x128xf32> to vector<1x128xf32>
      %squeeze3A_550 = vector.shape_cast %slice3A_549 : vector<1x128xf32> to vector<128xf32>
      %add3A_551 = arith.addf %add3A_548, %squeeze3A_550 : vector<128xf32>
      %slice3A_552 = vector.extract_strided_slice %get3A_46 {offsets = [169, 0], sizes = [1, 128], strides = [1, 1]} : vector<200x128xf32> to vector<1x128xf32>
      %squeeze3A_553 = vector.shape_cast %slice3A_552 : vector<1x128xf32> to vector<128xf32>
      %add3A_554 = arith.addf %add3A_551, %squeeze3A_553 : vector<128xf32>
      %slice3A_555 = vector.extract_strided_slice %get3A_46 {offsets = [170, 0], sizes = [1, 128], strides = [1, 1]} : vector<200x128xf32> to vector<1x128xf32>
      %squeeze3A_556 = vector.shape_cast %slice3A_555 : vector<1x128xf32> to vector<128xf32>
      %add3A_557 = arith.addf %add3A_554, %squeeze3A_556 : vector<128xf32>
      %slice3A_558 = vector.extract_strided_slice %get3A_46 {offsets = [171, 0], sizes = [1, 128], strides = [1, 1]} : vector<200x128xf32> to vector<1x128xf32>
      %squeeze3A_559 = vector.shape_cast %slice3A_558 : vector<1x128xf32> to vector<128xf32>
      %add3A_560 = arith.addf %add3A_557, %squeeze3A_559 : vector<128xf32>
      %slice3A_561 = vector.extract_strided_slice %get3A_46 {offsets = [172, 0], sizes = [1, 128], strides = [1, 1]} : vector<200x128xf32> to vector<1x128xf32>
      %squeeze3A_562 = vector.shape_cast %slice3A_561 : vector<1x128xf32> to vector<128xf32>
      %add3A_563 = arith.addf %add3A_560, %squeeze3A_562 : vector<128xf32>
      %slice3A_564 = vector.extract_strided_slice %get3A_46 {offsets = [173, 0], sizes = [1, 128], strides = [1, 1]} : vector<200x128xf32> to vector<1x128xf32>
      %squeeze3A_565 = vector.shape_cast %slice3A_564 : vector<1x128xf32> to vector<128xf32>
      %add3A_566 = arith.addf %add3A_563, %squeeze3A_565 : vector<128xf32>
      %slice3A_567 = vector.extract_strided_slice %get3A_46 {offsets = [174, 0], sizes = [1, 128], strides = [1, 1]} : vector<200x128xf32> to vector<1x128xf32>
      %squeeze3A_568 = vector.shape_cast %slice3A_567 : vector<1x128xf32> to vector<128xf32>
      %add3A_569 = arith.addf %add3A_566, %squeeze3A_568 : vector<128xf32>
      %slice3A_570 = vector.extract_strided_slice %get3A_46 {offsets = [175, 0], sizes = [1, 128], strides = [1, 1]} : vector<200x128xf32> to vector<1x128xf32>
      %squeeze3A_571 = vector.shape_cast %slice3A_570 : vector<1x128xf32> to vector<128xf32>
      %add3A_572 = arith.addf %add3A_569, %squeeze3A_571 : vector<128xf32>
      %slice3A_573 = vector.extract_strided_slice %get3A_46 {offsets = [176, 0], sizes = [1, 128], strides = [1, 1]} : vector<200x128xf32> to vector<1x128xf32>
      %squeeze3A_574 = vector.shape_cast %slice3A_573 : vector<1x128xf32> to vector<128xf32>
      %add3A_575 = arith.addf %add3A_572, %squeeze3A_574 : vector<128xf32>
      %slice3A_576 = vector.extract_strided_slice %get3A_46 {offsets = [177, 0], sizes = [1, 128], strides = [1, 1]} : vector<200x128xf32> to vector<1x128xf32>
      %squeeze3A_577 = vector.shape_cast %slice3A_576 : vector<1x128xf32> to vector<128xf32>
      %add3A_578 = arith.addf %add3A_575, %squeeze3A_577 : vector<128xf32>
      %slice3A_579 = vector.extract_strided_slice %get3A_46 {offsets = [178, 0], sizes = [1, 128], strides = [1, 1]} : vector<200x128xf32> to vector<1x128xf32>
      %squeeze3A_580 = vector.shape_cast %slice3A_579 : vector<1x128xf32> to vector<128xf32>
      %add3A_581 = arith.addf %add3A_578, %squeeze3A_580 : vector<128xf32>
      %slice3A_582 = vector.extract_strided_slice %get3A_46 {offsets = [179, 0], sizes = [1, 128], strides = [1, 1]} : vector<200x128xf32> to vector<1x128xf32>
      %squeeze3A_583 = vector.shape_cast %slice3A_582 : vector<1x128xf32> to vector<128xf32>
      %add3A_584 = arith.addf %add3A_581, %squeeze3A_583 : vector<128xf32>
      %slice3A_585 = vector.extract_strided_slice %get3A_46 {offsets = [180, 0], sizes = [1, 128], strides = [1, 1]} : vector<200x128xf32> to vector<1x128xf32>
      %squeeze3A_586 = vector.shape_cast %slice3A_585 : vector<1x128xf32> to vector<128xf32>
      %add3A_587 = arith.addf %add3A_584, %squeeze3A_586 : vector<128xf32>
      %slice3A_588 = vector.extract_strided_slice %get3A_46 {offsets = [181, 0], sizes = [1, 128], strides = [1, 1]} : vector<200x128xf32> to vector<1x128xf32>
      %squeeze3A_589 = vector.shape_cast %slice3A_588 : vector<1x128xf32> to vector<128xf32>
      %add3A_590 = arith.addf %add3A_587, %squeeze3A_589 : vector<128xf32>
      %slice3A_591 = vector.extract_strided_slice %get3A_46 {offsets = [182, 0], sizes = [1, 128], strides = [1, 1]} : vector<200x128xf32> to vector<1x128xf32>
      %squeeze3A_592 = vector.shape_cast %slice3A_591 : vector<1x128xf32> to vector<128xf32>
      %add3A_593 = arith.addf %add3A_590, %squeeze3A_592 : vector<128xf32>
      %slice3A_594 = vector.extract_strided_slice %get3A_46 {offsets = [183, 0], sizes = [1, 128], strides = [1, 1]} : vector<200x128xf32> to vector<1x128xf32>
      %squeeze3A_595 = vector.shape_cast %slice3A_594 : vector<1x128xf32> to vector<128xf32>
      %add3A_596 = arith.addf %add3A_593, %squeeze3A_595 : vector<128xf32>
      %slice3A_597 = vector.extract_strided_slice %get3A_46 {offsets = [184, 0], sizes = [1, 128], strides = [1, 1]} : vector<200x128xf32> to vector<1x128xf32>
      %squeeze3A_598 = vector.shape_cast %slice3A_597 : vector<1x128xf32> to vector<128xf32>
      %add3A_599 = arith.addf %add3A_596, %squeeze3A_598 : vector<128xf32>
      %slice3A_600 = vector.extract_strided_slice %get3A_46 {offsets = [185, 0], sizes = [1, 128], strides = [1, 1]} : vector<200x128xf32> to vector<1x128xf32>
      %squeeze3A_601 = vector.shape_cast %slice3A_600 : vector<1x128xf32> to vector<128xf32>
      %add3A_602 = arith.addf %add3A_599, %squeeze3A_601 : vector<128xf32>
      %slice3A_603 = vector.extract_strided_slice %get3A_46 {offsets = [186, 0], sizes = [1, 128], strides = [1, 1]} : vector<200x128xf32> to vector<1x128xf32>
      %squeeze3A_604 = vector.shape_cast %slice3A_603 : vector<1x128xf32> to vector<128xf32>
      %add3A_605 = arith.addf %add3A_602, %squeeze3A_604 : vector<128xf32>
      %slice3A_606 = vector.extract_strided_slice %get3A_46 {offsets = [187, 0], sizes = [1, 128], strides = [1, 1]} : vector<200x128xf32> to vector<1x128xf32>
      %squeeze3A_607 = vector.shape_cast %slice3A_606 : vector<1x128xf32> to vector<128xf32>
      %add3A_608 = arith.addf %add3A_605, %squeeze3A_607 : vector<128xf32>
      %slice3A_609 = vector.extract_strided_slice %get3A_46 {offsets = [188, 0], sizes = [1, 128], strides = [1, 1]} : vector<200x128xf32> to vector<1x128xf32>
      %squeeze3A_610 = vector.shape_cast %slice3A_609 : vector<1x128xf32> to vector<128xf32>
      %add3A_611 = arith.addf %add3A_608, %squeeze3A_610 : vector<128xf32>
      %slice3A_612 = vector.extract_strided_slice %get3A_46 {offsets = [189, 0], sizes = [1, 128], strides = [1, 1]} : vector<200x128xf32> to vector<1x128xf32>
      %squeeze3A_613 = vector.shape_cast %slice3A_612 : vector<1x128xf32> to vector<128xf32>
      %add3A_614 = arith.addf %add3A_611, %squeeze3A_613 : vector<128xf32>
      %slice3A_615 = vector.extract_strided_slice %get3A_46 {offsets = [190, 0], sizes = [1, 128], strides = [1, 1]} : vector<200x128xf32> to vector<1x128xf32>
      %squeeze3A_616 = vector.shape_cast %slice3A_615 : vector<1x128xf32> to vector<128xf32>
      %add3A_617 = arith.addf %add3A_614, %squeeze3A_616 : vector<128xf32>
      %slice3A_618 = vector.extract_strided_slice %get3A_46 {offsets = [191, 0], sizes = [1, 128], strides = [1, 1]} : vector<200x128xf32> to vector<1x128xf32>
      %squeeze3A_619 = vector.shape_cast %slice3A_618 : vector<1x128xf32> to vector<128xf32>
      %add3A_620 = arith.addf %add3A_617, %squeeze3A_619 : vector<128xf32>
      %slice3A_621 = vector.extract_strided_slice %get3A_46 {offsets = [192, 0], sizes = [1, 128], strides = [1, 1]} : vector<200x128xf32> to vector<1x128xf32>
      %squeeze3A_622 = vector.shape_cast %slice3A_621 : vector<1x128xf32> to vector<128xf32>
      %add3A_623 = arith.addf %add3A_620, %squeeze3A_622 : vector<128xf32>
      %slice3A_624 = vector.extract_strided_slice %get3A_46 {offsets = [193, 0], sizes = [1, 128], strides = [1, 1]} : vector<200x128xf32> to vector<1x128xf32>
      %squeeze3A_625 = vector.shape_cast %slice3A_624 : vector<1x128xf32> to vector<128xf32>
      %add3A_626 = arith.addf %add3A_623, %squeeze3A_625 : vector<128xf32>
      %slice3A_627 = vector.extract_strided_slice %get3A_46 {offsets = [194, 0], sizes = [1, 128], strides = [1, 1]} : vector<200x128xf32> to vector<1x128xf32>
      %squeeze3A_628 = vector.shape_cast %slice3A_627 : vector<1x128xf32> to vector<128xf32>
      %add3A_629 = arith.addf %add3A_626, %squeeze3A_628 : vector<128xf32>
      %slice3A_630 = vector.extract_strided_slice %get3A_46 {offsets = [195, 0], sizes = [1, 128], strides = [1, 1]} : vector<200x128xf32> to vector<1x128xf32>
      %squeeze3A_631 = vector.shape_cast %slice3A_630 : vector<1x128xf32> to vector<128xf32>
      %add3A_632 = arith.addf %add3A_629, %squeeze3A_631 : vector<128xf32>
      %slice3A_633 = vector.extract_strided_slice %get3A_46 {offsets = [196, 0], sizes = [1, 128], strides = [1, 1]} : vector<200x128xf32> to vector<1x128xf32>
      %squeeze3A_634 = vector.shape_cast %slice3A_633 : vector<1x128xf32> to vector<128xf32>
      %add3A_635 = arith.addf %add3A_632, %squeeze3A_634 : vector<128xf32>
      %slice3A_636 = vector.extract_strided_slice %get3A_46 {offsets = [197, 0], sizes = [1, 128], strides = [1, 1]} : vector<200x128xf32> to vector<1x128xf32>
      %squeeze3A_637 = vector.shape_cast %slice3A_636 : vector<1x128xf32> to vector<128xf32>
      %add3A_638 = arith.addf %add3A_635, %squeeze3A_637 : vector<128xf32>
      %slice3A_639 = vector.extract_strided_slice %get3A_46 {offsets = [198, 0], sizes = [1, 128], strides = [1, 1]} : vector<200x128xf32> to vector<1x128xf32>
      %squeeze3A_640 = vector.shape_cast %slice3A_639 : vector<1x128xf32> to vector<128xf32>
      %add3A_641 = arith.addf %add3A_638, %squeeze3A_640 : vector<128xf32>
      %slice3A_642 = vector.extract_strided_slice %get3A_46 {offsets = [199, 0], sizes = [1, 128], strides = [1, 1]} : vector<200x128xf32> to vector<1x128xf32>
      %squeeze3A_643 = vector.shape_cast %slice3A_642 : vector<1x128xf32> to vector<128xf32>
      %add3A_644 = arith.addf %add3A_641, %squeeze3A_643 : vector<128xf32>
      scf.yield %add3A_644 : vector<128xf32>
    }
    %scan3A_19 = arith.constant 10 : i32
    %swap3A = arith.constant 0 : index
    %swap3A_20 = arith.constant 0 : index
    %swap3A_21 = vector.load %arg5[%swap3A, %swap3A_20] : memref<1x128xf32, #tpu.memory_space<vmem>>, vector<1x128xf32>
    %swap3A_22 = vector.shape_cast %swap3A_21 : vector<1x128xf32> to vector<128xf32>
    %swap3A_23 = vector.shape_cast %scan3A_18 : vector<128xf32> to vector<1x128xf32>
    tpu.vector_store %arg5[%swap3A, %swap3A_20], %swap3A_23 {strides = array<i32>} : memref<1x128xf32, #tpu.memory_space<vmem>>, vector<1x128xf32>,
    %get3A_24 = arith.constant 0 : index
    %get3A_25 = arith.constant 0 : index
    %get3A_26 = vector.load %arg4[%get3A_24, %get3A_25] : memref<1x128xf32, #tpu.memory_space<vmem>>, vector<1x128xf32>
    %get3A_27 = arith.constant 0 : index
    %get3A_28 = arith.constant 0 : index
    %get3A_29 = vector.load %arg1[%get3A_27, %get3A_28] : memref<2000x128xf32, #tpu.memory_space<vmem>>, vector<2000x128xf32>
    %reduce_sum3A_30 = arith.constant dense<0.000000e+00> : vector<128xf32>
    %reduce_sum3A_31 = vector.multi_reduction <add>, %get3A_29, %reduce_sum3A_30 [0] : vector<2000x128xf32> to vector<128xf32>
    %broadcast_in_dim3A = vector.shape_cast %reduce_sum3A_31 : vector<128xf32> to vector<1x128xf32>
    %add3A_32 = arith.addf %get3A_26, %broadcast_in_dim3A : vector<1x128xf32>
    %swap3A_33 = arith.constant 0 : index
    %swap3A_34 = arith.constant 0 : index
    %swap3A_35 = vector.load %arg4[%swap3A_33, %swap3A_34] : memref<1x128xf32, #tpu.memory_space<vmem>>, vector<1x128xf32>
    tpu.vector_store %arg4[%swap3A_33, %swap3A_34], %add3A_32 {strides = array<i32>} : memref<1x128xf32, #tpu.memory_space<vmem>>, vector<1x128xf32>,
    %eq3A_36 = arith.constant 27 : i32
    %eq3A_37 = arith.cmpi eq, %arg0, %eq3A_36 : i32
    %convert_element_type3A_38 = arith.extui %eq3A_37 : i1 to i32
    %cond3A_39 = arith.constant 0 : i32
    %cond3A_40 = arith.cmpi ne, %convert_element_type3A_38, %cond3A_39 : i32
    scf.if %cond3A_40 {
      %get3A_41 = arith.constant 0 : index
      %get3A_42 = arith.constant 0 : index
      %get3A_43 = vector.load %arg2[%get3A_41, %get3A_42] : memref<32x128xf32, #tpu.memory_space<vmem>>, vector<32x128xf32>
      %reduce_sum3A_44 = arith.constant dense<0.000000e+00> : vector<128xf32>
      %reduce_sum3A_45 = vector.multi_reduction <add>, %get3A_43, %reduce_sum3A_44 [0] : vector<32x128xf32> to vector<128xf32>
      %get3A_46 = arith.constant 0 : index
      %get3A_47 = arith.constant 0 : index
      %get3A_48 = vector.load %arg3[%get3A_46, %get3A_47] : memref<1x128xf32, #tpu.memory_space<vmem>>, vector<1x128xf32>
      %get3A_49 = vector.shape_cast %get3A_48 : vector<1x128xf32> to vector<128xf32>
      %add3A_50 = arith.addf %reduce_sum3A_45, %get3A_49 : vector<128xf32>
      %get3A_51 = arith.constant 0 : index
      %get3A_52 = arith.constant 0 : index
      %get3A_53 = vector.load %arg4[%get3A_51, %get3A_52] : memref<1x128xf32, #tpu.memory_space<vmem>>, vector<1x128xf32>
      %get3A_54 = vector.shape_cast %get3A_53 : vector<1x128xf32> to vector<128xf32>
      %add3A_55 = arith.addf %add3A_50, %get3A_54 : vector<128xf32>
      %get3A_56 = arith.constant 0 : index
      %get3A_57 = arith.constant 0 : index
      %get3A_58 = vector.load %arg5[%get3A_56, %get3A_57] : memref<1x128xf32, #tpu.memory_space<vmem>>, vector<1x128xf32>
      %get3A_59 = vector.shape_cast %get3A_58 : vector<1x128xf32> to vector<128xf32>
      %sub3A = arith.subf %add3A_55, %get3A_59 : vector<128xf32>
      %abs3A = math.absf %sub3A : vector<128xf32>
      %abs3A_60 = math.absf %get3A_59 : vector<128xf32>
      %mul3A = arith.constant 9.99999974E-6 : f32
      %mul3A_61 = vector.broadcast %mul3A : f32 to vector<128xf32>
      %mul3A_62 = arith.mulf %mul3A_61, %abs3A_60 : vector<128xf32>
      %add3A_63 = arith.constant 9.99999993E-9 : f32
      %add3A_64 = vector.broadcast %add3A_63 : f32 to vector<128xf32>
      %add3A_65 = arith.addf %add3A_64, %mul3A_62 : vector<128xf32>
      %le3A = arith.cmpf ole, %abs3A, %add3A_65 : vector<128xf32>
      %reduce_and3A = arith.constant 1.000000e+00 : f32
      %reduce_and3A_66 = arith.constant 0.000000e+00 : f32
      %reduce_and3A_67 = vector.broadcast %reduce_and3A : f32 to vector<128xf32>
      %reduce_and3A_68 = vector.broadcast %reduce_and3A_66 : f32 to vector<128xf32>
      %reduce_and3A_69 = arith.select %le3A, %reduce_and3A_67, %reduce_and3A_68 : vector<128xi1>, vector<128xf32>
      %reduce_and3A_70 = vector.shape_cast %reduce_and3A_69 : vector<128xf32> to vector<1x128xf32>
      %reduce_and3A_71 = arith.constant dense<0x7F800000> : vector<1xf32>
      %reduce_and3A_72 = vector.multi_reduction <minimumf>, %reduce_and3A_70, %reduce_and3A_71 [1] : vector<1x128xf32> to vector<1xf32>
      %reduce_and3A_73 = vector.shape_cast %reduce_and3A_72 : vector<1xf32> to vector<1x1xf32>
      %reduce_and3A_74 = vector.extract %reduce_and3A_73[0, 0] : f32 from vector<1x1xf32>
      %reduce_and3A_75 = arith.constant 0.000000e+00 : f32
      %reduce_and3A_76 = arith.cmpf ogt, %reduce_and3A_74, %reduce_and3A_75 : f32
      %ne3A = arith.cmpf one, %get3A_59, %get3A_59 : vector<128xf32>
      %reduce_or3A = arith.constant 1.000000e+00 : f32
      %reduce_or3A_77 = arith.constant 0.000000e+00 : f32
      %reduce_or3A_78 = vector.broadcast %reduce_or3A : f32 to vector<128xf32>
      %reduce_or3A_79 = vector.broadcast %reduce_or3A_77 : f32 to vector<128xf32>
      %reduce_or3A_80 = arith.select %ne3A, %reduce_or3A_78, %reduce_or3A_79 : vector<128xi1>, vector<128xf32>
      %reduce_or3A_81 = vector.shape_cast %reduce_or3A_80 : vector<128xf32> to vector<1x128xf32>
      %reduce_or3A_82 = arith.constant dense<0xFF800000> : vector<1xf32>
      %reduce_or3A_83 = vector.multi_reduction <maximumf>, %reduce_or3A_81, %reduce_or3A_82 [1] : vector<1x128xf32> to vector<1xf32>
      %reduce_or3A_84 = vector.shape_cast %reduce_or3A_83 : vector<1xf32> to vector<1x1xf32>
      %reduce_or3A_85 = vector.extract %reduce_or3A_84[0, 0] : f32 from vector<1x1xf32>
      %reduce_or3A_86 = arith.constant 0.000000e+00 : f32
      %reduce_or3A_87 = arith.cmpf ogt, %reduce_or3A_85, %reduce_or3A_86 : f32
      %not3A = arith.constant true
      %not3A_88 = arith.xori %reduce_or3A_87, %not3A : i1
      %and3A = arith.andi %not3A_88, %reduce_and3A_76 : i1
      %convert_element_type3A_89 = arith.extui %and3A : i1 to i32
      %swap3A_90 = arith.constant 0 : index
      %swap3A_91 = arith.constant 0 : index
      %swap3A_92 = memref.load %arg6[%swap3A_90, %swap3A_91] : memref<1x1xi32, #tpu.memory_space<smem>>
      memref.store %convert_element_type3A_89, %arg6[%swap3A_90, %swap3A_91] : memref<1x1xi32, #tpu.memory_space<smem>>
    } else {
    }
    return
  }
  func.func @transform_0(%arg0: i32) -> (i32, i32) {
    %add3A = arith.constant 132 : i32
    %add3A_0 = arith.addi %arg0, %add3A : i32
    %c0_i32 = arith.constant 0 : i32
    %c0_i32_1 = arith.constant 0 : i32
    return %add3A_0, %c0_i32 : i32, i32
  }
  func.func @transform_1(%arg0: i32) -> (i32, i32) {
    %c0_i32 = arith.constant 0 : i32
    %c0_i32_0 = arith.constant 0 : i32
    %c0_i32_1 = arith.constant 0 : i32
    return %c0_i32, %c0_i32_0 : i32, i32
  }
  func.func @transform_2(%arg0: i32) -> (i32, i32) {
    %c0_i32 = arith.constant 0 : i32
    %c0_i32_0 = arith.constant 0 : i32
    %c0_i32_1 = arith.constant 0 : i32
    return %c0_i32, %c0_i32_0 : i32, i32
  }
  func.func @transform_3(%arg0: i32) -> (i32, i32) {
    %c0_i32 = arith.constant 0 : i32
    %c0_i32_0 = arith.constant 0 : i32
    %c0_i32_1 = arith.constant 0 : i32
    return %c0_i32, %c0_i32_0 : i32, i32
  }
  func.func @transform_4(%arg0: i32) -> (i32, i32) {
    %c0_i32 = arith.constant 0 : i32
    %c0_i32_0 = arith.constant 0 : i32
    %c0_i32_1 = arith.constant 0 : i32
    return %c0_i32, %c0_i32_0 : i32, i32
  }
  func.func @transform_5(%arg0: i32) -> (i32, i32) {
    %c0_i32 = arith.constant 0 : i32
    %c0_i32_0 = arith.constant 0 : i32
    %c0_i32_1 = arith.constant 0 : i32
    return %c0_i32, %c0_i32_0 : i32, i32
  }
}

</mosaic_0001>

<sc_bundles>
// kernel: kernel.5.cloned.1.call-start
scs
__scs_entry_jumppad:
0x0: {  	(pc) =	sbr.rel $0x88, $3  }
0x1: {  	(tag) =	ssettag $0x0;
	lr =	simm.s32 $0x1  }
0x2: {  	[smem:$0x3FA0] =	sst lr;
	_ =	strace $0xD0000000  }
0x3: {  	_ = 	snop  }
0x4: {  	_ = 	snop  }
0x5: {  	_ = 	snop  }
0x6: {  	_ = 	snop  }
0x7: {  	_ = 	snop  }
__scs_overlays_trampoline_lowered:
0x8: {  	[smem:$0x3FAF] =	sst s0  }
0x9: {  	[smem:$0x3FB0] =	sst s1  }
0xa: {  	[smem:$0x3FB1] =	sst s2  }
0xb: {  	[smem:$0x3FB2] =	sst s3  }
0xc: {  	[smem:$0x3FB3] =	sst s4  }
0xd: {  	[smem:$0x3FB4] =	sst s5  }
0xe: {  	[smem:$0x3FB5] =	sst s6  }
0xf: {  	[smem:$0x3FB6] =	sst s7  }
0x10: {  	[smem:$0x3FB7] =	sst s8  }
0x11: {  	[smem:$0x3FB8] =	sst s9;
	s0 =	simm.s32 @!p0 $0x0  }
0x12: {  	s1 =	sld [smem:$0x3F9E];
	s0 =	simm.s32 @p0 $0x1  }
0x13: {  	[smem:$0x3FB9] =	sst s0;
	s0 =	simm.s32 @!p1 $0x0  }
0x14: {  	s2 =	sld [smem:$0x3F9D];
	s0 =	simm.s32 @p1 $0x1  }
0x15: {  	[smem:$0x3FBA] =	sst s0;
	s0 =	simm.s32 @!p2 $0x0  }
0x16: {  	s3 =	sld [smem:$0x3FDB];
	s0 =	simm.s32 @p2 $0x1  }
0x17: {  	s4 =	simm.s32 $0x1BF5;
	[smem:$0x3FBC] =	sst s0  }
0x18: {  	s0 =	sld [smem:$0x3F9F];
	_ =	swait.ge [sflag:s4], $0x0  }
0x19: {  	s7 =	sld [smem:$0x3FA0]  }
0x1a: {  	s8 =	sadd.s32 $0xFFFFE003, lr  }
0x1b: {  	s9 =	sadd.s32 $0xFFFFFEF7, lr;
	s5 =	simm.s32 $0xFFFFFFFF;
	p2 =	slt.u32 s8, $0xFFFFF086  }
0x1c: {  	p1 =	slt.u32 s9, $0xF7A;
	s5 =	simm.s32 @!p2 $0x0  }
0x1d: {  	s5 =	simm.s32 @p1 $0x1;
	p0 =	seq.s32 s7, s2  }
0x1e: {  	s7 =	smul.u32 @!p0 $0xF7A, s2;
	p2 =	seq.s32 @!p0 s5, $0x0  }
0x1f: {  	s9 =	smul.u32 $0xF7A, s1;
	s8 =	simm.s32 @!p0 $0x1BF5;
	p2 =	por !p2, p0  }
0x20: {  	[sflag:s8] =	ssyncset.s32 @!p0 $0xFFFFF086;
	s6 =	sadd.s32 @!p0 s3, s7;
	s7 =	simm.s32 @!p0 $0x108  }
0x21: {  	s3 =	sadd.s32 s3, s9;
	s6 =	sadd.s32 @!p0 $0x88, s6;
	s7 =	simm.s32 @p2 $0x1082  }
0x22: {  	[simem:s7], [sflag:s8] =	dma.local @!p0 [hbm:s6], $0xF7A  }
0x23: {  	s9 =	sor.u32 $0xD0000000, s2;
	s6 =	simm.s32 $0x108;
	_ =	swait.ge @!p0 [sflag:s8], $0x0  }
0x24: {  	s3 =	sadd.s32 $0x88, s3;
	s6 =	simm.s32 @!p1 $0x1082;
	[sflag:s4] =	ssyncset.s32 $0xFFFFF086  }
0x25: {  	[simem:s6], [sflag:s4] =	dma.local [hbm:s3], $0xF7A  }
0x26: {  	[smem:$0x3FA0] =	sst s1;
	(tag) =	ssettag s2;
	_ =	strace s9  }
0x27: {  	s1 =	sld [smem:$0x3FB0]  }
0x28: {  	s2 =	sld [smem:$0x3FB1]  }
0x29: {  	s4 =	sld [smem:$0x3FB3]  }
0x2a: {  	p0 =	seq.s32 s5, $0x0;
	s5 =	sld [smem:$0x3FB4]  }
0x2b: {  	s6 =	sld [smem:$0x3FB5]  }
0x2c: {  	s7 =	sld [smem:$0x3FB6]  }
0x2d: {  	s3 =	simm.s32 $0x108;
	s8 =	sld [smem:$0x3FB7]  }
0x2e: {  	s3 =	simm.s32 @!p0 $0x1082;
	s9 =	sld [smem:$0x3FB8]  }
0x2f: {  	lr =	sadd.s32 s0, s3;
	s0 =	sld [smem:$0x3FAF]  }
0x30: {  	s3 =	sld [smem:$0x3FB2]  }
0x31: {  	[smem:$0x3FBB] =	sst s10  }
0x32: {  	s10 =	sld [smem:$0x3FB9];
	_ =	sdelay $0x3  }
0x33: {  	p0 =	seq.s32 s10, $0x1;
	s10 =	sld [smem:$0x3FBB];
	_ =	sdelay $0x3  }
0x34: {  	[smem:$0x3FBB] =	sst s10  }
0x35: {  	s10 =	sld [smem:$0x3FBA];
	_ =	sdelay $0x3  }
0x36: {  	p1 =	seq.s32 s10, $0x1;
	s10 =	sld [smem:$0x3FBB];
	_ =	sdelay $0x3  }
0x37: {  	[smem:$0x3FBB] =	sst s10  }
0x38: {  	s10 =	sld [smem:$0x3FBC]  }
0x39: {  	_ = 	snop;
	(pc) =	sbr.ind lr, $3  }
0x3a: {  	_ = 	snop  }
0x3b: {  	_ = 	snop  }
0x3c: {  	p2 =	seq.s32 s10, $0x1;
	s10 =	sld [smem:$0x3FBB]  }
0x3d: {  	_ =	shalt  }
0x3e: {  	_ =	shalt  }
0x3f: {  	_ =	shalt  }
0x40: {  	_ =	shalt  }
0x41: {  	_ =	shalt  }
0x42: {  	_ =	shalt  }
0x43: {  	_ =	shalt  }
0x44: {  	_ =	shalt  }
0x45: {  	_ =	shalt  }
0x46: {  	_ =	shalt  }
0x47: {  	_ =	shalt  }
0x48: {  	_ =	shalt  }
0x49: {  	_ =	shalt  }
0x4a: {  	_ =	shalt  }
0x4b: {  	_ =	shalt  }
0x4c: {  	_ =	shalt  }
0x4d: {  	_ =	shalt  }
0x4e: {  	_ =	shalt  }
0x4f: {  	_ =	shalt  }
0x50: {  	_ =	shalt  }
0x51: {  	_ =	shalt  }
0x52: {  	_ =	shalt  }
0x53: {  	_ =	shalt  }
0x54: {  	_ =	shalt  }
0x55: {  	_ =	shalt  }
0x56: {  	_ =	shalt  }
0x57: {  	_ =	shalt  }
0x58: {  	_ =	shalt  }
0x59: {  	_ =	shalt  }
0x5a: {  	_ =	shalt  }
0x5b: {  	_ =	shalt  }
0x5c: {  	_ =	shalt  }
0x5d: {  	_ =	shalt  }
0x5e: {  	_ =	shalt  }
0x5f: {  	_ =	shalt  }
0x60: {  	_ =	shalt  }
0x61: {  	_ =	shalt  }
0x62: {  	_ =	shalt  }
0x63: {  	_ =	shalt  }
0x64: {  	_ =	shalt  }
0x65: {  	_ =	shalt  }
0x66: {  	_ =	shalt  }
0x67: {  	_ =	shalt  }
0x68: {  	_ =	shalt  }
0x69: {  	_ =	shalt  }
0x6a: {  	_ =	shalt  }
0x6b: {  	_ =	shalt  }
0x6c: {  	_ =	shalt  }
0x6d: {  	_ =	shalt  }
0x6e: {  	_ =	shalt  }
0x6f: {  	_ =	shalt  }
0x70: {  	_ =	shalt  }
0x71: {  	_ =	shalt  }
0x72: {  	_ =	shalt  }
0x73: {  	_ =	shalt  }
0x74: {  	_ =	shalt  }
0x75: {  	_ =	shalt  }
0x76: {  	_ =	shalt  }
0x77: {  	_ =	shalt  }
0x78: {  	_ =	shalt  }
0x79: {  	_ =	shalt  }
0x7a: {  	_ =	shalt  }
0x7b: {  	_ =	shalt  }
0x7c: {  	_ =	shalt  }
0x7d: {  	_ =	shalt  }
0x7e: {  	_ =	shalt  }
0x7f: {  	_ =	shalt  }
0x80: {  	_ =	shalt  }
0x81: {  	_ =	shalt  }
0x82: {  	_ =	shalt  }
0x83: {  	_ =	shalt  }
0x84: {  	_ =	shalt  }
0x85: {  	_ =	shalt  }
0x86: {  	_ =	shalt  }
0x87: {  	_ =	shalt  }
.Lfunc_end0:
.L_simem_size_0:
called_computation_lowered:
.L_overlay_start_0:
0x88: {  	s2 =	sld [smem:$0x3FD9]  }
0x89: {  	s3 =	sld [smem:$0x3FFE];
	_ =	sdelay $0x1  }
0x8a: {  	s1 =	srdreg.scid  }
0x8b: {  	s0 =	sand.u32 $0x1, s1  }
0x8c: {  	s17 =	sshll.u32 s0, $0xA;
	s2 =	sadd.s32 s3, s2  }
0x8d: {  	s2 =	sadd.s32 s2, s17  }
0x8e: {  	[smem:$0x3FC7] =	sst s2  }
0x8f: {  	_ = 	snop  }
0x90: {  	s2 =	sld [smem:$0x3FC9];
	(tm) =	ssettm $0x1  }
0x91: {  	s18 =	sld [smem:$0x3FFB];
	_ =	sdelay $0x3  }
0x92: {  	_ =	strace s18  }
0x93: {  	s3 =	sld [smem:$0x3FFC];
	_ =	sdelay $0x3  }
0x94: {  	_ =	strace s3  }
0x95: {  	s3 =	sld [smem:$0x3FFD];
	_ =	sdelay $0x3  }
0x96: {  	_ =	strace s3  }
0x97: {  	_ =	strace $0x8FFFFFFF  }
0x98: {  	s19 =	sld [smem:$0x3FDB];
	_ =	sdelay $0x1  }
0x99: {  	s4 =	simm.s32 $_scs_section_size  }
0x9a: {  	s5 =	simm.s32 $_size__tile_overlayer_lowered;
	s6 =	simm.s32 $_tile_overlayer_lowered  }
0x9b: {  	s22 =	simm.s32 $0x1BFF;
	s21 =	sshll.u32 s6, $0x1;
	s3 =	sadd.s32 s4, s19  }
0x9c: {  	s7 =	simm.s32 $0x0;
	s20 =	sshll.u32 s5, $0x1;
	s5 =	sadd.s32 s21, s3  }
0x9d: {  	[timem:s7], [sflag:s22] =	dma.local [hbm:s5], s20  }
0x9e: {  	_ =	swait.ge [sflag:s22], s20  }
0x9f: {  	s4 =	ssub.s32 $0x0, s20;
	[sflag:s22] =	ssyncset.done $0x0  }
0xa0: {  	[sflag:s22] =	ssyncadd.s32 s4;
	_ =	sdelay $0x1  }
0xa1: {  	s23 =	simm.s32 $0x1B8B  }
0xa2: {  	_ =	swait.ge [sflag:s23], $0x1  }
0xa3: {  	[sflag:s23] =	ssyncset.done $0x0  }
0xa4: {  	s25 =	simm.s32 $0x1B8E;
	s24 =	sld [smem:$0x3FFE];
	[sflag:s23] =	ssyncadd.s32 $0xFFFFFFFF  }
0xa5: {  	s26 =	simm.s32 $execute0_lowered;
	[smem:$0x3FD2] =	sst s25  }
0xa6: {  	s5 =	sshll.u32 s26, $0x1;
	_ =	strace $0x80000046;
	[dreg:$0x1] =	wrdreg $0xFFFFFFFF  }
0xa7: {  	s28 =	simm.s32 $_size_execute0_lowered;
	s3 =	sadd.s32 s3, s5;
	[dreg:$0x0] =	wrdreg $0x0  }
0xa8: {  	s5 =	sshll.u32 s28, $0x1;
	[dreg:$0x2] =	wrdreg s3  }
0xa9: {  	[dreg:$0x3] =	wrdreg s5  }
0xaa: {  	[dreg:$0x4] =	wrdreg $0xC0  }
0xab: {  	_ =	task [dreg:s7], $0x5FFFF  }
0xac: {  	[dreg:$0x1] =	wrdreg $0xFFFFFFFF  }
0xad: {  	[dreg:$0x0] =	wrdreg $0x60  }
0xae: {  	[dreg:$0x2] =	wrdreg s2  }
0xaf: {  	[dreg:$0x3] =	wrdreg s24  }
0xb0: {  	[dreg:$0x4] =	wrdreg $0x9  }
0xb1: {  	_ =	task.clear_ibuf [dreg:s7], $0x5FFFF;
	_ =	strace $0x90000046  }
0xb2: {  	s29 =	simm.s32 $0x9;
	_ =	strace $0x80000048  }
0xb3: {  	_ =	swait.ge [sflag:s29], $0x1  }
0xb4: {  	[sflag:s29] =	ssyncadd.s32 $0xFFFFFFFF  }
0xb5: {  	_ =	strace $0x90000048  }
0xb6: {  	_ =	sfence  }
0xb7: {  	s30 =	sld [smem:$0x0];
	_ =	sdelay $0x2  }
0xb8: {  	s31 =	sshll.u32 s1, $0xD;
	s1 =	sshrl.u32 s1, $0x2  }
0xb9: {  	s3 =	sand.u32 $0x4000, s31;
	s1 =	sadd.s32 s1, s30  }
0xba: {  	s0 =	sor.u32 s3, s0;
	s1 =	sshll.u32 s1, $0x11  }
0xbb: {  	s0 =	sor.u32 s1, s0  }
0xbc: {  	s0 =	sadd.s32 $0x8F2B, s0  }
0xbd: {  	[sflag:s0] =	ssyncadd.remote.s32 $0x1  }
0xbe: {  	_ =	sfence.sel $0xFFFF  }
0xbf: {  	[dreg:$0x0] =	wrdreg $0xFFFFFFFF;
	(pc) =	sbr.abs _section_cstart, $3  }
0xc0: {  	[dreg:$0x1] =	wrdreg $0xFFFFFFFF  }
0xc1: {  	_ =	task.clear_ibuf [dreg:s7], $0x2FFFF;
	_ =	strace $0x9FFFFFFF  }
0xc2: {  	(tm) =	ssettm $0x7FFFFFFF  }
0xc3: {  	_ =	shalt  }
tec
execute0_lowered:
.L_overlay_start_1:
0x0: {  	(tag) =	ssettag $0x1  }
0x1: {  	s0 =	srdreg.scid;
	s1 =	rddreg [dreg:$0x0]  }
0x2: {  	s3 =	rddreg [dreg:$0x1];
	s5 =	stileid.u32;
	s0 =	sand.u32 $0x1, s0  }
0x3: {  	s2 =	simm.s32 $0x0;
	s31 =	simm.s32 $0x6400;
	s4 =	sshll.u32 s0, $0x4  }
0x4: {  	[smem:$0x7FF] =	sst s2;
	s0 =	ssub.s32 $0x2, s0;
	s4 =	sor.u32 s5, s4  }
0x5: {  	_ =	strace $0x80000047;
	s7 =	sshrl.u32 s0, $0x1;
	s5 =	smul.u32 $0x9C400, s4  }
0x6: {  	s6 =	sshll.u32 s4, $0x7;
	s4 =	smul.u32 $0x13880, s4;
	s0 =	ssub.s32 s0, s7  }
0x7: {  	s3 =	sadd.s32 s6, s3;
	s30 =	smax.u32 s0, $0x1;
	s0 =	simm.s32 $0x1  }
0x8: {  	s5 =	sshrl.u32 s5, $0x3;
	s29 =	sadd.s32 $0x600, s3;
	s3 =	simm.s32 $0x3  }
0x9: {  	s5 =	sadd.s32 s1, s5;
	s1 =	sadd.s32 s1, s4;
	s4 =	simm.s32 $0x0  }
0xa: {  	[dreg:$0x3] =	wrdreg s1;
	s23 =	sadd.s32 $0xC80, s5;
	s24 =	sadd.s32 $0x1900, s5  }
0xb: {  	s25 =	sadd.s32 $0x2580, s5;
	s26 =	sadd.s32 $0x3200, s5;
	s8 =	sadd.s32 $0x3E80, s5  }
0xc: {  	s9 =	sadd.s32 $0x4B00, s5;
	s10 =	sadd.s32 $0x5780, s5;
	s11 =	sadd.s32 $0x6400, s5  }
0xd: {  	s12 =	sadd.s32 $0x7080, s5;
	s13 =	sadd.s32 $0x7D00, s5;
	s14 =	sadd.s32 $0x8980, s5  }
0xe: {  	s15 =	sadd.s32 $0x9600, s5;
	s16 =	sadd.s32 $0xA280, s5;
	s17 =	sadd.s32 $0xAF00, s5  }
0xf: {  	s18 =	sadd.s32 $0xBB80, s5;
	s19 =	sadd.s32 $0xC800, s5;
	[dreg:$0x4] =	wrdreg s23  }
0x10: {  	s20 =	sadd.s32 $0xD480, s5;
	s21 =	sadd.s32 $0xE100, s5;
	[dreg:$0x5] =	wrdreg s24  }
0x11: {  	s22 =	sadd.s32 $0xED80, s5;
	s28 =	sadd.s32 $0x12C00, s5;
	[dreg:$0x6] =	wrdreg s25  }
0x12: {  	s1 =	simm.s32 $0x2;
	[dreg:$0x7] =	wrdreg s26;
	s23 =	sadd.s32 $0xFA00, s5  }
0x13: {  	s24 =	sadd.s32 $0x10680, s5;
	s25 =	sadd.s32 $0x11300, s5;
	s26 =	sadd.s32 $0x11F80, s5  }
.LBB2_1:
0x14: {  	s5 =	rddreg [dreg:$0x3]  }
0x15: {  	[tilespmem:s2], [sflag:$0x1] =	stream.linear.gather [hbm4b:s5+s2], $0x6400, $0x38;
	[tilespmem:$0xCC00] =	vst v63  }
0x16: {  	s7 =	rddreg [dreg:$0x4]  }
0x17: {  	[tilespmem:s31], [sflag:$0x2] =	stream.linear.gather [hbm4b:s7+s2], $0x6400, $0x38;
	[tilespmem:$0xCC00] =	vst v63  }
0x18: {  	_ =	swait.ge [sflag:s0], $0x6400  }
0x19: {  	[sflag:s0] =	ssyncset.done $0x0  }
0x1a: {  	s7 =	simm.s32 $0x0;
	[sflag:s0] =	ssyncadd.s32 $0xFFFF9C00  }
0x1b: {  	v0 =	vld [tilespmem:s7+$0x70]  }
0x1c: {  	v2 =	vld [tilespmem:s7+$0x0]  }
0x1d: {  	v4 =	vld [tilespmem:s7+$0x10]  }
0x1e: {  	v5 =	vld [tilespmem:s7+$0x20]  }
0x1f: {  	v8 =	vld [tilespmem:s7+$0x30]  }
0x20: {  	v3 =	vimm.f32 $0.0e+00;
	v9 =	vimm.f32 $0.0e+00;
	v6 =	vld [tilespmem:s7+$0x40]  }
0x21: {  	v10 =	vimm.f32 $0.0e+00;
	v7 =	vimm.f32 $0.0e+00;
	v11 =	vld [tilespmem:s7+$0x50];
	v1 =	vadd.f32 v0, v3  }
0x22: {  	s6 =	simm.s32 $0x400;
	s5 =	simm.s32 $0x80;
	v12 =	vld [tilespmem:s7+$0x60];
	v0 =	vadd.f32 v2, v3;
	v2 =	vadd.f32 v4, v3;
	v4 =	vimm.f32 $0.0e+00  }
.LBB2_2:
0x23: {  	p0 =	sne.s32 s6, $0x18E00;
	v13 =	vld [tilespmem:s5+$0x70];
	v3 =	vadd.f32 v5, v3  }
0x24: {  	v14 =	vld [tilespmem:s5+$0x0];
	v4 =	vadd.f32 v8, v4  }
0x25: {  	v15 =	vld [tilespmem:s5+$0x10];
	v9 =	vadd.f32 v6, v9  }
.Ltmp0:
0x26: {  	v5 =	vld [tilespmem:s5+$0x20];
	v10 =	vadd.f32 v11, v10;
	(pc) =	sbr.rel @p0 .LBB2_2-.Ltmp0, $4  }
0x27: {  	v8 =	vld [tilespmem:s5+$0x30];
	v7 =	vadd.f32 v12, v7  }
0x28: {  	v6 =	vld [tilespmem:s5+$0x40];
	v1 =	vadd.f32 v13, v1  }
0x29: {  	v0 =	vadd.f32 v14, v0;
	v11 =	vld [tilespmem:s5+$0x50]  }
0x2a: {  	v2 =	vadd.f32 v15, v2;
	v12 =	vld [tilespmem:s5+$0x60];
	s5 =	sshra.s32 s6, $0x2;
	s6 =	sadd.s32 $0x200, s6  }
0x2b: {  	v13 =	vld [tilespmem:s5+$0x70]  }
0x2c: {  	v14 =	vld [tilespmem:s5+$0x0]  }
0x2d: {  	v15 =	vld [tilespmem:s5+$0x10]  }
0x2e: {  	v16 =	vld [tilespmem:s5+$0x20]  }
0x2f: {  	v17 =	vld [tilespmem:s5+$0x30]  }
0x30: {  	v18 =	vld [tilespmem:s5+$0x40]  }
0x31: {  	v19 =	vld [tilespmem:s5+$0x50];
	s7 =	simm.s32 $0x0;
	s6 =	rddreg [dreg:$0x5]  }
0x32: {  	v20 =	vld [tilespmem:s5+$0x60];
	[tilespmem:s7], [sflag:$0x1] =	stream.linear.gather [hbm4b:s6+s7], $0x6400, $0x38  }
0x33: {  	_ =	swait.ge [sflag:s1], $0x6400  }
0x34: {  	[sflag:s1] =	ssyncset.done $0x0  }
0x35: {  	s7 =	simm.s32 $0x0;
	[sflag:s1] =	ssyncadd.s32 $0xFFFF9C00  }
0x36: {  	v3 =	vadd.f32 v5, v3;
	v4 =	vadd.f32 v8, v4;
	v5 =	vld [tilespmem:s7+$0x6470]  }
0x37: {  	v6 =	vadd.f32 v6, v9;
	v10 =	vadd.f32 v11, v10;
	v21 =	vld [tilespmem:s7+$0x6400]  }
0x38: {  	v7 =	vadd.f32 v12, v7;
	v11 =	vadd.f32 v13, v1;
	v12 =	vld [tilespmem:s7+$0x6410]  }
0x39: {  	v13 =	vadd.f32 v14, v0;
	v14 =	vadd.f32 v15, v2;
	v8 =	vld [tilespmem:s7+$0x6420]  }
0x3a: {  	v0 =	vadd.f32 v16, v3;
	v1 =	vadd.f32 v17, v4;
	v9 =	vld [tilespmem:s7+$0x6430]  }
0x3b: {  	v2 =	vadd.f32 v18, v6;
	v3 =	vadd.f32 v19, v10;
	v10 =	vld [tilespmem:s7+$0x6440]  }
0x3c: {  	v4 =	vadd.f32 v20, v7;
	v5 =	vadd.f32 v5, v11;
	v11 =	vld [tilespmem:s7+$0x6450]  }
0x3d: {  	s5 =	simm.s32 $0x80;
	s6 =	simm.s32 $0x400;
	v6 =	vadd.f32 v21, v13;
	v7 =	vadd.f32 v12, v14;
	v12 =	vld [tilespmem:s7+$0x6460]  }
.LBB2_4:
0x3e: {  	p0 =	sne.s32 s6, $0x18E00;
	v13 =	vld [tilespmem:s5+$0x6470];
	v0 =	vadd.f32 v8, v0  }
0x3f: {  	v14 =	vld [tilespmem:s5+$0x6400];
	v1 =	vadd.f32 v9, v1  }
0x40: {  	v15 =	vld [tilespmem:s5+$0x6410];
	v2 =	vadd.f32 v10, v2  }
.Ltmp1:
0x41: {  	v8 =	vld [tilespmem:s5+$0x6420];
	v3 =	vadd.f32 v11, v3;
	(pc) =	sbr.rel @p0 .LBB2_4-.Ltmp1, $4  }
0x42: {  	v9 =	vld [tilespmem:s5+$0x6430];
	v4 =	vadd.f32 v12, v4  }
0x43: {  	v10 =	vld [tilespmem:s5+$0x6440];
	v5 =	vadd.f32 v13, v5  }
0x44: {  	v6 =	vadd.f32 v14, v6;
	v11 =	vld [tilespmem:s5+$0x6450]  }
0x45: {  	v7 =	vadd.f32 v15, v7;
	v12 =	vld [tilespmem:s5+$0x6460];
	s5 =	sshra.s32 s6, $0x2;
	s6 =	sadd.s32 $0x200, s6  }
0x46: {  	v13 =	vld [tilespmem:s5+$0x6470]  }
0x47: {  	v14 =	vld [tilespmem:s5+$0x6400]  }
0x48: {  	v15 =	vld [tilespmem:s5+$0x6410]  }
0x49: {  	v16 =	vld [tilespmem:s5+$0x6420]  }
0x4a: {  	v17 =	vld [tilespmem:s5+$0x6430]  }
0x4b: {  	v18 =	vld [tilespmem:s5+$0x6440]  }
0x4c: {  	v19 =	vld [tilespmem:s5+$0x6450];
	s7 =	simm.s32 $0x0;
	s6 =	rddreg [dreg:$0x6]  }
0x4d: {  	v20 =	vld [tilespmem:s5+$0x6460];
	[tilespmem:s31], [sflag:$0x2] =	stream.linear.gather [hbm4b:s6+s7], $0x6400, $0x38  }
0x4e: {  	_ =	swait.ge [sflag:s0], $0x6400  }
0x4f: {  	[sflag:s0] =	ssyncset.done $0x0  }
0x50: {  	s7 =	simm.s32 $0x0;
	[sflag:s0] =	ssyncadd.s32 $0xFFFF9C00  }
0x51: {  	v0 =	vadd.f32 v8, v0;
	v1 =	vadd.f32 v9, v1;
	v21 =	vld [tilespmem:s7+$0x70]  }
0x52: {  	v2 =	vadd.f32 v10, v2;
	v3 =	vadd.f32 v11, v3;
	v22 =	vld [tilespmem:s7+$0x0]  }
0x53: {  	v4 =	vadd.f32 v12, v4;
	v5 =	vadd.f32 v13, v5;
	v12 =	vld [tilespmem:s7+$0x10]  }
0x54: {  	v6 =	vadd.f32 v14, v6;
	v7 =	vadd.f32 v15, v7;
	v8 =	vld [tilespmem:s7+$0x20]  }
0x55: {  	v0 =	vadd.f32 v16, v0;
	v1 =	vadd.f32 v17, v1;
	v9 =	vld [tilespmem:s7+$0x30]  }
0x56: {  	v2 =	vadd.f32 v18, v2;
	v3 =	vadd.f32 v19, v3;
	v10 =	vld [tilespmem:s7+$0x40]  }
0x57: {  	v11 =	vld [tilespmem:s7+$0x50];
	v4 =	vadd.f32 v20, v4;
	v5 =	vadd.f32 v21, v5  }
0x58: {  	s5 =	simm.s32 $0x80;
	s6 =	simm.s32 $0x400;
	v6 =	vadd.f32 v22, v6;
	v7 =	vadd.f32 v12, v7;
	v12 =	vld [tilespmem:s7+$0x60]  }
.LBB2_6:
0x59: {  	p0 =	sne.s32 s6, $0x18E00;
	v13 =	vld [tilespmem:s5+$0x70];
	v0 =	vadd.f32 v8, v0  }
0x5a: {  	v14 =	vld [tilespmem:s5+$0x0];
	v1 =	vadd.f32 v9, v1  }
0x5b: {  	v15 =	vld [tilespmem:s5+$0x10];
	v2 =	vadd.f32 v10, v2  }
.Ltmp2:
0x5c: {  	v8 =	vld [tilespmem:s5+$0x20];
	v3 =	vadd.f32 v11, v3;
	(pc) =	sbr.rel @p0 .LBB2_6-.Ltmp2, $4  }
0x5d: {  	v9 =	vld [tilespmem:s5+$0x30];
	v4 =	vadd.f32 v12, v4  }
0x5e: {  	v10 =	vld [tilespmem:s5+$0x40];
	v5 =	vadd.f32 v13, v5  }
0x5f: {  	v6 =	vadd.f32 v14, v6;
	v11 =	vld [tilespmem:s5+$0x50]  }
0x60: {  	v7 =	vadd.f32 v15, v7;
	v12 =	vld [tilespmem:s5+$0x60];
	s5 =	sshra.s32 s6, $0x2;
	s6 =	sadd.s32 $0x200, s6  }
0x61: {  	v13 =	vld [tilespmem:s5+$0x70]  }
0x62: {  	v14 =	vld [tilespmem:s5+$0x0]  }
0x63: {  	v15 =	vld [tilespmem:s5+$0x10]  }
0x64: {  	v16 =	vld [tilespmem:s5+$0x20]  }
0x65: {  	v17 =	vld [tilespmem:s5+$0x30]  }
0x66: {  	v18 =	vld [tilespmem:s5+$0x40]  }
0x67: {  	v19 =	vld [tilespmem:s5+$0x50];
	s7 =	simm.s32 $0x0;
	s6 =	rddreg [dreg:$0x7]  }
0x68: {  	v20 =	vld [tilespmem:s5+$0x60];
	[tilespmem:s7], [sflag:$0x1] =	stream.linear.gather [hbm4b:s6+s7], $0x6400, $0x38  }
0x69: {  	_ =	swait.ge [sflag:s1], $0x6400  }
0x6a: {  	[sflag:s1] =	ssyncset.done $0x0  }
0x6b: {  	s7 =	simm.s32 $0x0;
	[sflag:s1] =	ssyncadd.s32 $0xFFFF9C00  }
0x6c: {  	v0 =	vadd.f32 v8, v0;
	v1 =	vadd.f32 v9, v1;
	v21 =	vld [tilespmem:s7+$0x6470]  }
0x6d: {  	v2 =	vadd.f32 v10, v2;
	v3 =	vadd.f32 v11, v3;
	v22 =	vld [tilespmem:s7+$0x6400]  }
0x6e: {  	v4 =	vadd.f32 v12, v4;
	v5 =	vadd.f32 v13, v5;
	v12 =	vld [tilespmem:s7+$0x6410]  }
0x6f: {  	v6 =	vadd.f32 v14, v6;
	v7 =	vadd.f32 v15, v7;
	v8 =	vld [tilespmem:s7+$0x6420]  }
0x70: {  	v0 =	vadd.f32 v16, v0;
	v1 =	vadd.f32 v17, v1;
	v9 =	vld [tilespmem:s7+$0x6430]  }
0x71: {  	v2 =	vadd.f32 v18, v2;
	v3 =	vadd.f32 v19, v3;
	v10 =	vld [tilespmem:s7+$0x6440]  }
0x72: {  	v11 =	vld [tilespmem:s7+$0x6450];
	v4 =	vadd.f32 v20, v4;
	v5 =	vadd.f32 v21, v5  }
0x73: {  	s5 =	simm.s32 $0x80;
	s6 =	simm.s32 $0x400;
	v6 =	vadd.f32 v22, v6;
	v7 =	vadd.f32 v12, v7;
	v12 =	vld [tilespmem:s7+$0x6460]  }
.LBB2_8:
0x74: {  	p0 =	sne.s32 s6, $0x18E00;
	v13 =	vld [tilespmem:s5+$0x6470];
	v0 =	vadd.f32 v8, v0  }
0x75: {  	v14 =	vld [tilespmem:s5+$0x6400];
	v1 =	vadd.f32 v9, v1  }
0x76: {  	v15 =	vld [tilespmem:s5+$0x6410];
	v2 =	vadd.f32 v10, v2  }
.Ltmp3:
0x77: {  	v8 =	vld [tilespmem:s5+$0x6420];
	v3 =	vadd.f32 v11, v3;
	(pc) =	sbr.rel @p0 .LBB2_8-.Ltmp3, $4  }
0x78: {  	v9 =	vld [tilespmem:s5+$0x6430];
	v4 =	vadd.f32 v12, v4  }
0x79: {  	v10 =	vld [tilespmem:s5+$0x6440];
	v5 =	vadd.f32 v13, v5  }
0x7a: {  	v6 =	vadd.f32 v14, v6;
	v11 =	vld [tilespmem:s5+$0x6450]  }
0x7b: {  	v7 =	vadd.f32 v15, v7;
	v12 =	vld [tilespmem:s5+$0x6460];
	s5 =	sshra.s32 s6, $0x2;
	s6 =	sadd.s32 $0x200, s6  }
0x7c: {  	v13 =	vld [tilespmem:s5+$0x6470]  }
0x7d: {  	v14 =	vld [tilespmem:s5+$0x6400]  }
0x7e: {  	v15 =	vld [tilespmem:s5+$0x6410]  }
0x7f: {  	v16 =	vld [tilespmem:s5+$0x6420]  }
0x80: {  	v17 =	vld [tilespmem:s5+$0x6430]  }
0x81: {  	v18 =	vld [tilespmem:s5+$0x6440]  }
0x82: {  	v19 =	vld [tilespmem:s5+$0x6450];
	s7 =	simm.s32 $0x0  }
0x83: {  	v20 =	vld [tilespmem:s5+$0x6460];
	[tilespmem:s31], [sflag:$0x2] =	stream.linear.gather [hbm4b:s8+s7], $0x6400, $0x38  }
0x84: {  	_ =	swait.ge [sflag:s0], $0x6400  }
0x85: {  	[sflag:s0] =	ssyncset.done $0x0  }
0x86: {  	s7 =	simm.s32 $0x0;
	[sflag:s0] =	ssyncadd.s32 $0xFFFF9C00  }
0x87: {  	v0 =	vadd.f32 v8, v0;
	v1 =	vadd.f32 v9, v1;
	v21 =	vld [tilespmem:s7+$0x70]  }
0x88: {  	v2 =	vadd.f32 v10, v2;
	v3 =	vadd.f32 v11, v3;
	v22 =	vld [tilespmem:s7+$0x0]  }
0x89: {  	v4 =	vadd.f32 v12, v4;
	v5 =	vadd.f32 v13, v5;
	v12 =	vld [tilespmem:s7+$0x10]  }
0x8a: {  	v6 =	vadd.f32 v14, v6;
	v7 =	vadd.f32 v15, v7;
	v8 =	vld [tilespmem:s7+$0x20]  }
0x8b: {  	v0 =	vadd.f32 v16, v0;
	v1 =	vadd.f32 v17, v1;
	v9 =	vld [tilespmem:s7+$0x30]  }
0x8c: {  	v2 =	vadd.f32 v18, v2;
	v3 =	vadd.f32 v19, v3;
	v10 =	vld [tilespmem:s7+$0x40]  }
0x8d: {  	v11 =	vld [tilespmem:s7+$0x50];
	v4 =	vadd.f32 v20, v4;
	v5 =	vadd.f32 v21, v5  }
0x8e: {  	s5 =	simm.s32 $0x80;
	s6 =	simm.s32 $0x400;
	v6 =	vadd.f32 v22, v6;
	v7 =	vadd.f32 v12, v7;
	v12 =	vld [tilespmem:s7+$0x60]  }
.LBB2_10:
0x8f: {  	p0 =	sne.s32 s6, $0x18E00;
	v13 =	vld [tilespmem:s5+$0x70];
	v0 =	vadd.f32 v8, v0  }
0x90: {  	v14 =	vld [tilespmem:s5+$0x0];
	v1 =	vadd.f32 v9, v1  }
0x91: {  	v15 =	vld [tilespmem:s5+$0x10];
	v2 =	vadd.f32 v10, v2  }
.Ltmp4:
0x92: {  	v8 =	vld [tilespmem:s5+$0x20];
	v3 =	vadd.f32 v11, v3;
	(pc) =	sbr.rel @p0 .LBB2_10-.Ltmp4, $4  }
0x93: {  	v9 =	vld [tilespmem:s5+$0x30];
	v4 =	vadd.f32 v12, v4  }
0x94: {  	v10 =	vld [tilespmem:s5+$0x40];
	v5 =	vadd.f32 v13, v5  }
0x95: {  	v6 =	vadd.f32 v14, v6;
	v11 =	vld [tilespmem:s5+$0x50]  }
0x96: {  	v7 =	vadd.f32 v15, v7;
	v12 =	vld [tilespmem:s5+$0x60];
	s5 =	sshra.s32 s6, $0x2;
	s6 =	sadd.s32 $0x200, s6  }
0x97: {  	v13 =	vld [tilespmem:s5+$0x70]  }
0x98: {  	v14 =	vld [tilespmem:s5+$0x0]  }
0x99: {  	v15 =	vld [tilespmem:s5+$0x10]  }
0x9a: {  	v16 =	vld [tilespmem:s5+$0x20]  }
0x9b: {  	v17 =	vld [tilespmem:s5+$0x30]  }
0x9c: {  	v18 =	vld [tilespmem:s5+$0x40]  }
0x9d: {  	v19 =	vld [tilespmem:s5+$0x50];
	s7 =	simm.s32 $0x0  }
0x9e: {  	v20 =	vld [tilespmem:s5+$0x60];
	[tilespmem:s7], [sflag:$0x1] =	stream.linear.gather [hbm4b:s9+s7], $0x6400, $0x38  }
0x9f: {  	_ =	swait.ge [sflag:s1], $0x6400  }
0xa0: {  	[sflag:s1] =	ssyncset.done $0x0  }
0xa1: {  	s7 =	simm.s32 $0x0;
	[sflag:s1] =	ssyncadd.s32 $0xFFFF9C00  }
0xa2: {  	v0 =	vadd.f32 v8, v0;
	v1 =	vadd.f32 v9, v1;
	v21 =	vld [tilespmem:s7+$0x6470]  }
0xa3: {  	v2 =	vadd.f32 v10, v2;
	v3 =	vadd.f32 v11, v3;
	v22 =	vld [tilespmem:s7+$0x6400]  }
0xa4: {  	v4 =	vadd.f32 v12, v4;
	v5 =	vadd.f32 v13, v5;
	v12 =	vld [tilespmem:s7+$0x6410]  }
0xa5: {  	v6 =	vadd.f32 v14, v6;
	v7 =	vadd.f32 v15, v7;
	v8 =	vld [tilespmem:s7+$0x6420]  }
0xa6: {  	v0 =	vadd.f32 v16, v0;
	v1 =	vadd.f32 v17, v1;
	v9 =	vld [tilespmem:s7+$0x6430]  }
0xa7: {  	v2 =	vadd.f32 v18, v2;
	v3 =	vadd.f32 v19, v3;
	v10 =	vld [tilespmem:s7+$0x6440]  }
0xa8: {  	v11 =	vld [tilespmem:s7+$0x6450];
	v4 =	vadd.f32 v20, v4;
	v5 =	vadd.f32 v21, v5  }
0xa9: {  	s5 =	simm.s32 $0x80;
	s6 =	simm.s32 $0x400;
	v6 =	vadd.f32 v22, v6;
	v7 =	vadd.f32 v12, v7;
	v12 =	vld [tilespmem:s7+$0x6460]  }
.LBB2_12:
0xaa: {  	p0 =	sne.s32 s6, $0x18E00;
	v13 =	vld [tilespmem:s5+$0x6470];
	v0 =	vadd.f32 v8, v0  }
0xab: {  	v14 =	vld [tilespmem:s5+$0x6400];
	v1 =	vadd.f32 v9, v1  }
0xac: {  	v15 =	vld [tilespmem:s5+$0x6410];
	v2 =	vadd.f32 v10, v2  }
.Ltmp5:
0xad: {  	v8 =	vld [tilespmem:s5+$0x6420];
	v3 =	vadd.f32 v11, v3;
	(pc) =	sbr.rel @p0 .LBB2_12-.Ltmp5, $4  }
0xae: {  	v9 =	vld [tilespmem:s5+$0x6430];
	v4 =	vadd.f32 v12, v4  }
0xaf: {  	v10 =	vld [tilespmem:s5+$0x6440];
	v5 =	vadd.f32 v13, v5  }
0xb0: {  	v6 =	vadd.f32 v14, v6;
	v11 =	vld [tilespmem:s5+$0x6450]  }
0xb1: {  	v7 =	vadd.f32 v15, v7;
	v12 =	vld [tilespmem:s5+$0x6460];
	s5 =	sshra.s32 s6, $0x2;
	s6 =	sadd.s32 $0x200, s6  }
0xb2: {  	v13 =	vld [tilespmem:s5+$0x6470]  }
0xb3: {  	v14 =	vld [tilespmem:s5+$0x6400]  }
0xb4: {  	v15 =	vld [tilespmem:s5+$0x6410]  }
0xb5: {  	v16 =	vld [tilespmem:s5+$0x6420]  }
0xb6: {  	v17 =	vld [tilespmem:s5+$0x6430]  }
0xb7: {  	v18 =	vld [tilespmem:s5+$0x6440]  }
0xb8: {  	v19 =	vld [tilespmem:s5+$0x6450];
	s7 =	simm.s32 $0x0  }
0xb9: {  	v20 =	vld [tilespmem:s5+$0x6460];
	[tilespmem:s31], [sflag:$0x2] =	stream.linear.gather [hbm4b:s10+s7], $0x6400, $0x38  }
0xba: {  	_ =	swait.ge [sflag:s0], $0x6400  }
0xbb: {  	[sflag:s0] =	ssyncset.done $0x0  }
0xbc: {  	s7 =	simm.s32 $0x0;
	[sflag:s0] =	ssyncadd.s32 $0xFFFF9C00  }
0xbd: {  	v0 =	vadd.f32 v8, v0;
	v1 =	vadd.f32 v9, v1;
	v21 =	vld [tilespmem:s7+$0x70]  }
0xbe: {  	v2 =	vadd.f32 v10, v2;
	v3 =	vadd.f32 v11, v3;
	v22 =	vld [tilespmem:s7+$0x0]  }
0xbf: {  	v4 =	vadd.f32 v12, v4;
	v5 =	vadd.f32 v13, v5;
	v12 =	vld [tilespmem:s7+$0x10]  }
0xc0: {  	v6 =	vadd.f32 v14, v6;
	v7 =	vadd.f32 v15, v7;
	v8 =	vld [tilespmem:s7+$0x20]  }
0xc1: {  	v0 =	vadd.f32 v16, v0;
	v1 =	vadd.f32 v17, v1;
	v9 =	vld [tilespmem:s7+$0x30]  }
0xc2: {  	v2 =	vadd.f32 v18, v2;
	v3 =	vadd.f32 v19, v3;
	v10 =	vld [tilespmem:s7+$0x40]  }
0xc3: {  	v11 =	vld [tilespmem:s7+$0x50];
	v4 =	vadd.f32 v20, v4;
	v5 =	vadd.f32 v21, v5  }
0xc4: {  	s5 =	simm.s32 $0x80;
	s6 =	simm.s32 $0x400;
	v6 =	vadd.f32 v22, v6;
	v7 =	vadd.f32 v12, v7;
	v12 =	vld [tilespmem:s7+$0x60]  }
.LBB2_14:
0xc5: {  	p0 =	sne.s32 s6, $0x18E00;
	v13 =	vld [tilespmem:s5+$0x70];
	v0 =	vadd.f32 v8, v0  }
0xc6: {  	v14 =	vld [tilespmem:s5+$0x0];
	v1 =	vadd.f32 v9, v1  }
0xc7: {  	v15 =	vld [tilespmem:s5+$0x10];
	v2 =	vadd.f32 v10, v2  }
.Ltmp6:
0xc8: {  	v8 =	vld [tilespmem:s5+$0x20];
	v3 =	vadd.f32 v11, v3;
	(pc) =	sbr.rel @p0 .LBB2_14-.Ltmp6, $4  }
0xc9: {  	v9 =	vld [tilespmem:s5+$0x30];
	v4 =	vadd.f32 v12, v4  }
0xca: {  	v10 =	vld [tilespmem:s5+$0x40];
	v5 =	vadd.f32 v13, v5  }
0xcb: {  	v6 =	vadd.f32 v14, v6;
	v11 =	vld [tilespmem:s5+$0x50]  }
0xcc: {  	v7 =	vadd.f32 v15, v7;
	v12 =	vld [tilespmem:s5+$0x60];
	s5 =	sshra.s32 s6, $0x2;
	s6 =	sadd.s32 $0x200, s6  }
0xcd: {  	v13 =	vld [tilespmem:s5+$0x70]  }
0xce: {  	v14 =	vld [tilespmem:s5+$0x0]  }
0xcf: {  	v15 =	vld [tilespmem:s5+$0x10]  }
0xd0: {  	v16 =	vld [tilespmem:s5+$0x20]  }
0xd1: {  	v17 =	vld [tilespmem:s5+$0x30]  }
0xd2: {  	v18 =	vld [tilespmem:s5+$0x40]  }
0xd3: {  	v19 =	vld [tilespmem:s5+$0x50];
	s7 =	simm.s32 $0x0  }
0xd4: {  	v20 =	vld [tilespmem:s5+$0x60];
	[tilespmem:s7], [sflag:$0x1] =	stream.linear.gather [hbm4b:s11+s7], $0x6400, $0x38  }
0xd5: {  	_ =	swait.ge [sflag:s1], $0x6400  }
0xd6: {  	[sflag:s1] =	ssyncset.done $0x0  }
0xd7: {  	s7 =	simm.s32 $0x0;
	[sflag:s1] =	ssyncadd.s32 $0xFFFF9C00  }
0xd8: {  	v0 =	vadd.f32 v8, v0;
	v1 =	vadd.f32 v9, v1;
	v21 =	vld [tilespmem:s7+$0x6470]  }
0xd9: {  	v2 =	vadd.f32 v10, v2;
	v3 =	vadd.f32 v11, v3;
	v22 =	vld [tilespmem:s7+$0x6400]  }
0xda: {  	v4 =	vadd.f32 v12, v4;
	v5 =	vadd.f32 v13, v5;
	v12 =	vld [tilespmem:s7+$0x6410]  }
0xdb: {  	v6 =	vadd.f32 v14, v6;
	v7 =	vadd.f32 v15, v7;
	v8 =	vld [tilespmem:s7+$0x6420]  }
0xdc: {  	v0 =	vadd.f32 v16, v0;
	v1 =	vadd.f32 v17, v1;
	v9 =	vld [tilespmem:s7+$0x6430]  }
0xdd: {  	v2 =	vadd.f32 v18, v2;
	v3 =	vadd.f32 v19, v3;
	v10 =	vld [tilespmem:s7+$0x6440]  }
0xde: {  	v11 =	vld [tilespmem:s7+$0x6450];
	v4 =	vadd.f32 v20, v4;
	v5 =	vadd.f32 v21, v5  }
0xdf: {  	s5 =	simm.s32 $0x80;
	s6 =	simm.s32 $0x400;
	v6 =	vadd.f32 v22, v6;
	v7 =	vadd.f32 v12, v7;
	v12 =	vld [tilespmem:s7+$0x6460]  }
.LBB2_16:
0xe0: {  	p0 =	sne.s32 s6, $0x18E00;
	v13 =	vld [tilespmem:s5+$0x6470];
	v0 =	vadd.f32 v8, v0  }
0xe1: {  	v14 =	vld [tilespmem:s5+$0x6400];
	v1 =	vadd.f32 v9, v1  }
0xe2: {  	v15 =	vld [tilespmem:s5+$0x6410];
	v2 =	vadd.f32 v10, v2  }
.Ltmp7:
0xe3: {  	v8 =	vld [tilespmem:s5+$0x6420];
	v3 =	vadd.f32 v11, v3;
	(pc) =	sbr.rel @p0 .LBB2_16-.Ltmp7, $4  }
0xe4: {  	v9 =	vld [tilespmem:s5+$0x6430];
	v4 =	vadd.f32 v12, v4  }
0xe5: {  	v10 =	vld [tilespmem:s5+$0x6440];
	v5 =	vadd.f32 v13, v5  }
0xe6: {  	v6 =	vadd.f32 v14, v6;
	v11 =	vld [tilespmem:s5+$0x6450]  }
0xe7: {  	v7 =	vadd.f32 v15, v7;
	v12 =	vld [tilespmem:s5+$0x6460];
	s5 =	sshra.s32 s6, $0x2;
	s6 =	sadd.s32 $0x200, s6  }
0xe8: {  	v13 =	vld [tilespmem:s5+$0x6470]  }
0xe9: {  	v14 =	vld [tilespmem:s5+$0x6400]  }
0xea: {  	v15 =	vld [tilespmem:s5+$0x6410]  }
0xeb: {  	v16 =	vld [tilespmem:s5+$0x6420]  }
0xec: {  	v17 =	vld [tilespmem:s5+$0x6430]  }
0xed: {  	v18 =	vld [tilespmem:s5+$0x6440]  }
0xee: {  	v19 =	vld [tilespmem:s5+$0x6450];
	s7 =	simm.s32 $0x0  }
0xef: {  	v20 =	vld [tilespmem:s5+$0x6460];
	[tilespmem:s31], [sflag:$0x2] =	stream.linear.gather [hbm4b:s12+s7], $0x6400, $0x38  }
0xf0: {  	_ =	swait.ge [sflag:s0], $0x6400  }
0xf1: {  	[sflag:s0] =	ssyncset.done $0x0  }
0xf2: {  	s7 =	simm.s32 $0x0;
	[sflag:s0] =	ssyncadd.s32 $0xFFFF9C00  }
0xf3: {  	v0 =	vadd.f32 v8, v0;
	v1 =	vadd.f32 v9, v1;
	v21 =	vld [tilespmem:s7+$0x70]  }
0xf4: {  	v2 =	vadd.f32 v10, v2;
	v3 =	vadd.f32 v11, v3;
	v22 =	vld [tilespmem:s7+$0x0]  }
0xf5: {  	v4 =	vadd.f32 v12, v4;
	v5 =	vadd.f32 v13, v5;
	v12 =	vld [tilespmem:s7+$0x10]  }
0xf6: {  	v6 =	vadd.f32 v14, v6;
	v7 =	vadd.f32 v15, v7;
	v8 =	vld [tilespmem:s7+$0x20]  }
0xf7: {  	v0 =	vadd.f32 v16, v0;
	v1 =	vadd.f32 v17, v1;
	v9 =	vld [tilespmem:s7+$0x30]  }
0xf8: {  	v2 =	vadd.f32 v18, v2;
	v3 =	vadd.f32 v19, v3;
	v10 =	vld [tilespmem:s7+$0x40]  }
0xf9: {  	v11 =	vld [tilespmem:s7+$0x50];
	v4 =	vadd.f32 v20, v4;
	v5 =	vadd.f32 v21, v5  }
0xfa: {  	s5 =	simm.s32 $0x80;
	s6 =	simm.s32 $0x400;
	v6 =	vadd.f32 v22, v6;
	v7 =	vadd.f32 v12, v7;
	v12 =	vld [tilespmem:s7+$0x60]  }
.LBB2_18:
0xfb: {  	p0 =	sne.s32 s6, $0x18E00;
	v13 =	vld [tilespmem:s5+$0x70];
	v0 =	vadd.f32 v8, v0  }
0xfc: {  	v14 =	vld [tilespmem:s5+$0x0];
	v1 =	vadd.f32 v9, v1  }
0xfd: {  	v15 =	vld [tilespmem:s5+$0x10];
	v2 =	vadd.f32 v10, v2  }
.Ltmp8:
0xfe: {  	v8 =	vld [tilespmem:s5+$0x20];
	v3 =	vadd.f32 v11, v3;
	(pc) =	sbr.rel @p0 .LBB2_18-.Ltmp8, $4  }
0xff: {  	v9 =	vld [tilespmem:s5+$0x30];
	v4 =	vadd.f32 v12, v4  }
0x100: {  	v10 =	vld [tilespmem:s5+$0x40];
	v5 =	vadd.f32 v13, v5  }
0x101: {  	v6 =	vadd.f32 v14, v6;
	v11 =	vld [tilespmem:s5+$0x50]  }
0x102: {  	v7 =	vadd.f32 v15, v7;
	v12 =	vld [tilespmem:s5+$0x60];
	s5 =	sshra.s32 s6, $0x2;
	s6 =	sadd.s32 $0x200, s6  }
0x103: {  	v13 =	vld [tilespmem:s5+$0x70]  }
0x104: {  	v14 =	vld [tilespmem:s5+$0x0]  }
0x105: {  	v15 =	vld [tilespmem:s5+$0x10]  }
0x106: {  	v16 =	vld [tilespmem:s5+$0x20]  }
0x107: {  	v17 =	vld [tilespmem:s5+$0x30]  }
0x108: {  	v18 =	vld [tilespmem:s5+$0x40]  }
0x109: {  	v19 =	vld [tilespmem:s5+$0x50];
	s7 =	simm.s32 $0x0  }
0x10a: {  	v20 =	vld [tilespmem:s5+$0x60];
	[tilespmem:s7], [sflag:$0x1] =	stream.linear.gather [hbm4b:s13+s7], $0x6400, $0x38  }
0x10b: {  	_ =	swait.ge [sflag:s1], $0x6400  }
0x10c: {  	[sflag:s1] =	ssyncset.done $0x0  }
0x10d: {  	s7 =	simm.s32 $0x0;
	[sflag:s1] =	ssyncadd.s32 $0xFFFF9C00  }
0x10e: {  	v0 =	vadd.f32 v8, v0;
	v1 =	vadd.f32 v9, v1;
	v21 =	vld [tilespmem:s7+$0x6470]  }
0x10f: {  	v2 =	vadd.f32 v10, v2;
	v3 =	vadd.f32 v11, v3;
	v22 =	vld [tilespmem:s7+$0x6400]  }
0x110: {  	v4 =	vadd.f32 v12, v4;
	v5 =	vadd.f32 v13, v5;
	v12 =	vld [tilespmem:s7+$0x6410]  }
0x111: {  	v6 =	vadd.f32 v14, v6;
	v7 =	vadd.f32 v15, v7;
	v8 =	vld [tilespmem:s7+$0x6420]  }
0x112: {  	v0 =	vadd.f32 v16, v0;
	v1 =	vadd.f32 v17, v1;
	v9 =	vld [tilespmem:s7+$0x6430]  }
0x113: {  	v2 =	vadd.f32 v18, v2;
	v3 =	vadd.f32 v19, v3;
	v10 =	vld [tilespmem:s7+$0x6440]  }
0x114: {  	v11 =	vld [tilespmem:s7+$0x6450];
	v4 =	vadd.f32 v20, v4;
	v5 =	vadd.f32 v21, v5  }
0x115: {  	s5 =	simm.s32 $0x80;
	s6 =	simm.s32 $0x400;
	v6 =	vadd.f32 v22, v6;
	v7 =	vadd.f32 v12, v7;
	v12 =	vld [tilespmem:s7+$0x6460]  }
.LBB2_20:
0x116: {  	p0 =	sne.s32 s6, $0x18E00;
	v13 =	vld [tilespmem:s5+$0x6470];
	v0 =	vadd.f32 v8, v0  }
0x117: {  	v14 =	vld [tilespmem:s5+$0x6400];
	v1 =	vadd.f32 v9, v1  }
0x118: {  	v15 =	vld [tilespmem:s5+$0x6410];
	v2 =	vadd.f32 v10, v2  }
.Ltmp9:
0x119: {  	v8 =	vld [tilespmem:s5+$0x6420];
	v3 =	vadd.f32 v11, v3;
	(pc) =	sbr.rel @p0 .LBB2_20-.Ltmp9, $4  }
0x11a: {  	v9 =	vld [tilespmem:s5+$0x6430];
	v4 =	vadd.f32 v12, v4  }
0x11b: {  	v10 =	vld [tilespmem:s5+$0x6440];
	v5 =	vadd.f32 v13, v5  }
0x11c: {  	v6 =	vadd.f32 v14, v6;
	v11 =	vld [tilespmem:s5+$0x6450]  }
0x11d: {  	v7 =	vadd.f32 v15, v7;
	v12 =	vld [tilespmem:s5+$0x6460];
	s5 =	sshra.s32 s6, $0x2;
	s6 =	sadd.s32 $0x200, s6  }
0x11e: {  	v13 =	vld [tilespmem:s5+$0x6470]  }
0x11f: {  	v14 =	vld [tilespmem:s5+$0x6400]  }
0x120: {  	v15 =	vld [tilespmem:s5+$0x6410]  }
0x121: {  	v16 =	vld [tilespmem:s5+$0x6420]  }
0x122: {  	v17 =	vld [tilespmem:s5+$0x6430]  }
0x123: {  	v18 =	vld [tilespmem:s5+$0x6440]  }
0x124: {  	v19 =	vld [tilespmem:s5+$0x6450];
	s7 =	simm.s32 $0x0  }
0x125: {  	v20 =	vld [tilespmem:s5+$0x6460];
	[tilespmem:s31], [sflag:$0x2] =	stream.linear.gather [hbm4b:s14+s7], $0x6400, $0x38  }
0x126: {  	_ =	swait.ge [sflag:s0], $0x6400  }
0x127: {  	[sflag:s0] =	ssyncset.done $0x0  }
0x128: {  	s7 =	simm.s32 $0x0;
	[sflag:s0] =	ssyncadd.s32 $0xFFFF9C00  }
0x129: {  	v0 =	vadd.f32 v8, v0;
	v1 =	vadd.f32 v9, v1;
	v21 =	vld [tilespmem:s7+$0x70]  }
0x12a: {  	v2 =	vadd.f32 v10, v2;
	v3 =	vadd.f32 v11, v3;
	v22 =	vld [tilespmem:s7+$0x0]  }
0x12b: {  	v4 =	vadd.f32 v12, v4;
	v5 =	vadd.f32 v13, v5;
	v12 =	vld [tilespmem:s7+$0x10]  }
0x12c: {  	v6 =	vadd.f32 v14, v6;
	v7 =	vadd.f32 v15, v7;
	v8 =	vld [tilespmem:s7+$0x20]  }
0x12d: {  	v0 =	vadd.f32 v16, v0;
	v1 =	vadd.f32 v17, v1;
	v9 =	vld [tilespmem:s7+$0x30]  }
0x12e: {  	v2 =	vadd.f32 v18, v2;
	v3 =	vadd.f32 v19, v3;
	v10 =	vld [tilespmem:s7+$0x40]  }
0x12f: {  	v11 =	vld [tilespmem:s7+$0x50];
	v4 =	vadd.f32 v20, v4;
	v5 =	vadd.f32 v21, v5  }
0x130: {  	s5 =	simm.s32 $0x80;
	s6 =	simm.s32 $0x400;
	v6 =	vadd.f32 v22, v6;
	v7 =	vadd.f32 v12, v7;
	v12 =	vld [tilespmem:s7+$0x60]  }
.LBB2_22:
0x131: {  	p0 =	sne.s32 s6, $0x18E00;
	v13 =	vld [tilespmem:s5+$0x70];
	v0 =	vadd.f32 v8, v0  }
0x132: {  	v14 =	vld [tilespmem:s5+$0x0];
	v1 =	vadd.f32 v9, v1  }
0x133: {  	v15 =	vld [tilespmem:s5+$0x10];
	v2 =	vadd.f32 v10, v2  }
.Ltmp10:
0x134: {  	v8 =	vld [tilespmem:s5+$0x20];
	v3 =	vadd.f32 v11, v3;
	(pc) =	sbr.rel @p0 .LBB2_22-.Ltmp10, $4  }
0x135: {  	v9 =	vld [tilespmem:s5+$0x30];
	v4 =	vadd.f32 v12, v4  }
0x136: {  	v10 =	vld [tilespmem:s5+$0x40];
	v5 =	vadd.f32 v13, v5  }
0x137: {  	v6 =	vadd.f32 v14, v6;
	v11 =	vld [tilespmem:s5+$0x50]  }
0x138: {  	v7 =	vadd.f32 v15, v7;
	v12 =	vld [tilespmem:s5+$0x60];
	s5 =	sshra.s32 s6, $0x2;
	s6 =	sadd.s32 $0x200, s6  }
0x139: {  	v13 =	vld [tilespmem:s5+$0x70]  }
0x13a: {  	v14 =	vld [tilespmem:s5+$0x0]  }
0x13b: {  	v15 =	vld [tilespmem:s5+$0x10]  }
0x13c: {  	v16 =	vld [tilespmem:s5+$0x20]  }
0x13d: {  	v17 =	vld [tilespmem:s5+$0x30]  }
0x13e: {  	v18 =	vld [tilespmem:s5+$0x40]  }
0x13f: {  	v19 =	vld [tilespmem:s5+$0x50];
	s7 =	simm.s32 $0x0  }
0x140: {  	v20 =	vld [tilespmem:s5+$0x60];
	[tilespmem:s7], [sflag:$0x1] =	stream.linear.gather [hbm4b:s15+s7], $0x6400, $0x38  }
0x141: {  	_ =	swait.ge [sflag:s1], $0x6400  }
0x142: {  	[sflag:s1] =	ssyncset.done $0x0  }
0x143: {  	s7 =	simm.s32 $0x0;
	[sflag:s1] =	ssyncadd.s32 $0xFFFF9C00  }
0x144: {  	v0 =	vadd.f32 v8, v0;
	v1 =	vadd.f32 v9, v1;
	v21 =	vld [tilespmem:s7+$0x6470]  }
0x145: {  	v2 =	vadd.f32 v10, v2;
	v3 =	vadd.f32 v11, v3;
	v22 =	vld [tilespmem:s7+$0x6400]  }
0x146: {  	v4 =	vadd.f32 v12, v4;
	v5 =	vadd.f32 v13, v5;
	v12 =	vld [tilespmem:s7+$0x6410]  }
0x147: {  	v6 =	vadd.f32 v14, v6;
	v7 =	vadd.f32 v15, v7;
	v8 =	vld [tilespmem:s7+$0x6420]  }
0x148: {  	v0 =	vadd.f32 v16, v0;
	v1 =	vadd.f32 v17, v1;
	v9 =	vld [tilespmem:s7+$0x6430]  }
0x149: {  	v2 =	vadd.f32 v18, v2;
	v3 =	vadd.f32 v19, v3;
	v10 =	vld [tilespmem:s7+$0x6440]  }
0x14a: {  	v11 =	vld [tilespmem:s7+$0x6450];
	v4 =	vadd.f32 v20, v4;
	v5 =	vadd.f32 v21, v5  }
0x14b: {  	s5 =	simm.s32 $0x80;
	s6 =	simm.s32 $0x400;
	v6 =	vadd.f32 v22, v6;
	v7 =	vadd.f32 v12, v7;
	v12 =	vld [tilespmem:s7+$0x6460]  }
.LBB2_24:
0x14c: {  	p0 =	sne.s32 s6, $0x18E00;
	v13 =	vld [tilespmem:s5+$0x6470];
	v0 =	vadd.f32 v8, v0  }
0x14d: {  	v14 =	vld [tilespmem:s5+$0x6400];
	v1 =	vadd.f32 v9, v1  }
0x14e: {  	v15 =	vld [tilespmem:s5+$0x6410];
	v2 =	vadd.f32 v10, v2  }
.Ltmp11:
0x14f: {  	v8 =	vld [tilespmem:s5+$0x6420];
	v3 =	vadd.f32 v11, v3;
	(pc) =	sbr.rel @p0 .LBB2_24-.Ltmp11, $4  }
0x150: {  	v9 =	vld [tilespmem:s5+$0x6430];
	v4 =	vadd.f32 v12, v4  }
0x151: {  	v10 =	vld [tilespmem:s5+$0x6440];
	v5 =	vadd.f32 v13, v5  }
0x152: {  	v6 =	vadd.f32 v14, v6;
	v11 =	vld [tilespmem:s5+$0x6450]  }
0x153: {  	v7 =	vadd.f32 v15, v7;
	v12 =	vld [tilespmem:s5+$0x6460];
	s5 =	sshra.s32 s6, $0x2;
	s6 =	sadd.s32 $0x200, s6  }
0x154: {  	v13 =	vld [tilespmem:s5+$0x6470]  }
0x155: {  	v14 =	vld [tilespmem:s5+$0x6400]  }
0x156: {  	v15 =	vld [tilespmem:s5+$0x6410]  }
0x157: {  	v16 =	vld [tilespmem:s5+$0x6420]  }
0x158: {  	v17 =	vld [tilespmem:s5+$0x6430]  }
0x159: {  	v18 =	vld [tilespmem:s5+$0x6440]  }
0x15a: {  	v19 =	vld [tilespmem:s5+$0x6450];
	s7 =	simm.s32 $0x0  }
0x15b: {  	v20 =	vld [tilespmem:s5+$0x6460];
	[tilespmem:s31], [sflag:$0x2] =	stream.linear.gather [hbm4b:s16+s7], $0x6400, $0x38  }
0x15c: {  	_ =	swait.ge [sflag:s0], $0x6400  }
0x15d: {  	[sflag:s0] =	ssyncset.done $0x0  }
0x15e: {  	s7 =	simm.s32 $0x0;
	[sflag:s0] =	ssyncadd.s32 $0xFFFF9C00  }
0x15f: {  	v0 =	vadd.f32 v8, v0;
	v1 =	vadd.f32 v9, v1;
	v21 =	vld [tilespmem:s7+$0x70]  }
0x160: {  	v2 =	vadd.f32 v10, v2;
	v3 =	vadd.f32 v11, v3;
	v22 =	vld [tilespmem:s7+$0x0]  }
0x161: {  	v4 =	vadd.f32 v12, v4;
	v5 =	vadd.f32 v13, v5;
	v12 =	vld [tilespmem:s7+$0x10]  }
0x162: {  	v6 =	vadd.f32 v14, v6;
	v7 =	vadd.f32 v15, v7;
	v8 =	vld [tilespmem:s7+$0x20]  }
0x163: {  	v0 =	vadd.f32 v16, v0;
	v1 =	vadd.f32 v17, v1;
	v9 =	vld [tilespmem:s7+$0x30]  }
0x164: {  	v2 =	vadd.f32 v18, v2;
	v3 =	vadd.f32 v19, v3;
	v10 =	vld [tilespmem:s7+$0x40]  }
0x165: {  	v11 =	vld [tilespmem:s7+$0x50];
	v4 =	vadd.f32 v20, v4;
	v5 =	vadd.f32 v21, v5  }
0x166: {  	s5 =	simm.s32 $0x80;
	s6 =	simm.s32 $0x400;
	v6 =	vadd.f32 v22, v6;
	v7 =	vadd.f32 v12, v7;
	v12 =	vld [tilespmem:s7+$0x60]  }
.LBB2_26:
0x167: {  	p0 =	sne.s32 s6, $0x18E00;
	v13 =	vld [tilespmem:s5+$0x70];
	v0 =	vadd.f32 v8, v0  }
0x168: {  	v14 =	vld [tilespmem:s5+$0x0];
	v1 =	vadd.f32 v9, v1  }
0x169: {  	v15 =	vld [tilespmem:s5+$0x10];
	v2 =	vadd.f32 v10, v2  }
.Ltmp12:
0x16a: {  	v8 =	vld [tilespmem:s5+$0x20];
	v3 =	vadd.f32 v11, v3;
	(pc) =	sbr.rel @p0 .LBB2_26-.Ltmp12, $4  }
0x16b: {  	v9 =	vld [tilespmem:s5+$0x30];
	v4 =	vadd.f32 v12, v4  }
0x16c: {  	v10 =	vld [tilespmem:s5+$0x40];
	v5 =	vadd.f32 v13, v5  }
0x16d: {  	v6 =	vadd.f32 v14, v6;
	v11 =	vld [tilespmem:s5+$0x50]  }
0x16e: {  	v7 =	vadd.f32 v15, v7;
	v12 =	vld [tilespmem:s5+$0x60];
	s5 =	sshra.s32 s6, $0x2;
	s6 =	sadd.s32 $0x200, s6  }
0x16f: {  	v13 =	vld [tilespmem:s5+$0x70]  }
0x170: {  	v14 =	vld [tilespmem:s5+$0x0]  }
0x171: {  	v15 =	vld [tilespmem:s5+$0x10]  }
0x172: {  	v16 =	vld [tilespmem:s5+$0x20]  }
0x173: {  	v17 =	vld [tilespmem:s5+$0x30]  }
0x174: {  	v18 =	vld [tilespmem:s5+$0x40]  }
0x175: {  	v19 =	vld [tilespmem:s5+$0x50];
	s7 =	simm.s32 $0x0  }
0x176: {  	v20 =	vld [tilespmem:s5+$0x60];
	[tilespmem:s7], [sflag:$0x1] =	stream.linear.gather [hbm4b:s17+s7], $0x6400, $0x38  }
0x177: {  	_ =	swait.ge [sflag:s1], $0x6400  }
0x178: {  	[sflag:s1] =	ssyncset.done $0x0  }
0x179: {  	s7 =	simm.s32 $0x0;
	[sflag:s1] =	ssyncadd.s32 $0xFFFF9C00  }
0x17a: {  	v0 =	vadd.f32 v8, v0;
	v1 =	vadd.f32 v9, v1;
	v21 =	vld [tilespmem:s7+$0x6470]  }
0x17b: {  	v2 =	vadd.f32 v10, v2;
	v3 =	vadd.f32 v11, v3;
	v22 =	vld [tilespmem:s7+$0x6400]  }
0x17c: {  	v4 =	vadd.f32 v12, v4;
	v5 =	vadd.f32 v13, v5;
	v12 =	vld [tilespmem:s7+$0x6410]  }
0x17d: {  	v6 =	vadd.f32 v14, v6;
	v7 =	vadd.f32 v15, v7;
	v8 =	vld [tilespmem:s7+$0x6420]  }
0x17e: {  	v0 =	vadd.f32 v16, v0;
	v1 =	vadd.f32 v17, v1;
	v9 =	vld [tilespmem:s7+$0x6430]  }
0x17f: {  	v2 =	vadd.f32 v18, v2;
	v3 =	vadd.f32 v19, v3;
	v10 =	vld [tilespmem:s7+$0x6440]  }
0x180: {  	v11 =	vld [tilespmem:s7+$0x6450];
	v4 =	vadd.f32 v20, v4;
	v5 =	vadd.f32 v21, v5  }
0x181: {  	s5 =	simm.s32 $0x80;
	s6 =	simm.s32 $0x400;
	v6 =	vadd.f32 v22, v6;
	v7 =	vadd.f32 v12, v7;
	v12 =	vld [tilespmem:s7+$0x6460]  }
.LBB2_28:
0x182: {  	p0 =	sne.s32 s6, $0x18E00;
	v13 =	vld [tilespmem:s5+$0x6470];
	v0 =	vadd.f32 v8, v0  }
0x183: {  	v14 =	vld [tilespmem:s5+$0x6400];
	v1 =	vadd.f32 v9, v1  }
0x184: {  	v15 =	vld [tilespmem:s5+$0x6410];
	v2 =	vadd.f32 v10, v2  }
.Ltmp13:
0x185: {  	v8 =	vld [tilespmem:s5+$0x6420];
	v3 =	vadd.f32 v11, v3;
	(pc) =	sbr.rel @p0 .LBB2_28-.Ltmp13, $4  }
0x186: {  	v9 =	vld [tilespmem:s5+$0x6430];
	v4 =	vadd.f32 v12, v4  }
0x187: {  	v10 =	vld [tilespmem:s5+$0x6440];
	v5 =	vadd.f32 v13, v5  }
0x188: {  	v6 =	vadd.f32 v14, v6;
	v11 =	vld [tilespmem:s5+$0x6450]  }
0x189: {  	v7 =	vadd.f32 v15, v7;
	v12 =	vld [tilespmem:s5+$0x6460];
	s5 =	sshra.s32 s6, $0x2;
	s6 =	sadd.s32 $0x200, s6  }
0x18a: {  	v13 =	vld [tilespmem:s5+$0x6470]  }
0x18b: {  	v14 =	vld [tilespmem:s5+$0x6400]  }
0x18c: {  	v15 =	vld [tilespmem:s5+$0x6410]  }
0x18d: {  	v16 =	vld [tilespmem:s5+$0x6420]  }
0x18e: {  	v17 =	vld [tilespmem:s5+$0x6430]  }
0x18f: {  	v18 =	vld [tilespmem:s5+$0x6440]  }
0x190: {  	v19 =	vld [tilespmem:s5+$0x6450];
	s7 =	simm.s32 $0x0  }
0x191: {  	v20 =	vld [tilespmem:s5+$0x6460];
	[tilespmem:s31], [sflag:$0x2] =	stream.linear.gather [hbm4b:s18+s7], $0x6400, $0x38  }
0x192: {  	_ =	swait.ge [sflag:s0], $0x6400  }
0x193: {  	[sflag:s0] =	ssyncset.done $0x0  }
0x194: {  	s7 =	simm.s32 $0x0;
	[sflag:s0] =	ssyncadd.s32 $0xFFFF9C00  }
0x195: {  	v0 =	vadd.f32 v8, v0;
	v1 =	vadd.f32 v9, v1;
	v21 =	vld [tilespmem:s7+$0x70]  }
0x196: {  	v2 =	vadd.f32 v10, v2;
	v3 =	vadd.f32 v11, v3;
	v22 =	vld [tilespmem:s7+$0x0]  }
0x197: {  	v4 =	vadd.f32 v12, v4;
	v5 =	vadd.f32 v13, v5;
	v12 =	vld [tilespmem:s7+$0x10]  }
0x198: {  	v6 =	vadd.f32 v14, v6;
	v7 =	vadd.f32 v15, v7;
	v8 =	vld [tilespmem:s7+$0x20]  }
0x199: {  	v0 =	vadd.f32 v16, v0;
	v1 =	vadd.f32 v17, v1;
	v9 =	vld [tilespmem:s7+$0x30]  }
0x19a: {  	v2 =	vadd.f32 v18, v2;
	v3 =	vadd.f32 v19, v3;
	v10 =	vld [tilespmem:s7+$0x40]  }
0x19b: {  	v11 =	vld [tilespmem:s7+$0x50];
	v4 =	vadd.f32 v20, v4;
	v5 =	vadd.f32 v21, v5  }
0x19c: {  	s5 =	simm.s32 $0x80;
	s6 =	simm.s32 $0x400;
	v6 =	vadd.f32 v22, v6;
	v7 =	vadd.f32 v12, v7;
	v12 =	vld [tilespmem:s7+$0x60]  }
.LBB2_30:
0x19d: {  	p0 =	sne.s32 s6, $0x18E00;
	v13 =	vld [tilespmem:s5+$0x70];
	v0 =	vadd.f32 v8, v0  }
0x19e: {  	v14 =	vld [tilespmem:s5+$0x0];
	v1 =	vadd.f32 v9, v1  }
0x19f: {  	v15 =	vld [tilespmem:s5+$0x10];
	v2 =	vadd.f32 v10, v2  }
.Ltmp14:
0x1a0: {  	v8 =	vld [tilespmem:s5+$0x20];
	v3 =	vadd.f32 v11, v3;
	(pc) =	sbr.rel @p0 .LBB2_30-.Ltmp14, $4  }
0x1a1: {  	v9 =	vld [tilespmem:s5+$0x30];
	v4 =	vadd.f32 v12, v4  }
0x1a2: {  	v10 =	vld [tilespmem:s5+$0x40];
	v5 =	vadd.f32 v13, v5  }
0x1a3: {  	v6 =	vadd.f32 v14, v6;
	v11 =	vld [tilespmem:s5+$0x50]  }
0x1a4: {  	v7 =	vadd.f32 v15, v7;
	v12 =	vld [tilespmem:s5+$0x60];
	s5 =	sshra.s32 s6, $0x2;
	s6 =	sadd.s32 $0x200, s6  }
0x1a5: {  	v13 =	vld [tilespmem:s5+$0x70]  }
0x1a6: {  	v14 =	vld [tilespmem:s5+$0x0]  }
0x1a7: {  	v15 =	vld [tilespmem:s5+$0x10]  }
0x1a8: {  	v16 =	vld [tilespmem:s5+$0x20]  }
0x1a9: {  	v17 =	vld [tilespmem:s5+$0x30]  }
0x1aa: {  	v18 =	vld [tilespmem:s5+$0x40]  }
0x1ab: {  	v19 =	vld [tilespmem:s5+$0x50];
	s7 =	simm.s32 $0x0  }
0x1ac: {  	v20 =	vld [tilespmem:s5+$0x60];
	[tilespmem:s7], [sflag:$0x1] =	stream.linear.gather [hbm4b:s19+s7], $0x6400, $0x38  }
0x1ad: {  	_ =	swait.ge [sflag:s1], $0x6400  }
0x1ae: {  	[sflag:s1] =	ssyncset.done $0x0  }
0x1af: {  	s7 =	simm.s32 $0x0;
	[sflag:s1] =	ssyncadd.s32 $0xFFFF9C00  }
0x1b0: {  	v0 =	vadd.f32 v8, v0;
	v1 =	vadd.f32 v9, v1;
	v21 =	vld [tilespmem:s7+$0x6470]  }
0x1b1: {  	v2 =	vadd.f32 v10, v2;
	v3 =	vadd.f32 v11, v3;
	v22 =	vld [tilespmem:s7+$0x6400]  }
0x1b2: {  	v4 =	vadd.f32 v12, v4;
	v5 =	vadd.f32 v13, v5;
	v12 =	vld [tilespmem:s7+$0x6410]  }
0x1b3: {  	v6 =	vadd.f32 v14, v6;
	v7 =	vadd.f32 v15, v7;
	v8 =	vld [tilespmem:s7+$0x6420]  }
0x1b4: {  	v0 =	vadd.f32 v16, v0;
	v1 =	vadd.f32 v17, v1;
	v9 =	vld [tilespmem:s7+$0x6430]  }
0x1b5: {  	v2 =	vadd.f32 v18, v2;
	v3 =	vadd.f32 v19, v3;
	v10 =	vld [tilespmem:s7+$0x6440]  }
0x1b6: {  	v11 =	vld [tilespmem:s7+$0x6450];
	v4 =	vadd.f32 v20, v4;
	v5 =	vadd.f32 v21, v5  }
0x1b7: {  	s5 =	simm.s32 $0x80;
	s6 =	simm.s32 $0x400;
	v6 =	vadd.f32 v22, v6;
	v7 =	vadd.f32 v12, v7;
	v12 =	vld [tilespmem:s7+$0x6460]  }
.LBB2_32:
0x1b8: {  	p0 =	sne.s32 s6, $0x18E00;
	v13 =	vld [tilespmem:s5+$0x6470];
	v0 =	vadd.f32 v8, v0  }
0x1b9: {  	v14 =	vld [tilespmem:s5+$0x6400];
	v1 =	vadd.f32 v9, v1  }
0x1ba: {  	v15 =	vld [tilespmem:s5+$0x6410];
	v2 =	vadd.f32 v10, v2  }
.Ltmp15:
0x1bb: {  	v8 =	vld [tilespmem:s5+$0x6420];
	v3 =	vadd.f32 v11, v3;
	(pc) =	sbr.rel @p0 .LBB2_32-.Ltmp15, $4  }
0x1bc: {  	v9 =	vld [tilespmem:s5+$0x6430];
	v4 =	vadd.f32 v12, v4  }
0x1bd: {  	v10 =	vld [tilespmem:s5+$0x6440];
	v5 =	vadd.f32 v13, v5  }
0x1be: {  	v6 =	vadd.f32 v14, v6;
	v11 =	vld [tilespmem:s5+$0x6450]  }
0x1bf: {  	v7 =	vadd.f32 v15, v7;
	v12 =	vld [tilespmem:s5+$0x6460];
	s5 =	sshra.s32 s6, $0x2;
	s6 =	sadd.s32 $0x200, s6  }
0x1c0: {  	v13 =	vld [tilespmem:s5+$0x6470]  }
0x1c1: {  	v14 =	vld [tilespmem:s5+$0x6400]  }
0x1c2: {  	v15 =	vld [tilespmem:s5+$0x6410]  }
0x1c3: {  	v16 =	vld [tilespmem:s5+$0x6420]  }
0x1c4: {  	v17 =	vld [tilespmem:s5+$0x6430]  }
0x1c5: {  	v18 =	vld [tilespmem:s5+$0x6440]  }
0x1c6: {  	v19 =	vld [tilespmem:s5+$0x6450];
	s7 =	simm.s32 $0x0  }
0x1c7: {  	v20 =	vld [tilespmem:s5+$0x6460];
	[tilespmem:s31], [sflag:$0x2] =	stream.linear.gather [hbm4b:s20+s7], $0x6400, $0x38  }
0x1c8: {  	_ =	swait.ge [sflag:s0], $0x6400  }
0x1c9: {  	[sflag:s0] =	ssyncset.done $0x0  }
0x1ca: {  	s7 =	simm.s32 $0x0;
	[sflag:s0] =	ssyncadd.s32 $0xFFFF9C00  }
0x1cb: {  	v0 =	vadd.f32 v8, v0;
	v1 =	vadd.f32 v9, v1;
	v21 =	vld [tilespmem:s7+$0x70]  }
0x1cc: {  	v2 =	vadd.f32 v10, v2;
	v3 =	vadd.f32 v11, v3;
	v22 =	vld [tilespmem:s7+$0x0]  }
0x1cd: {  	v4 =	vadd.f32 v12, v4;
	v5 =	vadd.f32 v13, v5;
	v12 =	vld [tilespmem:s7+$0x10]  }
0x1ce: {  	v6 =	vadd.f32 v14, v6;
	v7 =	vadd.f32 v15, v7;
	v8 =	vld [tilespmem:s7+$0x20]  }
0x1cf: {  	v0 =	vadd.f32 v16, v0;
	v1 =	vadd.f32 v17, v1;
	v9 =	vld [tilespmem:s7+$0x30]  }
0x1d0: {  	v2 =	vadd.f32 v18, v2;
	v3 =	vadd.f32 v19, v3;
	v10 =	vld [tilespmem:s7+$0x40]  }
0x1d1: {  	v11 =	vld [tilespmem:s7+$0x50];
	v4 =	vadd.f32 v20, v4;
	v5 =	vadd.f32 v21, v5  }
0x1d2: {  	s5 =	simm.s32 $0x80;
	s6 =	simm.s32 $0x400;
	v6 =	vadd.f32 v22, v6;
	v7 =	vadd.f32 v12, v7;
	v12 =	vld [tilespmem:s7+$0x60]  }
.LBB2_34:
0x1d3: {  	p0 =	sne.s32 s6, $0x18E00;
	v13 =	vld [tilespmem:s5+$0x70];
	v0 =	vadd.f32 v8, v0  }
0x1d4: {  	v14 =	vld [tilespmem:s5+$0x0];
	v1 =	vadd.f32 v9, v1  }
0x1d5: {  	v15 =	vld [tilespmem:s5+$0x10];
	v2 =	vadd.f32 v10, v2  }
.Ltmp16:
0x1d6: {  	v8 =	vld [tilespmem:s5+$0x20];
	v3 =	vadd.f32 v11, v3;
	(pc) =	sbr.rel @p0 .LBB2_34-.Ltmp16, $4  }
0x1d7: {  	v9 =	vld [tilespmem:s5+$0x30];
	v4 =	vadd.f32 v12, v4  }
0x1d8: {  	v10 =	vld [tilespmem:s5+$0x40];
	v5 =	vadd.f32 v13, v5  }
0x1d9: {  	v6 =	vadd.f32 v14, v6;
	v11 =	vld [tilespmem:s5+$0x50]  }
0x1da: {  	v7 =	vadd.f32 v15, v7;
	v12 =	vld [tilespmem:s5+$0x60];
	s5 =	sshra.s32 s6, $0x2;
	s6 =	sadd.s32 $0x200, s6  }
0x1db: {  	v13 =	vld [tilespmem:s5+$0x70]  }
0x1dc: {  	v14 =	vld [tilespmem:s5+$0x0]  }
0x1dd: {  	v15 =	vld [tilespmem:s5+$0x10]  }
0x1de: {  	v16 =	vld [tilespmem:s5+$0x20]  }
0x1df: {  	v17 =	vld [tilespmem:s5+$0x30]  }
0x1e0: {  	v18 =	vld [tilespmem:s5+$0x40]  }
0x1e1: {  	v19 =	vld [tilespmem:s5+$0x50];
	s7 =	simm.s32 $0x0  }
0x1e2: {  	v20 =	vld [tilespmem:s5+$0x60];
	[tilespmem:s7], [sflag:$0x1] =	stream.linear.gather [hbm4b:s21+s7], $0x6400, $0x38  }
0x1e3: {  	_ =	swait.ge [sflag:s1], $0x6400  }
0x1e4: {  	[sflag:s1] =	ssyncset.done $0x0  }
0x1e5: {  	s7 =	simm.s32 $0x0;
	[sflag:s1] =	ssyncadd.s32 $0xFFFF9C00  }
0x1e6: {  	v0 =	vadd.f32 v8, v0;
	v1 =	vadd.f32 v9, v1;
	v21 =	vld [tilespmem:s7+$0x6470]  }
0x1e7: {  	v2 =	vadd.f32 v10, v2;
	v3 =	vadd.f32 v11, v3;
	v22 =	vld [tilespmem:s7+$0x6400]  }
0x1e8: {  	v4 =	vadd.f32 v12, v4;
	v5 =	vadd.f32 v13, v5;
	v12 =	vld [tilespmem:s7+$0x6410]  }
0x1e9: {  	v6 =	vadd.f32 v14, v6;
	v7 =	vadd.f32 v15, v7;
	v8 =	vld [tilespmem:s7+$0x6420]  }
0x1ea: {  	v0 =	vadd.f32 v16, v0;
	v1 =	vadd.f32 v17, v1;
	v9 =	vld [tilespmem:s7+$0x6430]  }
0x1eb: {  	v2 =	vadd.f32 v18, v2;
	v3 =	vadd.f32 v19, v3;
	v10 =	vld [tilespmem:s7+$0x6440]  }
0x1ec: {  	v11 =	vld [tilespmem:s7+$0x6450];
	v4 =	vadd.f32 v20, v4;
	v5 =	vadd.f32 v21, v5  }
0x1ed: {  	s5 =	simm.s32 $0x80;
	s6 =	simm.s32 $0x400;
	v6 =	vadd.f32 v22, v6;
	v7 =	vadd.f32 v12, v7;
	v12 =	vld [tilespmem:s7+$0x6460]  }
.LBB2_36:
0x1ee: {  	p0 =	sne.s32 s6, $0x18E00;
	v13 =	vld [tilespmem:s5+$0x6470];
	v0 =	vadd.f32 v8, v0  }
0x1ef: {  	v14 =	vld [tilespmem:s5+$0x6400];
	v1 =	vadd.f32 v9, v1  }
0x1f0: {  	v15 =	vld [tilespmem:s5+$0x6410];
	v2 =	vadd.f32 v10, v2  }
.Ltmp17:
0x1f1: {  	v8 =	vld [tilespmem:s5+$0x6420];
	v3 =	vadd.f32 v11, v3;
	(pc) =	sbr.rel @p0 .LBB2_36-.Ltmp17, $4  }
0x1f2: {  	v9 =	vld [tilespmem:s5+$0x6430];
	v4 =	vadd.f32 v12, v4  }
0x1f3: {  	v10 =	vld [tilespmem:s5+$0x6440];
	v5 =	vadd.f32 v13, v5  }
0x1f4: {  	v6 =	vadd.f32 v14, v6;
	v11 =	vld [tilespmem:s5+$0x6450]  }
0x1f5: {  	v7 =	vadd.f32 v15, v7;
	v12 =	vld [tilespmem:s5+$0x6460];
	s5 =	sshra.s32 s6, $0x2;
	s6 =	sadd.s32 $0x200, s6  }
0x1f6: {  	v13 =	vld [tilespmem:s5+$0x6470]  }
0x1f7: {  	v14 =	vld [tilespmem:s5+$0x6400]  }
0x1f8: {  	v15 =	vld [tilespmem:s5+$0x6410]  }
0x1f9: {  	v16 =	vld [tilespmem:s5+$0x6420]  }
0x1fa: {  	v17 =	vld [tilespmem:s5+$0x6430]  }
0x1fb: {  	v18 =	vld [tilespmem:s5+$0x6440]  }
0x1fc: {  	v19 =	vld [tilespmem:s5+$0x6450];
	s7 =	simm.s32 $0x0  }
0x1fd: {  	v20 =	vld [tilespmem:s5+$0x6460];
	[tilespmem:s31], [sflag:$0x2] =	stream.linear.gather [hbm4b:s22+s7], $0x6400, $0x38  }
0x1fe: {  	_ =	swait.ge [sflag:s0], $0x6400  }
0x1ff: {  	[sflag:s0] =	ssyncset.done $0x0  }
0x200: {  	s7 =	simm.s32 $0x0;
	[sflag:s0] =	ssyncadd.s32 $0xFFFF9C00  }
0x201: {  	v0 =	vadd.f32 v8, v0;
	v1 =	vadd.f32 v9, v1;
	v21 =	vld [tilespmem:s7+$0x70]  }
0x202: {  	v2 =	vadd.f32 v10, v2;
	v3 =	vadd.f32 v11, v3;
	v22 =	vld [tilespmem:s7+$0x0]  }
0x203: {  	v4 =	vadd.f32 v12, v4;
	v5 =	vadd.f32 v13, v5;
	v12 =	vld [tilespmem:s7+$0x10]  }
0x204: {  	v6 =	vadd.f32 v14, v6;
	v7 =	vadd.f32 v15, v7;
	v8 =	vld [tilespmem:s7+$0x20]  }
0x205: {  	v0 =	vadd.f32 v16, v0;
	v1 =	vadd.f32 v17, v1;
	v9 =	vld [tilespmem:s7+$0x30]  }
0x206: {  	v2 =	vadd.f32 v18, v2;
	v3 =	vadd.f32 v19, v3;
	v10 =	vld [tilespmem:s7+$0x40]  }
0x207: {  	v11 =	vld [tilespmem:s7+$0x50];
	v4 =	vadd.f32 v20, v4;
	v5 =	vadd.f32 v21, v5  }
0x208: {  	s5 =	simm.s32 $0x80;
	s6 =	simm.s32 $0x400;
	v6 =	vadd.f32 v22, v6;
	v7 =	vadd.f32 v12, v7;
	v12 =	vld [tilespmem:s7+$0x60]  }
.LBB2_38:
0x209: {  	p0 =	sne.s32 s6, $0x18E00;
	v13 =	vld [tilespmem:s5+$0x70];
	v0 =	vadd.f32 v8, v0  }
0x20a: {  	v14 =	vld [tilespmem:s5+$0x0];
	v1 =	vadd.f32 v9, v1  }
0x20b: {  	v15 =	vld [tilespmem:s5+$0x10];
	v2 =	vadd.f32 v10, v2  }
.Ltmp18:
0x20c: {  	v8 =	vld [tilespmem:s5+$0x20];
	v3 =	vadd.f32 v11, v3;
	(pc) =	sbr.rel @p0 .LBB2_38-.Ltmp18, $4  }
0x20d: {  	v9 =	vld [tilespmem:s5+$0x30];
	v4 =	vadd.f32 v12, v4  }
0x20e: {  	v10 =	vld [tilespmem:s5+$0x40];
	v5 =	vadd.f32 v13, v5  }
0x20f: {  	v6 =	vadd.f32 v14, v6;
	v11 =	vld [tilespmem:s5+$0x50]  }
0x210: {  	v7 =	vadd.f32 v15, v7;
	v12 =	vld [tilespmem:s5+$0x60];
	s5 =	sshra.s32 s6, $0x2;
	s6 =	sadd.s32 $0x200, s6  }
0x211: {  	v13 =	vld [tilespmem:s5+$0x70]  }
0x212: {  	v14 =	vld [tilespmem:s5+$0x0]  }
0x213: {  	v15 =	vld [tilespmem:s5+$0x10]  }
0x214: {  	v16 =	vld [tilespmem:s5+$0x20]  }
0x215: {  	v17 =	vld [tilespmem:s5+$0x30]  }
0x216: {  	v18 =	vld [tilespmem:s5+$0x40]  }
0x217: {  	v19 =	vld [tilespmem:s5+$0x50];
	s7 =	simm.s32 $0x0  }
0x218: {  	v20 =	vld [tilespmem:s5+$0x60];
	[tilespmem:s7], [sflag:$0x1] =	stream.linear.gather [hbm4b:s23+s7], $0x6400, $0x38  }
0x219: {  	_ =	swait.ge [sflag:s1], $0x6400  }
0x21a: {  	[sflag:s1] =	ssyncset.done $0x0  }
0x21b: {  	s7 =	simm.s32 $0x0;
	[sflag:s1] =	ssyncadd.s32 $0xFFFF9C00  }
0x21c: {  	v0 =	vadd.f32 v8, v0;
	v1 =	vadd.f32 v9, v1;
	v21 =	vld [tilespmem:s7+$0x6470]  }
0x21d: {  	v2 =	vadd.f32 v10, v2;
	v3 =	vadd.f32 v11, v3;
	v22 =	vld [tilespmem:s7+$0x6400]  }
0x21e: {  	v4 =	vadd.f32 v12, v4;
	v5 =	vadd.f32 v13, v5;
	v12 =	vld [tilespmem:s7+$0x6410]  }
0x21f: {  	v6 =	vadd.f32 v14, v6;
	v7 =	vadd.f32 v15, v7;
	v8 =	vld [tilespmem:s7+$0x6420]  }
0x220: {  	v0 =	vadd.f32 v16, v0;
	v1 =	vadd.f32 v17, v1;
	v9 =	vld [tilespmem:s7+$0x6430]  }
0x221: {  	v2 =	vadd.f32 v18, v2;
	v3 =	vadd.f32 v19, v3;
	v10 =	vld [tilespmem:s7+$0x6440]  }
0x222: {  	v11 =	vld [tilespmem:s7+$0x6450];
	v4 =	vadd.f32 v20, v4;
	v5 =	vadd.f32 v21, v5  }
0x223: {  	s5 =	simm.s32 $0x80;
	s6 =	simm.s32 $0x400;
	v6 =	vadd.f32 v22, v6;
	v7 =	vadd.f32 v12, v7;
	v12 =	vld [tilespmem:s7+$0x6460]  }
.LBB2_40:
0x224: {  	p0 =	sne.s32 s6, $0x18E00;
	v13 =	vld [tilespmem:s5+$0x6470];
	v0 =	vadd.f32 v8, v0  }
0x225: {  	v14 =	vld [tilespmem:s5+$0x6400];
	v1 =	vadd.f32 v9, v1  }
0x226: {  	v15 =	vld [tilespmem:s5+$0x6410];
	v2 =	vadd.f32 v10, v2  }
.Ltmp19:
0x227: {  	v8 =	vld [tilespmem:s5+$0x6420];
	v3 =	vadd.f32 v11, v3;
	(pc) =	sbr.rel @p0 .LBB2_40-.Ltmp19, $4  }
0x228: {  	v9 =	vld [tilespmem:s5+$0x6430];
	v4 =	vadd.f32 v12, v4  }
0x229: {  	v10 =	vld [tilespmem:s5+$0x6440];
	v5 =	vadd.f32 v13, v5  }
0x22a: {  	v6 =	vadd.f32 v14, v6;
	v11 =	vld [tilespmem:s5+$0x6450]  }
0x22b: {  	v7 =	vadd.f32 v15, v7;
	v12 =	vld [tilespmem:s5+$0x6460];
	s5 =	sshra.s32 s6, $0x2;
	s6 =	sadd.s32 $0x200, s6  }
0x22c: {  	v13 =	vld [tilespmem:s5+$0x6470]  }
0x22d: {  	v14 =	vld [tilespmem:s5+$0x6400]  }
0x22e: {  	v15 =	vld [tilespmem:s5+$0x6410]  }
0x22f: {  	v16 =	vld [tilespmem:s5+$0x6420]  }
0x230: {  	v17 =	vld [tilespmem:s5+$0x6430]  }
0x231: {  	v18 =	vld [tilespmem:s5+$0x6440]  }
0x232: {  	v19 =	vld [tilespmem:s5+$0x6450];
	s7 =	simm.s32 $0x0  }
0x233: {  	v20 =	vld [tilespmem:s5+$0x6460];
	[tilespmem:s31], [sflag:$0x2] =	stream.linear.gather [hbm4b:s24+s7], $0x6400, $0x38  }
0x234: {  	_ =	swait.ge [sflag:s0], $0x6400  }
0x235: {  	[sflag:s0] =	ssyncset.done $0x0  }
0x236: {  	s7 =	simm.s32 $0x0;
	[sflag:s0] =	ssyncadd.s32 $0xFFFF9C00  }
0x237: {  	v0 =	vadd.f32 v8, v0;
	v1 =	vadd.f32 v9, v1;
	v21 =	vld [tilespmem:s7+$0x70]  }
0x238: {  	v2 =	vadd.f32 v10, v2;
	v3 =	vadd.f32 v11, v3;
	v22 =	vld [tilespmem:s7+$0x0]  }
0x239: {  	v4 =	vadd.f32 v12, v4;
	v5 =	vadd.f32 v13, v5;
	v12 =	vld [tilespmem:s7+$0x10]  }
0x23a: {  	v6 =	vadd.f32 v14, v6;
	v7 =	vadd.f32 v15, v7;
	v8 =	vld [tilespmem:s7+$0x20]  }
0x23b: {  	v0 =	vadd.f32 v16, v0;
	v1 =	vadd.f32 v17, v1;
	v9 =	vld [tilespmem:s7+$0x30]  }
0x23c: {  	v2 =	vadd.f32 v18, v2;
	v3 =	vadd.f32 v19, v3;
	v10 =	vld [tilespmem:s7+$0x40]  }
0x23d: {  	v11 =	vld [tilespmem:s7+$0x50];
	v4 =	vadd.f32 v20, v4;
	v5 =	vadd.f32 v21, v5  }
0x23e: {  	s5 =	simm.s32 $0x80;
	s6 =	simm.s32 $0x400;
	v6 =	vadd.f32 v22, v6;
	v7 =	vadd.f32 v12, v7;
	v12 =	vld [tilespmem:s7+$0x60]  }
.LBB2_42:
0x23f: {  	p0 =	sne.s32 s6, $0x18E00;
	v13 =	vld [tilespmem:s5+$0x70];
	v0 =	vadd.f32 v8, v0  }
0x240: {  	v14 =	vld [tilespmem:s5+$0x0];
	v1 =	vadd.f32 v9, v1  }
0x241: {  	v15 =	vld [tilespmem:s5+$0x10];
	v2 =	vadd.f32 v10, v2  }
.Ltmp20:
0x242: {  	v8 =	vld [tilespmem:s5+$0x20];
	v3 =	vadd.f32 v11, v3;
	(pc) =	sbr.rel @p0 .LBB2_42-.Ltmp20, $4  }
0x243: {  	v9 =	vld [tilespmem:s5+$0x30];
	v4 =	vadd.f32 v12, v4  }
0x244: {  	v10 =	vld [tilespmem:s5+$0x40];
	v5 =	vadd.f32 v13, v5  }
0x245: {  	v6 =	vadd.f32 v14, v6;
	v11 =	vld [tilespmem:s5+$0x50]  }
0x246: {  	v7 =	vadd.f32 v15, v7;
	v12 =	vld [tilespmem:s5+$0x60];
	s5 =	sshra.s32 s6, $0x2;
	s6 =	sadd.s32 $0x200, s6  }
0x247: {  	v13 =	vld [tilespmem:s5+$0x70]  }
0x248: {  	v14 =	vld [tilespmem:s5+$0x0]  }
0x249: {  	v15 =	vld [tilespmem:s5+$0x10]  }
0x24a: {  	v16 =	vld [tilespmem:s5+$0x20]  }
0x24b: {  	v17 =	vld [tilespmem:s5+$0x30]  }
0x24c: {  	v18 =	vld [tilespmem:s5+$0x40]  }
0x24d: {  	v19 =	vld [tilespmem:s5+$0x50];
	s7 =	simm.s32 $0x0  }
0x24e: {  	v20 =	vld [tilespmem:s5+$0x60];
	[tilespmem:s7], [sflag:$0x1] =	stream.linear.gather [hbm4b:s25+s7], $0x6400, $0x38  }
0x24f: {  	_ =	swait.ge [sflag:s1], $0x6400  }
0x250: {  	[sflag:s1] =	ssyncset.done $0x0  }
0x251: {  	s7 =	simm.s32 $0x0;
	[sflag:s1] =	ssyncadd.s32 $0xFFFF9C00  }
0x252: {  	v0 =	vadd.f32 v8, v0;
	v1 =	vadd.f32 v9, v1;
	v21 =	vld [tilespmem:s7+$0x6470]  }
0x253: {  	v2 =	vadd.f32 v10, v2;
	v3 =	vadd.f32 v11, v3;
	v22 =	vld [tilespmem:s7+$0x6400]  }
0x254: {  	v4 =	vadd.f32 v12, v4;
	v5 =	vadd.f32 v13, v5;
	v12 =	vld [tilespmem:s7+$0x6410]  }
0x255: {  	v6 =	vadd.f32 v14, v6;
	v7 =	vadd.f32 v15, v7;
	v8 =	vld [tilespmem:s7+$0x6420]  }
0x256: {  	v0 =	vadd.f32 v16, v0;
	v1 =	vadd.f32 v17, v1;
	v9 =	vld [tilespmem:s7+$0x6430]  }
0x257: {  	v2 =	vadd.f32 v18, v2;
	v3 =	vadd.f32 v19, v3;
	v10 =	vld [tilespmem:s7+$0x6440]  }
0x258: {  	v11 =	vld [tilespmem:s7+$0x6450];
	v4 =	vadd.f32 v20, v4;
	v5 =	vadd.f32 v21, v5  }
0x259: {  	s5 =	simm.s32 $0x80;
	s6 =	simm.s32 $0x400;
	v6 =	vadd.f32 v22, v6;
	v7 =	vadd.f32 v12, v7;
	v12 =	vld [tilespmem:s7+$0x6460]  }
.LBB2_44:
0x25a: {  	p0 =	sne.s32 s6, $0x18E00;
	v13 =	vld [tilespmem:s5+$0x6470];
	v0 =	vadd.f32 v8, v0  }
0x25b: {  	v14 =	vld [tilespmem:s5+$0x6400];
	v1 =	vadd.f32 v9, v1  }
0x25c: {  	v15 =	vld [tilespmem:s5+$0x6410];
	v2 =	vadd.f32 v10, v2  }
.Ltmp21:
0x25d: {  	v8 =	vld [tilespmem:s5+$0x6420];
	v3 =	vadd.f32 v11, v3;
	(pc) =	sbr.rel @p0 .LBB2_44-.Ltmp21, $4  }
0x25e: {  	v9 =	vld [tilespmem:s5+$0x6430];
	v4 =	vadd.f32 v12, v4  }
0x25f: {  	v10 =	vld [tilespmem:s5+$0x6440];
	v5 =	vadd.f32 v13, v5  }
0x260: {  	v6 =	vadd.f32 v14, v6;
	v11 =	vld [tilespmem:s5+$0x6450]  }
0x261: {  	v7 =	vadd.f32 v15, v7;
	v12 =	vld [tilespmem:s5+$0x6460];
	s5 =	sshra.s32 s6, $0x2;
	s6 =	sadd.s32 $0x200, s6  }
0x262: {  	v13 =	vld [tilespmem:s5+$0x6470]  }
0x263: {  	v14 =	vld [tilespmem:s5+$0x6400]  }
0x264: {  	v15 =	vld [tilespmem:s5+$0x6410]  }
0x265: {  	v16 =	vld [tilespmem:s5+$0x6420]  }
0x266: {  	v17 =	vld [tilespmem:s5+$0x6430]  }
0x267: {  	v18 =	vld [tilespmem:s5+$0x6440]  }
0x268: {  	v19 =	vld [tilespmem:s5+$0x6450];
	s7 =	simm.s32 $0x0  }
0x269: {  	v20 =	vld [tilespmem:s5+$0x6460];
	[tilespmem:s31], [sflag:$0x2] =	stream.linear.gather [hbm4b:s26+s7], $0x6400, $0x38  }
0x26a: {  	_ =	swait.ge [sflag:s0], $0x6400  }
0x26b: {  	[sflag:s0] =	ssyncset.done $0x0  }
0x26c: {  	s7 =	simm.s32 $0x0;
	[sflag:s0] =	ssyncadd.s32 $0xFFFF9C00  }
0x26d: {  	v0 =	vadd.f32 v8, v0;
	v1 =	vadd.f32 v9, v1;
	v21 =	vld [tilespmem:s7+$0x70]  }
0x26e: {  	v2 =	vadd.f32 v10, v2;
	v3 =	vadd.f32 v11, v3;
	v22 =	vld [tilespmem:s7+$0x0]  }
0x26f: {  	v4 =	vadd.f32 v12, v4;
	v5 =	vadd.f32 v13, v5;
	v12 =	vld [tilespmem:s7+$0x10]  }
0x270: {  	v6 =	vadd.f32 v14, v6;
	v7 =	vadd.f32 v15, v7;
	v8 =	vld [tilespmem:s7+$0x20]  }
0x271: {  	v0 =	vadd.f32 v16, v0;
	v1 =	vadd.f32 v17, v1;
	v9 =	vld [tilespmem:s7+$0x30]  }
0x272: {  	v2 =	vadd.f32 v18, v2;
	v3 =	vadd.f32 v19, v3;
	v10 =	vld [tilespmem:s7+$0x40]  }
0x273: {  	v11 =	vld [tilespmem:s7+$0x50];
	v4 =	vadd.f32 v20, v4;
	v5 =	vadd.f32 v21, v5  }
0x274: {  	s5 =	simm.s32 $0x80;
	s6 =	simm.s32 $0x400;
	v6 =	vadd.f32 v22, v6;
	v7 =	vadd.f32 v12, v7;
	v12 =	vld [tilespmem:s7+$0x60]  }
.LBB2_46:
0x275: {  	p0 =	sne.s32 s6, $0x18E00;
	v13 =	vld [tilespmem:s5+$0x70];
	v0 =	vadd.f32 v8, v0  }
0x276: {  	v14 =	vld [tilespmem:s5+$0x0];
	v1 =	vadd.f32 v9, v1  }
0x277: {  	v15 =	vld [tilespmem:s5+$0x10];
	v2 =	vadd.f32 v10, v2  }
.Ltmp22:
0x278: {  	v8 =	vld [tilespmem:s5+$0x20];
	v3 =	vadd.f32 v11, v3;
	(pc) =	sbr.rel @p0 .LBB2_46-.Ltmp22, $4  }
0x279: {  	v9 =	vld [tilespmem:s5+$0x30];
	v4 =	vadd.f32 v12, v4  }
0x27a: {  	v10 =	vld [tilespmem:s5+$0x40];
	v5 =	vadd.f32 v13, v5  }
0x27b: {  	v6 =	vadd.f32 v14, v6;
	v11 =	vld [tilespmem:s5+$0x50]  }
0x27c: {  	v7 =	vadd.f32 v15, v7;
	v12 =	vld [tilespmem:s5+$0x60];
	s5 =	sshra.s32 s6, $0x2;
	s6 =	sadd.s32 $0x200, s6  }
0x27d: {  	v13 =	vld [tilespmem:s5+$0x70]  }
0x27e: {  	v14 =	vld [tilespmem:s5+$0x0]  }
0x27f: {  	v15 =	vld [tilespmem:s5+$0x10]  }
0x280: {  	v16 =	vld [tilespmem:s5+$0x20]  }
0x281: {  	v17 =	vld [tilespmem:s5+$0x30]  }
0x282: {  	v18 =	vld [tilespmem:s5+$0x40]  }
0x283: {  	v19 =	vld [tilespmem:s5+$0x50];
	s7 =	simm.s32 $0x0  }
0x284: {  	v20 =	vld [tilespmem:s5+$0x60];
	[tilespmem:s7], [sflag:$0x1] =	stream.linear.gather [hbm4b:s28+s7], $0x6400, $0x38  }
0x285: {  	_ =	swait.ge [sflag:s1], $0x6400  }
0x286: {  	[sflag:s1] =	ssyncset.done $0x0  }
0x287: {  	s7 =	simm.s32 $0x0;
	[sflag:s1] =	ssyncadd.s32 $0xFFFF9C00  }
0x288: {  	v0 =	vadd.f32 v8, v0;
	v1 =	vadd.f32 v9, v1;
	v21 =	vld [tilespmem:s7+$0x6470]  }
0x289: {  	v2 =	vadd.f32 v10, v2;
	v3 =	vadd.f32 v11, v3;
	v22 =	vld [tilespmem:s7+$0x6400]  }
0x28a: {  	v4 =	vadd.f32 v12, v4;
	v5 =	vadd.f32 v13, v5;
	v12 =	vld [tilespmem:s7+$0x6410]  }
0x28b: {  	v6 =	vadd.f32 v14, v6;
	v7 =	vadd.f32 v15, v7;
	v8 =	vld [tilespmem:s7+$0x6420]  }
0x28c: {  	v0 =	vadd.f32 v16, v0;
	v1 =	vadd.f32 v17, v1;
	v9 =	vld [tilespmem:s7+$0x6430]  }
0x28d: {  	v2 =	vadd.f32 v18, v2;
	v3 =	vadd.f32 v19, v3;
	v10 =	vld [tilespmem:s7+$0x6440]  }
0x28e: {  	v11 =	vld [tilespmem:s7+$0x6450];
	v4 =	vadd.f32 v20, v4;
	v5 =	vadd.f32 v21, v5  }
0x28f: {  	s5 =	simm.s32 $0x80;
	s6 =	simm.s32 $0x400;
	v6 =	vadd.f32 v22, v6;
	v7 =	vadd.f32 v12, v7;
	v12 =	vld [tilespmem:s7+$0x6460]  }
.LBB2_48:
0x290: {  	p0 =	sne.s32 s6, $0x18E00;
	v13 =	vld [tilespmem:s5+$0x6470];
	v0 =	vadd.f32 v8, v0  }
0x291: {  	v14 =	vld [tilespmem:s5+$0x6400];
	v1 =	vadd.f32 v9, v1  }
0x292: {  	v15 =	vld [tilespmem:s5+$0x6410];
	v2 =	vadd.f32 v10, v2  }
.Ltmp23:
0x293: {  	v8 =	vld [tilespmem:s5+$0x6420];
	v3 =	vadd.f32 v11, v3;
	(pc) =	sbr.rel @p0 .LBB2_48-.Ltmp23, $4  }
0x294: {  	v9 =	vld [tilespmem:s5+$0x6430];
	v4 =	vadd.f32 v12, v4  }
0x295: {  	v10 =	vld [tilespmem:s5+$0x6440];
	v5 =	vadd.f32 v13, v5  }
0x296: {  	v6 =	vadd.f32 v14, v6;
	v11 =	vld [tilespmem:s5+$0x6450]  }
0x297: {  	v7 =	vadd.f32 v15, v7;
	v12 =	vld [tilespmem:s5+$0x6460];
	s5 =	sshra.s32 s6, $0x2;
	s6 =	sadd.s32 $0x200, s6  }
0x298: {  	v13 =	vld [tilespmem:s5+$0x6470]  }
0x299: {  	v14 =	vld [tilespmem:s5+$0x6400]  }
0x29a: {  	v15 =	vld [tilespmem:s5+$0x6410]  }
0x29b: {  	v16 =	vld [tilespmem:s5+$0x6420]  }
0x29c: {  	v17 =	vld [tilespmem:s5+$0x6430]  }
0x29d: {  	v18 =	vld [tilespmem:s5+$0x6440]  }
0x29e: {  	v19 =	vld [tilespmem:s5+$0x6450]  }
0x29f: {  	v20 =	vld [tilespmem:s5+$0x6460];
	_ =	swait.ge [sflag:s0], $0x6400  }
0x2a0: {  	[sflag:s0] =	ssyncset.done $0x0  }
0x2a1: {  	s7 =	simm.s32 $0x0;
	[sflag:s0] =	ssyncadd.s32 $0xFFFF9C00  }
0x2a2: {  	v0 =	vadd.f32 v8, v0;
	v1 =	vadd.f32 v9, v1;
	v9 =	vld [tilespmem:s7+$0x70]  }
0x2a3: {  	v2 =	vadd.f32 v10, v2;
	v8 =	vadd.f32 v11, v3;
	v10 =	vld [tilespmem:s7+$0x0]  }
0x2a4: {  	v11 =	vadd.f32 v12, v4;
	v12 =	vadd.f32 v13, v5;
	v13 =	vld [tilespmem:s7+$0x10]  }
0x2a5: {  	v14 =	vadd.f32 v14, v6;
	v15 =	vadd.f32 v15, v7;
	v6 =	vld [tilespmem:s7+$0x20]  }
0x2a6: {  	v5 =	vadd.f32 v16, v0;
	v4 =	vadd.f32 v17, v1;
	v7 =	vld [tilespmem:s7+$0x30]  }
0x2a7: {  	v3 =	vadd.f32 v18, v2;
	v2 =	vadd.f32 v19, v8;
	v8 =	vld [tilespmem:s7+$0x40]  }
0x2a8: {  	v1 =	vadd.f32 v20, v11;
	v0 =	vadd.f32 v9, v12;
	v9 =	vld [tilespmem:s7+$0x50]  }
0x2a9: {  	s5 =	simm.s32 $0x80;
	s6 =	simm.s32 $0x400;
	v10 =	vadd.f32 v10, v14;
	v12 =	vld [tilespmem:s7+$0x60];
	v11 =	vadd.f32 v13, v15  }
.LBB2_50:
0x2aa: {  	p0 =	sne.s32 s6, $0x18E00;
	v13 =	vld [tilespmem:s5+$0x70];
	v5 =	vadd.f32 v6, v5  }
0x2ab: {  	v14 =	vld [tilespmem:s5+$0x0];
	v4 =	vadd.f32 v7, v4  }
0x2ac: {  	v15 =	vld [tilespmem:s5+$0x10];
	v3 =	vadd.f32 v8, v3  }
.Ltmp24:
0x2ad: {  	v6 =	vld [tilespmem:s5+$0x20];
	v2 =	vadd.f32 v9, v2;
	(pc) =	sbr.rel @p0 .LBB2_50-.Ltmp24, $4  }
0x2ae: {  	v7 =	vld [tilespmem:s5+$0x30];
	v1 =	vadd.f32 v12, v1  }
0x2af: {  	v8 =	vld [tilespmem:s5+$0x40];
	v0 =	vadd.f32 v13, v0  }
0x2b0: {  	v10 =	vadd.f32 v14, v10;
	v9 =	vld [tilespmem:s5+$0x50]  }
0x2b1: {  	v11 =	vadd.f32 v15, v11;
	v12 =	vld [tilespmem:s5+$0x60];
	s5 =	sshra.s32 s6, $0x2;
	s6 =	sadd.s32 $0x200, s6  }
0x2b2: {  	v14 =	vld [tilespmem:s5+$0x0]  }
0x2b3: {  	v15 =	vld [tilespmem:s5+$0x10]  }
0x2b4: {  	v16 =	vld [tilespmem:s5+$0x20]  }
0x2b5: {  	v17 =	vld [tilespmem:s5+$0x30]  }
0x2b6: {  	v18 =	vld [tilespmem:s5+$0x40]  }
0x2b7: {  	v5 =	vadd.f32 v6, v5;
	v61 =	vld [tilespmem:s5+$0x50];
	v60 =	vadd.f32 v14, v10  }
0x2b8: {  	v13 =	vld [tilespmem:s5+$0x70];
	v4 =	vadd.f32 v7, v4;
	v62 =	vadd.f32 v15, v11  }
0x2b9: {  	v63 =	vld [tilespmem:s5+$0x60];
	v3 =	vadd.f32 v8, v3;
	v5 =	vadd.f32 v16, v5;
	[tilespmem:$0xC800] =	vst v60  }
0x2ba: {  	v2 =	vadd.f32 v9, v2;
	v4 =	vadd.f32 v17, v4;
	[tilespmem:$0xC880] =	vst v62  }
0x2bb: {  	v3 =	vadd.f32 v18, v3;
	[tilespmem:$0xC900] =	vst v5  }
0x2bc: {  	v1 =	vadd.f32 v12, v1;
	v2 =	vadd.f32 v61, v2;
	[tilespmem:$0xC980] =	vst v4  }
0x2bd: {  	v0 =	vadd.f32 v13, v0;
	[tilespmem:$0xCA00] =	vst v3  }
0x2be: {  	s4 =	sadd.s32 $0x1, s4;
	v1 =	vadd.f32 v63, v1;
	[tilespmem:$0xCA80] =	vst v2  }
0x2bf: {  	p0 =	sne.s32 s4, s30;
	[tilespmem:$0xCB80] =	vst v0  }
.Ltmp25:
0x2c0: {  	s7 =	simm.s32 $0xC800;
	[tilespmem:$0xCB00] =	vst v1;
	(pc) =	sbr.rel @p0 .LBB2_1-.Ltmp25, $4  }
0x2c1: {  	[hbm4b:s29+s2] =	stream.linear.scatter [tilespmem:s7], [sflag:$0x3], $0x400, $0x38;
	[tilespmem:$0xCC00] =	vst v63  }
0x2c2: {  	_ =	swait.ge [sflag:s3], $0x400  }
0x2c3: {  	[sflag:s3] =	ssyncset.done $0x0  }
0x2c4: {  	[sflag:s3] =	ssyncadd.s32 $0xFFFFFC00  }
0x2c5: {  	_ =	sfence.sel $0x180000  }
0x2c6: {  	[bflag:$0x0] =	sbarrier.arrive $0xFFFF  }
0x2c7: {  	_ =	strace $0x90000047  }
0x2c8: {  	s0 =	stileid.u32;
	[bflag:$0x2] =	sbarrier.arrive $0xFFFF  }
0x2c9: {  	p0 =	sne.s32 s0, $0x0;
	s0 =	rddreg [dreg:$0x2]  }
0x2ca: {  	s0 =	sadd.s32 @!p0 $0x100000, s0  }
0x2cb: {  	[sflag:s0] =	ssyncadd.tile.s32 @!p0 $0x1;
	_ =	shalt  }
.Lfunc_end2:
_tile_overlayer_lowered:
.L_overlay_start_2:
0x2cc: {  	(tag) =	ssettag $0x2  }
0x2cd: {  	s0 =	rddreg [dreg:$0x0];
	s2 =	stileid.u32  }
0x2ce: {  	s1 =	rddreg [dreg:$0x1];
	p0 =	sne.s32 s2, $0x0  }
0x2cf: {  	s3 =	rddreg [dreg:$0x2];
	[bflag:$0x3] =	sbarrier.arrive $0xFFFF;
	s2 =	simm.s32 @!p0 $0x1C03  }
0x2d0: {  	[timem:s3], [sflag:s2] =	dma.local @!p0 [hbm:s0], s1  }
0x2d1: {  	s0 =	simm.s32 @!p0 $0x3  }
0x2d2: {  	_ =	swait.ge @!p0 [sflag:s0], s1  }
0x2d3: {  	s1 =	ssub.s32 @!p0 $0x0, s1;
	[sflag:s0] =	ssyncset.done @!p0 $0x0  }
0x2d4: {  	[sflag:s0] =	ssyncadd.s32 @!p0 s1  }
0x2d5: {  	[bflag:$0x3] =	sbarrier.arrive $0xFFFF  }
0x2d6: {  	_ =	shalt  }

</sc_bundles>
